<compile_context>
chip_gen: v7x
topology: tpu7x:2x2x1
jax: 0.10.2.dev20260603
libtpu: 0.0.44.dev20260713+nightly
codegen_flags: <defaults>
</compile_context>

<pallas_src>
import functools

import jax
import jax.numpy as jnp
from jax import lax
from jax.experimental import pallas as pl
from jax.experimental.pallas import tpu as pltpu
from jax.experimental.pallas import tpu_sc as plsc

VOCAB = 100000
MAX_LEN = 200
EMBED = 64
BATCH = 4096

NC = 2
NS = 16
NW = NC * NS
LANES = 16

BT = BATCH // NW
BTP = BT + 8
DT = EMBED // 8
LT = MAX_LEN // 8
NBG = 8
NBT = 4


def _body(idx_hbm, tok_hbm, pos_hbm, out_hbm, idx_v, g_v, t_v, pos_v, *sems):
    isem = sems[0:NBG]
    gsem = sems[NBG:2 * NBG]
    osem = sems[2 * NBG:2 * NBG + NBT]

    w = lax.axis_index("s") * NC + lax.axis_index("c")

    pltpu.sync_copy(pos_hbm, pos_v)

    iota = lax.iota(jnp.int32, LANES)

    def fetch_idx(l, b):
        pltpu.async_copy(idx_hbm.at[l // 8, w, l % 8], idx_v.at[b], isem[b])

    def start_gather(l, b):
        pltpu.make_async_copy(idx_hbm.at[l // 8, w, l % 8], idx_v.at[b],
                              isem[b]).wait()
        pltpu.async_copy(tok_hbm.at[idx_v.at[b]], g_v.at[b], gsem[b])

    def wait_out(l, t):
        pltpu.make_async_copy(t_v.at[t, :, :, pl.ds(0, BT)],
                              out_hbm.at[l, :, w], osem[t]).wait()

    dts = [(iota + 16 * j) // 8 for j in range(EMBED // LANES)]
    dls = [(iota + 16 * j) % 8 for j in range(EMBED // LANES)]

    def compute(l, b, t):
        pltpu.make_async_copy(tok_hbm.at[idx_v.at[b]], g_v.at[b],
                              gsem[b]).wait()

        pv = [pos_v[l, pl.ds(16 * j, LANES)] for j in range(EMBED // LANES)]

        @plsc.parallel_loop(0, BT, unroll=4)
        def b_body(bb):
            bsplat = jnp.full((LANES,), bb, jnp.int32)
            for j in range(EMBED // LANES):
                g = g_v[b, bb, pl.ds(16 * j, LANES)]
                plsc.store_scatter(t_v.at[t], [dts[j], dls[j], bsplat],
                                   g + pv[j])

        pltpu.async_copy(t_v.at[t, :, :, pl.ds(0, BT)],
                         out_hbm.at[l, :, w], osem[t])

    for l in range(NBG - 1):
        fetch_idx(l, l)
    for l in range(NBG - 2):
        start_gather(l, l)

    def step(s, carry):
        for u in range(NBG):
            l = NBG * s + u

            @pl.when(l + NBG - 1 < MAX_LEN)
            def _():
                fetch_idx(l + NBG - 1, (u + NBG - 1) % NBG)

            @pl.when(l + NBG - 2 < MAX_LEN)
            def _():
                start_gather(l + NBG - 2, (u + NBG - 2) % NBG)

            t = u % NBT

            @pl.when(l >= NBT)
            def _():
                wait_out(l - NBT, t)

            compute(l, u, t)
        return carry

    lax.fori_loop(0, MAX_LEN // NBG, step, 0)

    for t in range(NBT):
        wait_out(MAX_LEN - NBT + t, t)


def kernel(inputs, token_table, pos_table):
    idx4 = (inputs.astype(jnp.int32).T
            .reshape(LT, 8, NW, BT)
            .transpose(0, 2, 1, 3))
    mesh = plsc.VectorSubcoreMesh(core_axis_name="c", subcore_axis_name="s")
    run = functools.partial(
        pl.kernel,
        mesh=mesh,
        compiler_params=pltpu.CompilerParams(use_tc_tiling_on_sc=False,
                                             needs_layout_passes=False),
        out_type=jax.ShapeDtypeStruct((MAX_LEN, DT, NW, 8, BT), jnp.float32),
        scratch_types=[
            pltpu.VMEM((NBG, BT), jnp.int32),
            pltpu.VMEM((NBG, BT, EMBED), jnp.float32),
            pltpu.VMEM((NBT, DT, 8, BTP), jnp.float32),
            pltpu.VMEM((MAX_LEN, EMBED), jnp.float32),
        ] + [pltpu.SemaphoreType.DMA] * (2 * NBG + NBT),
    )(_body)
    out = run(idx4, token_table, pos_table)
    return out.transpose(2, 4, 0, 1, 3).reshape(BATCH, MAX_LEN, EMBED)

# --- scband reference (transcript-rebuilt; emitter-appended) ---
"""Pipeline reference for scband-token-and-position-embedding-21440476742356 (READ-ONLY COPY).

The authoritative reference and input builder live on the scoring server;
editing this copy changes nothing except your own understanding.
"""

import jax, jax.numpy as jnp
import numpy as np

VOCAB = 100000
MAX_LEN = 200
EMBED_DIM = 64
BATCH = 4096

def setup_inputs(seed: int = 0) -> dict:
    key = jax.random.key(seed)
    k_idx, k_tok, k_pos = jax.random.split(key, 3)
    inputs = jax.random.randint(k_idx, (BATCH, MAX_LEN), 0, VOCAB, dtype=jnp.int64 if jax.config.jax_enable_x64 else jnp.int32)
    token_table = jax.random.normal(k_tok, (VOCAB, EMBED_DIM), dtype=jnp.float32) * 0.05
    pos_table = jax.random.normal(k_pos, (MAX_LEN, EMBED_DIM), dtype=jnp.float32) * 0.05
    return {"inputs": inputs, "token_table": token_table, "pos_table": pos_table}

def reference(inputs, token_table, pos_table):
    # positions = range(0, input_max_len); pos embedding lookup
    positions = jnp.arange(MAX_LEN)
    pos_embedded = jnp.take(pos_table, positions, axis=0)  # [MAX_LEN, EMBED_DIM]
    # token embedding lookup (vocab_size is set)
    x = jnp.take(token_table, inputs, axis=0)  # [BATCH, MAX_LEN, EMBED_DIM]
    return x + pos_embedded

if __name__ == "__main__":
    import jax
    _d = setup_inputs()
    print(jax.jit(kernel)(*tuple(_d.values())))

</pallas_src>

<mosaic_0001>
#map = affine_map<(d0, d1) -> (0, 0, 0, 0)>
#map1 = affine_map<(d0, d1) -> (0, 0)>
#map2 = affine_map<(d0, d1) -> (0, 0, 0, 0, 0)>
module attributes {stable_mosaic.version = 14 : i64} {
  func.func @_body(%arg0: i32, %arg1: i32, %arg2: memref<25x32x8x128xi32, #tpu.memory_space<hbm>>, %arg3: memref<100000x64xf32, #tpu.memory_space<hbm>>, %arg4: memref<200x64xf32, #tpu.memory_space<hbm>>, %arg5: memref<200x8x32x8x128xf32, #tpu.memory_space<hbm>>, %arg6: memref<8x128xi32, #tpu.memory_space<vmem>>, %arg7: memref<8x128x64xf32, #tpu.memory_space<vmem>>, %arg8: memref<4x8x8x136xf32, #tpu.memory_space<vmem>>, %arg9: memref<200x64xf32, #tpu.memory_space<vmem>>, %arg10: memref<!tpu.dma_semaphore, #tpu.memory_space<semaphore_mem>>, %arg11: memref<!tpu.dma_semaphore, #tpu.memory_space<semaphore_mem>>, %arg12: memref<!tpu.dma_semaphore, #tpu.memory_space<semaphore_mem>>, %arg13: memref<!tpu.dma_semaphore, #tpu.memory_space<semaphore_mem>>, %arg14: memref<!tpu.dma_semaphore, #tpu.memory_space<semaphore_mem>>, %arg15: memref<!tpu.dma_semaphore, #tpu.memory_space<semaphore_mem>>, %arg16: memref<!tpu.dma_semaphore, #tpu.memory_space<semaphore_mem>>, %arg17: memref<!tpu.dma_semaphore, #tpu.memory_space<semaphore_mem>>, %arg18: memref<!tpu.dma_semaphore, #tpu.memory_space<semaphore_mem>>, %arg19: memref<!tpu.dma_semaphore, #tpu.memory_space<semaphore_mem>>, %arg20: memref<!tpu.dma_semaphore, #tpu.memory_space<semaphore_mem>>, %arg21: memref<!tpu.dma_semaphore, #tpu.memory_space<semaphore_mem>>, %arg22: memref<!tpu.dma_semaphore, #tpu.memory_space<semaphore_mem>>, %arg23: memref<!tpu.dma_semaphore, #tpu.memory_space<semaphore_mem>>, %arg24: memref<!tpu.dma_semaphore, #tpu.memory_space<semaphore_mem>>, %arg25: memref<!tpu.dma_semaphore, #tpu.memory_space<semaphore_mem>>, %arg26: memref<!tpu.dma_semaphore, #tpu.memory_space<semaphore_mem>>, %arg27: memref<!tpu.dma_semaphore, #tpu.memory_space<semaphore_mem>>, %arg28: memref<!tpu.dma_semaphore, #tpu.memory_space<semaphore_mem>>, %arg29: memref<!tpu.dma_semaphore, #tpu.memory_space<semaphore_mem>>) attributes {dimension_semantics = [#tpu.dimension_semantics<core_parallel>, #tpu.dimension_semantics<subcore_parallel>], iteration_bounds = array<i64: 2, 16>, scalar_prefetch = 0 : i64, scratch_operands = 24 : i64, tpu.core_type = #tpu.core_type<sc_vector_subcore>, window_params = [{transform_indices = #map}, {transform_indices = #map1}, {transform_indices = #map1}, {transform_indices = #map2}]} {
    %mul3A = arith.constant 2 : i32
    %mul3A_0 = arith.muli %arg1, %mul3A : i32
    %add3A = arith.addi %mul3A_0, %arg0 : i32
    "tpu.region"() ({
      %run_scoped3A = tpu.sem_alloc : memref<!tpu.dma_semaphore, #tpu.memory_space<semaphore_mem>>
      tpu.enqueue_dma source(%arg4 : memref<200x64xf32, #tpu.memory_space<hbm>>) target(%arg9 : memref<200x64xf32, #tpu.memory_space<vmem>>) target_semaphore(%run_scoped3A : memref<!tpu.dma_semaphore, #tpu.memory_space<semaphore_mem>>)
      tpu.wait_dma2 semaphore(%run_scoped3A : memref<!tpu.dma_semaphore, #tpu.memory_space<semaphore_mem>>) src(%arg4 : memref<200x64xf32, #tpu.memory_space<hbm>>) dst(%arg9 : memref<200x64xf32, #tpu.memory_space<vmem>>)
      tpu.yield
    }) : () -> ()
    %iota3A = tpu.iota {dimensions = array<i32: 0>} : vector<16xi32>
    %add3A_1 = arith.constant 0 : i32
    %add3A_2 = vector.broadcast %add3A_1 : i32 to vector<16xi32>
    %add3A_3 = arith.addi %iota3A, %add3A_2 : vector<16xi32>
    %jit3A = arith.constant 8 : i32
    %div3A = vector.broadcast %jit3A : i32 to vector<16xi32>
    %div3A_4 = arith.divsi %add3A_3, %div3A : vector<16xi32>
    %sign3A = arith.constant 0 : i32
    %sign3A_5 = vector.broadcast %sign3A : i32 to vector<16xi32>
    %sign3A_6 = arith.cmpi sgt, %add3A_3, %sign3A_5 : vector<16xi32>
    %sign3A_7 = arith.extui %sign3A_6 : vector<16xi1> to vector<16xi32>
    %sign3A_8 = arith.constant 0 : i32
    %sign3A_9 = vector.broadcast %sign3A_8 : i32 to vector<16xi32>
    %sign3A_10 = arith.cmpi slt, %add3A_3, %sign3A_9 : vector<16xi32>
    %sign3A_11 = arith.extui %sign3A_10 : vector<16xi1> to vector<16xi32>
    %sign3A_12 = arith.subi %sign3A_7, %sign3A_11 : vector<16xi32>
    %sign3A_13 = arith.constant 0 : i32
    %sign3A_14 = arith.cmpi sgt, %jit3A, %sign3A_13 : i32
    %sign3A_15 = arith.extui %sign3A_14 : i1 to i32
    %sign3A_16 = arith.constant 0 : i32
    %sign3A_17 = arith.cmpi slt, %jit3A, %sign3A_16 : i32
    %sign3A_18 = arith.extui %sign3A_17 : i1 to i32
    %sign3A_19 = arith.subi %sign3A_15, %sign3A_18 : i32
    %ne3A = vector.broadcast %sign3A_19 : i32 to vector<16xi32>
    %ne3A_20 = arith.cmpi ne, %sign3A_12, %ne3A : vector<16xi32>
    %rem3A = vector.broadcast %jit3A : i32 to vector<16xi32>
    %rem3A_21 = arith.remsi %add3A_3, %rem3A : vector<16xi32>
    %ne3A_22 = arith.constant 0 : i32
    %ne3A_23 = vector.broadcast %ne3A_22 : i32 to vector<16xi32>
    %ne3A_24 = arith.cmpi ne, %rem3A_21, %ne3A_23 : vector<16xi32>
    %and3A = arith.andi %ne3A_20, %ne3A_24 : vector<16xi1>
    %sub3A = arith.constant 1 : i32
    %sub3A_25 = vector.broadcast %sub3A : i32 to vector<16xi32>
    %sub3A_26 = arith.subi %div3A_4, %sub3A_25 : vector<16xi32>
    %select_n3A = arith.select %and3A, %sub3A_26, %div3A_4 : vector<16xi1>, vector<16xi32>
    %add3A_27 = arith.constant 16 : i32
    %add3A_28 = vector.broadcast %add3A_27 : i32 to vector<16xi32>
    %add3A_29 = arith.addi %iota3A, %add3A_28 : vector<16xi32>
    %jit3A_30 = arith.constant 8 : i32
    %div3A_31 = vector.broadcast %jit3A_30 : i32 to vector<16xi32>
    %div3A_32 = arith.divsi %add3A_29, %div3A_31 : vector<16xi32>
    %sign3A_33 = arith.constant 0 : i32
    %sign3A_34 = vector.broadcast %sign3A_33 : i32 to vector<16xi32>
    %sign3A_35 = arith.cmpi sgt, %add3A_29, %sign3A_34 : vector<16xi32>
    %sign3A_36 = arith.extui %sign3A_35 : vector<16xi1> to vector<16xi32>
    %sign3A_37 = arith.constant 0 : i32
    %sign3A_38 = vector.broadcast %sign3A_37 : i32 to vector<16xi32>
    %sign3A_39 = arith.cmpi slt, %add3A_29, %sign3A_38 : vector<16xi32>
    %sign3A_40 = arith.extui %sign3A_39 : vector<16xi1> to vector<16xi32>
    %sign3A_41 = arith.subi %sign3A_36, %sign3A_40 : vector<16xi32>
    %sign3A_42 = arith.constant 0 : i32
    %sign3A_43 = arith.cmpi sgt, %jit3A_30, %sign3A_42 : i32
    %sign3A_44 = arith.extui %sign3A_43 : i1 to i32
    %sign3A_45 = arith.constant 0 : i32
    %sign3A_46 = arith.cmpi slt, %jit3A_30, %sign3A_45 : i32
    %sign3A_47 = arith.extui %sign3A_46 : i1 to i32
    %sign3A_48 = arith.subi %sign3A_44, %sign3A_47 : i32
    %ne3A_49 = vector.broadcast %sign3A_48 : i32 to vector<16xi32>
    %ne3A_50 = arith.cmpi ne, %sign3A_41, %ne3A_49 : vector<16xi32>
    %rem3A_51 = vector.broadcast %jit3A_30 : i32 to vector<16xi32>
    %rem3A_52 = arith.remsi %add3A_29, %rem3A_51 : vector<16xi32>
    %ne3A_53 = arith.constant 0 : i32
    %ne3A_54 = vector.broadcast %ne3A_53 : i32 to vector<16xi32>
    %ne3A_55 = arith.cmpi ne, %rem3A_52, %ne3A_54 : vector<16xi32>
    %and3A_56 = arith.andi %ne3A_50, %ne3A_55 : vector<16xi1>
    %sub3A_57 = arith.constant 1 : i32
    %sub3A_58 = vector.broadcast %sub3A_57 : i32 to vector<16xi32>
    %sub3A_59 = arith.subi %div3A_32, %sub3A_58 : vector<16xi32>
    %select_n3A_60 = arith.select %and3A_56, %sub3A_59, %div3A_32 : vector<16xi1>, vector<16xi32>
    %add3A_61 = arith.constant 32 : i32
    %add3A_62 = vector.broadcast %add3A_61 : i32 to vector<16xi32>
    %add3A_63 = arith.addi %iota3A, %add3A_62 : vector<16xi32>
    %jit3A_64 = arith.constant 8 : i32
    %div3A_65 = vector.broadcast %jit3A_64 : i32 to vector<16xi32>
    %div3A_66 = arith.divsi %add3A_63, %div3A_65 : vector<16xi32>
    %sign3A_67 = arith.constant 0 : i32
    %sign3A_68 = vector.broadcast %sign3A_67 : i32 to vector<16xi32>
    %sign3A_69 = arith.cmpi sgt, %add3A_63, %sign3A_68 : vector<16xi32>
    %sign3A_70 = arith.extui %sign3A_69 : vector<16xi1> to vector<16xi32>
    %sign3A_71 = arith.constant 0 : i32
    %sign3A_72 = vector.broadcast %sign3A_71 : i32 to vector<16xi32>
    %sign3A_73 = arith.cmpi slt, %add3A_63, %sign3A_72 : vector<16xi32>
    %sign3A_74 = arith.extui %sign3A_73 : vector<16xi1> to vector<16xi32>
    %sign3A_75 = arith.subi %sign3A_70, %sign3A_74 : vector<16xi32>
    %sign3A_76 = arith.constant 0 : i32
    %sign3A_77 = arith.cmpi sgt, %jit3A_64, %sign3A_76 : i32
    %sign3A_78 = arith.extui %sign3A_77 : i1 to i32
    %sign3A_79 = arith.constant 0 : i32
    %sign3A_80 = arith.cmpi slt, %jit3A_64, %sign3A_79 : i32
    %sign3A_81 = arith.extui %sign3A_80 : i1 to i32
    %sign3A_82 = arith.subi %sign3A_78, %sign3A_81 : i32
    %ne3A_83 = vector.broadcast %sign3A_82 : i32 to vector<16xi32>
    %ne3A_84 = arith.cmpi ne, %sign3A_75, %ne3A_83 : vector<16xi32>
    %rem3A_85 = vector.broadcast %jit3A_64 : i32 to vector<16xi32>
    %rem3A_86 = arith.remsi %add3A_63, %rem3A_85 : vector<16xi32>
    %ne3A_87 = arith.constant 0 : i32
    %ne3A_88 = vector.broadcast %ne3A_87 : i32 to vector<16xi32>
    %ne3A_89 = arith.cmpi ne, %rem3A_86, %ne3A_88 : vector<16xi32>
    %and3A_90 = arith.andi %ne3A_84, %ne3A_89 : vector<16xi1>
    %sub3A_91 = arith.constant 1 : i32
    %sub3A_92 = vector.broadcast %sub3A_91 : i32 to vector<16xi32>
    %sub3A_93 = arith.subi %div3A_66, %sub3A_92 : vector<16xi32>
    %select_n3A_94 = arith.select %and3A_90, %sub3A_93, %div3A_66 : vector<16xi1>, vector<16xi32>
    %add3A_95 = arith.constant 48 : i32
    %add3A_96 = vector.broadcast %add3A_95 : i32 to vector<16xi32>
    %add3A_97 = arith.addi %iota3A, %add3A_96 : vector<16xi32>
    %jit3A_98 = arith.constant 8 : i32
    %div3A_99 = vector.broadcast %jit3A_98 : i32 to vector<16xi32>
    %div3A_100 = arith.divsi %add3A_97, %div3A_99 : vector<16xi32>
    %sign3A_101 = arith.constant 0 : i32
    %sign3A_102 = vector.broadcast %sign3A_101 : i32 to vector<16xi32>
    %sign3A_103 = arith.cmpi sgt, %add3A_97, %sign3A_102 : vector<16xi32>
    %sign3A_104 = arith.extui %sign3A_103 : vector<16xi1> to vector<16xi32>
    %sign3A_105 = arith.constant 0 : i32
    %sign3A_106 = vector.broadcast %sign3A_105 : i32 to vector<16xi32>
    %sign3A_107 = arith.cmpi slt, %add3A_97, %sign3A_106 : vector<16xi32>
    %sign3A_108 = arith.extui %sign3A_107 : vector<16xi1> to vector<16xi32>
    %sign3A_109 = arith.subi %sign3A_104, %sign3A_108 : vector<16xi32>
    %sign3A_110 = arith.constant 0 : i32
    %sign3A_111 = arith.cmpi sgt, %jit3A_98, %sign3A_110 : i32
    %sign3A_112 = arith.extui %sign3A_111 : i1 to i32
    %sign3A_113 = arith.constant 0 : i32
    %sign3A_114 = arith.cmpi slt, %jit3A_98, %sign3A_113 : i32
    %sign3A_115 = arith.extui %sign3A_114 : i1 to i32
    %sign3A_116 = arith.subi %sign3A_112, %sign3A_115 : i32
    %ne3A_117 = vector.broadcast %sign3A_116 : i32 to vector<16xi32>
    %ne3A_118 = arith.cmpi ne, %sign3A_109, %ne3A_117 : vector<16xi32>
    %rem3A_119 = vector.broadcast %jit3A_98 : i32 to vector<16xi32>
    %rem3A_120 = arith.remsi %add3A_97, %rem3A_119 : vector<16xi32>
    %ne3A_121 = arith.constant 0 : i32
    %ne3A_122 = vector.broadcast %ne3A_121 : i32 to vector<16xi32>
    %ne3A_123 = arith.cmpi ne, %rem3A_120, %ne3A_122 : vector<16xi32>
    %and3A_124 = arith.andi %ne3A_118, %ne3A_123 : vector<16xi1>
    %sub3A_125 = arith.constant 1 : i32
    %sub3A_126 = vector.broadcast %sub3A_125 : i32 to vector<16xi32>
    %sub3A_127 = arith.subi %div3A_100, %sub3A_126 : vector<16xi32>
    %select_n3A_128 = arith.select %and3A_124, %sub3A_127, %div3A_100 : vector<16xi1>, vector<16xi32>
    %add3A_129 = arith.constant 0 : i32
    %add3A_130 = vector.broadcast %add3A_129 : i32 to vector<16xi32>
    %add3A_131 = arith.addi %iota3A, %add3A_130 : vector<16xi32>
    %jit3A_132 = arith.constant 8 : i32
    %eq3A = arith.constant 0 : i32
    %eq3A_133 = arith.cmpi eq, %jit3A_132, %eq3A : i32
    %jit3A_134 = arith.constant 1 : i32
    %select_n3A_135 = arith.select %eq3A_133, %jit3A_134, %jit3A_132 : i32
    %rem3A_136 = vector.broadcast %select_n3A_135 : i32 to vector<16xi32>
    %rem3A_137 = arith.remsi %add3A_131, %rem3A_136 : vector<16xi32>
    %ne3A_138 = arith.constant 0 : i32
    %ne3A_139 = vector.broadcast %ne3A_138 : i32 to vector<16xi32>
    %ne3A_140 = arith.cmpi ne, %rem3A_137, %ne3A_139 : vector<16xi32>
    %lt3A = arith.constant 0 : i32
    %lt3A_141 = vector.broadcast %lt3A : i32 to vector<16xi32>
    %lt3A_142 = arith.cmpi slt, %rem3A_137, %lt3A_141 : vector<16xi32>
    %lt3A_143 = arith.constant 0 : i32
    %lt3A_144 = arith.cmpi slt, %select_n3A_135, %lt3A_143 : i32
    %ne3A_145 = vector.broadcast %lt3A_144 : i1 to vector<16xi1>
    %ne3A_146 = vector.broadcast %ne3A_145 : vector<16xi1> to vector<16xi1>
    %ne3A_147 = arith.xori %lt3A_142, %ne3A_146 : vector<16xi1>
    %and3A_148 = arith.andi %ne3A_147, %ne3A_140 : vector<16xi1>
    %add3A_149 = vector.broadcast %select_n3A_135 : i32 to vector<16xi32>
    %add3A_150 = arith.addi %rem3A_137, %add3A_149 : vector<16xi32>
    %select_n3A_151 = arith.select %and3A_148, %add3A_150, %rem3A_137 : vector<16xi1>, vector<16xi32>
    %add3A_152 = arith.constant 16 : i32
    %add3A_153 = vector.broadcast %add3A_152 : i32 to vector<16xi32>
    %add3A_154 = arith.addi %iota3A, %add3A_153 : vector<16xi32>
    %jit3A_155 = arith.constant 8 : i32
    %eq3A_156 = arith.constant 0 : i32
    %eq3A_157 = arith.cmpi eq, %jit3A_155, %eq3A_156 : i32
    %jit3A_158 = arith.constant 1 : i32
    %select_n3A_159 = arith.select %eq3A_157, %jit3A_158, %jit3A_155 : i32
    %rem3A_160 = vector.broadcast %select_n3A_159 : i32 to vector<16xi32>
    %rem3A_161 = arith.remsi %add3A_154, %rem3A_160 : vector<16xi32>
    %ne3A_162 = arith.constant 0 : i32
    %ne3A_163 = vector.broadcast %ne3A_162 : i32 to vector<16xi32>
    %ne3A_164 = arith.cmpi ne, %rem3A_161, %ne3A_163 : vector<16xi32>
    %lt3A_165 = arith.constant 0 : i32
    %lt3A_166 = vector.broadcast %lt3A_165 : i32 to vector<16xi32>
    %lt3A_167 = arith.cmpi slt, %rem3A_161, %lt3A_166 : vector<16xi32>
    %lt3A_168 = arith.constant 0 : i32
    %lt3A_169 = arith.cmpi slt, %select_n3A_159, %lt3A_168 : i32
    %ne3A_170 = vector.broadcast %lt3A_169 : i1 to vector<16xi1>
    %ne3A_171 = vector.broadcast %ne3A_170 : vector<16xi1> to vector<16xi1>
    %ne3A_172 = arith.xori %lt3A_167, %ne3A_171 : vector<16xi1>
    %and3A_173 = arith.andi %ne3A_172, %ne3A_164 : vector<16xi1>
    %add3A_174 = vector.broadcast %select_n3A_159 : i32 to vector<16xi32>
    %add3A_175 = arith.addi %rem3A_161, %add3A_174 : vector<16xi32>
    %select_n3A_176 = arith.select %and3A_173, %add3A_175, %rem3A_161 : vector<16xi1>, vector<16xi32>
    %add3A_177 = arith.constant 32 : i32
    %add3A_178 = vector.broadcast %add3A_177 : i32 to vector<16xi32>
    %add3A_179 = arith.addi %iota3A, %add3A_178 : vector<16xi32>
    %jit3A_180 = arith.constant 8 : i32
    %eq3A_181 = arith.constant 0 : i32
    %eq3A_182 = arith.cmpi eq, %jit3A_180, %eq3A_181 : i32
    %jit3A_183 = arith.constant 1 : i32
    %select_n3A_184 = arith.select %eq3A_182, %jit3A_183, %jit3A_180 : i32
    %rem3A_185 = vector.broadcast %select_n3A_184 : i32 to vector<16xi32>
    %rem3A_186 = arith.remsi %add3A_179, %rem3A_185 : vector<16xi32>
    %ne3A_187 = arith.constant 0 : i32
    %ne3A_188 = vector.broadcast %ne3A_187 : i32 to vector<16xi32>
    %ne3A_189 = arith.cmpi ne, %rem3A_186, %ne3A_188 : vector<16xi32>
    %lt3A_190 = arith.constant 0 : i32
    %lt3A_191 = vector.broadcast %lt3A_190 : i32 to vector<16xi32>
    %lt3A_192 = arith.cmpi slt, %rem3A_186, %lt3A_191 : vector<16xi32>
    %lt3A_193 = arith.constant 0 : i32
    %lt3A_194 = arith.cmpi slt, %select_n3A_184, %lt3A_193 : i32
    %ne3A_195 = vector.broadcast %lt3A_194 : i1 to vector<16xi1>
    %ne3A_196 = vector.broadcast %ne3A_195 : vector<16xi1> to vector<16xi1>
    %ne3A_197 = arith.xori %lt3A_192, %ne3A_196 : vector<16xi1>
    %and3A_198 = arith.andi %ne3A_197, %ne3A_189 : vector<16xi1>
    %add3A_199 = vector.broadcast %select_n3A_184 : i32 to vector<16xi32>
    %add3A_200 = arith.addi %rem3A_186, %add3A_199 : vector<16xi32>
    %select_n3A_201 = arith.select %and3A_198, %add3A_200, %rem3A_186 : vector<16xi1>, vector<16xi32>
    %add3A_202 = arith.constant 48 : i32
    %add3A_203 = vector.broadcast %add3A_202 : i32 to vector<16xi32>
    %add3A_204 = arith.addi %iota3A, %add3A_203 : vector<16xi32>
    %jit3A_205 = arith.constant 8 : i32
    %eq3A_206 = arith.constant 0 : i32
    %eq3A_207 = arith.cmpi eq, %jit3A_205, %eq3A_206 : i32
    %jit3A_208 = arith.constant 1 : i32
    %select_n3A_209 = arith.select %eq3A_207, %jit3A_208, %jit3A_205 : i32
    %rem3A_210 = vector.broadcast %select_n3A_209 : i32 to vector<16xi32>
    %rem3A_211 = arith.remsi %add3A_204, %rem3A_210 : vector<16xi32>
    %ne3A_212 = arith.constant 0 : i32
    %ne3A_213 = vector.broadcast %ne3A_212 : i32 to vector<16xi32>
    %ne3A_214 = arith.cmpi ne, %rem3A_211, %ne3A_213 : vector<16xi32>
    %lt3A_215 = arith.constant 0 : i32
    %lt3A_216 = vector.broadcast %lt3A_215 : i32 to vector<16xi32>
    %lt3A_217 = arith.cmpi slt, %rem3A_211, %lt3A_216 : vector<16xi32>
    %lt3A_218 = arith.constant 0 : i32
    %lt3A_219 = arith.cmpi slt, %select_n3A_209, %lt3A_218 : i32
    %ne3A_220 = vector.broadcast %lt3A_219 : i1 to vector<16xi1>
    %ne3A_221 = vector.broadcast %ne3A_220 : vector<16xi1> to vector<16xi1>
    %ne3A_222 = arith.xori %lt3A_217, %ne3A_221 : vector<16xi1>
    %and3A_223 = arith.andi %ne3A_222, %ne3A_214 : vector<16xi1>
    %add3A_224 = vector.broadcast %select_n3A_209 : i32 to vector<16xi32>
    %add3A_225 = arith.addi %rem3A_211, %add3A_224 : vector<16xi32>
    %select_n3A_226 = arith.select %and3A_223, %add3A_225, %rem3A_211 : vector<16xi1>, vector<16xi32>
    %dma_start3A = arith.constant 0 : i32
    %dma_start3A_227 = arith.constant 0 : i32
    %dma_start3A_228 = arith.constant 0 : i32
    %dma_start3A_229 = arith.constant 0 : i32
    %dma_start3A_230 = tpu.memref_slice %arg6[%dma_start3A_228, %dma_start3A_229] : memref<8x128xi32, #tpu.memory_space<vmem>> -> memref<1x128xi32, #tpu.memory_space<vmem>>
    %dma_start3A_231 = tpu.memref_squeeze %dma_start3A_230 : memref<1x128xi32, #tpu.memory_space<vmem>> -> memref<128xi32, #tpu.memory_space<vmem>>
    %dma_start3A_232 = arith.constant 0 : i32
    %dma_start3A_233 = tpu.memref_slice %arg2[%dma_start3A, %add3A, %dma_start3A_227, %dma_start3A_232] : memref<25x32x8x128xi32, #tpu.memory_space<hbm>> -> memref<1x1x1x128xi32, #tpu.memory_space<hbm>>
    %dma_start3A_234 = tpu.memref_squeeze %dma_start3A_233 : memref<1x1x1x128xi32, #tpu.memory_space<hbm>> -> memref<128xi32, #tpu.memory_space<hbm>>
    %dma_start3A_235 = arith.constant 0 : i32
    %dma_start3A_236 = tpu.memref_slice %arg6[%dma_start3A_228, %dma_start3A_235] : memref<8x128xi32, #tpu.memory_space<vmem>> -> memref<1x128xi32, #tpu.memory_space<vmem>>
    %dma_start3A_237 = tpu.memref_squeeze %dma_start3A_236 : memref<1x128xi32, #tpu.memory_space<vmem>> -> memref<128xi32, #tpu.memory_space<vmem>>
    %dma_start3A_238 = arith.constant 0 : i32
    %dma_start3A_239 = tpu.memref_slice %arg2[%dma_start3A, %add3A, %dma_start3A_227, %dma_start3A_238] : memref<25x32x8x128xi32, #tpu.memory_space<hbm>> -> memref<1x1x1x128xi32, #tpu.memory_space<hbm>>
    %dma_start3A_240 = tpu.memref_squeeze %dma_start3A_239 : memref<1x1x1x128xi32, #tpu.memory_space<hbm>> -> memref<128xi32, #tpu.memory_space<hbm>>
    tpu.enqueue_dma source(%dma_start3A_240 : memref<128xi32, #tpu.memory_space<hbm>>) target(%dma_start3A_237 : memref<128xi32, #tpu.memory_space<vmem>>) target_semaphore(%arg10 : memref<!tpu.dma_semaphore, #tpu.memory_space<semaphore_mem>>)
    %dma_start3A_241 = arith.constant 0 : i32
    %dma_start3A_242 = arith.constant 1 : i32
    %dma_start3A_243 = arith.constant 1 : i32
    %dma_start3A_244 = arith.constant 0 : i32
    %dma_start3A_245 = tpu.memref_slice %arg6[%dma_start3A_243, %dma_start3A_244] : memref<8x128xi32, #tpu.memory_space<vmem>> -> memref<1x128xi32, #tpu.memory_space<vmem>>
    %dma_start3A_246 = tpu.memref_squeeze %dma_start3A_245 : memref<1x128xi32, #tpu.memory_space<vmem>> -> memref<128xi32, #tpu.memory_space<vmem>>
    %dma_start3A_247 = arith.constant 0 : i32
    %dma_start3A_248 = tpu.memref_slice %arg2[%dma_start3A_241, %add3A, %dma_start3A_242, %dma_start3A_247] : memref<25x32x8x128xi32, #tpu.memory_space<hbm>> -> memref<1x1x1x128xi32, #tpu.memory_space<hbm>>
    %dma_start3A_249 = tpu.memref_squeeze %dma_start3A_248 : memref<1x1x1x128xi32, #tpu.memory_space<hbm>> -> memref<128xi32, #tpu.memory_space<hbm>>
    %dma_start3A_250 = arith.constant 0 : i32
    %dma_start3A_251 = tpu.memref_slice %arg6[%dma_start3A_243, %dma_start3A_250] : memref<8x128xi32, #tpu.memory_space<vmem>> -> memref<1x128xi32, #tpu.memory_space<vmem>>
    %dma_start3A_252 = tpu.memref_squeeze %dma_start3A_251 : memref<1x128xi32, #tpu.memory_space<vmem>> -> memref<128xi32, #tpu.memory_space<vmem>>
    %dma_start3A_253 = arith.constant 0 : i32
    %dma_start3A_254 = tpu.memref_slice %arg2[%dma_start3A_241, %add3A, %dma_start3A_242, %dma_start3A_253] : memref<25x32x8x128xi32, #tpu.memory_space<hbm>> -> memref<1x1x1x128xi32, #tpu.memory_space<hbm>>
    %dma_start3A_255 = tpu.memref_squeeze %dma_start3A_254 : memref<1x1x1x128xi32, #tpu.memory_space<hbm>> -> memref<128xi32, #tpu.memory_space<hbm>>
    tpu.enqueue_dma source(%dma_start3A_255 : memref<128xi32, #tpu.memory_space<hbm>>) target(%dma_start3A_252 : memref<128xi32, #tpu.memory_space<vmem>>) target_semaphore(%arg11 : memref<!tpu.dma_semaphore, #tpu.memory_space<semaphore_mem>>)
    %dma_start3A_256 = arith.constant 0 : i32
    %dma_start3A_257 = arith.constant 2 : i32
    %dma_start3A_258 = arith.constant 2 : i32
    %dma_start3A_259 = arith.constant 0 : i32
    %dma_start3A_260 = tpu.memref_slice %arg6[%dma_start3A_258, %dma_start3A_259] : memref<8x128xi32, #tpu.memory_space<vmem>> -> memref<1x128xi32, #tpu.memory_space<vmem>>
    %dma_start3A_261 = tpu.memref_squeeze %dma_start3A_260 : memref<1x128xi32, #tpu.memory_space<vmem>> -> memref<128xi32, #tpu.memory_space<vmem>>
    %dma_start3A_262 = arith.constant 0 : i32
    %dma_start3A_263 = tpu.memref_slice %arg2[%dma_start3A_256, %add3A, %dma_start3A_257, %dma_start3A_262] : memref<25x32x8x128xi32, #tpu.memory_space<hbm>> -> memref<1x1x1x128xi32, #tpu.memory_space<hbm>>
    %dma_start3A_264 = tpu.memref_squeeze %dma_start3A_263 : memref<1x1x1x128xi32, #tpu.memory_space<hbm>> -> memref<128xi32, #tpu.memory_space<hbm>>
    %dma_start3A_265 = arith.constant 0 : i32
    %dma_start3A_266 = tpu.memref_slice %arg6[%dma_start3A_258, %dma_start3A_265] : memref<8x128xi32, #tpu.memory_space<vmem>> -> memref<1x128xi32, #tpu.memory_space<vmem>>
    %dma_start3A_267 = tpu.memref_squeeze %dma_start3A_266 : memref<1x128xi32, #tpu.memory_space<vmem>> -> memref<128xi32, #tpu.memory_space<vmem>>
    %dma_start3A_268 = arith.constant 0 : i32
    %dma_start3A_269 = tpu.memref_slice %arg2[%dma_start3A_256, %add3A, %dma_start3A_257, %dma_start3A_268] : memref<25x32x8x128xi32, #tpu.memory_space<hbm>> -> memref<1x1x1x128xi32, #tpu.memory_space<hbm>>
    %dma_start3A_270 = tpu.memref_squeeze %dma_start3A_269 : memref<1x1x1x128xi32, #tpu.memory_space<hbm>> -> memref<128xi32, #tpu.memory_space<hbm>>
    tpu.enqueue_dma source(%dma_start3A_270 : memref<128xi32, #tpu.memory_space<hbm>>) target(%dma_start3A_267 : memref<128xi32, #tpu.memory_space<vmem>>) target_semaphore(%arg12 : memref<!tpu.dma_semaphore, #tpu.memory_space<semaphore_mem>>)
    %dma_start3A_271 = arith.constant 0 : i32
    %dma_start3A_272 = arith.constant 3 : i32
    %dma_start3A_273 = arith.constant 3 : i32
    %dma_start3A_274 = arith.constant 0 : i32
    %dma_start3A_275 = tpu.memref_slice %arg6[%dma_start3A_273, %dma_start3A_274] : memref<8x128xi32, #tpu.memory_space<vmem>> -> memref<1x128xi32, #tpu.memory_space<vmem>>
    %dma_start3A_276 = tpu.memref_squeeze %dma_start3A_275 : memref<1x128xi32, #tpu.memory_space<vmem>> -> memref<128xi32, #tpu.memory_space<vmem>>
    %dma_start3A_277 = arith.constant 0 : i32
    %dma_start3A_278 = tpu.memref_slice %arg2[%dma_start3A_271, %add3A, %dma_start3A_272, %dma_start3A_277] : memref<25x32x8x128xi32, #tpu.memory_space<hbm>> -> memref<1x1x1x128xi32, #tpu.memory_space<hbm>>
    %dma_start3A_279 = tpu.memref_squeeze %dma_start3A_278 : memref<1x1x1x128xi32, #tpu.memory_space<hbm>> -> memref<128xi32, #tpu.memory_space<hbm>>
    %dma_start3A_280 = arith.constant 0 : i32
    %dma_start3A_281 = tpu.memref_slice %arg6[%dma_start3A_273, %dma_start3A_280] : memref<8x128xi32, #tpu.memory_space<vmem>> -> memref<1x128xi32, #tpu.memory_space<vmem>>
    %dma_start3A_282 = tpu.memref_squeeze %dma_start3A_281 : memref<1x128xi32, #tpu.memory_space<vmem>> -> memref<128xi32, #tpu.memory_space<vmem>>
    %dma_start3A_283 = arith.constant 0 : i32
    %dma_start3A_284 = tpu.memref_slice %arg2[%dma_start3A_271, %add3A, %dma_start3A_272, %dma_start3A_283] : memref<25x32x8x128xi32, #tpu.memory_space<hbm>> -> memref<1x1x1x128xi32, #tpu.memory_space<hbm>>
    %dma_start3A_285 = tpu.memref_squeeze %dma_start3A_284 : memref<1x1x1x128xi32, #tpu.memory_space<hbm>> -> memref<128xi32, #tpu.memory_space<hbm>>
    tpu.enqueue_dma source(%dma_start3A_285 : memref<128xi32, #tpu.memory_space<hbm>>) target(%dma_start3A_282 : memref<128xi32, #tpu.memory_space<vmem>>) target_semaphore(%arg13 : memref<!tpu.dma_semaphore, #tpu.memory_space<semaphore_mem>>)
    %dma_start3A_286 = arith.constant 0 : i32
    %dma_start3A_287 = arith.constant 4 : i32
    %dma_start3A_288 = arith.constant 4 : i32
    %dma_start3A_289 = arith.constant 0 : i32
    %dma_start3A_290 = tpu.memref_slice %arg6[%dma_start3A_288, %dma_start3A_289] : memref<8x128xi32, #tpu.memory_space<vmem>> -> memref<1x128xi32, #tpu.memory_space<vmem>>
    %dma_start3A_291 = tpu.memref_squeeze %dma_start3A_290 : memref<1x128xi32, #tpu.memory_space<vmem>> -> memref<128xi32, #tpu.memory_space<vmem>>
    %dma_start3A_292 = arith.constant 0 : i32
    %dma_start3A_293 = tpu.memref_slice %arg2[%dma_start3A_286, %add3A, %dma_start3A_287, %dma_start3A_292] : memref<25x32x8x128xi32, #tpu.memory_space<hbm>> -> memref<1x1x1x128xi32, #tpu.memory_space<hbm>>
    %dma_start3A_294 = tpu.memref_squeeze %dma_start3A_293 : memref<1x1x1x128xi32, #tpu.memory_space<hbm>> -> memref<128xi32, #tpu.memory_space<hbm>>
    %dma_start3A_295 = arith.constant 0 : i32
    %dma_start3A_296 = tpu.memref_slice %arg6[%dma_start3A_288, %dma_start3A_295] : memref<8x128xi32, #tpu.memory_space<vmem>> -> memref<1x128xi32, #tpu.memory_space<vmem>>
    %dma_start3A_297 = tpu.memref_squeeze %dma_start3A_296 : memref<1x128xi32, #tpu.memory_space<vmem>> -> memref<128xi32, #tpu.memory_space<vmem>>
    %dma_start3A_298 = arith.constant 0 : i32
    %dma_start3A_299 = tpu.memref_slice %arg2[%dma_start3A_286, %add3A, %dma_start3A_287, %dma_start3A_298] : memref<25x32x8x128xi32, #tpu.memory_space<hbm>> -> memref<1x1x1x128xi32, #tpu.memory_space<hbm>>
    %dma_start3A_300 = tpu.memref_squeeze %dma_start3A_299 : memref<1x1x1x128xi32, #tpu.memory_space<hbm>> -> memref<128xi32, #tpu.memory_space<hbm>>
    tpu.enqueue_dma source(%dma_start3A_300 : memref<128xi32, #tpu.memory_space<hbm>>) target(%dma_start3A_297 : memref<128xi32, #tpu.memory_space<vmem>>) target_semaphore(%arg14 : memref<!tpu.dma_semaphore, #tpu.memory_space<semaphore_mem>>)
    %dma_start3A_301 = arith.constant 0 : i32
    %dma_start3A_302 = arith.constant 5 : i32
    %dma_start3A_303 = arith.constant 5 : i32
    %dma_start3A_304 = arith.constant 0 : i32
    %dma_start3A_305 = tpu.memref_slice %arg6[%dma_start3A_303, %dma_start3A_304] : memref<8x128xi32, #tpu.memory_space<vmem>> -> memref<1x128xi32, #tpu.memory_space<vmem>>
    %dma_start3A_306 = tpu.memref_squeeze %dma_start3A_305 : memref<1x128xi32, #tpu.memory_space<vmem>> -> memref<128xi32, #tpu.memory_space<vmem>>
    %dma_start3A_307 = arith.constant 0 : i32
    %dma_start3A_308 = tpu.memref_slice %arg2[%dma_start3A_301, %add3A, %dma_start3A_302, %dma_start3A_307] : memref<25x32x8x128xi32, #tpu.memory_space<hbm>> -> memref<1x1x1x128xi32, #tpu.memory_space<hbm>>
    %dma_start3A_309 = tpu.memref_squeeze %dma_start3A_308 : memref<1x1x1x128xi32, #tpu.memory_space<hbm>> -> memref<128xi32, #tpu.memory_space<hbm>>
    %dma_start3A_310 = arith.constant 0 : i32
    %dma_start3A_311 = tpu.memref_slice %arg6[%dma_start3A_303, %dma_start3A_310] : memref<8x128xi32, #tpu.memory_space<vmem>> -> memref<1x128xi32, #tpu.memory_space<vmem>>
    %dma_start3A_312 = tpu.memref_squeeze %dma_start3A_311 : memref<1x128xi32, #tpu.memory_space<vmem>> -> memref<128xi32, #tpu.memory_space<vmem>>
    %dma_start3A_313 = arith.constant 0 : i32
    %dma_start3A_314 = tpu.memref_slice %arg2[%dma_start3A_301, %add3A, %dma_start3A_302, %dma_start3A_313] : memref<25x32x8x128xi32, #tpu.memory_space<hbm>> -> memref<1x1x1x128xi32, #tpu.memory_space<hbm>>
    %dma_start3A_315 = tpu.memref_squeeze %dma_start3A_314 : memref<1x1x1x128xi32, #tpu.memory_space<hbm>> -> memref<128xi32, #tpu.memory_space<hbm>>
    tpu.enqueue_dma source(%dma_start3A_315 : memref<128xi32, #tpu.memory_space<hbm>>) target(%dma_start3A_312 : memref<128xi32, #tpu.memory_space<vmem>>) target_semaphore(%arg15 : memref<!tpu.dma_semaphore, #tpu.memory_space<semaphore_mem>>)
    %dma_start3A_316 = arith.constant 0 : i32
    %dma_start3A_317 = arith.constant 6 : i32
    %dma_start3A_318 = arith.constant 6 : i32
    %dma_start3A_319 = arith.constant 0 : i32
    %dma_start3A_320 = tpu.memref_slice %arg6[%dma_start3A_318, %dma_start3A_319] : memref<8x128xi32, #tpu.memory_space<vmem>> -> memref<1x128xi32, #tpu.memory_space<vmem>>
    %dma_start3A_321 = tpu.memref_squeeze %dma_start3A_320 : memref<1x128xi32, #tpu.memory_space<vmem>> -> memref<128xi32, #tpu.memory_space<vmem>>
    %dma_start3A_322 = arith.constant 0 : i32
    %dma_start3A_323 = tpu.memref_slice %arg2[%dma_start3A_316, %add3A, %dma_start3A_317, %dma_start3A_322] : memref<25x32x8x128xi32, #tpu.memory_space<hbm>> -> memref<1x1x1x128xi32, #tpu.memory_space<hbm>>
    %dma_start3A_324 = tpu.memref_squeeze %dma_start3A_323 : memref<1x1x1x128xi32, #tpu.memory_space<hbm>> -> memref<128xi32, #tpu.memory_space<hbm>>
    %dma_start3A_325 = arith.constant 0 : i32
    %dma_start3A_326 = tpu.memref_slice %arg6[%dma_start3A_318, %dma_start3A_325] : memref<8x128xi32, #tpu.memory_space<vmem>> -> memref<1x128xi32, #tpu.memory_space<vmem>>
    %dma_start3A_327 = tpu.memref_squeeze %dma_start3A_326 : memref<1x128xi32, #tpu.memory_space<vmem>> -> memref<128xi32, #tpu.memory_space<vmem>>
    %dma_start3A_328 = arith.constant 0 : i32
    %dma_start3A_329 = tpu.memref_slice %arg2[%dma_start3A_316, %add3A, %dma_start3A_317, %dma_start3A_328] : memref<25x32x8x128xi32, #tpu.memory_space<hbm>> -> memref<1x1x1x128xi32, #tpu.memory_space<hbm>>
    %dma_start3A_330 = tpu.memref_squeeze %dma_start3A_329 : memref<1x1x1x128xi32, #tpu.memory_space<hbm>> -> memref<128xi32, #tpu.memory_space<hbm>>
    tpu.enqueue_dma source(%dma_start3A_330 : memref<128xi32, #tpu.memory_space<hbm>>) target(%dma_start3A_327 : memref<128xi32, #tpu.memory_space<vmem>>) target_semaphore(%arg16 : memref<!tpu.dma_semaphore, #tpu.memory_space<semaphore_mem>>)
    %dma_wait3A = arith.constant 0 : i32
    %dma_wait3A_331 = arith.constant 0 : i32
    %dma_wait3A_332 = arith.constant 0 : i32
    %dma_wait3A_333 = arith.constant 0 : i32
    %dma_wait3A_334 = tpu.memref_slice %arg6[%dma_wait3A_332, %dma_wait3A_333] : memref<8x128xi32, #tpu.memory_space<vmem>> -> memref<1x128xi32, #tpu.memory_space<vmem>>
    %dma_wait3A_335 = tpu.memref_squeeze %dma_wait3A_334 : memref<1x128xi32, #tpu.memory_space<vmem>> -> memref<128xi32, #tpu.memory_space<vmem>>
    %dma_wait3A_336 = arith.constant 0 : i32
    %dma_wait3A_337 = tpu.memref_slice %arg2[%dma_wait3A, %add3A, %dma_wait3A_331, %dma_wait3A_336] : memref<25x32x8x128xi32, #tpu.memory_space<hbm>> -> memref<1x1x1x128xi32, #tpu.memory_space<hbm>>
    %dma_wait3A_338 = tpu.memref_squeeze %dma_wait3A_337 : memref<1x1x1x128xi32, #tpu.memory_space<hbm>> -> memref<128xi32, #tpu.memory_space<hbm>>
    %dma_wait3A_339 = arith.constant 0 : i32
    %dma_wait3A_340 = tpu.memref_slice %arg6[%dma_wait3A_332, %dma_wait3A_339] : memref<8x128xi32, #tpu.memory_space<vmem>> -> memref<1x128xi32, #tpu.memory_space<vmem>>
    %dma_wait3A_341 = tpu.memref_squeeze %dma_wait3A_340 : memref<1x128xi32, #tpu.memory_space<vmem>> -> memref<128xi32, #tpu.memory_space<vmem>>
    %dma_wait3A_342 = arith.constant 0 : i32
    %dma_wait3A_343 = tpu.memref_slice %arg2[%dma_wait3A, %add3A, %dma_wait3A_331, %dma_wait3A_342] : memref<25x32x8x128xi32, #tpu.memory_space<hbm>> -> memref<1x1x1x128xi32, #tpu.memory_space<hbm>>
    %dma_wait3A_344 = tpu.memref_squeeze %dma_wait3A_343 : memref<1x1x1x128xi32, #tpu.memory_space<hbm>> -> memref<128xi32, #tpu.memory_space<hbm>>
    tpu.wait_dma2 semaphore(%arg10 : memref<!tpu.dma_semaphore, #tpu.memory_space<semaphore_mem>>) src(%dma_wait3A_344 : memref<128xi32, #tpu.memory_space<hbm>>) dst(%dma_wait3A_341 : memref<128xi32, #tpu.memory_space<vmem>>)
    %dma_start3A_345 = arith.constant 0 : i32
    %dma_start3A_346 = arith.constant 0 : i32
    %dma_start3A_347 = arith.constant 0 : i32
    %dma_start3A_348 = arith.constant 0 : i32
    %dma_start3A_349 = tpu.memref_slice %arg7[%dma_start3A_346, %dma_start3A_347, %dma_start3A_348] : memref<8x128x64xf32, #tpu.memory_space<vmem>> -> memref<1x128x64xf32, #tpu.memory_space<vmem>>
    %dma_start3A_350 = tpu.memref_squeeze %dma_start3A_349 : memref<1x128x64xf32, #tpu.memory_space<vmem>> -> memref<128x64xf32, #tpu.memory_space<vmem>>
    %dma_start3A_351 = arith.constant 0 : i32
    %dma_start3A_352 = tpu.memref_slice %arg6[%dma_start3A_345, %dma_start3A_351] : memref<8x128xi32, #tpu.memory_space<vmem>> -> memref<1x128xi32, #tpu.memory_space<vmem>>
    %dma_start3A_353 = tpu.memref_squeeze %dma_start3A_352 : memref<1x128xi32, #tpu.memory_space<vmem>> -> memref<128xi32, #tpu.memory_space<vmem>>
    %dma_start3A_354 = arith.constant 0 : i32
    %dma_start3A_355 = arith.constant 0 : i32
    %dma_start3A_356 = tpu.memref_slice %arg3[%dma_start3A_354, %dma_start3A_355] : memref<100000x64xf32, #tpu.memory_space<hbm>> -> memref<100000x64xf32, #tpu.memory_space<hbm>>
    tpu.enqueue_indirect_dma source(%dma_start3A_356 : memref<100000x64xf32, #tpu.memory_space<hbm>>) target(%dma_start3A_350 : memref<128x64xf32, #tpu.memory_space<vmem>>) offsets(%dma_start3A_353 : memref<128xi32, #tpu.memory_space<vmem>>) semaphore(%arg18 : memref<!tpu.dma_semaphore, #tpu.memory_space<semaphore_mem>>)
    %dma_wait3A_357 = arith.constant 0 : i32
    %dma_wait3A_358 = arith.constant 1 : i32
    %dma_wait3A_359 = arith.constant 1 : i32
    %dma_wait3A_360 = arith.constant 0 : i32
    %dma_wait3A_361 = tpu.memref_slice %arg6[%dma_wait3A_359, %dma_wait3A_360] : memref<8x128xi32, #tpu.memory_space<vmem>> -> memref<1x128xi32, #tpu.memory_space<vmem>>
    %dma_wait3A_362 = tpu.memref_squeeze %dma_wait3A_361 : memref<1x128xi32, #tpu.memory_space<vmem>> -> memref<128xi32, #tpu.memory_space<vmem>>
    %dma_wait3A_363 = arith.constant 0 : i32
    %dma_wait3A_364 = tpu.memref_slice %arg2[%dma_wait3A_357, %add3A, %dma_wait3A_358, %dma_wait3A_363] : memref<25x32x8x128xi32, #tpu.memory_space<hbm>> -> memref<1x1x1x128xi32, #tpu.memory_space<hbm>>
    %dma_wait3A_365 = tpu.memref_squeeze %dma_wait3A_364 : memref<1x1x1x128xi32, #tpu.memory_space<hbm>> -> memref<128xi32, #tpu.memory_space<hbm>>
    %dma_wait3A_366 = arith.constant 0 : i32
    %dma_wait3A_367 = tpu.memref_slice %arg6[%dma_wait3A_359, %dma_wait3A_366] : memref<8x128xi32, #tpu.memory_space<vmem>> -> memref<1x128xi32, #tpu.memory_space<vmem>>
    %dma_wait3A_368 = tpu.memref_squeeze %dma_wait3A_367 : memref<1x128xi32, #tpu.memory_space<vmem>> -> memref<128xi32, #tpu.memory_space<vmem>>
    %dma_wait3A_369 = arith.constant 0 : i32
    %dma_wait3A_370 = tpu.memref_slice %arg2[%dma_wait3A_357, %add3A, %dma_wait3A_358, %dma_wait3A_369] : memref<25x32x8x128xi32, #tpu.memory_space<hbm>> -> memref<1x1x1x128xi32, #tpu.memory_space<hbm>>
    %dma_wait3A_371 = tpu.memref_squeeze %dma_wait3A_370 : memref<1x1x1x128xi32, #tpu.memory_space<hbm>> -> memref<128xi32, #tpu.memory_space<hbm>>
    tpu.wait_dma2 semaphore(%arg11 : memref<!tpu.dma_semaphore, #tpu.memory_space<semaphore_mem>>) src(%dma_wait3A_371 : memref<128xi32, #tpu.memory_space<hbm>>) dst(%dma_wait3A_368 : memref<128xi32, #tpu.memory_space<vmem>>)
    %dma_start3A_372 = arith.constant 1 : i32
    %dma_start3A_373 = arith.constant 1 : i32
    %dma_start3A_374 = arith.constant 0 : i32
    %dma_start3A_375 = arith.constant 0 : i32
    %dma_start3A_376 = tpu.memref_slice %arg7[%dma_start3A_373, %dma_start3A_374, %dma_start3A_375] : memref<8x128x64xf32, #tpu.memory_space<vmem>> -> memref<1x128x64xf32, #tpu.memory_space<vmem>>
    %dma_start3A_377 = tpu.memref_squeeze %dma_start3A_376 : memref<1x128x64xf32, #tpu.memory_space<vmem>> -> memref<128x64xf32, #tpu.memory_space<vmem>>
    %dma_start3A_378 = arith.constant 0 : i32
    %dma_start3A_379 = tpu.memref_slice %arg6[%dma_start3A_372, %dma_start3A_378] : memref<8x128xi32, #tpu.memory_space<vmem>> -> memref<1x128xi32, #tpu.memory_space<vmem>>
    %dma_start3A_380 = tpu.memref_squeeze %dma_start3A_379 : memref<1x128xi32, #tpu.memory_space<vmem>> -> memref<128xi32, #tpu.memory_space<vmem>>
    %dma_start3A_381 = arith.constant 0 : i32
    %dma_start3A_382 = arith.constant 0 : i32
    %dma_start3A_383 = tpu.memref_slice %arg3[%dma_start3A_381, %dma_start3A_382] : memref<100000x64xf32, #tpu.memory_space<hbm>> -> memref<100000x64xf32, #tpu.memory_space<hbm>>
    tpu.enqueue_indirect_dma source(%dma_start3A_383 : memref<100000x64xf32, #tpu.memory_space<hbm>>) target(%dma_start3A_377 : memref<128x64xf32, #tpu.memory_space<vmem>>) offsets(%dma_start3A_380 : memref<128xi32, #tpu.memory_space<vmem>>) semaphore(%arg19 : memref<!tpu.dma_semaphore, #tpu.memory_space<semaphore_mem>>)
    %dma_wait3A_384 = arith.constant 0 : i32
    %dma_wait3A_385 = arith.constant 2 : i32
    %dma_wait3A_386 = arith.constant 2 : i32
    %dma_wait3A_387 = arith.constant 0 : i32
    %dma_wait3A_388 = tpu.memref_slice %arg6[%dma_wait3A_386, %dma_wait3A_387] : memref<8x128xi32, #tpu.memory_space<vmem>> -> memref<1x128xi32, #tpu.memory_space<vmem>>
    %dma_wait3A_389 = tpu.memref_squeeze %dma_wait3A_388 : memref<1x128xi32, #tpu.memory_space<vmem>> -> memref<128xi32, #tpu.memory_space<vmem>>
    %dma_wait3A_390 = arith.constant 0 : i32
    %dma_wait3A_391 = tpu.memref_slice %arg2[%dma_wait3A_384, %add3A, %dma_wait3A_385, %dma_wait3A_390] : memref<25x32x8x128xi32, #tpu.memory_space<hbm>> -> memref<1x1x1x128xi32, #tpu.memory_space<hbm>>
    %dma_wait3A_392 = tpu.memref_squeeze %dma_wait3A_391 : memref<1x1x1x128xi32, #tpu.memory_space<hbm>> -> memref<128xi32, #tpu.memory_space<hbm>>
    %dma_wait3A_393 = arith.constant 0 : i32
    %dma_wait3A_394 = tpu.memref_slice %arg6[%dma_wait3A_386, %dma_wait3A_393] : memref<8x128xi32, #tpu.memory_space<vmem>> -> memref<1x128xi32, #tpu.memory_space<vmem>>
    %dma_wait3A_395 = tpu.memref_squeeze %dma_wait3A_394 : memref<1x128xi32, #tpu.memory_space<vmem>> -> memref<128xi32, #tpu.memory_space<vmem>>
    %dma_wait3A_396 = arith.constant 0 : i32
    %dma_wait3A_397 = tpu.memref_slice %arg2[%dma_wait3A_384, %add3A, %dma_wait3A_385, %dma_wait3A_396] : memref<25x32x8x128xi32, #tpu.memory_space<hbm>> -> memref<1x1x1x128xi32, #tpu.memory_space<hbm>>
    %dma_wait3A_398 = tpu.memref_squeeze %dma_wait3A_397 : memref<1x1x1x128xi32, #tpu.memory_space<hbm>> -> memref<128xi32, #tpu.memory_space<hbm>>
    tpu.wait_dma2 semaphore(%arg12 : memref<!tpu.dma_semaphore, #tpu.memory_space<semaphore_mem>>) src(%dma_wait3A_398 : memref<128xi32, #tpu.memory_space<hbm>>) dst(%dma_wait3A_395 : memref<128xi32, #tpu.memory_space<vmem>>)
    %dma_start3A_399 = arith.constant 2 : i32
    %dma_start3A_400 = arith.constant 2 : i32
    %dma_start3A_401 = arith.constant 0 : i32
    %dma_start3A_402 = arith.constant 0 : i32
    %dma_start3A_403 = tpu.memref_slice %arg7[%dma_start3A_400, %dma_start3A_401, %dma_start3A_402] : memref<8x128x64xf32, #tpu.memory_space<vmem>> -> memref<1x128x64xf32, #tpu.memory_space<vmem>>
    %dma_start3A_404 = tpu.memref_squeeze %dma_start3A_403 : memref<1x128x64xf32, #tpu.memory_space<vmem>> -> memref<128x64xf32, #tpu.memory_space<vmem>>
    %dma_start3A_405 = arith.constant 0 : i32
    %dma_start3A_406 = tpu.memref_slice %arg6[%dma_start3A_399, %dma_start3A_405] : memref<8x128xi32, #tpu.memory_space<vmem>> -> memref<1x128xi32, #tpu.memory_space<vmem>>
    %dma_start3A_407 = tpu.memref_squeeze %dma_start3A_406 : memref<1x128xi32, #tpu.memory_space<vmem>> -> memref<128xi32, #tpu.memory_space<vmem>>
    %dma_start3A_408 = arith.constant 0 : i32
    %dma_start3A_409 = arith.constant 0 : i32
    %dma_start3A_410 = tpu.memref_slice %arg3[%dma_start3A_408, %dma_start3A_409] : memref<100000x64xf32, #tpu.memory_space<hbm>> -> memref<100000x64xf32, #tpu.memory_space<hbm>>
    tpu.enqueue_indirect_dma source(%dma_start3A_410 : memref<100000x64xf32, #tpu.memory_space<hbm>>) target(%dma_start3A_404 : memref<128x64xf32, #tpu.memory_space<vmem>>) offsets(%dma_start3A_407 : memref<128xi32, #tpu.memory_space<vmem>>) semaphore(%arg20 : memref<!tpu.dma_semaphore, #tpu.memory_space<semaphore_mem>>)
    %dma_wait3A_411 = arith.constant 0 : i32
    %dma_wait3A_412 = arith.constant 3 : i32
    %dma_wait3A_413 = arith.constant 3 : i32
    %dma_wait3A_414 = arith.constant 0 : i32
    %dma_wait3A_415 = tpu.memref_slice %arg6[%dma_wait3A_413, %dma_wait3A_414] : memref<8x128xi32, #tpu.memory_space<vmem>> -> memref<1x128xi32, #tpu.memory_space<vmem>>
    %dma_wait3A_416 = tpu.memref_squeeze %dma_wait3A_415 : memref<1x128xi32, #tpu.memory_space<vmem>> -> memref<128xi32, #tpu.memory_space<vmem>>
    %dma_wait3A_417 = arith.constant 0 : i32
    %dma_wait3A_418 = tpu.memref_slice %arg2[%dma_wait3A_411, %add3A, %dma_wait3A_412, %dma_wait3A_417] : memref<25x32x8x128xi32, #tpu.memory_space<hbm>> -> memref<1x1x1x128xi32, #tpu.memory_space<hbm>>
    %dma_wait3A_419 = tpu.memref_squeeze %dma_wait3A_418 : memref<1x1x1x128xi32, #tpu.memory_space<hbm>> -> memref<128xi32, #tpu.memory_space<hbm>>
    %dma_wait3A_420 = arith.constant 0 : i32
    %dma_wait3A_421 = tpu.memref_slice %arg6[%dma_wait3A_413, %dma_wait3A_420] : memref<8x128xi32, #tpu.memory_space<vmem>> -> memref<1x128xi32, #tpu.memory_space<vmem>>
    %dma_wait3A_422 = tpu.memref_squeeze %dma_wait3A_421 : memref<1x128xi32, #tpu.memory_space<vmem>> -> memref<128xi32, #tpu.memory_space<vmem>>
    %dma_wait3A_423 = arith.constant 0 : i32
    %dma_wait3A_424 = tpu.memref_slice %arg2[%dma_wait3A_411, %add3A, %dma_wait3A_412, %dma_wait3A_423] : memref<25x32x8x128xi32, #tpu.memory_space<hbm>> -> memref<1x1x1x128xi32, #tpu.memory_space<hbm>>
    %dma_wait3A_425 = tpu.memref_squeeze %dma_wait3A_424 : memref<1x1x1x128xi32, #tpu.memory_space<hbm>> -> memref<128xi32, #tpu.memory_space<hbm>>
    tpu.wait_dma2 semaphore(%arg13 : memref<!tpu.dma_semaphore, #tpu.memory_space<semaphore_mem>>) src(%dma_wait3A_425 : memref<128xi32, #tpu.memory_space<hbm>>) dst(%dma_wait3A_422 : memref<128xi32, #tpu.memory_space<vmem>>)
    %dma_start3A_426 = arith.constant 3 : i32
    %dma_start3A_427 = arith.constant 3 : i32
    %dma_start3A_428 = arith.constant 0 : i32
    %dma_start3A_429 = arith.constant 0 : i32
    %dma_start3A_430 = tpu.memref_slice %arg7[%dma_start3A_427, %dma_start3A_428, %dma_start3A_429] : memref<8x128x64xf32, #tpu.memory_space<vmem>> -> memref<1x128x64xf32, #tpu.memory_space<vmem>>
    %dma_start3A_431 = tpu.memref_squeeze %dma_start3A_430 : memref<1x128x64xf32, #tpu.memory_space<vmem>> -> memref<128x64xf32, #tpu.memory_space<vmem>>
    %dma_start3A_432 = arith.constant 0 : i32
    %dma_start3A_433 = tpu.memref_slice %arg6[%dma_start3A_426, %dma_start3A_432] : memref<8x128xi32, #tpu.memory_space<vmem>> -> memref<1x128xi32, #tpu.memory_space<vmem>>
    %dma_start3A_434 = tpu.memref_squeeze %dma_start3A_433 : memref<1x128xi32, #tpu.memory_space<vmem>> -> memref<128xi32, #tpu.memory_space<vmem>>
    %dma_start3A_435 = arith.constant 0 : i32
    %dma_start3A_436 = arith.constant 0 : i32
    %dma_start3A_437 = tpu.memref_slice %arg3[%dma_start3A_435, %dma_start3A_436] : memref<100000x64xf32, #tpu.memory_space<hbm>> -> memref<100000x64xf32, #tpu.memory_space<hbm>>
    tpu.enqueue_indirect_dma source(%dma_start3A_437 : memref<100000x64xf32, #tpu.memory_space<hbm>>) target(%dma_start3A_431 : memref<128x64xf32, #tpu.memory_space<vmem>>) offsets(%dma_start3A_434 : memref<128xi32, #tpu.memory_space<vmem>>) semaphore(%arg21 : memref<!tpu.dma_semaphore, #tpu.memory_space<semaphore_mem>>)
    %dma_wait3A_438 = arith.constant 0 : i32
    %dma_wait3A_439 = arith.constant 4 : i32
    %dma_wait3A_440 = arith.constant 4 : i32
    %dma_wait3A_441 = arith.constant 0 : i32
    %dma_wait3A_442 = tpu.memref_slice %arg6[%dma_wait3A_440, %dma_wait3A_441] : memref<8x128xi32, #tpu.memory_space<vmem>> -> memref<1x128xi32, #tpu.memory_space<vmem>>
    %dma_wait3A_443 = tpu.memref_squeeze %dma_wait3A_442 : memref<1x128xi32, #tpu.memory_space<vmem>> -> memref<128xi32, #tpu.memory_space<vmem>>
    %dma_wait3A_444 = arith.constant 0 : i32
    %dma_wait3A_445 = tpu.memref_slice %arg2[%dma_wait3A_438, %add3A, %dma_wait3A_439, %dma_wait3A_444] : memref<25x32x8x128xi32, #tpu.memory_space<hbm>> -> memref<1x1x1x128xi32, #tpu.memory_space<hbm>>
    %dma_wait3A_446 = tpu.memref_squeeze %dma_wait3A_445 : memref<1x1x1x128xi32, #tpu.memory_space<hbm>> -> memref<128xi32, #tpu.memory_space<hbm>>
    %dma_wait3A_447 = arith.constant 0 : i32
    %dma_wait3A_448 = tpu.memref_slice %arg6[%dma_wait3A_440, %dma_wait3A_447] : memref<8x128xi32, #tpu.memory_space<vmem>> -> memref<1x128xi32, #tpu.memory_space<vmem>>
    %dma_wait3A_449 = tpu.memref_squeeze %dma_wait3A_448 : memref<1x128xi32, #tpu.memory_space<vmem>> -> memref<128xi32, #tpu.memory_space<vmem>>
    %dma_wait3A_450 = arith.constant 0 : i32
    %dma_wait3A_451 = tpu.memref_slice %arg2[%dma_wait3A_438, %add3A, %dma_wait3A_439, %dma_wait3A_450] : memref<25x32x8x128xi32, #tpu.memory_space<hbm>> -> memref<1x1x1x128xi32, #tpu.memory_space<hbm>>
    %dma_wait3A_452 = tpu.memref_squeeze %dma_wait3A_451 : memref<1x1x1x128xi32, #tpu.memory_space<hbm>> -> memref<128xi32, #tpu.memory_space<hbm>>
    tpu.wait_dma2 semaphore(%arg14 : memref<!tpu.dma_semaphore, #tpu.memory_space<semaphore_mem>>) src(%dma_wait3A_452 : memref<128xi32, #tpu.memory_space<hbm>>) dst(%dma_wait3A_449 : memref<128xi32, #tpu.memory_space<vmem>>)
    %dma_start3A_453 = arith.constant 4 : i32
    %dma_start3A_454 = arith.constant 4 : i32
    %dma_start3A_455 = arith.constant 0 : i32
    %dma_start3A_456 = arith.constant 0 : i32
    %dma_start3A_457 = tpu.memref_slice %arg7[%dma_start3A_454, %dma_start3A_455, %dma_start3A_456] : memref<8x128x64xf32, #tpu.memory_space<vmem>> -> memref<1x128x64xf32, #tpu.memory_space<vmem>>
    %dma_start3A_458 = tpu.memref_squeeze %dma_start3A_457 : memref<1x128x64xf32, #tpu.memory_space<vmem>> -> memref<128x64xf32, #tpu.memory_space<vmem>>
    %dma_start3A_459 = arith.constant 0 : i32
    %dma_start3A_460 = tpu.memref_slice %arg6[%dma_start3A_453, %dma_start3A_459] : memref<8x128xi32, #tpu.memory_space<vmem>> -> memref<1x128xi32, #tpu.memory_space<vmem>>
    %dma_start3A_461 = tpu.memref_squeeze %dma_start3A_460 : memref<1x128xi32, #tpu.memory_space<vmem>> -> memref<128xi32, #tpu.memory_space<vmem>>
    %dma_start3A_462 = arith.constant 0 : i32
    %dma_start3A_463 = arith.constant 0 : i32
    %dma_start3A_464 = tpu.memref_slice %arg3[%dma_start3A_462, %dma_start3A_463] : memref<100000x64xf32, #tpu.memory_space<hbm>> -> memref<100000x64xf32, #tpu.memory_space<hbm>>
    tpu.enqueue_indirect_dma source(%dma_start3A_464 : memref<100000x64xf32, #tpu.memory_space<hbm>>) target(%dma_start3A_458 : memref<128x64xf32, #tpu.memory_space<vmem>>) offsets(%dma_start3A_461 : memref<128xi32, #tpu.memory_space<vmem>>) semaphore(%arg22 : memref<!tpu.dma_semaphore, #tpu.memory_space<semaphore_mem>>)
    %dma_wait3A_465 = arith.constant 0 : i32
    %dma_wait3A_466 = arith.constant 5 : i32
    %dma_wait3A_467 = arith.constant 5 : i32
    %dma_wait3A_468 = arith.constant 0 : i32
    %dma_wait3A_469 = tpu.memref_slice %arg6[%dma_wait3A_467, %dma_wait3A_468] : memref<8x128xi32, #tpu.memory_space<vmem>> -> memref<1x128xi32, #tpu.memory_space<vmem>>
    %dma_wait3A_470 = tpu.memref_squeeze %dma_wait3A_469 : memref<1x128xi32, #tpu.memory_space<vmem>> -> memref<128xi32, #tpu.memory_space<vmem>>
    %dma_wait3A_471 = arith.constant 0 : i32
    %dma_wait3A_472 = tpu.memref_slice %arg2[%dma_wait3A_465, %add3A, %dma_wait3A_466, %dma_wait3A_471] : memref<25x32x8x128xi32, #tpu.memory_space<hbm>> -> memref<1x1x1x128xi32, #tpu.memory_space<hbm>>
    %dma_wait3A_473 = tpu.memref_squeeze %dma_wait3A_472 : memref<1x1x1x128xi32, #tpu.memory_space<hbm>> -> memref<128xi32, #tpu.memory_space<hbm>>
    %dma_wait3A_474 = arith.constant 0 : i32
    %dma_wait3A_475 = tpu.memref_slice %arg6[%dma_wait3A_467, %dma_wait3A_474] : memref<8x128xi32, #tpu.memory_space<vmem>> -> memref<1x128xi32, #tpu.memory_space<vmem>>
    %dma_wait3A_476 = tpu.memref_squeeze %dma_wait3A_475 : memref<1x128xi32, #tpu.memory_space<vmem>> -> memref<128xi32, #tpu.memory_space<vmem>>
    %dma_wait3A_477 = arith.constant 0 : i32
    %dma_wait3A_478 = tpu.memref_slice %arg2[%dma_wait3A_465, %add3A, %dma_wait3A_466, %dma_wait3A_477] : memref<25x32x8x128xi32, #tpu.memory_space<hbm>> -> memref<1x1x1x128xi32, #tpu.memory_space<hbm>>
    %dma_wait3A_479 = tpu.memref_squeeze %dma_wait3A_478 : memref<1x1x1x128xi32, #tpu.memory_space<hbm>> -> memref<128xi32, #tpu.memory_space<hbm>>
    tpu.wait_dma2 semaphore(%arg15 : memref<!tpu.dma_semaphore, #tpu.memory_space<semaphore_mem>>) src(%dma_wait3A_479 : memref<128xi32, #tpu.memory_space<hbm>>) dst(%dma_wait3A_476 : memref<128xi32, #tpu.memory_space<vmem>>)
    %dma_start3A_480 = arith.constant 5 : i32
    %dma_start3A_481 = arith.constant 5 : i32
    %dma_start3A_482 = arith.constant 0 : i32
    %dma_start3A_483 = arith.constant 0 : i32
    %dma_start3A_484 = tpu.memref_slice %arg7[%dma_start3A_481, %dma_start3A_482, %dma_start3A_483] : memref<8x128x64xf32, #tpu.memory_space<vmem>> -> memref<1x128x64xf32, #tpu.memory_space<vmem>>
    %dma_start3A_485 = tpu.memref_squeeze %dma_start3A_484 : memref<1x128x64xf32, #tpu.memory_space<vmem>> -> memref<128x64xf32, #tpu.memory_space<vmem>>
    %dma_start3A_486 = arith.constant 0 : i32
    %dma_start3A_487 = tpu.memref_slice %arg6[%dma_start3A_480, %dma_start3A_486] : memref<8x128xi32, #tpu.memory_space<vmem>> -> memref<1x128xi32, #tpu.memory_space<vmem>>
    %dma_start3A_488 = tpu.memref_squeeze %dma_start3A_487 : memref<1x128xi32, #tpu.memory_space<vmem>> -> memref<128xi32, #tpu.memory_space<vmem>>
    %dma_start3A_489 = arith.constant 0 : i32
    %dma_start3A_490 = arith.constant 0 : i32
    %dma_start3A_491 = tpu.memref_slice %arg3[%dma_start3A_489, %dma_start3A_490] : memref<100000x64xf32, #tpu.memory_space<hbm>> -> memref<100000x64xf32, #tpu.memory_space<hbm>>
    tpu.enqueue_indirect_dma source(%dma_start3A_491 : memref<100000x64xf32, #tpu.memory_space<hbm>>) target(%dma_start3A_485 : memref<128x64xf32, #tpu.memory_space<vmem>>) offsets(%dma_start3A_488 : memref<128xi32, #tpu.memory_space<vmem>>) semaphore(%arg23 : memref<!tpu.dma_semaphore, #tpu.memory_space<semaphore_mem>>)
    %scan3A = arith.constant 0 : i32
    %scan3A_492 = arith.constant 0 : i32
    %scan3A_493 = arith.constant 25 : i32
    %scan3A_494 = arith.addi %scan3A_492, %scan3A_493 : i32
    %scan3A_495 = arith.constant 1 : i32
    scf.for %scan3A_585 = %scan3A_492 to %scan3A_494 step %scan3A_495  : i32 {
      %mul3A_586 = arith.constant 8 : i32
      %mul3A_587 = arith.muli %mul3A_586, %scan3A_585 : i32
      %add3A_588 = arith.constant 0 : i32
      %add3A_589 = arith.addi %mul3A_587, %add3A_588 : i32
      %add3A_590 = arith.constant 8 : i32
      %add3A_591 = arith.addi %add3A_589, %add3A_590 : i32
      %sub3A_592 = arith.constant 1 : i32
      %sub3A_593 = arith.subi %add3A_591, %sub3A_592 : i32
      %lt3A_594 = arith.constant 200 : i32
      %lt3A_595 = arith.cmpi slt, %sub3A_593, %lt3A_594 : i32
      %convert_element_type3A = arith.extui %lt3A_595 : i1 to i32
      %cond3A = arith.constant 0 : i32
      %cond3A_596 = arith.cmpi ne, %convert_element_type3A, %cond3A : i32
      scf.if %cond3A_596 {
        %add3A_1181 = arith.constant 8 : i32
        %add3A_1182 = arith.addi %add3A_589, %add3A_1181 : i32
        %sub3A_1183 = arith.constant 1 : i32
        %sub3A_1184 = arith.subi %add3A_1182, %sub3A_1183 : i32
        %jit3A_1185 = arith.constant 8 : i32
        %div3A_1186 = arith.divsi %sub3A_1184, %jit3A_1185 : i32
        %sign3A_1187 = arith.constant 0 : i32
        %sign3A_1188 = arith.cmpi sgt, %sub3A_1184, %sign3A_1187 : i32
        %sign3A_1189 = arith.extui %sign3A_1188 : i1 to i32
        %sign3A_1190 = arith.constant 0 : i32
        %sign3A_1191 = arith.cmpi slt, %sub3A_1184, %sign3A_1190 : i32
        %sign3A_1192 = arith.extui %sign3A_1191 : i1 to i32
        %sign3A_1193 = arith.subi %sign3A_1189, %sign3A_1192 : i32
        %sign3A_1194 = arith.constant 0 : i32
        %sign3A_1195 = arith.cmpi sgt, %jit3A_1185, %sign3A_1194 : i32
        %sign3A_1196 = arith.extui %sign3A_1195 : i1 to i32
        %sign3A_1197 = arith.constant 0 : i32
        %sign3A_1198 = arith.cmpi slt, %jit3A_1185, %sign3A_1197 : i32
        %sign3A_1199 = arith.extui %sign3A_1198 : i1 to i32
        %sign3A_1200 = arith.subi %sign3A_1196, %sign3A_1199 : i32
        %ne3A_1201 = arith.cmpi ne, %sign3A_1193, %sign3A_1200 : i32
        %rem3A_1202 = arith.remsi %sub3A_1184, %jit3A_1185 : i32
        %ne3A_1203 = arith.constant 0 : i32
        %ne3A_1204 = arith.cmpi ne, %rem3A_1202, %ne3A_1203 : i32
        %and3A_1205 = arith.andi %ne3A_1201, %ne3A_1204 : i1
        %sub3A_1206 = arith.constant 1 : i32
        %sub3A_1207 = arith.subi %div3A_1186, %sub3A_1206 : i32
        %select_n3A_1208 = arith.select %and3A_1205, %sub3A_1207, %div3A_1186 : i32
        %jit3A_1209 = arith.constant 8 : i32
        %eq3A_1210 = arith.constant 0 : i32
        %eq3A_1211 = arith.cmpi eq, %jit3A_1209, %eq3A_1210 : i32
        %jit3A_1212 = arith.constant 1 : i32
        %select_n3A_1213 = arith.select %eq3A_1211, %jit3A_1212, %jit3A_1209 : i32
        %rem3A_1214 = arith.remsi %sub3A_1184, %select_n3A_1213 : i32
        %ne3A_1215 = arith.constant 0 : i32
        %ne3A_1216 = arith.cmpi ne, %rem3A_1214, %ne3A_1215 : i32
        %lt3A_1217 = arith.constant 0 : i32
        %lt3A_1218 = arith.cmpi slt, %rem3A_1214, %lt3A_1217 : i32
        %lt3A_1219 = arith.constant 0 : i32
        %lt3A_1220 = arith.cmpi slt, %select_n3A_1213, %lt3A_1219 : i32
        %ne3A_1221 = arith.xori %lt3A_1218, %lt3A_1220 : i1
        %and3A_1222 = arith.andi %ne3A_1221, %ne3A_1216 : i1
        %add3A_1223 = arith.addi %rem3A_1214, %select_n3A_1213 : i32
        %select_n3A_1224 = arith.select %and3A_1222, %add3A_1223, %rem3A_1214 : i32
        %dma_start3A_1225 = arith.constant 7 : i32
        %dma_start3A_1226 = arith.constant 0 : i32
        %dma_start3A_1227 = tpu.memref_slice %arg6[%dma_start3A_1225, %dma_start3A_1226] : memref<8x128xi32, #tpu.memory_space<vmem>> -> memref<1x128xi32, #tpu.memory_space<vmem>>
        %dma_start3A_1228 = tpu.memref_squeeze %dma_start3A_1227 : memref<1x128xi32, #tpu.memory_space<vmem>> -> memref<128xi32, #tpu.memory_space<vmem>>
        %dma_start3A_1229 = arith.constant 0 : i32
        %dma_start3A_1230 = tpu.memref_slice %arg2[%select_n3A_1208, %add3A, %select_n3A_1224, %dma_start3A_1229] : memref<25x32x8x128xi32, #tpu.memory_space<hbm>> -> memref<1x1x1x128xi32, #tpu.memory_space<hbm>>
        %dma_start3A_1231 = tpu.memref_squeeze %dma_start3A_1230 : memref<1x1x1x128xi32, #tpu.memory_space<hbm>> -> memref<128xi32, #tpu.memory_space<hbm>>
        %dma_start3A_1232 = arith.constant 0 : i32
        %dma_start3A_1233 = tpu.memref_slice %arg6[%dma_start3A_1225, %dma_start3A_1232] : memref<8x128xi32, #tpu.memory_space<vmem>> -> memref<1x128xi32, #tpu.memory_space<vmem>>
        %dma_start3A_1234 = tpu.memref_squeeze %dma_start3A_1233 : memref<1x128xi32, #tpu.memory_space<vmem>> -> memref<128xi32, #tpu.memory_space<vmem>>
        %dma_start3A_1235 = arith.constant 0 : i32
        %dma_start3A_1236 = tpu.memref_slice %arg2[%select_n3A_1208, %add3A, %select_n3A_1224, %dma_start3A_1235] : memref<25x32x8x128xi32, #tpu.memory_space<hbm>> -> memref<1x1x1x128xi32, #tpu.memory_space<hbm>>
        %dma_start3A_1237 = tpu.memref_squeeze %dma_start3A_1236 : memref<1x1x1x128xi32, #tpu.memory_space<hbm>> -> memref<128xi32, #tpu.memory_space<hbm>>
        tpu.enqueue_dma source(%dma_start3A_1237 : memref<128xi32, #tpu.memory_space<hbm>>) target(%dma_start3A_1234 : memref<128xi32, #tpu.memory_space<vmem>>) target_semaphore(%arg17 : memref<!tpu.dma_semaphore, #tpu.memory_space<semaphore_mem>>)
      } else {
      }
      %add3A_597 = arith.constant 8 : i32
      %add3A_598 = arith.addi %add3A_589, %add3A_597 : i32
      %sub3A_599 = arith.constant 2 : i32
      %sub3A_600 = arith.subi %add3A_598, %sub3A_599 : i32
      %lt3A_601 = arith.constant 200 : i32
      %lt3A_602 = arith.cmpi slt, %sub3A_600, %lt3A_601 : i32
      %convert_element_type3A_603 = arith.extui %lt3A_602 : i1 to i32
      %cond3A_604 = arith.constant 0 : i32
      %cond3A_605 = arith.cmpi ne, %convert_element_type3A_603, %cond3A_604 : i32
      scf.if %cond3A_605 {
        %add3A_1181 = arith.constant 8 : i32
        %add3A_1182 = arith.addi %add3A_589, %add3A_1181 : i32
        %sub3A_1183 = arith.constant 2 : i32
        %sub3A_1184 = arith.subi %add3A_1182, %sub3A_1183 : i32
        %jit3A_1185 = arith.constant 8 : i32
        %div3A_1186 = arith.divsi %sub3A_1184, %jit3A_1185 : i32
        %sign3A_1187 = arith.constant 0 : i32
        %sign3A_1188 = arith.cmpi sgt, %sub3A_1184, %sign3A_1187 : i32
        %sign3A_1189 = arith.extui %sign3A_1188 : i1 to i32
        %sign3A_1190 = arith.constant 0 : i32
        %sign3A_1191 = arith.cmpi slt, %sub3A_1184, %sign3A_1190 : i32
        %sign3A_1192 = arith.extui %sign3A_1191 : i1 to i32
        %sign3A_1193 = arith.subi %sign3A_1189, %sign3A_1192 : i32
        %sign3A_1194 = arith.constant 0 : i32
        %sign3A_1195 = arith.cmpi sgt, %jit3A_1185, %sign3A_1194 : i32
        %sign3A_1196 = arith.extui %sign3A_1195 : i1 to i32
        %sign3A_1197 = arith.constant 0 : i32
        %sign3A_1198 = arith.cmpi slt, %jit3A_1185, %sign3A_1197 : i32
        %sign3A_1199 = arith.extui %sign3A_1198 : i1 to i32
        %sign3A_1200 = arith.subi %sign3A_1196, %sign3A_1199 : i32
        %ne3A_1201 = arith.cmpi ne, %sign3A_1193, %sign3A_1200 : i32
        %rem3A_1202 = arith.remsi %sub3A_1184, %jit3A_1185 : i32
        %ne3A_1203 = arith.constant 0 : i32
        %ne3A_1204 = arith.cmpi ne, %rem3A_1202, %ne3A_1203 : i32
        %and3A_1205 = arith.andi %ne3A_1201, %ne3A_1204 : i1
        %sub3A_1206 = arith.constant 1 : i32
        %sub3A_1207 = arith.subi %div3A_1186, %sub3A_1206 : i32
        %select_n3A_1208 = arith.select %and3A_1205, %sub3A_1207, %div3A_1186 : i32
        %jit3A_1209 = arith.constant 8 : i32
        %eq3A_1210 = arith.constant 0 : i32
        %eq3A_1211 = arith.cmpi eq, %jit3A_1209, %eq3A_1210 : i32
        %jit3A_1212 = arith.constant 1 : i32
        %select_n3A_1213 = arith.select %eq3A_1211, %jit3A_1212, %jit3A_1209 : i32
        %rem3A_1214 = arith.remsi %sub3A_1184, %select_n3A_1213 : i32
        %ne3A_1215 = arith.constant 0 : i32
        %ne3A_1216 = arith.cmpi ne, %rem3A_1214, %ne3A_1215 : i32
        %lt3A_1217 = arith.constant 0 : i32
        %lt3A_1218 = arith.cmpi slt, %rem3A_1214, %lt3A_1217 : i32
        %lt3A_1219 = arith.constant 0 : i32
        %lt3A_1220 = arith.cmpi slt, %select_n3A_1213, %lt3A_1219 : i32
        %ne3A_1221 = arith.xori %lt3A_1218, %lt3A_1220 : i1
        %and3A_1222 = arith.andi %ne3A_1221, %ne3A_1216 : i1
        %add3A_1223 = arith.addi %rem3A_1214, %select_n3A_1213 : i32
        %select_n3A_1224 = arith.select %and3A_1222, %add3A_1223, %rem3A_1214 : i32
        %dma_wait3A_1225 = arith.constant 6 : i32
        %dma_wait3A_1226 = arith.constant 0 : i32
        %dma_wait3A_1227 = tpu.memref_slice %arg6[%dma_wait3A_1225, %dma_wait3A_1226] : memref<8x128xi32, #tpu.memory_space<vmem>> -> memref<1x128xi32, #tpu.memory_space<vmem>>
        %dma_wait3A_1228 = tpu.memref_squeeze %dma_wait3A_1227 : memref<1x128xi32, #tpu.memory_space<vmem>> -> memref<128xi32, #tpu.memory_space<vmem>>
        %dma_wait3A_1229 = arith.constant 0 : i32
        %dma_wait3A_1230 = tpu.memref_slice %arg2[%select_n3A_1208, %add3A, %select_n3A_1224, %dma_wait3A_1229] : memref<25x32x8x128xi32, #tpu.memory_space<hbm>> -> memref<1x1x1x128xi32, #tpu.memory_space<hbm>>
        %dma_wait3A_1231 = tpu.memref_squeeze %dma_wait3A_1230 : memref<1x1x1x128xi32, #tpu.memory_space<hbm>> -> memref<128xi32, #tpu.memory_space<hbm>>
        %dma_wait3A_1232 = arith.constant 0 : i32
        %dma_wait3A_1233 = tpu.memref_slice %arg6[%dma_wait3A_1225, %dma_wait3A_1232] : memref<8x128xi32, #tpu.memory_space<vmem>> -> memref<1x128xi32, #tpu.memory_space<vmem>>
        %dma_wait3A_1234 = tpu.memref_squeeze %dma_wait3A_1233 : memref<1x128xi32, #tpu.memory_space<vmem>> -> memref<128xi32, #tpu.memory_space<vmem>>
        %dma_wait3A_1235 = arith.constant 0 : i32
        %dma_wait3A_1236 = tpu.memref_slice %arg2[%select_n3A_1208, %add3A, %select_n3A_1224, %dma_wait3A_1235] : memref<25x32x8x128xi32, #tpu.memory_space<hbm>> -> memref<1x1x1x128xi32, #tpu.memory_space<hbm>>
        %dma_wait3A_1237 = tpu.memref_squeeze %dma_wait3A_1236 : memref<1x1x1x128xi32, #tpu.memory_space<hbm>> -> memref<128xi32, #tpu.memory_space<hbm>>
        tpu.wait_dma2 semaphore(%arg16 : memref<!tpu.dma_semaphore, #tpu.memory_space<semaphore_mem>>) src(%dma_wait3A_1237 : memref<128xi32, #tpu.memory_space<hbm>>) dst(%dma_wait3A_1234 : memref<128xi32, #tpu.memory_space<vmem>>)
        %dma_start3A_1238 = arith.constant 6 : i32
        %dma_start3A_1239 = arith.constant 6 : i32
        %dma_start3A_1240 = arith.constant 0 : i32
        %dma_start3A_1241 = arith.constant 0 : i32
        %dma_start3A_1242 = tpu.memref_slice %arg7[%dma_start3A_1239, %dma_start3A_1240, %dma_start3A_1241] : memref<8x128x64xf32, #tpu.memory_space<vmem>> -> memref<1x128x64xf32, #tpu.memory_space<vmem>>
        %dma_start3A_1243 = tpu.memref_squeeze %dma_start3A_1242 : memref<1x128x64xf32, #tpu.memory_space<vmem>> -> memref<128x64xf32, #tpu.memory_space<vmem>>
        %dma_start3A_1244 = arith.constant 0 : i32
        %dma_start3A_1245 = tpu.memref_slice %arg6[%dma_start3A_1238, %dma_start3A_1244] : memref<8x128xi32, #tpu.memory_space<vmem>> -> memref<1x128xi32, #tpu.memory_space<vmem>>
        %dma_start3A_1246 = tpu.memref_squeeze %dma_start3A_1245 : memref<1x128xi32, #tpu.memory_space<vmem>> -> memref<128xi32, #tpu.memory_space<vmem>>
        %dma_start3A_1247 = arith.constant 0 : i32
        %dma_start3A_1248 = arith.constant 0 : i32
        %dma_start3A_1249 = tpu.memref_slice %arg3[%dma_start3A_1247, %dma_start3A_1248] : memref<100000x64xf32, #tpu.memory_space<hbm>> -> memref<100000x64xf32, #tpu.memory_space<hbm>>
        tpu.enqueue_indirect_dma source(%dma_start3A_1249 : memref<100000x64xf32, #tpu.memory_space<hbm>>) target(%dma_start3A_1243 : memref<128x64xf32, #tpu.memory_space<vmem>>) offsets(%dma_start3A_1246 : memref<128xi32, #tpu.memory_space<vmem>>) semaphore(%arg24 : memref<!tpu.dma_semaphore, #tpu.memory_space<semaphore_mem>>)
      } else {
      }
      %ge3A = arith.constant 4 : i32
      %ge3A_606 = arith.cmpi sge, %add3A_589, %ge3A : i32
      %convert_element_type3A_607 = arith.extui %ge3A_606 : i1 to i32
      %cond3A_608 = arith.constant 0 : i32
      %cond3A_609 = arith.cmpi ne, %convert_element_type3A_607, %cond3A_608 : i32
      scf.if %cond3A_609 {
        %sub3A_1181 = arith.constant 4 : i32
        %sub3A_1182 = arith.subi %add3A_589, %sub3A_1181 : i32
        %dma_wait3A_1183 = arith.constant 0 : i32
        %dma_wait3A_1184 = arith.constant 0 : i32
        %dma_wait3A_1185 = arith.constant 0 : i32
        %dma_wait3A_1186 = arith.constant 0 : i32
        %dma_wait3A_1187 = tpu.memref_slice %arg8[%dma_wait3A_1183, %dma_wait3A_1184, %dma_wait3A_1185, %dma_wait3A_1186] : memref<4x8x8x136xf32, #tpu.memory_space<vmem>> -> memref<1x8x8x128xf32, #tpu.memory_space<vmem>>
        %dma_wait3A_1188 = tpu.memref_squeeze %dma_wait3A_1187 : memref<1x8x8x128xf32, #tpu.memory_space<vmem>> -> memref<8x8x128xf32, #tpu.memory_space<vmem>>
        %dma_wait3A_1189 = arith.constant 0 : i32
        %dma_wait3A_1190 = arith.constant 0 : i32
        %dma_wait3A_1191 = arith.constant 0 : i32
        %dma_wait3A_1192 = tpu.memref_slice %arg5[%sub3A_1182, %dma_wait3A_1189, %add3A, %dma_wait3A_1190, %dma_wait3A_1191] : memref<200x8x32x8x128xf32, #tpu.memory_space<hbm>> -> memref<1x8x1x8x128xf32, #tpu.memory_space<hbm>>
        %dma_wait3A_1193 = tpu.memref_squeeze %dma_wait3A_1192 : memref<1x8x1x8x128xf32, #tpu.memory_space<hbm>> -> memref<8x8x128xf32, #tpu.memory_space<hbm>>
        %dma_wait3A_1194 = arith.constant 0 : i32
        %dma_wait3A_1195 = arith.constant 0 : i32
        %dma_wait3A_1196 = arith.constant 0 : i32
        %dma_wait3A_1197 = tpu.memref_slice %arg5[%sub3A_1182, %dma_wait3A_1194, %add3A, %dma_wait3A_1195, %dma_wait3A_1196] : memref<200x8x32x8x128xf32, #tpu.memory_space<hbm>> -> memref<1x8x1x8x128xf32, #tpu.memory_space<hbm>>
        %dma_wait3A_1198 = tpu.memref_squeeze %dma_wait3A_1197 : memref<1x8x1x8x128xf32, #tpu.memory_space<hbm>> -> memref<8x8x128xf32, #tpu.memory_space<hbm>>
        %dma_wait3A_1199 = arith.constant 0 : i32
        %dma_wait3A_1200 = arith.constant 0 : i32
        %dma_wait3A_1201 = arith.constant 0 : i32
        %dma_wait3A_1202 = tpu.memref_slice %arg8[%dma_wait3A_1183, %dma_wait3A_1199, %dma_wait3A_1200, %dma_wait3A_1201] : memref<4x8x8x136xf32, #tpu.memory_space<vmem>> -> memref<1x8x8x128xf32, #tpu.memory_space<vmem>>
        %dma_wait3A_1203 = tpu.memref_squeeze %dma_wait3A_1202 : memref<1x8x8x128xf32, #tpu.memory_space<vmem>> -> memref<8x8x128xf32, #tpu.memory_space<vmem>>
        tpu.wait_dma2 semaphore(%arg26 : memref<!tpu.dma_semaphore, #tpu.memory_space<semaphore_mem>>) src(%dma_wait3A_1203 : memref<8x8x128xf32, #tpu.memory_space<vmem>>) dst(%dma_wait3A_1198 : memref<8x8x128xf32, #tpu.memory_space<hbm>>)
      } else {
      }
      %dma_wait3A_610 = arith.constant 0 : i32
      %dma_wait3A_611 = arith.constant 0 : i32
      %dma_wait3A_612 = arith.constant 0 : i32
      %dma_wait3A_613 = arith.constant 0 : i32
      %dma_wait3A_614 = tpu.memref_slice %arg7[%dma_wait3A_611, %dma_wait3A_612, %dma_wait3A_613] : memref<8x128x64xf32, #tpu.memory_space<vmem>> -> memref<1x128x64xf32, #tpu.memory_space<vmem>>
      %dma_wait3A_615 = tpu.memref_squeeze %dma_wait3A_614 : memref<1x128x64xf32, #tpu.memory_space<vmem>> -> memref<128x64xf32, #tpu.memory_space<vmem>>
      %dma_wait3A_616 = arith.constant 0 : i32
      %dma_wait3A_617 = tpu.memref_slice %arg6[%dma_wait3A_610, %dma_wait3A_616] : memref<8x128xi32, #tpu.memory_space<vmem>> -> memref<1x128xi32, #tpu.memory_space<vmem>>
      %dma_wait3A_618 = tpu.memref_squeeze %dma_wait3A_617 : memref<1x128xi32, #tpu.memory_space<vmem>> -> memref<128xi32, #tpu.memory_space<vmem>>
      %dma_wait3A_619 = arith.constant 0 : i32
      %dma_wait3A_620 = arith.constant 0 : i32
      %dma_wait3A_621 = tpu.memref_slice %arg3[%dma_wait3A_619, %dma_wait3A_620] : memref<100000x64xf32, #tpu.memory_space<hbm>> -> memref<100000x64xf32, #tpu.memory_space<hbm>>
      tpu.wait_indirect_dma semaphore(%arg18 : memref<!tpu.dma_semaphore, #tpu.memory_space<semaphore_mem>>) src(%dma_wait3A_621 : memref<100000x64xf32, #tpu.memory_space<hbm>>) dst(%dma_wait3A_615 : memref<128x64xf32, #tpu.memory_space<vmem>>)
      %get3A = arith.index_cast %add3A_589 : i32 to index
      %get3A_622 = arith.constant 0 : index
      %get3A_623 = tpu.vector_load %arg9[%get3A, %get3A_622] {strides = array<i32>} : memref<200x64xf32, #tpu.memory_space<vmem>>, vector<16xf32>,
      %get3A_624 = arith.index_cast %add3A_589 : i32 to index
      %get3A_625 = arith.constant 16 : index
      %get3A_626 = tpu.vector_load %arg9[%get3A_624, %get3A_625] {strides = array<i32>} : memref<200x64xf32, #tpu.memory_space<vmem>>, vector<16xf32>,
      %get3A_627 = arith.index_cast %add3A_589 : i32 to index
      %get3A_628 = arith.constant 32 : index
      %get3A_629 = tpu.vector_load %arg9[%get3A_627, %get3A_628] {strides = array<i32>} : memref<200x64xf32, #tpu.memory_space<vmem>>, vector<16xf32>,
      %get3A_630 = arith.index_cast %add3A_589 : i32 to index
      %get3A_631 = arith.constant 48 : index
      %get3A_632 = tpu.vector_load %arg9[%get3A_630, %get3A_631] {strides = array<i32>} : memref<200x64xf32, #tpu.memory_space<vmem>>, vector<16xf32>,
      %parallel_loop3A = arith.constant 0 : i32
      %parallel_loop3A_633 = arith.constant 128 : i32
      %parallel_loop3A_634 = arith.constant 1 : i32
      scf.for %parallel_loop3A_1181 = %parallel_loop3A to %parallel_loop3A_633 step %parallel_loop3A_634  : i32 {
        %parallel_loop3A_1182 = vector.broadcast %parallel_loop3A_1181 : i32 to vector<16xi32>
        %parallel_loop3A_1183 = arith.constant 0 : i32
        %parallel_loop3A_1184 = arith.index_cast %parallel_loop3A_1183 : i32 to index
        %parallel_loop3A_1185 = arith.index_cast %parallel_loop3A_1181 : i32 to index
        %parallel_loop3A_1186 = arith.constant 0 : index
        %parallel_loop3A_1187 = tpu.vector_load %arg7[%parallel_loop3A_1184, %parallel_loop3A_1185, %parallel_loop3A_1186] {strides = array<i32>} : memref<8x128x64xf32, #tpu.memory_space<vmem>>, vector<16xf32>,
        %parallel_loop3A_1188 = arith.addf %parallel_loop3A_1187, %get3A_623 : vector<16xf32>
        %parallel_loop3A_1189 = arith.constant 0 : i32
        %parallel_loop3A_1190 = arith.constant 0 : i32
        %parallel_loop3A_1191 = arith.constant 0 : i32
        %parallel_loop3A_1192 = arith.constant 0 : i32
        %parallel_loop3A_1193 = tpu.memref_slice %arg8[%parallel_loop3A_1189, %parallel_loop3A_1190, %parallel_loop3A_1191, %parallel_loop3A_1192] : memref<4x8x8x136xf32, #tpu.memory_space<vmem>> -> memref<1x8x8x136xf32, #tpu.memory_space<vmem>>
        %parallel_loop3A_1194 = tpu.memref_squeeze %parallel_loop3A_1193 : memref<1x8x8x136xf32, #tpu.memory_space<vmem>> -> memref<8x8x136xf32, #tpu.memory_space<vmem>>
        tpu.vector_store_idx %parallel_loop3A_1194[%select_n3A, %select_n3A_151, %parallel_loop3A_1182], %parallel_loop3A_1188 : memref<8x8x136xf32, #tpu.memory_space<vmem>>[vector<16xi32>, vector<16xi32>, vector<16xi32>], vector<16xf32>,
        %parallel_loop3A_1195 = arith.constant 0 : i32
        %parallel_loop3A_1196 = arith.index_cast %parallel_loop3A_1195 : i32 to index
        %parallel_loop3A_1197 = arith.index_cast %parallel_loop3A_1181 : i32 to index
        %parallel_loop3A_1198 = arith.constant 16 : index
        %parallel_loop3A_1199 = tpu.vector_load %arg7[%parallel_loop3A_1196, %parallel_loop3A_1197, %parallel_loop3A_1198] {strides = array<i32>} : memref<8x128x64xf32, #tpu.memory_space<vmem>>, vector<16xf32>,
        %parallel_loop3A_1200 = arith.addf %parallel_loop3A_1199, %get3A_626 : vector<16xf32>
        %parallel_loop3A_1201 = arith.constant 0 : i32
        %parallel_loop3A_1202 = arith.constant 0 : i32
        %parallel_loop3A_1203 = arith.constant 0 : i32
        %parallel_loop3A_1204 = arith.constant 0 : i32
        %parallel_loop3A_1205 = tpu.memref_slice %arg8[%parallel_loop3A_1201, %parallel_loop3A_1202, %parallel_loop3A_1203, %parallel_loop3A_1204] : memref<4x8x8x136xf32, #tpu.memory_space<vmem>> -> memref<1x8x8x136xf32, #tpu.memory_space<vmem>>
        %parallel_loop3A_1206 = tpu.memref_squeeze %parallel_loop3A_1205 : memref<1x8x8x136xf32, #tpu.memory_space<vmem>> -> memref<8x8x136xf32, #tpu.memory_space<vmem>>
        tpu.vector_store_idx %parallel_loop3A_1206[%select_n3A_60, %select_n3A_176, %parallel_loop3A_1182], %parallel_loop3A_1200 : memref<8x8x136xf32, #tpu.memory_space<vmem>>[vector<16xi32>, vector<16xi32>, vector<16xi32>], vector<16xf32>,
        %parallel_loop3A_1207 = arith.constant 0 : i32
        %parallel_loop3A_1208 = arith.index_cast %parallel_loop3A_1207 : i32 to index
        %parallel_loop3A_1209 = arith.index_cast %parallel_loop3A_1181 : i32 to index
        %parallel_loop3A_1210 = arith.constant 32 : index
        %parallel_loop3A_1211 = tpu.vector_load %arg7[%parallel_loop3A_1208, %parallel_loop3A_1209, %parallel_loop3A_1210] {strides = array<i32>} : memref<8x128x64xf32, #tpu.memory_space<vmem>>, vector<16xf32>,
        %parallel_loop3A_1212 = arith.addf %parallel_loop3A_1211, %get3A_629 : vector<16xf32>
        %parallel_loop3A_1213 = arith.constant 0 : i32
        %parallel_loop3A_1214 = arith.constant 0 : i32
        %parallel_loop3A_1215 = arith.constant 0 : i32
        %parallel_loop3A_1216 = arith.constant 0 : i32
        %parallel_loop3A_1217 = tpu.memref_slice %arg8[%parallel_loop3A_1213, %parallel_loop3A_1214, %parallel_loop3A_1215, %parallel_loop3A_1216] : memref<4x8x8x136xf32, #tpu.memory_space<vmem>> -> memref<1x8x8x136xf32, #tpu.memory_space<vmem>>
        %parallel_loop3A_1218 = tpu.memref_squeeze %parallel_loop3A_1217 : memref<1x8x8x136xf32, #tpu.memory_space<vmem>> -> memref<8x8x136xf32, #tpu.memory_space<vmem>>
        tpu.vector_store_idx %parallel_loop3A_1218[%select_n3A_94, %select_n3A_201, %parallel_loop3A_1182], %parallel_loop3A_1212 : memref<8x8x136xf32, #tpu.memory_space<vmem>>[vector<16xi32>, vector<16xi32>, vector<16xi32>], vector<16xf32>,
        %parallel_loop3A_1219 = arith.constant 0 : i32
        %parallel_loop3A_1220 = arith.index_cast %parallel_loop3A_1219 : i32 to index
        %parallel_loop3A_1221 = arith.index_cast %parallel_loop3A_1181 : i32 to index
        %parallel_loop3A_1222 = arith.constant 48 : index
        %parallel_loop3A_1223 = tpu.vector_load %arg7[%parallel_loop3A_1220, %parallel_loop3A_1221, %parallel_loop3A_1222] {strides = array<i32>} : memref<8x128x64xf32, #tpu.memory_space<vmem>>, vector<16xf32>,
        %parallel_loop3A_1224 = arith.addf %parallel_loop3A_1223, %get3A_632 : vector<16xf32>
        %parallel_loop3A_1225 = arith.constant 0 : i32
        %parallel_loop3A_1226 = arith.constant 0 : i32
        %parallel_loop3A_1227 = arith.constant 0 : i32
        %parallel_loop3A_1228 = arith.constant 0 : i32
        %parallel_loop3A_1229 = tpu.memref_slice %arg8[%parallel_loop3A_1225, %parallel_loop3A_1226, %parallel_loop3A_1227, %parallel_loop3A_1228] : memref<4x8x8x136xf32, #tpu.memory_space<vmem>> -> memref<1x8x8x136xf32, #tpu.memory_space<vmem>>
        %parallel_loop3A_1230 = tpu.memref_squeeze %parallel_loop3A_1229 : memref<1x8x8x136xf32, #tpu.memory_space<vmem>> -> memref<8x8x136xf32, #tpu.memory_space<vmem>>
        tpu.vector_store_idx %parallel_loop3A_1230[%select_n3A_128, %select_n3A_226, %parallel_loop3A_1182], %parallel_loop3A_1224 : memref<8x8x136xf32, #tpu.memory_space<vmem>>[vector<16xi32>, vector<16xi32>, vector<16xi32>], vector<16xf32>,
      } {sc.loop_unroll_factor = 4 : i64, sc.parallel_access}
      %dma_start3A_635 = arith.constant 0 : i32
      %dma_start3A_636 = arith.constant 0 : i32
      %dma_start3A_637 = arith.constant 0 : i32
      %dma_start3A_638 = arith.constant 0 : i32
      %dma_start3A_639 = tpu.memref_slice %arg8[%dma_start3A_635, %dma_start3A_636, %dma_start3A_637, %dma_start3A_638] : memref<4x8x8x136xf32, #tpu.memory_space<vmem>> -> memref<1x8x8x128xf32, #tpu.memory_space<vmem>>
      %dma_start3A_640 = tpu.memref_squeeze %dma_start3A_639 : memref<1x8x8x128xf32, #tpu.memory_space<vmem>> -> memref<8x8x128xf32, #tpu.memory_space<vmem>>
      %dma_start3A_641 = arith.constant 0 : i32
      %dma_start3A_642 = arith.constant 0 : i32
      %dma_start3A_643 = arith.constant 0 : i32
      %dma_start3A_644 = tpu.memref_slice %arg5[%add3A_589, %dma_start3A_641, %add3A, %dma_start3A_642, %dma_start3A_643] : memref<200x8x32x8x128xf32, #tpu.memory_space<hbm>> -> memref<1x8x1x8x128xf32, #tpu.memory_space<hbm>>
      %dma_start3A_645 = tpu.memref_squeeze %dma_start3A_644 : memref<1x8x1x8x128xf32, #tpu.memory_space<hbm>> -> memref<8x8x128xf32, #tpu.memory_space<hbm>>
      %dma_start3A_646 = arith.constant 0 : i32
      %dma_start3A_647 = arith.constant 0 : i32
      %dma_start3A_648 = arith.constant 0 : i32
      %dma_start3A_649 = tpu.memref_slice %arg5[%add3A_589, %dma_start3A_646, %add3A, %dma_start3A_647, %dma_start3A_648] : memref<200x8x32x8x128xf32, #tpu.memory_space<hbm>> -> memref<1x8x1x8x128xf32, #tpu.memory_space<hbm>>
      %dma_start3A_650 = tpu.memref_squeeze %dma_start3A_649 : memref<1x8x1x8x128xf32, #tpu.memory_space<hbm>> -> memref<8x8x128xf32, #tpu.memory_space<hbm>>
      %dma_start3A_651 = arith.constant 0 : i32
      %dma_start3A_652 = arith.constant 0 : i32
      %dma_start3A_653 = arith.constant 0 : i32
      %dma_start3A_654 = tpu.memref_slice %arg8[%dma_start3A_635, %dma_start3A_651, %dma_start3A_652, %dma_start3A_653] : memref<4x8x8x136xf32, #tpu.memory_space<vmem>> -> memref<1x8x8x128xf32, #tpu.memory_space<vmem>>
      %dma_start3A_655 = tpu.memref_squeeze %dma_start3A_654 : memref<1x8x8x128xf32, #tpu.memory_space<vmem>> -> memref<8x8x128xf32, #tpu.memory_space<vmem>>
      tpu.enqueue_dma source(%dma_start3A_655 : memref<8x8x128xf32, #tpu.memory_space<vmem>>) target(%dma_start3A_650 : memref<8x8x128xf32, #tpu.memory_space<hbm>>) target_semaphore(%arg26 : memref<!tpu.dma_semaphore, #tpu.memory_space<semaphore_mem>>)
      %mul3A_656 = arith.constant 8 : i32
      %mul3A_657 = arith.muli %mul3A_656, %scan3A_585 : i32
      %add3A_658 = arith.constant 1 : i32
      %add3A_659 = arith.addi %mul3A_657, %add3A_658 : i32
      %add3A_660 = arith.constant 8 : i32
      %add3A_661 = arith.addi %add3A_659, %add3A_660 : i32
      %sub3A_662 = arith.constant 1 : i32
      %sub3A_663 = arith.subi %add3A_661, %sub3A_662 : i32
      %lt3A_664 = arith.constant 200 : i32
      %lt3A_665 = arith.cmpi slt, %sub3A_663, %lt3A_664 : i32
      %convert_element_type3A_666 = arith.extui %lt3A_665 : i1 to i32
      %cond3A_667 = arith.constant 0 : i32
      %cond3A_668 = arith.cmpi ne, %convert_element_type3A_666, %cond3A_667 : i32
      scf.if %cond3A_668 {
        %add3A_1181 = arith.constant 8 : i32
        %add3A_1182 = arith.addi %add3A_659, %add3A_1181 : i32
        %sub3A_1183 = arith.constant 1 : i32
        %sub3A_1184 = arith.subi %add3A_1182, %sub3A_1183 : i32
        %jit3A_1185 = arith.constant 8 : i32
        %div3A_1186 = arith.divsi %sub3A_1184, %jit3A_1185 : i32
        %sign3A_1187 = arith.constant 0 : i32
        %sign3A_1188 = arith.cmpi sgt, %sub3A_1184, %sign3A_1187 : i32
        %sign3A_1189 = arith.extui %sign3A_1188 : i1 to i32
        %sign3A_1190 = arith.constant 0 : i32
        %sign3A_1191 = arith.cmpi slt, %sub3A_1184, %sign3A_1190 : i32
        %sign3A_1192 = arith.extui %sign3A_1191 : i1 to i32
        %sign3A_1193 = arith.subi %sign3A_1189, %sign3A_1192 : i32
        %sign3A_1194 = arith.constant 0 : i32
        %sign3A_1195 = arith.cmpi sgt, %jit3A_1185, %sign3A_1194 : i32
        %sign3A_1196 = arith.extui %sign3A_1195 : i1 to i32
        %sign3A_1197 = arith.constant 0 : i32
        %sign3A_1198 = arith.cmpi slt, %jit3A_1185, %sign3A_1197 : i32
        %sign3A_1199 = arith.extui %sign3A_1198 : i1 to i32
        %sign3A_1200 = arith.subi %sign3A_1196, %sign3A_1199 : i32
        %ne3A_1201 = arith.cmpi ne, %sign3A_1193, %sign3A_1200 : i32
        %rem3A_1202 = arith.remsi %sub3A_1184, %jit3A_1185 : i32
        %ne3A_1203 = arith.constant 0 : i32
        %ne3A_1204 = arith.cmpi ne, %rem3A_1202, %ne3A_1203 : i32
        %and3A_1205 = arith.andi %ne3A_1201, %ne3A_1204 : i1
        %sub3A_1206 = arith.constant 1 : i32
        %sub3A_1207 = arith.subi %div3A_1186, %sub3A_1206 : i32
        %select_n3A_1208 = arith.select %and3A_1205, %sub3A_1207, %div3A_1186 : i32
        %jit3A_1209 = arith.constant 8 : i32
        %eq3A_1210 = arith.constant 0 : i32
        %eq3A_1211 = arith.cmpi eq, %jit3A_1209, %eq3A_1210 : i32
        %jit3A_1212 = arith.constant 1 : i32
        %select_n3A_1213 = arith.select %eq3A_1211, %jit3A_1212, %jit3A_1209 : i32
        %rem3A_1214 = arith.remsi %sub3A_1184, %select_n3A_1213 : i32
        %ne3A_1215 = arith.constant 0 : i32
        %ne3A_1216 = arith.cmpi ne, %rem3A_1214, %ne3A_1215 : i32
        %lt3A_1217 = arith.constant 0 : i32
        %lt3A_1218 = arith.cmpi slt, %rem3A_1214, %lt3A_1217 : i32
        %lt3A_1219 = arith.constant 0 : i32
        %lt3A_1220 = arith.cmpi slt, %select_n3A_1213, %lt3A_1219 : i32
        %ne3A_1221 = arith.xori %lt3A_1218, %lt3A_1220 : i1
        %and3A_1222 = arith.andi %ne3A_1221, %ne3A_1216 : i1
        %add3A_1223 = arith.addi %rem3A_1214, %select_n3A_1213 : i32
        %select_n3A_1224 = arith.select %and3A_1222, %add3A_1223, %rem3A_1214 : i32
        %dma_start3A_1225 = arith.constant 0 : i32
        %dma_start3A_1226 = arith.constant 0 : i32
        %dma_start3A_1227 = tpu.memref_slice %arg6[%dma_start3A_1225, %dma_start3A_1226] : memref<8x128xi32, #tpu.memory_space<vmem>> -> memref<1x128xi32, #tpu.memory_space<vmem>>
        %dma_start3A_1228 = tpu.memref_squeeze %dma_start3A_1227 : memref<1x128xi32, #tpu.memory_space<vmem>> -> memref<128xi32, #tpu.memory_space<vmem>>
        %dma_start3A_1229 = arith.constant 0 : i32
        %dma_start3A_1230 = tpu.memref_slice %arg2[%select_n3A_1208, %add3A, %select_n3A_1224, %dma_start3A_1229] : memref<25x32x8x128xi32, #tpu.memory_space<hbm>> -> memref<1x1x1x128xi32, #tpu.memory_space<hbm>>
        %dma_start3A_1231 = tpu.memref_squeeze %dma_start3A_1230 : memref<1x1x1x128xi32, #tpu.memory_space<hbm>> -> memref<128xi32, #tpu.memory_space<hbm>>
        %dma_start3A_1232 = arith.constant 0 : i32
        %dma_start3A_1233 = tpu.memref_slice %arg6[%dma_start3A_1225, %dma_start3A_1232] : memref<8x128xi32, #tpu.memory_space<vmem>> -> memref<1x128xi32, #tpu.memory_space<vmem>>
        %dma_start3A_1234 = tpu.memref_squeeze %dma_start3A_1233 : memref<1x128xi32, #tpu.memory_space<vmem>> -> memref<128xi32, #tpu.memory_space<vmem>>
        %dma_start3A_1235 = arith.constant 0 : i32
        %dma_start3A_1236 = tpu.memref_slice %arg2[%select_n3A_1208, %add3A, %select_n3A_1224, %dma_start3A_1235] : memref<25x32x8x128xi32, #tpu.memory_space<hbm>> -> memref<1x1x1x128xi32, #tpu.memory_space<hbm>>
        %dma_start3A_1237 = tpu.memref_squeeze %dma_start3A_1236 : memref<1x1x1x128xi32, #tpu.memory_space<hbm>> -> memref<128xi32, #tpu.memory_space<hbm>>
        tpu.enqueue_dma source(%dma_start3A_1237 : memref<128xi32, #tpu.memory_space<hbm>>) target(%dma_start3A_1234 : memref<128xi32, #tpu.memory_space<vmem>>) target_semaphore(%arg10 : memref<!tpu.dma_semaphore, #tpu.memory_space<semaphore_mem>>)
      } else {
      }
      %add3A_669 = arith.constant 8 : i32
      %add3A_670 = arith.addi %add3A_659, %add3A_669 : i32
      %sub3A_671 = arith.constant 2 : i32
      %sub3A_672 = arith.subi %add3A_670, %sub3A_671 : i32
      %lt3A_673 = arith.constant 200 : i32
      %lt3A_674 = arith.cmpi slt, %sub3A_672, %lt3A_673 : i32
      %convert_element_type3A_675 = arith.extui %lt3A_674 : i1 to i32
      %cond3A_676 = arith.constant 0 : i32
      %cond3A_677 = arith.cmpi ne, %convert_element_type3A_675, %cond3A_676 : i32
      scf.if %cond3A_677 {
        %add3A_1181 = arith.constant 8 : i32
        %add3A_1182 = arith.addi %add3A_659, %add3A_1181 : i32
        %sub3A_1183 = arith.constant 2 : i32
        %sub3A_1184 = arith.subi %add3A_1182, %sub3A_1183 : i32
        %jit3A_1185 = arith.constant 8 : i32
        %div3A_1186 = arith.divsi %sub3A_1184, %jit3A_1185 : i32
        %sign3A_1187 = arith.constant 0 : i32
        %sign3A_1188 = arith.cmpi sgt, %sub3A_1184, %sign3A_1187 : i32
        %sign3A_1189 = arith.extui %sign3A_1188 : i1 to i32
        %sign3A_1190 = arith.constant 0 : i32
        %sign3A_1191 = arith.cmpi slt, %sub3A_1184, %sign3A_1190 : i32
        %sign3A_1192 = arith.extui %sign3A_1191 : i1 to i32
        %sign3A_1193 = arith.subi %sign3A_1189, %sign3A_1192 : i32
        %sign3A_1194 = arith.constant 0 : i32
        %sign3A_1195 = arith.cmpi sgt, %jit3A_1185, %sign3A_1194 : i32
        %sign3A_1196 = arith.extui %sign3A_1195 : i1 to i32
        %sign3A_1197 = arith.constant 0 : i32
        %sign3A_1198 = arith.cmpi slt, %jit3A_1185, %sign3A_1197 : i32
        %sign3A_1199 = arith.extui %sign3A_1198 : i1 to i32
        %sign3A_1200 = arith.subi %sign3A_1196, %sign3A_1199 : i32
        %ne3A_1201 = arith.cmpi ne, %sign3A_1193, %sign3A_1200 : i32
        %rem3A_1202 = arith.remsi %sub3A_1184, %jit3A_1185 : i32
        %ne3A_1203 = arith.constant 0 : i32
        %ne3A_1204 = arith.cmpi ne, %rem3A_1202, %ne3A_1203 : i32
        %and3A_1205 = arith.andi %ne3A_1201, %ne3A_1204 : i1
        %sub3A_1206 = arith.constant 1 : i32
        %sub3A_1207 = arith.subi %div3A_1186, %sub3A_1206 : i32
        %select_n3A_1208 = arith.select %and3A_1205, %sub3A_1207, %div3A_1186 : i32
        %jit3A_1209 = arith.constant 8 : i32
        %eq3A_1210 = arith.constant 0 : i32
        %eq3A_1211 = arith.cmpi eq, %jit3A_1209, %eq3A_1210 : i32
        %jit3A_1212 = arith.constant 1 : i32
        %select_n3A_1213 = arith.select %eq3A_1211, %jit3A_1212, %jit3A_1209 : i32
        %rem3A_1214 = arith.remsi %sub3A_1184, %select_n3A_1213 : i32
        %ne3A_1215 = arith.constant 0 : i32
        %ne3A_1216 = arith.cmpi ne, %rem3A_1214, %ne3A_1215 : i32
        %lt3A_1217 = arith.constant 0 : i32
        %lt3A_1218 = arith.cmpi slt, %rem3A_1214, %lt3A_1217 : i32
        %lt3A_1219 = arith.constant 0 : i32
        %lt3A_1220 = arith.cmpi slt, %select_n3A_1213, %lt3A_1219 : i32
        %ne3A_1221 = arith.xori %lt3A_1218, %lt3A_1220 : i1
        %and3A_1222 = arith.andi %ne3A_1221, %ne3A_1216 : i1
        %add3A_1223 = arith.addi %rem3A_1214, %select_n3A_1213 : i32
        %select_n3A_1224 = arith.select %and3A_1222, %add3A_1223, %rem3A_1214 : i32
        %dma_wait3A_1225 = arith.constant 7 : i32
        %dma_wait3A_1226 = arith.constant 0 : i32
        %dma_wait3A_1227 = tpu.memref_slice %arg6[%dma_wait3A_1225, %dma_wait3A_1226] : memref<8x128xi32, #tpu.memory_space<vmem>> -> memref<1x128xi32, #tpu.memory_space<vmem>>
        %dma_wait3A_1228 = tpu.memref_squeeze %dma_wait3A_1227 : memref<1x128xi32, #tpu.memory_space<vmem>> -> memref<128xi32, #tpu.memory_space<vmem>>
        %dma_wait3A_1229 = arith.constant 0 : i32
        %dma_wait3A_1230 = tpu.memref_slice %arg2[%select_n3A_1208, %add3A, %select_n3A_1224, %dma_wait3A_1229] : memref<25x32x8x128xi32, #tpu.memory_space<hbm>> -> memref<1x1x1x128xi32, #tpu.memory_space<hbm>>
        %dma_wait3A_1231 = tpu.memref_squeeze %dma_wait3A_1230 : memref<1x1x1x128xi32, #tpu.memory_space<hbm>> -> memref<128xi32, #tpu.memory_space<hbm>>
        %dma_wait3A_1232 = arith.constant 0 : i32
        %dma_wait3A_1233 = tpu.memref_slice %arg6[%dma_wait3A_1225, %dma_wait3A_1232] : memref<8x128xi32, #tpu.memory_space<vmem>> -> memref<1x128xi32, #tpu.memory_space<vmem>>
        %dma_wait3A_1234 = tpu.memref_squeeze %dma_wait3A_1233 : memref<1x128xi32, #tpu.memory_space<vmem>> -> memref<128xi32, #tpu.memory_space<vmem>>
        %dma_wait3A_1235 = arith.constant 0 : i32
        %dma_wait3A_1236 = tpu.memref_slice %arg2[%select_n3A_1208, %add3A, %select_n3A_1224, %dma_wait3A_1235] : memref<25x32x8x128xi32, #tpu.memory_space<hbm>> -> memref<1x1x1x128xi32, #tpu.memory_space<hbm>>
        %dma_wait3A_1237 = tpu.memref_squeeze %dma_wait3A_1236 : memref<1x1x1x128xi32, #tpu.memory_space<hbm>> -> memref<128xi32, #tpu.memory_space<hbm>>
        tpu.wait_dma2 semaphore(%arg17 : memref<!tpu.dma_semaphore, #tpu.memory_space<semaphore_mem>>) src(%dma_wait3A_1237 : memref<128xi32, #tpu.memory_space<hbm>>) dst(%dma_wait3A_1234 : memref<128xi32, #tpu.memory_space<vmem>>)
        %dma_start3A_1238 = arith.constant 7 : i32
        %dma_start3A_1239 = arith.constant 7 : i32
        %dma_start3A_1240 = arith.constant 0 : i32
        %dma_start3A_1241 = arith.constant 0 : i32
        %dma_start3A_1242 = tpu.memref_slice %arg7[%dma_start3A_1239, %dma_start3A_1240, %dma_start3A_1241] : memref<8x128x64xf32, #tpu.memory_space<vmem>> -> memref<1x128x64xf32, #tpu.memory_space<vmem>>
        %dma_start3A_1243 = tpu.memref_squeeze %dma_start3A_1242 : memref<1x128x64xf32, #tpu.memory_space<vmem>> -> memref<128x64xf32, #tpu.memory_space<vmem>>
        %dma_start3A_1244 = arith.constant 0 : i32
        %dma_start3A_1245 = tpu.memref_slice %arg6[%dma_start3A_1238, %dma_start3A_1244] : memref<8x128xi32, #tpu.memory_space<vmem>> -> memref<1x128xi32, #tpu.memory_space<vmem>>
        %dma_start3A_1246 = tpu.memref_squeeze %dma_start3A_1245 : memref<1x128xi32, #tpu.memory_space<vmem>> -> memref<128xi32, #tpu.memory_space<vmem>>
        %dma_start3A_1247 = arith.constant 0 : i32
        %dma_start3A_1248 = arith.constant 0 : i32
        %dma_start3A_1249 = tpu.memref_slice %arg3[%dma_start3A_1247, %dma_start3A_1248] : memref<100000x64xf32, #tpu.memory_space<hbm>> -> memref<100000x64xf32, #tpu.memory_space<hbm>>
        tpu.enqueue_indirect_dma source(%dma_start3A_1249 : memref<100000x64xf32, #tpu.memory_space<hbm>>) target(%dma_start3A_1243 : memref<128x64xf32, #tpu.memory_space<vmem>>) offsets(%dma_start3A_1246 : memref<128xi32, #tpu.memory_space<vmem>>) semaphore(%arg25 : memref<!tpu.dma_semaphore, #tpu.memory_space<semaphore_mem>>)
      } else {
      }
      %ge3A_678 = arith.constant 4 : i32
      %ge3A_679 = arith.cmpi sge, %add3A_659, %ge3A_678 : i32
      %convert_element_type3A_680 = arith.extui %ge3A_679 : i1 to i32
      %cond3A_681 = arith.constant 0 : i32
      %cond3A_682 = arith.cmpi ne, %convert_element_type3A_680, %cond3A_681 : i32
      scf.if %cond3A_682 {
        %sub3A_1181 = arith.constant 4 : i32
        %sub3A_1182 = arith.subi %add3A_659, %sub3A_1181 : i32
        %dma_wait3A_1183 = arith.constant 1 : i32
        %dma_wait3A_1184 = arith.constant 0 : i32
        %dma_wait3A_1185 = arith.constant 0 : i32
        %dma_wait3A_1186 = arith.constant 0 : i32
        %dma_wait3A_1187 = tpu.memref_slice %arg8[%dma_wait3A_1183, %dma_wait3A_1184, %dma_wait3A_1185, %dma_wait3A_1186] : memref<4x8x8x136xf32, #tpu.memory_space<vmem>> -> memref<1x8x8x128xf32, #tpu.memory_space<vmem>>
        %dma_wait3A_1188 = tpu.memref_squeeze %dma_wait3A_1187 : memref<1x8x8x128xf32, #tpu.memory_space<vmem>> -> memref<8x8x128xf32, #tpu.memory_space<vmem>>
        %dma_wait3A_1189 = arith.constant 0 : i32
        %dma_wait3A_1190 = arith.constant 0 : i32
        %dma_wait3A_1191 = arith.constant 0 : i32
        %dma_wait3A_1192 = tpu.memref_slice %arg5[%sub3A_1182, %dma_wait3A_1189, %add3A, %dma_wait3A_1190, %dma_wait3A_1191] : memref<200x8x32x8x128xf32, #tpu.memory_space<hbm>> -> memref<1x8x1x8x128xf32, #tpu.memory_space<hbm>>
        %dma_wait3A_1193 = tpu.memref_squeeze %dma_wait3A_1192 : memref<1x8x1x8x128xf32, #tpu.memory_space<hbm>> -> memref<8x8x128xf32, #tpu.memory_space<hbm>>
        %dma_wait3A_1194 = arith.constant 0 : i32
        %dma_wait3A_1195 = arith.constant 0 : i32
        %dma_wait3A_1196 = arith.constant 0 : i32
        %dma_wait3A_1197 = tpu.memref_slice %arg5[%sub3A_1182, %dma_wait3A_1194, %add3A, %dma_wait3A_1195, %dma_wait3A_1196] : memref<200x8x32x8x128xf32, #tpu.memory_space<hbm>> -> memref<1x8x1x8x128xf32, #tpu.memory_space<hbm>>
        %dma_wait3A_1198 = tpu.memref_squeeze %dma_wait3A_1197 : memref<1x8x1x8x128xf32, #tpu.memory_space<hbm>> -> memref<8x8x128xf32, #tpu.memory_space<hbm>>
        %dma_wait3A_1199 = arith.constant 0 : i32
        %dma_wait3A_1200 = arith.constant 0 : i32
        %dma_wait3A_1201 = arith.constant 0 : i32
        %dma_wait3A_1202 = tpu.memref_slice %arg8[%dma_wait3A_1183, %dma_wait3A_1199, %dma_wait3A_1200, %dma_wait3A_1201] : memref<4x8x8x136xf32, #tpu.memory_space<vmem>> -> memref<1x8x8x128xf32, #tpu.memory_space<vmem>>
        %dma_wait3A_1203 = tpu.memref_squeeze %dma_wait3A_1202 : memref<1x8x8x128xf32, #tpu.memory_space<vmem>> -> memref<8x8x128xf32, #tpu.memory_space<vmem>>
        tpu.wait_dma2 semaphore(%arg27 : memref<!tpu.dma_semaphore, #tpu.memory_space<semaphore_mem>>) src(%dma_wait3A_1203 : memref<8x8x128xf32, #tpu.memory_space<vmem>>) dst(%dma_wait3A_1198 : memref<8x8x128xf32, #tpu.memory_space<hbm>>)
      } else {
      }
      %dma_wait3A_683 = arith.constant 1 : i32
      %dma_wait3A_684 = arith.constant 1 : i32
      %dma_wait3A_685 = arith.constant 0 : i32
      %dma_wait3A_686 = arith.constant 0 : i32
      %dma_wait3A_687 = tpu.memref_slice %arg7[%dma_wait3A_684, %dma_wait3A_685, %dma_wait3A_686] : memref<8x128x64xf32, #tpu.memory_space<vmem>> -> memref<1x128x64xf32, #tpu.memory_space<vmem>>
      %dma_wait3A_688 = tpu.memref_squeeze %dma_wait3A_687 : memref<1x128x64xf32, #tpu.memory_space<vmem>> -> memref<128x64xf32, #tpu.memory_space<vmem>>
      %dma_wait3A_689 = arith.constant 0 : i32
      %dma_wait3A_690 = tpu.memref_slice %arg6[%dma_wait3A_683, %dma_wait3A_689] : memref<8x128xi32, #tpu.memory_space<vmem>> -> memref<1x128xi32, #tpu.memory_space<vmem>>
      %dma_wait3A_691 = tpu.memref_squeeze %dma_wait3A_690 : memref<1x128xi32, #tpu.memory_space<vmem>> -> memref<128xi32, #tpu.memory_space<vmem>>
      %dma_wait3A_692 = arith.constant 0 : i32
      %dma_wait3A_693 = arith.constant 0 : i32
      %dma_wait3A_694 = tpu.memref_slice %arg3[%dma_wait3A_692, %dma_wait3A_693] : memref<100000x64xf32, #tpu.memory_space<hbm>> -> memref<100000x64xf32, #tpu.memory_space<hbm>>
      tpu.wait_indirect_dma semaphore(%arg19 : memref<!tpu.dma_semaphore, #tpu.memory_space<semaphore_mem>>) src(%dma_wait3A_694 : memref<100000x64xf32, #tpu.memory_space<hbm>>) dst(%dma_wait3A_688 : memref<128x64xf32, #tpu.memory_space<vmem>>)
      %get3A_695 = arith.index_cast %add3A_659 : i32 to index
      %get3A_696 = arith.constant 0 : index
      %get3A_697 = tpu.vector_load %arg9[%get3A_695, %get3A_696] {strides = array<i32>} : memref<200x64xf32, #tpu.memory_space<vmem>>, vector<16xf32>,
      %get3A_698 = arith.index_cast %add3A_659 : i32 to index
      %get3A_699 = arith.constant 16 : index
      %get3A_700 = tpu.vector_load %arg9[%get3A_698, %get3A_699] {strides = array<i32>} : memref<200x64xf32, #tpu.memory_space<vmem>>, vector<16xf32>,
      %get3A_701 = arith.index_cast %add3A_659 : i32 to index
      %get3A_702 = arith.constant 32 : index
      %get3A_703 = tpu.vector_load %arg9[%get3A_701, %get3A_702] {strides = array<i32>} : memref<200x64xf32, #tpu.memory_space<vmem>>, vector<16xf32>,
      %get3A_704 = arith.index_cast %add3A_659 : i32 to index
      %get3A_705 = arith.constant 48 : index
      %get3A_706 = tpu.vector_load %arg9[%get3A_704, %get3A_705] {strides = array<i32>} : memref<200x64xf32, #tpu.memory_space<vmem>>, vector<16xf32>,
      %parallel_loop3A_707 = arith.constant 0 : i32
      %parallel_loop3A_708 = arith.constant 128 : i32
      %parallel_loop3A_709 = arith.constant 1 : i32
      scf.for %parallel_loop3A_1181 = %parallel_loop3A_707 to %parallel_loop3A_708 step %parallel_loop3A_709  : i32 {
        %parallel_loop3A_1182 = vector.broadcast %parallel_loop3A_1181 : i32 to vector<16xi32>
        %parallel_loop3A_1183 = arith.constant 1 : i32
        %parallel_loop3A_1184 = arith.index_cast %parallel_loop3A_1183 : i32 to index
        %parallel_loop3A_1185 = arith.index_cast %parallel_loop3A_1181 : i32 to index
        %parallel_loop3A_1186 = arith.constant 0 : index
        %parallel_loop3A_1187 = tpu.vector_load %arg7[%parallel_loop3A_1184, %parallel_loop3A_1185, %parallel_loop3A_1186] {strides = array<i32>} : memref<8x128x64xf32, #tpu.memory_space<vmem>>, vector<16xf32>,
        %parallel_loop3A_1188 = arith.addf %parallel_loop3A_1187, %get3A_697 : vector<16xf32>
        %parallel_loop3A_1189 = arith.constant 1 : i32
        %parallel_loop3A_1190 = arith.constant 0 : i32
        %parallel_loop3A_1191 = arith.constant 0 : i32
        %parallel_loop3A_1192 = arith.constant 0 : i32
        %parallel_loop3A_1193 = tpu.memref_slice %arg8[%parallel_loop3A_1189, %parallel_loop3A_1190, %parallel_loop3A_1191, %parallel_loop3A_1192] : memref<4x8x8x136xf32, #tpu.memory_space<vmem>> -> memref<1x8x8x136xf32, #tpu.memory_space<vmem>>
        %parallel_loop3A_1194 = tpu.memref_squeeze %parallel_loop3A_1193 : memref<1x8x8x136xf32, #tpu.memory_space<vmem>> -> memref<8x8x136xf32, #tpu.memory_space<vmem>>
        tpu.vector_store_idx %parallel_loop3A_1194[%select_n3A, %select_n3A_151, %parallel_loop3A_1182], %parallel_loop3A_1188 : memref<8x8x136xf32, #tpu.memory_space<vmem>>[vector<16xi32>, vector<16xi32>, vector<16xi32>], vector<16xf32>,
        %parallel_loop3A_1195 = arith.constant 1 : i32
        %parallel_loop3A_1196 = arith.index_cast %parallel_loop3A_1195 : i32 to index
        %parallel_loop3A_1197 = arith.index_cast %parallel_loop3A_1181 : i32 to index
        %parallel_loop3A_1198 = arith.constant 16 : index
        %parallel_loop3A_1199 = tpu.vector_load %arg7[%parallel_loop3A_1196, %parallel_loop3A_1197, %parallel_loop3A_1198] {strides = array<i32>} : memref<8x128x64xf32, #tpu.memory_space<vmem>>, vector<16xf32>,
        %parallel_loop3A_1200 = arith.addf %parallel_loop3A_1199, %get3A_700 : vector<16xf32>
        %parallel_loop3A_1201 = arith.constant 1 : i32
        %parallel_loop3A_1202 = arith.constant 0 : i32
        %parallel_loop3A_1203 = arith.constant 0 : i32
        %parallel_loop3A_1204 = arith.constant 0 : i32
        %parallel_loop3A_1205 = tpu.memref_slice %arg8[%parallel_loop3A_1201, %parallel_loop3A_1202, %parallel_loop3A_1203, %parallel_loop3A_1204] : memref<4x8x8x136xf32, #tpu.memory_space<vmem>> -> memref<1x8x8x136xf32, #tpu.memory_space<vmem>>
        %parallel_loop3A_1206 = tpu.memref_squeeze %parallel_loop3A_1205 : memref<1x8x8x136xf32, #tpu.memory_space<vmem>> -> memref<8x8x136xf32, #tpu.memory_space<vmem>>
        tpu.vector_store_idx %parallel_loop3A_1206[%select_n3A_60, %select_n3A_176, %parallel_loop3A_1182], %parallel_loop3A_1200 : memref<8x8x136xf32, #tpu.memory_space<vmem>>[vector<16xi32>, vector<16xi32>, vector<16xi32>], vector<16xf32>,
        %parallel_loop3A_1207 = arith.constant 1 : i32
        %parallel_loop3A_1208 = arith.index_cast %parallel_loop3A_1207 : i32 to index
        %parallel_loop3A_1209 = arith.index_cast %parallel_loop3A_1181 : i32 to index
        %parallel_loop3A_1210 = arith.constant 32 : index
        %parallel_loop3A_1211 = tpu.vector_load %arg7[%parallel_loop3A_1208, %parallel_loop3A_1209, %parallel_loop3A_1210] {strides = array<i32>} : memref<8x128x64xf32, #tpu.memory_space<vmem>>, vector<16xf32>,
        %parallel_loop3A_1212 = arith.addf %parallel_loop3A_1211, %get3A_703 : vector<16xf32>
        %parallel_loop3A_1213 = arith.constant 1 : i32
        %parallel_loop3A_1214 = arith.constant 0 : i32
        %parallel_loop3A_1215 = arith.constant 0 : i32
        %parallel_loop3A_1216 = arith.constant 0 : i32
        %parallel_loop3A_1217 = tpu.memref_slice %arg8[%parallel_loop3A_1213, %parallel_loop3A_1214, %parallel_loop3A_1215, %parallel_loop3A_1216] : memref<4x8x8x136xf32, #tpu.memory_space<vmem>> -> memref<1x8x8x136xf32, #tpu.memory_space<vmem>>
        %parallel_loop3A_1218 = tpu.memref_squeeze %parallel_loop3A_1217 : memref<1x8x8x136xf32, #tpu.memory_space<vmem>> -> memref<8x8x136xf32, #tpu.memory_space<vmem>>
        tpu.vector_store_idx %parallel_loop3A_1218[%select_n3A_94, %select_n3A_201, %parallel_loop3A_1182], %parallel_loop3A_1212 : memref<8x8x136xf32, #tpu.memory_space<vmem>>[vector<16xi32>, vector<16xi32>, vector<16xi32>], vector<16xf32>,
        %parallel_loop3A_1219 = arith.constant 1 : i32
        %parallel_loop3A_1220 = arith.index_cast %parallel_loop3A_1219 : i32 to index
        %parallel_loop3A_1221 = arith.index_cast %parallel_loop3A_1181 : i32 to index
        %parallel_loop3A_1222 = arith.constant 48 : index
        %parallel_loop3A_1223 = tpu.vector_load %arg7[%parallel_loop3A_1220, %parallel_loop3A_1221, %parallel_loop3A_1222] {strides = array<i32>} : memref<8x128x64xf32, #tpu.memory_space<vmem>>, vector<16xf32>,
        %parallel_loop3A_1224 = arith.addf %parallel_loop3A_1223, %get3A_706 : vector<16xf32>
        %parallel_loop3A_1225 = arith.constant 1 : i32
        %parallel_loop3A_1226 = arith.constant 0 : i32
        %parallel_loop3A_1227 = arith.constant 0 : i32
        %parallel_loop3A_1228 = arith.constant 0 : i32
        %parallel_loop3A_1229 = tpu.memref_slice %arg8[%parallel_loop3A_1225, %parallel_loop3A_1226, %parallel_loop3A_1227, %parallel_loop3A_1228] : memref<4x8x8x136xf32, #tpu.memory_space<vmem>> -> memref<1x8x8x136xf32, #tpu.memory_space<vmem>>
        %parallel_loop3A_1230 = tpu.memref_squeeze %parallel_loop3A_1229 : memref<1x8x8x136xf32, #tpu.memory_space<vmem>> -> memref<8x8x136xf32, #tpu.memory_space<vmem>>
        tpu.vector_store_idx %parallel_loop3A_1230[%select_n3A_128, %select_n3A_226, %parallel_loop3A_1182], %parallel_loop3A_1224 : memref<8x8x136xf32, #tpu.memory_space<vmem>>[vector<16xi32>, vector<16xi32>, vector<16xi32>], vector<16xf32>,
      } {sc.loop_unroll_factor = 4 : i64, sc.parallel_access}
      %dma_start3A_710 = arith.constant 1 : i32
      %dma_start3A_711 = arith.constant 0 : i32
      %dma_start3A_712 = arith.constant 0 : i32
      %dma_start3A_713 = arith.constant 0 : i32
      %dma_start3A_714 = tpu.memref_slice %arg8[%dma_start3A_710, %dma_start3A_711, %dma_start3A_712, %dma_start3A_713] : memref<4x8x8x136xf32, #tpu.memory_space<vmem>> -> memref<1x8x8x128xf32, #tpu.memory_space<vmem>>
      %dma_start3A_715 = tpu.memref_squeeze %dma_start3A_714 : memref<1x8x8x128xf32, #tpu.memory_space<vmem>> -> memref<8x8x128xf32, #tpu.memory_space<vmem>>
      %dma_start3A_716 = arith.constant 0 : i32
      %dma_start3A_717 = arith.constant 0 : i32
      %dma_start3A_718 = arith.constant 0 : i32
      %dma_start3A_719 = tpu.memref_slice %arg5[%add3A_659, %dma_start3A_716, %add3A, %dma_start3A_717, %dma_start3A_718] : memref<200x8x32x8x128xf32, #tpu.memory_space<hbm>> -> memref<1x8x1x8x128xf32, #tpu.memory_space<hbm>>
      %dma_start3A_720 = tpu.memref_squeeze %dma_start3A_719 : memref<1x8x1x8x128xf32, #tpu.memory_space<hbm>> -> memref<8x8x128xf32, #tpu.memory_space<hbm>>
      %dma_start3A_721 = arith.constant 0 : i32
      %dma_start3A_722 = arith.constant 0 : i32
      %dma_start3A_723 = arith.constant 0 : i32
      %dma_start3A_724 = tpu.memref_slice %arg5[%add3A_659, %dma_start3A_721, %add3A, %dma_start3A_722, %dma_start3A_723] : memref<200x8x32x8x128xf32, #tpu.memory_space<hbm>> -> memref<1x8x1x8x128xf32, #tpu.memory_space<hbm>>
      %dma_start3A_725 = tpu.memref_squeeze %dma_start3A_724 : memref<1x8x1x8x128xf32, #tpu.memory_space<hbm>> -> memref<8x8x128xf32, #tpu.memory_space<hbm>>
      %dma_start3A_726 = arith.constant 0 : i32
      %dma_start3A_727 = arith.constant 0 : i32
      %dma_start3A_728 = arith.constant 0 : i32
      %dma_start3A_729 = tpu.memref_slice %arg8[%dma_start3A_710, %dma_start3A_726, %dma_start3A_727, %dma_start3A_728] : memref<4x8x8x136xf32, #tpu.memory_space<vmem>> -> memref<1x8x8x128xf32, #tpu.memory_space<vmem>>
      %dma_start3A_730 = tpu.memref_squeeze %dma_start3A_729 : memref<1x8x8x128xf32, #tpu.memory_space<vmem>> -> memref<8x8x128xf32, #tpu.memory_space<vmem>>
      tpu.enqueue_dma source(%dma_start3A_730 : memref<8x8x128xf32, #tpu.memory_space<vmem>>) target(%dma_start3A_725 : memref<8x8x128xf32, #tpu.memory_space<hbm>>) target_semaphore(%arg27 : memref<!tpu.dma_semaphore, #tpu.memory_space<semaphore_mem>>)
      %mul3A_731 = arith.constant 8 : i32
      %mul3A_732 = arith.muli %mul3A_731, %scan3A_585 : i32
      %add3A_733 = arith.constant 2 : i32
      %add3A_734 = arith.addi %mul3A_732, %add3A_733 : i32
      %add3A_735 = arith.constant 8 : i32
      %add3A_736 = arith.addi %add3A_734, %add3A_735 : i32
      %sub3A_737 = arith.constant 1 : i32
      %sub3A_738 = arith.subi %add3A_736, %sub3A_737 : i32
      %lt3A_739 = arith.constant 200 : i32
      %lt3A_740 = arith.cmpi slt, %sub3A_738, %lt3A_739 : i32
      %convert_element_type3A_741 = arith.extui %lt3A_740 : i1 to i32
      %cond3A_742 = arith.constant 0 : i32
      %cond3A_743 = arith.cmpi ne, %convert_element_type3A_741, %cond3A_742 : i32
      scf.if %cond3A_743 {
        %add3A_1181 = arith.constant 8 : i32
        %add3A_1182 = arith.addi %add3A_734, %add3A_1181 : i32
        %sub3A_1183 = arith.constant 1 : i32
        %sub3A_1184 = arith.subi %add3A_1182, %sub3A_1183 : i32
        %jit3A_1185 = arith.constant 8 : i32
        %div3A_1186 = arith.divsi %sub3A_1184, %jit3A_1185 : i32
        %sign3A_1187 = arith.constant 0 : i32
        %sign3A_1188 = arith.cmpi sgt, %sub3A_1184, %sign3A_1187 : i32
        %sign3A_1189 = arith.extui %sign3A_1188 : i1 to i32
        %sign3A_1190 = arith.constant 0 : i32
        %sign3A_1191 = arith.cmpi slt, %sub3A_1184, %sign3A_1190 : i32
        %sign3A_1192 = arith.extui %sign3A_1191 : i1 to i32
        %sign3A_1193 = arith.subi %sign3A_1189, %sign3A_1192 : i32
        %sign3A_1194 = arith.constant 0 : i32
        %sign3A_1195 = arith.cmpi sgt, %jit3A_1185, %sign3A_1194 : i32
        %sign3A_1196 = arith.extui %sign3A_1195 : i1 to i32
        %sign3A_1197 = arith.constant 0 : i32
        %sign3A_1198 = arith.cmpi slt, %jit3A_1185, %sign3A_1197 : i32
        %sign3A_1199 = arith.extui %sign3A_1198 : i1 to i32
        %sign3A_1200 = arith.subi %sign3A_1196, %sign3A_1199 : i32
        %ne3A_1201 = arith.cmpi ne, %sign3A_1193, %sign3A_1200 : i32
        %rem3A_1202 = arith.remsi %sub3A_1184, %jit3A_1185 : i32
        %ne3A_1203 = arith.constant 0 : i32
        %ne3A_1204 = arith.cmpi ne, %rem3A_1202, %ne3A_1203 : i32
        %and3A_1205 = arith.andi %ne3A_1201, %ne3A_1204 : i1
        %sub3A_1206 = arith.constant 1 : i32
        %sub3A_1207 = arith.subi %div3A_1186, %sub3A_1206 : i32
        %select_n3A_1208 = arith.select %and3A_1205, %sub3A_1207, %div3A_1186 : i32
        %jit3A_1209 = arith.constant 8 : i32
        %eq3A_1210 = arith.constant 0 : i32
        %eq3A_1211 = arith.cmpi eq, %jit3A_1209, %eq3A_1210 : i32
        %jit3A_1212 = arith.constant 1 : i32
        %select_n3A_1213 = arith.select %eq3A_1211, %jit3A_1212, %jit3A_1209 : i32
        %rem3A_1214 = arith.remsi %sub3A_1184, %select_n3A_1213 : i32
        %ne3A_1215 = arith.constant 0 : i32
        %ne3A_1216 = arith.cmpi ne, %rem3A_1214, %ne3A_1215 : i32
        %lt3A_1217 = arith.constant 0 : i32
        %lt3A_1218 = arith.cmpi slt, %rem3A_1214, %lt3A_1217 : i32
        %lt3A_1219 = arith.constant 0 : i32
        %lt3A_1220 = arith.cmpi slt, %select_n3A_1213, %lt3A_1219 : i32
        %ne3A_1221 = arith.xori %lt3A_1218, %lt3A_1220 : i1
        %and3A_1222 = arith.andi %ne3A_1221, %ne3A_1216 : i1
        %add3A_1223 = arith.addi %rem3A_1214, %select_n3A_1213 : i32
        %select_n3A_1224 = arith.select %and3A_1222, %add3A_1223, %rem3A_1214 : i32
        %dma_start3A_1225 = arith.constant 1 : i32
        %dma_start3A_1226 = arith.constant 0 : i32
        %dma_start3A_1227 = tpu.memref_slice %arg6[%dma_start3A_1225, %dma_start3A_1226] : memref<8x128xi32, #tpu.memory_space<vmem>> -> memref<1x128xi32, #tpu.memory_space<vmem>>
        %dma_start3A_1228 = tpu.memref_squeeze %dma_start3A_1227 : memref<1x128xi32, #tpu.memory_space<vmem>> -> memref<128xi32, #tpu.memory_space<vmem>>
        %dma_start3A_1229 = arith.constant 0 : i32
        %dma_start3A_1230 = tpu.memref_slice %arg2[%select_n3A_1208, %add3A, %select_n3A_1224, %dma_start3A_1229] : memref<25x32x8x128xi32, #tpu.memory_space<hbm>> -> memref<1x1x1x128xi32, #tpu.memory_space<hbm>>
        %dma_start3A_1231 = tpu.memref_squeeze %dma_start3A_1230 : memref<1x1x1x128xi32, #tpu.memory_space<hbm>> -> memref<128xi32, #tpu.memory_space<hbm>>
        %dma_start3A_1232 = arith.constant 0 : i32
        %dma_start3A_1233 = tpu.memref_slice %arg6[%dma_start3A_1225, %dma_start3A_1232] : memref<8x128xi32, #tpu.memory_space<vmem>> -> memref<1x128xi32, #tpu.memory_space<vmem>>
        %dma_start3A_1234 = tpu.memref_squeeze %dma_start3A_1233 : memref<1x128xi32, #tpu.memory_space<vmem>> -> memref<128xi32, #tpu.memory_space<vmem>>
        %dma_start3A_1235 = arith.constant 0 : i32
        %dma_start3A_1236 = tpu.memref_slice %arg2[%select_n3A_1208, %add3A, %select_n3A_1224, %dma_start3A_1235] : memref<25x32x8x128xi32, #tpu.memory_space<hbm>> -> memref<1x1x1x128xi32, #tpu.memory_space<hbm>>
        %dma_start3A_1237 = tpu.memref_squeeze %dma_start3A_1236 : memref<1x1x1x128xi32, #tpu.memory_space<hbm>> -> memref<128xi32, #tpu.memory_space<hbm>>
        tpu.enqueue_dma source(%dma_start3A_1237 : memref<128xi32, #tpu.memory_space<hbm>>) target(%dma_start3A_1234 : memref<128xi32, #tpu.memory_space<vmem>>) target_semaphore(%arg11 : memref<!tpu.dma_semaphore, #tpu.memory_space<semaphore_mem>>)
      } else {
      }
      %add3A_744 = arith.constant 8 : i32
      %add3A_745 = arith.addi %add3A_734, %add3A_744 : i32
      %sub3A_746 = arith.constant 2 : i32
      %sub3A_747 = arith.subi %add3A_745, %sub3A_746 : i32
      %lt3A_748 = arith.constant 200 : i32
      %lt3A_749 = arith.cmpi slt, %sub3A_747, %lt3A_748 : i32
      %convert_element_type3A_750 = arith.extui %lt3A_749 : i1 to i32
      %cond3A_751 = arith.constant 0 : i32
      %cond3A_752 = arith.cmpi ne, %convert_element_type3A_750, %cond3A_751 : i32
      scf.if %cond3A_752 {
        %add3A_1181 = arith.constant 8 : i32
        %add3A_1182 = arith.addi %add3A_734, %add3A_1181 : i32
        %sub3A_1183 = arith.constant 2 : i32
        %sub3A_1184 = arith.subi %add3A_1182, %sub3A_1183 : i32
        %jit3A_1185 = arith.constant 8 : i32
        %div3A_1186 = arith.divsi %sub3A_1184, %jit3A_1185 : i32
        %sign3A_1187 = arith.constant 0 : i32
        %sign3A_1188 = arith.cmpi sgt, %sub3A_1184, %sign3A_1187 : i32
        %sign3A_1189 = arith.extui %sign3A_1188 : i1 to i32
        %sign3A_1190 = arith.constant 0 : i32
        %sign3A_1191 = arith.cmpi slt, %sub3A_1184, %sign3A_1190 : i32
        %sign3A_1192 = arith.extui %sign3A_1191 : i1 to i32
        %sign3A_1193 = arith.subi %sign3A_1189, %sign3A_1192 : i32
        %sign3A_1194 = arith.constant 0 : i32
        %sign3A_1195 = arith.cmpi sgt, %jit3A_1185, %sign3A_1194 : i32
        %sign3A_1196 = arith.extui %sign3A_1195 : i1 to i32
        %sign3A_1197 = arith.constant 0 : i32
        %sign3A_1198 = arith.cmpi slt, %jit3A_1185, %sign3A_1197 : i32
        %sign3A_1199 = arith.extui %sign3A_1198 : i1 to i32
        %sign3A_1200 = arith.subi %sign3A_1196, %sign3A_1199 : i32
        %ne3A_1201 = arith.cmpi ne, %sign3A_1193, %sign3A_1200 : i32
        %rem3A_1202 = arith.remsi %sub3A_1184, %jit3A_1185 : i32
        %ne3A_1203 = arith.constant 0 : i32
        %ne3A_1204 = arith.cmpi ne, %rem3A_1202, %ne3A_1203 : i32
        %and3A_1205 = arith.andi %ne3A_1201, %ne3A_1204 : i1
        %sub3A_1206 = arith.constant 1 : i32
        %sub3A_1207 = arith.subi %div3A_1186, %sub3A_1206 : i32
        %select_n3A_1208 = arith.select %and3A_1205, %sub3A_1207, %div3A_1186 : i32
        %jit3A_1209 = arith.constant 8 : i32
        %eq3A_1210 = arith.constant 0 : i32
        %eq3A_1211 = arith.cmpi eq, %jit3A_1209, %eq3A_1210 : i32
        %jit3A_1212 = arith.constant 1 : i32
        %select_n3A_1213 = arith.select %eq3A_1211, %jit3A_1212, %jit3A_1209 : i32
        %rem3A_1214 = arith.remsi %sub3A_1184, %select_n3A_1213 : i32
        %ne3A_1215 = arith.constant 0 : i32
        %ne3A_1216 = arith.cmpi ne, %rem3A_1214, %ne3A_1215 : i32
        %lt3A_1217 = arith.constant 0 : i32
        %lt3A_1218 = arith.cmpi slt, %rem3A_1214, %lt3A_1217 : i32
        %lt3A_1219 = arith.constant 0 : i32
        %lt3A_1220 = arith.cmpi slt, %select_n3A_1213, %lt3A_1219 : i32
        %ne3A_1221 = arith.xori %lt3A_1218, %lt3A_1220 : i1
        %and3A_1222 = arith.andi %ne3A_1221, %ne3A_1216 : i1
        %add3A_1223 = arith.addi %rem3A_1214, %select_n3A_1213 : i32
        %select_n3A_1224 = arith.select %and3A_1222, %add3A_1223, %rem3A_1214 : i32
        %dma_wait3A_1225 = arith.constant 0 : i32
        %dma_wait3A_1226 = arith.constant 0 : i32
        %dma_wait3A_1227 = tpu.memref_slice %arg6[%dma_wait3A_1225, %dma_wait3A_1226] : memref<8x128xi32, #tpu.memory_space<vmem>> -> memref<1x128xi32, #tpu.memory_space<vmem>>
        %dma_wait3A_1228 = tpu.memref_squeeze %dma_wait3A_1227 : memref<1x128xi32, #tpu.memory_space<vmem>> -> memref<128xi32, #tpu.memory_space<vmem>>
        %dma_wait3A_1229 = arith.constant 0 : i32
        %dma_wait3A_1230 = tpu.memref_slice %arg2[%select_n3A_1208, %add3A, %select_n3A_1224, %dma_wait3A_1229] : memref<25x32x8x128xi32, #tpu.memory_space<hbm>> -> memref<1x1x1x128xi32, #tpu.memory_space<hbm>>
        %dma_wait3A_1231 = tpu.memref_squeeze %dma_wait3A_1230 : memref<1x1x1x128xi32, #tpu.memory_space<hbm>> -> memref<128xi32, #tpu.memory_space<hbm>>
        %dma_wait3A_1232 = arith.constant 0 : i32
        %dma_wait3A_1233 = tpu.memref_slice %arg6[%dma_wait3A_1225, %dma_wait3A_1232] : memref<8x128xi32, #tpu.memory_space<vmem>> -> memref<1x128xi32, #tpu.memory_space<vmem>>
        %dma_wait3A_1234 = tpu.memref_squeeze %dma_wait3A_1233 : memref<1x128xi32, #tpu.memory_space<vmem>> -> memref<128xi32, #tpu.memory_space<vmem>>
        %dma_wait3A_1235 = arith.constant 0 : i32
        %dma_wait3A_1236 = tpu.memref_slice %arg2[%select_n3A_1208, %add3A, %select_n3A_1224, %dma_wait3A_1235] : memref<25x32x8x128xi32, #tpu.memory_space<hbm>> -> memref<1x1x1x128xi32, #tpu.memory_space<hbm>>
        %dma_wait3A_1237 = tpu.memref_squeeze %dma_wait3A_1236 : memref<1x1x1x128xi32, #tpu.memory_space<hbm>> -> memref<128xi32, #tpu.memory_space<hbm>>
        tpu.wait_dma2 semaphore(%arg10 : memref<!tpu.dma_semaphore, #tpu.memory_space<semaphore_mem>>) src(%dma_wait3A_1237 : memref<128xi32, #tpu.memory_space<hbm>>) dst(%dma_wait3A_1234 : memref<128xi32, #tpu.memory_space<vmem>>)
        %dma_start3A_1238 = arith.constant 0 : i32
        %dma_start3A_1239 = arith.constant 0 : i32
        %dma_start3A_1240 = arith.constant 0 : i32
        %dma_start3A_1241 = arith.constant 0 : i32
        %dma_start3A_1242 = tpu.memref_slice %arg7[%dma_start3A_1239, %dma_start3A_1240, %dma_start3A_1241] : memref<8x128x64xf32, #tpu.memory_space<vmem>> -> memref<1x128x64xf32, #tpu.memory_space<vmem>>
        %dma_start3A_1243 = tpu.memref_squeeze %dma_start3A_1242 : memref<1x128x64xf32, #tpu.memory_space<vmem>> -> memref<128x64xf32, #tpu.memory_space<vmem>>
        %dma_start3A_1244 = arith.constant 0 : i32
        %dma_start3A_1245 = tpu.memref_slice %arg6[%dma_start3A_1238, %dma_start3A_1244] : memref<8x128xi32, #tpu.memory_space<vmem>> -> memref<1x128xi32, #tpu.memory_space<vmem>>
        %dma_start3A_1246 = tpu.memref_squeeze %dma_start3A_1245 : memref<1x128xi32, #tpu.memory_space<vmem>> -> memref<128xi32, #tpu.memory_space<vmem>>
        %dma_start3A_1247 = arith.constant 0 : i32
        %dma_start3A_1248 = arith.constant 0 : i32
        %dma_start3A_1249 = tpu.memref_slice %arg3[%dma_start3A_1247, %dma_start3A_1248] : memref<100000x64xf32, #tpu.memory_space<hbm>> -> memref<100000x64xf32, #tpu.memory_space<hbm>>
        tpu.enqueue_indirect_dma source(%dma_start3A_1249 : memref<100000x64xf32, #tpu.memory_space<hbm>>) target(%dma_start3A_1243 : memref<128x64xf32, #tpu.memory_space<vmem>>) offsets(%dma_start3A_1246 : memref<128xi32, #tpu.memory_space<vmem>>) semaphore(%arg18 : memref<!tpu.dma_semaphore, #tpu.memory_space<semaphore_mem>>)
      } else {
      }
      %ge3A_753 = arith.constant 4 : i32
      %ge3A_754 = arith.cmpi sge, %add3A_734, %ge3A_753 : i32
      %convert_element_type3A_755 = arith.extui %ge3A_754 : i1 to i32
      %cond3A_756 = arith.constant 0 : i32
      %cond3A_757 = arith.cmpi ne, %convert_element_type3A_755, %cond3A_756 : i32
      scf.if %cond3A_757 {
        %sub3A_1181 = arith.constant 4 : i32
        %sub3A_1182 = arith.subi %add3A_734, %sub3A_1181 : i32
        %dma_wait3A_1183 = arith.constant 2 : i32
        %dma_wait3A_1184 = arith.constant 0 : i32
        %dma_wait3A_1185 = arith.constant 0 : i32
        %dma_wait3A_1186 = arith.constant 0 : i32
        %dma_wait3A_1187 = tpu.memref_slice %arg8[%dma_wait3A_1183, %dma_wait3A_1184, %dma_wait3A_1185, %dma_wait3A_1186] : memref<4x8x8x136xf32, #tpu.memory_space<vmem>> -> memref<1x8x8x128xf32, #tpu.memory_space<vmem>>
        %dma_wait3A_1188 = tpu.memref_squeeze %dma_wait3A_1187 : memref<1x8x8x128xf32, #tpu.memory_space<vmem>> -> memref<8x8x128xf32, #tpu.memory_space<vmem>>
        %dma_wait3A_1189 = arith.constant 0 : i32
        %dma_wait3A_1190 = arith.constant 0 : i32
        %dma_wait3A_1191 = arith.constant 0 : i32
        %dma_wait3A_1192 = tpu.memref_slice %arg5[%sub3A_1182, %dma_wait3A_1189, %add3A, %dma_wait3A_1190, %dma_wait3A_1191] : memref<200x8x32x8x128xf32, #tpu.memory_space<hbm>> -> memref<1x8x1x8x128xf32, #tpu.memory_space<hbm>>
        %dma_wait3A_1193 = tpu.memref_squeeze %dma_wait3A_1192 : memref<1x8x1x8x128xf32, #tpu.memory_space<hbm>> -> memref<8x8x128xf32, #tpu.memory_space<hbm>>
        %dma_wait3A_1194 = arith.constant 0 : i32
        %dma_wait3A_1195 = arith.constant 0 : i32
        %dma_wait3A_1196 = arith.constant 0 : i32
        %dma_wait3A_1197 = tpu.memref_slice %arg5[%sub3A_1182, %dma_wait3A_1194, %add3A, %dma_wait3A_1195, %dma_wait3A_1196] : memref<200x8x32x8x128xf32, #tpu.memory_space<hbm>> -> memref<1x8x1x8x128xf32, #tpu.memory_space<hbm>>
        %dma_wait3A_1198 = tpu.memref_squeeze %dma_wait3A_1197 : memref<1x8x1x8x128xf32, #tpu.memory_space<hbm>> -> memref<8x8x128xf32, #tpu.memory_space<hbm>>
        %dma_wait3A_1199 = arith.constant 0 : i32
        %dma_wait3A_1200 = arith.constant 0 : i32
        %dma_wait3A_1201 = arith.constant 0 : i32
        %dma_wait3A_1202 = tpu.memref_slice %arg8[%dma_wait3A_1183, %dma_wait3A_1199, %dma_wait3A_1200, %dma_wait3A_1201] : memref<4x8x8x136xf32, #tpu.memory_space<vmem>> -> memref<1x8x8x128xf32, #tpu.memory_space<vmem>>
        %dma_wait3A_1203 = tpu.memref_squeeze %dma_wait3A_1202 : memref<1x8x8x128xf32, #tpu.memory_space<vmem>> -> memref<8x8x128xf32, #tpu.memory_space<vmem>>
        tpu.wait_dma2 semaphore(%arg28 : memref<!tpu.dma_semaphore, #tpu.memory_space<semaphore_mem>>) src(%dma_wait3A_1203 : memref<8x8x128xf32, #tpu.memory_space<vmem>>) dst(%dma_wait3A_1198 : memref<8x8x128xf32, #tpu.memory_space<hbm>>)
      } else {
      }
      %dma_wait3A_758 = arith.constant 2 : i32
      %dma_wait3A_759 = arith.constant 2 : i32
      %dma_wait3A_760 = arith.constant 0 : i32
      %dma_wait3A_761 = arith.constant 0 : i32
      %dma_wait3A_762 = tpu.memref_slice %arg7[%dma_wait3A_759, %dma_wait3A_760, %dma_wait3A_761] : memref<8x128x64xf32, #tpu.memory_space<vmem>> -> memref<1x128x64xf32, #tpu.memory_space<vmem>>
      %dma_wait3A_763 = tpu.memref_squeeze %dma_wait3A_762 : memref<1x128x64xf32, #tpu.memory_space<vmem>> -> memref<128x64xf32, #tpu.memory_space<vmem>>
      %dma_wait3A_764 = arith.constant 0 : i32
      %dma_wait3A_765 = tpu.memref_slice %arg6[%dma_wait3A_758, %dma_wait3A_764] : memref<8x128xi32, #tpu.memory_space<vmem>> -> memref<1x128xi32, #tpu.memory_space<vmem>>
      %dma_wait3A_766 = tpu.memref_squeeze %dma_wait3A_765 : memref<1x128xi32, #tpu.memory_space<vmem>> -> memref<128xi32, #tpu.memory_space<vmem>>
      %dma_wait3A_767 = arith.constant 0 : i32
      %dma_wait3A_768 = arith.constant 0 : i32
      %dma_wait3A_769 = tpu.memref_slice %arg3[%dma_wait3A_767, %dma_wait3A_768] : memref<100000x64xf32, #tpu.memory_space<hbm>> -> memref<100000x64xf32, #tpu.memory_space<hbm>>
      tpu.wait_indirect_dma semaphore(%arg20 : memref<!tpu.dma_semaphore, #tpu.memory_space<semaphore_mem>>) src(%dma_wait3A_769 : memref<100000x64xf32, #tpu.memory_space<hbm>>) dst(%dma_wait3A_763 : memref<128x64xf32, #tpu.memory_space<vmem>>)
      %get3A_770 = arith.index_cast %add3A_734 : i32 to index
      %get3A_771 = arith.constant 0 : index
      %get3A_772 = tpu.vector_load %arg9[%get3A_770, %get3A_771] {strides = array<i32>} : memref<200x64xf32, #tpu.memory_space<vmem>>, vector<16xf32>,
      %get3A_773 = arith.index_cast %add3A_734 : i32 to index
      %get3A_774 = arith.constant 16 : index
      %get3A_775 = tpu.vector_load %arg9[%get3A_773, %get3A_774] {strides = array<i32>} : memref<200x64xf32, #tpu.memory_space<vmem>>, vector<16xf32>,
      %get3A_776 = arith.index_cast %add3A_734 : i32 to index
      %get3A_777 = arith.constant 32 : index
      %get3A_778 = tpu.vector_load %arg9[%get3A_776, %get3A_777] {strides = array<i32>} : memref<200x64xf32, #tpu.memory_space<vmem>>, vector<16xf32>,
      %get3A_779 = arith.index_cast %add3A_734 : i32 to index
      %get3A_780 = arith.constant 48 : index
      %get3A_781 = tpu.vector_load %arg9[%get3A_779, %get3A_780] {strides = array<i32>} : memref<200x64xf32, #tpu.memory_space<vmem>>, vector<16xf32>,
      %parallel_loop3A_782 = arith.constant 0 : i32
      %parallel_loop3A_783 = arith.constant 128 : i32
      %parallel_loop3A_784 = arith.constant 1 : i32
      scf.for %parallel_loop3A_1181 = %parallel_loop3A_782 to %parallel_loop3A_783 step %parallel_loop3A_784  : i32 {
        %parallel_loop3A_1182 = vector.broadcast %parallel_loop3A_1181 : i32 to vector<16xi32>
        %parallel_loop3A_1183 = arith.constant 2 : i32
        %parallel_loop3A_1184 = arith.index_cast %parallel_loop3A_1183 : i32 to index
        %parallel_loop3A_1185 = arith.index_cast %parallel_loop3A_1181 : i32 to index
        %parallel_loop3A_1186 = arith.constant 0 : index
        %parallel_loop3A_1187 = tpu.vector_load %arg7[%parallel_loop3A_1184, %parallel_loop3A_1185, %parallel_loop3A_1186] {strides = array<i32>} : memref<8x128x64xf32, #tpu.memory_space<vmem>>, vector<16xf32>,
        %parallel_loop3A_1188 = arith.addf %parallel_loop3A_1187, %get3A_772 : vector<16xf32>
        %parallel_loop3A_1189 = arith.constant 2 : i32
        %parallel_loop3A_1190 = arith.constant 0 : i32
        %parallel_loop3A_1191 = arith.constant 0 : i32
        %parallel_loop3A_1192 = arith.constant 0 : i32
        %parallel_loop3A_1193 = tpu.memref_slice %arg8[%parallel_loop3A_1189, %parallel_loop3A_1190, %parallel_loop3A_1191, %parallel_loop3A_1192] : memref<4x8x8x136xf32, #tpu.memory_space<vmem>> -> memref<1x8x8x136xf32, #tpu.memory_space<vmem>>
        %parallel_loop3A_1194 = tpu.memref_squeeze %parallel_loop3A_1193 : memref<1x8x8x136xf32, #tpu.memory_space<vmem>> -> memref<8x8x136xf32, #tpu.memory_space<vmem>>
        tpu.vector_store_idx %parallel_loop3A_1194[%select_n3A, %select_n3A_151, %parallel_loop3A_1182], %parallel_loop3A_1188 : memref<8x8x136xf32, #tpu.memory_space<vmem>>[vector<16xi32>, vector<16xi32>, vector<16xi32>], vector<16xf32>,
        %parallel_loop3A_1195 = arith.constant 2 : i32
        %parallel_loop3A_1196 = arith.index_cast %parallel_loop3A_1195 : i32 to index
        %parallel_loop3A_1197 = arith.index_cast %parallel_loop3A_1181 : i32 to index
        %parallel_loop3A_1198 = arith.constant 16 : index
        %parallel_loop3A_1199 = tpu.vector_load %arg7[%parallel_loop3A_1196, %parallel_loop3A_1197, %parallel_loop3A_1198] {strides = array<i32>} : memref<8x128x64xf32, #tpu.memory_space<vmem>>, vector<16xf32>,
        %parallel_loop3A_1200 = arith.addf %parallel_loop3A_1199, %get3A_775 : vector<16xf32>
        %parallel_loop3A_1201 = arith.constant 2 : i32
        %parallel_loop3A_1202 = arith.constant 0 : i32
        %parallel_loop3A_1203 = arith.constant 0 : i32
        %parallel_loop3A_1204 = arith.constant 0 : i32
        %parallel_loop3A_1205 = tpu.memref_slice %arg8[%parallel_loop3A_1201, %parallel_loop3A_1202, %parallel_loop3A_1203, %parallel_loop3A_1204] : memref<4x8x8x136xf32, #tpu.memory_space<vmem>> -> memref<1x8x8x136xf32, #tpu.memory_space<vmem>>
        %parallel_loop3A_1206 = tpu.memref_squeeze %parallel_loop3A_1205 : memref<1x8x8x136xf32, #tpu.memory_space<vmem>> -> memref<8x8x136xf32, #tpu.memory_space<vmem>>
        tpu.vector_store_idx %parallel_loop3A_1206[%select_n3A_60, %select_n3A_176, %parallel_loop3A_1182], %parallel_loop3A_1200 : memref<8x8x136xf32, #tpu.memory_space<vmem>>[vector<16xi32>, vector<16xi32>, vector<16xi32>], vector<16xf32>,
        %parallel_loop3A_1207 = arith.constant 2 : i32
        %parallel_loop3A_1208 = arith.index_cast %parallel_loop3A_1207 : i32 to index
        %parallel_loop3A_1209 = arith.index_cast %parallel_loop3A_1181 : i32 to index
        %parallel_loop3A_1210 = arith.constant 32 : index
        %parallel_loop3A_1211 = tpu.vector_load %arg7[%parallel_loop3A_1208, %parallel_loop3A_1209, %parallel_loop3A_1210] {strides = array<i32>} : memref<8x128x64xf32, #tpu.memory_space<vmem>>, vector<16xf32>,
        %parallel_loop3A_1212 = arith.addf %parallel_loop3A_1211, %get3A_778 : vector<16xf32>
        %parallel_loop3A_1213 = arith.constant 2 : i32
        %parallel_loop3A_1214 = arith.constant 0 : i32
        %parallel_loop3A_1215 = arith.constant 0 : i32
        %parallel_loop3A_1216 = arith.constant 0 : i32
        %parallel_loop3A_1217 = tpu.memref_slice %arg8[%parallel_loop3A_1213, %parallel_loop3A_1214, %parallel_loop3A_1215, %parallel_loop3A_1216] : memref<4x8x8x136xf32, #tpu.memory_space<vmem>> -> memref<1x8x8x136xf32, #tpu.memory_space<vmem>>
        %parallel_loop3A_1218 = tpu.memref_squeeze %parallel_loop3A_1217 : memref<1x8x8x136xf32, #tpu.memory_space<vmem>> -> memref<8x8x136xf32, #tpu.memory_space<vmem>>
        tpu.vector_store_idx %parallel_loop3A_1218[%select_n3A_94, %select_n3A_201, %parallel_loop3A_1182], %parallel_loop3A_1212 : memref<8x8x136xf32, #tpu.memory_space<vmem>>[vector<16xi32>, vector<16xi32>, vector<16xi32>], vector<16xf32>,
        %parallel_loop3A_1219 = arith.constant 2 : i32
        %parallel_loop3A_1220 = arith.index_cast %parallel_loop3A_1219 : i32 to index
        %parallel_loop3A_1221 = arith.index_cast %parallel_loop3A_1181 : i32 to index
        %parallel_loop3A_1222 = arith.constant 48 : index
        %parallel_loop3A_1223 = tpu.vector_load %arg7[%parallel_loop3A_1220, %parallel_loop3A_1221, %parallel_loop3A_1222] {strides = array<i32>} : memref<8x128x64xf32, #tpu.memory_space<vmem>>, vector<16xf32>,
        %parallel_loop3A_1224 = arith.addf %parallel_loop3A_1223, %get3A_781 : vector<16xf32>
        %parallel_loop3A_1225 = arith.constant 2 : i32
        %parallel_loop3A_1226 = arith.constant 0 : i32
        %parallel_loop3A_1227 = arith.constant 0 : i32
        %parallel_loop3A_1228 = arith.constant 0 : i32
        %parallel_loop3A_1229 = tpu.memref_slice %arg8[%parallel_loop3A_1225, %parallel_loop3A_1226, %parallel_loop3A_1227, %parallel_loop3A_1228] : memref<4x8x8x136xf32, #tpu.memory_space<vmem>> -> memref<1x8x8x136xf32, #tpu.memory_space<vmem>>
        %parallel_loop3A_1230 = tpu.memref_squeeze %parallel_loop3A_1229 : memref<1x8x8x136xf32, #tpu.memory_space<vmem>> -> memref<8x8x136xf32, #tpu.memory_space<vmem>>
        tpu.vector_store_idx %parallel_loop3A_1230[%select_n3A_128, %select_n3A_226, %parallel_loop3A_1182], %parallel_loop3A_1224 : memref<8x8x136xf32, #tpu.memory_space<vmem>>[vector<16xi32>, vector<16xi32>, vector<16xi32>], vector<16xf32>,
      } {sc.loop_unroll_factor = 4 : i64, sc.parallel_access}
      %dma_start3A_785 = arith.constant 2 : i32
      %dma_start3A_786 = arith.constant 0 : i32
      %dma_start3A_787 = arith.constant 0 : i32
      %dma_start3A_788 = arith.constant 0 : i32
      %dma_start3A_789 = tpu.memref_slice %arg8[%dma_start3A_785, %dma_start3A_786, %dma_start3A_787, %dma_start3A_788] : memref<4x8x8x136xf32, #tpu.memory_space<vmem>> -> memref<1x8x8x128xf32, #tpu.memory_space<vmem>>
      %dma_start3A_790 = tpu.memref_squeeze %dma_start3A_789 : memref<1x8x8x128xf32, #tpu.memory_space<vmem>> -> memref<8x8x128xf32, #tpu.memory_space<vmem>>
      %dma_start3A_791 = arith.constant 0 : i32
      %dma_start3A_792 = arith.constant 0 : i32
      %dma_start3A_793 = arith.constant 0 : i32
      %dma_start3A_794 = tpu.memref_slice %arg5[%add3A_734, %dma_start3A_791, %add3A, %dma_start3A_792, %dma_start3A_793] : memref<200x8x32x8x128xf32, #tpu.memory_space<hbm>> -> memref<1x8x1x8x128xf32, #tpu.memory_space<hbm>>
      %dma_start3A_795 = tpu.memref_squeeze %dma_start3A_794 : memref<1x8x1x8x128xf32, #tpu.memory_space<hbm>> -> memref<8x8x128xf32, #tpu.memory_space<hbm>>
      %dma_start3A_796 = arith.constant 0 : i32
      %dma_start3A_797 = arith.constant 0 : i32
      %dma_start3A_798 = arith.constant 0 : i32
      %dma_start3A_799 = tpu.memref_slice %arg5[%add3A_734, %dma_start3A_796, %add3A, %dma_start3A_797, %dma_start3A_798] : memref<200x8x32x8x128xf32, #tpu.memory_space<hbm>> -> memref<1x8x1x8x128xf32, #tpu.memory_space<hbm>>
      %dma_start3A_800 = tpu.memref_squeeze %dma_start3A_799 : memref<1x8x1x8x128xf32, #tpu.memory_space<hbm>> -> memref<8x8x128xf32, #tpu.memory_space<hbm>>
      %dma_start3A_801 = arith.constant 0 : i32
      %dma_start3A_802 = arith.constant 0 : i32
      %dma_start3A_803 = arith.constant 0 : i32
      %dma_start3A_804 = tpu.memref_slice %arg8[%dma_start3A_785, %dma_start3A_801, %dma_start3A_802, %dma_start3A_803] : memref<4x8x8x136xf32, #tpu.memory_space<vmem>> -> memref<1x8x8x128xf32, #tpu.memory_space<vmem>>
      %dma_start3A_805 = tpu.memref_squeeze %dma_start3A_804 : memref<1x8x8x128xf32, #tpu.memory_space<vmem>> -> memref<8x8x128xf32, #tpu.memory_space<vmem>>
      tpu.enqueue_dma source(%dma_start3A_805 : memref<8x8x128xf32, #tpu.memory_space<vmem>>) target(%dma_start3A_800 : memref<8x8x128xf32, #tpu.memory_space<hbm>>) target_semaphore(%arg28 : memref<!tpu.dma_semaphore, #tpu.memory_space<semaphore_mem>>)
      %mul3A_806 = arith.constant 8 : i32
      %mul3A_807 = arith.muli %mul3A_806, %scan3A_585 : i32
      %add3A_808 = arith.constant 3 : i32
      %add3A_809 = arith.addi %mul3A_807, %add3A_808 : i32
      %add3A_810 = arith.constant 8 : i32
      %add3A_811 = arith.addi %add3A_809, %add3A_810 : i32
      %sub3A_812 = arith.constant 1 : i32
      %sub3A_813 = arith.subi %add3A_811, %sub3A_812 : i32
      %lt3A_814 = arith.constant 200 : i32
      %lt3A_815 = arith.cmpi slt, %sub3A_813, %lt3A_814 : i32
      %convert_element_type3A_816 = arith.extui %lt3A_815 : i1 to i32
      %cond3A_817 = arith.constant 0 : i32
      %cond3A_818 = arith.cmpi ne, %convert_element_type3A_816, %cond3A_817 : i32
      scf.if %cond3A_818 {
        %add3A_1181 = arith.constant 8 : i32
        %add3A_1182 = arith.addi %add3A_809, %add3A_1181 : i32
        %sub3A_1183 = arith.constant 1 : i32
        %sub3A_1184 = arith.subi %add3A_1182, %sub3A_1183 : i32
        %jit3A_1185 = arith.constant 8 : i32
        %div3A_1186 = arith.divsi %sub3A_1184, %jit3A_1185 : i32
        %sign3A_1187 = arith.constant 0 : i32
        %sign3A_1188 = arith.cmpi sgt, %sub3A_1184, %sign3A_1187 : i32
        %sign3A_1189 = arith.extui %sign3A_1188 : i1 to i32
        %sign3A_1190 = arith.constant 0 : i32
        %sign3A_1191 = arith.cmpi slt, %sub3A_1184, %sign3A_1190 : i32
        %sign3A_1192 = arith.extui %sign3A_1191 : i1 to i32
        %sign3A_1193 = arith.subi %sign3A_1189, %sign3A_1192 : i32
        %sign3A_1194 = arith.constant 0 : i32
        %sign3A_1195 = arith.cmpi sgt, %jit3A_1185, %sign3A_1194 : i32
        %sign3A_1196 = arith.extui %sign3A_1195 : i1 to i32
        %sign3A_1197 = arith.constant 0 : i32
        %sign3A_1198 = arith.cmpi slt, %jit3A_1185, %sign3A_1197 : i32
        %sign3A_1199 = arith.extui %sign3A_1198 : i1 to i32
        %sign3A_1200 = arith.subi %sign3A_1196, %sign3A_1199 : i32
        %ne3A_1201 = arith.cmpi ne, %sign3A_1193, %sign3A_1200 : i32
        %rem3A_1202 = arith.remsi %sub3A_1184, %jit3A_1185 : i32
        %ne3A_1203 = arith.constant 0 : i32
        %ne3A_1204 = arith.cmpi ne, %rem3A_1202, %ne3A_1203 : i32
        %and3A_1205 = arith.andi %ne3A_1201, %ne3A_1204 : i1
        %sub3A_1206 = arith.constant 1 : i32
        %sub3A_1207 = arith.subi %div3A_1186, %sub3A_1206 : i32
        %select_n3A_1208 = arith.select %and3A_1205, %sub3A_1207, %div3A_1186 : i32
        %jit3A_1209 = arith.constant 8 : i32
        %eq3A_1210 = arith.constant 0 : i32
        %eq3A_1211 = arith.cmpi eq, %jit3A_1209, %eq3A_1210 : i32
        %jit3A_1212 = arith.constant 1 : i32
        %select_n3A_1213 = arith.select %eq3A_1211, %jit3A_1212, %jit3A_1209 : i32
        %rem3A_1214 = arith.remsi %sub3A_1184, %select_n3A_1213 : i32
        %ne3A_1215 = arith.constant 0 : i32
        %ne3A_1216 = arith.cmpi ne, %rem3A_1214, %ne3A_1215 : i32
        %lt3A_1217 = arith.constant 0 : i32
        %lt3A_1218 = arith.cmpi slt, %rem3A_1214, %lt3A_1217 : i32
        %lt3A_1219 = arith.constant 0 : i32
        %lt3A_1220 = arith.cmpi slt, %select_n3A_1213, %lt3A_1219 : i32
        %ne3A_1221 = arith.xori %lt3A_1218, %lt3A_1220 : i1
        %and3A_1222 = arith.andi %ne3A_1221, %ne3A_1216 : i1
        %add3A_1223 = arith.addi %rem3A_1214, %select_n3A_1213 : i32
        %select_n3A_1224 = arith.select %and3A_1222, %add3A_1223, %rem3A_1214 : i32
        %dma_start3A_1225 = arith.constant 2 : i32
        %dma_start3A_1226 = arith.constant 0 : i32
        %dma_start3A_1227 = tpu.memref_slice %arg6[%dma_start3A_1225, %dma_start3A_1226] : memref<8x128xi32, #tpu.memory_space<vmem>> -> memref<1x128xi32, #tpu.memory_space<vmem>>
        %dma_start3A_1228 = tpu.memref_squeeze %dma_start3A_1227 : memref<1x128xi32, #tpu.memory_space<vmem>> -> memref<128xi32, #tpu.memory_space<vmem>>
        %dma_start3A_1229 = arith.constant 0 : i32
        %dma_start3A_1230 = tpu.memref_slice %arg2[%select_n3A_1208, %add3A, %select_n3A_1224, %dma_start3A_1229] : memref<25x32x8x128xi32, #tpu.memory_space<hbm>> -> memref<1x1x1x128xi32, #tpu.memory_space<hbm>>
        %dma_start3A_1231 = tpu.memref_squeeze %dma_start3A_1230 : memref<1x1x1x128xi32, #tpu.memory_space<hbm>> -> memref<128xi32, #tpu.memory_space<hbm>>
        %dma_start3A_1232 = arith.constant 0 : i32
        %dma_start3A_1233 = tpu.memref_slice %arg6[%dma_start3A_1225, %dma_start3A_1232] : memref<8x128xi32, #tpu.memory_space<vmem>> -> memref<1x128xi32, #tpu.memory_space<vmem>>
        %dma_start3A_1234 = tpu.memref_squeeze %dma_start3A_1233 : memref<1x128xi32, #tpu.memory_space<vmem>> -> memref<128xi32, #tpu.memory_space<vmem>>
        %dma_start3A_1235 = arith.constant 0 : i32
        %dma_start3A_1236 = tpu.memref_slice %arg2[%select_n3A_1208, %add3A, %select_n3A_1224, %dma_start3A_1235] : memref<25x32x8x128xi32, #tpu.memory_space<hbm>> -> memref<1x1x1x128xi32, #tpu.memory_space<hbm>>
        %dma_start3A_1237 = tpu.memref_squeeze %dma_start3A_1236 : memref<1x1x1x128xi32, #tpu.memory_space<hbm>> -> memref<128xi32, #tpu.memory_space<hbm>>
        tpu.enqueue_dma source(%dma_start3A_1237 : memref<128xi32, #tpu.memory_space<hbm>>) target(%dma_start3A_1234 : memref<128xi32, #tpu.memory_space<vmem>>) target_semaphore(%arg12 : memref<!tpu.dma_semaphore, #tpu.memory_space<semaphore_mem>>)
      } else {
      }
      %add3A_819 = arith.constant 8 : i32
      %add3A_820 = arith.addi %add3A_809, %add3A_819 : i32
      %sub3A_821 = arith.constant 2 : i32
      %sub3A_822 = arith.subi %add3A_820, %sub3A_821 : i32
      %lt3A_823 = arith.constant 200 : i32
      %lt3A_824 = arith.cmpi slt, %sub3A_822, %lt3A_823 : i32
      %convert_element_type3A_825 = arith.extui %lt3A_824 : i1 to i32
      %cond3A_826 = arith.constant 0 : i32
      %cond3A_827 = arith.cmpi ne, %convert_element_type3A_825, %cond3A_826 : i32
      scf.if %cond3A_827 {
        %add3A_1181 = arith.constant 8 : i32
        %add3A_1182 = arith.addi %add3A_809, %add3A_1181 : i32
        %sub3A_1183 = arith.constant 2 : i32
        %sub3A_1184 = arith.subi %add3A_1182, %sub3A_1183 : i32
        %jit3A_1185 = arith.constant 8 : i32
        %div3A_1186 = arith.divsi %sub3A_1184, %jit3A_1185 : i32
        %sign3A_1187 = arith.constant 0 : i32
        %sign3A_1188 = arith.cmpi sgt, %sub3A_1184, %sign3A_1187 : i32
        %sign3A_1189 = arith.extui %sign3A_1188 : i1 to i32
        %sign3A_1190 = arith.constant 0 : i32
        %sign3A_1191 = arith.cmpi slt, %sub3A_1184, %sign3A_1190 : i32
        %sign3A_1192 = arith.extui %sign3A_1191 : i1 to i32
        %sign3A_1193 = arith.subi %sign3A_1189, %sign3A_1192 : i32
        %sign3A_1194 = arith.constant 0 : i32
        %sign3A_1195 = arith.cmpi sgt, %jit3A_1185, %sign3A_1194 : i32
        %sign3A_1196 = arith.extui %sign3A_1195 : i1 to i32
        %sign3A_1197 = arith.constant 0 : i32
        %sign3A_1198 = arith.cmpi slt, %jit3A_1185, %sign3A_1197 : i32
        %sign3A_1199 = arith.extui %sign3A_1198 : i1 to i32
        %sign3A_1200 = arith.subi %sign3A_1196, %sign3A_1199 : i32
        %ne3A_1201 = arith.cmpi ne, %sign3A_1193, %sign3A_1200 : i32
        %rem3A_1202 = arith.remsi %sub3A_1184, %jit3A_1185 : i32
        %ne3A_1203 = arith.constant 0 : i32
        %ne3A_1204 = arith.cmpi ne, %rem3A_1202, %ne3A_1203 : i32
        %and3A_1205 = arith.andi %ne3A_1201, %ne3A_1204 : i1
        %sub3A_1206 = arith.constant 1 : i32
        %sub3A_1207 = arith.subi %div3A_1186, %sub3A_1206 : i32
        %select_n3A_1208 = arith.select %and3A_1205, %sub3A_1207, %div3A_1186 : i32
        %jit3A_1209 = arith.constant 8 : i32
        %eq3A_1210 = arith.constant 0 : i32
        %eq3A_1211 = arith.cmpi eq, %jit3A_1209, %eq3A_1210 : i32
        %jit3A_1212 = arith.constant 1 : i32
        %select_n3A_1213 = arith.select %eq3A_1211, %jit3A_1212, %jit3A_1209 : i32
        %rem3A_1214 = arith.remsi %sub3A_1184, %select_n3A_1213 : i32
        %ne3A_1215 = arith.constant 0 : i32
        %ne3A_1216 = arith.cmpi ne, %rem3A_1214, %ne3A_1215 : i32
        %lt3A_1217 = arith.constant 0 : i32
        %lt3A_1218 = arith.cmpi slt, %rem3A_1214, %lt3A_1217 : i32
        %lt3A_1219 = arith.constant 0 : i32
        %lt3A_1220 = arith.cmpi slt, %select_n3A_1213, %lt3A_1219 : i32
        %ne3A_1221 = arith.xori %lt3A_1218, %lt3A_1220 : i1
        %and3A_1222 = arith.andi %ne3A_1221, %ne3A_1216 : i1
        %add3A_1223 = arith.addi %rem3A_1214, %select_n3A_1213 : i32
        %select_n3A_1224 = arith.select %and3A_1222, %add3A_1223, %rem3A_1214 : i32
        %dma_wait3A_1225 = arith.constant 1 : i32
        %dma_wait3A_1226 = arith.constant 0 : i32
        %dma_wait3A_1227 = tpu.memref_slice %arg6[%dma_wait3A_1225, %dma_wait3A_1226] : memref<8x128xi32, #tpu.memory_space<vmem>> -> memref<1x128xi32, #tpu.memory_space<vmem>>
        %dma_wait3A_1228 = tpu.memref_squeeze %dma_wait3A_1227 : memref<1x128xi32, #tpu.memory_space<vmem>> -> memref<128xi32, #tpu.memory_space<vmem>>
        %dma_wait3A_1229 = arith.constant 0 : i32
        %dma_wait3A_1230 = tpu.memref_slice %arg2[%select_n3A_1208, %add3A, %select_n3A_1224, %dma_wait3A_1229] : memref<25x32x8x128xi32, #tpu.memory_space<hbm>> -> memref<1x1x1x128xi32, #tpu.memory_space<hbm>>
        %dma_wait3A_1231 = tpu.memref_squeeze %dma_wait3A_1230 : memref<1x1x1x128xi32, #tpu.memory_space<hbm>> -> memref<128xi32, #tpu.memory_space<hbm>>
        %dma_wait3A_1232 = arith.constant 0 : i32
        %dma_wait3A_1233 = tpu.memref_slice %arg6[%dma_wait3A_1225, %dma_wait3A_1232] : memref<8x128xi32, #tpu.memory_space<vmem>> -> memref<1x128xi32, #tpu.memory_space<vmem>>
        %dma_wait3A_1234 = tpu.memref_squeeze %dma_wait3A_1233 : memref<1x128xi32, #tpu.memory_space<vmem>> -> memref<128xi32, #tpu.memory_space<vmem>>
        %dma_wait3A_1235 = arith.constant 0 : i32
        %dma_wait3A_1236 = tpu.memref_slice %arg2[%select_n3A_1208, %add3A, %select_n3A_1224, %dma_wait3A_1235] : memref<25x32x8x128xi32, #tpu.memory_space<hbm>> -> memref<1x1x1x128xi32, #tpu.memory_space<hbm>>
        %dma_wait3A_1237 = tpu.memref_squeeze %dma_wait3A_1236 : memref<1x1x1x128xi32, #tpu.memory_space<hbm>> -> memref<128xi32, #tpu.memory_space<hbm>>
        tpu.wait_dma2 semaphore(%arg11 : memref<!tpu.dma_semaphore, #tpu.memory_space<semaphore_mem>>) src(%dma_wait3A_1237 : memref<128xi32, #tpu.memory_space<hbm>>) dst(%dma_wait3A_1234 : memref<128xi32, #tpu.memory_space<vmem>>)
        %dma_start3A_1238 = arith.constant 1 : i32
        %dma_start3A_1239 = arith.constant 1 : i32
        %dma_start3A_1240 = arith.constant 0 : i32
        %dma_start3A_1241 = arith.constant 0 : i32
        %dma_start3A_1242 = tpu.memref_slice %arg7[%dma_start3A_1239, %dma_start3A_1240, %dma_start3A_1241] : memref<8x128x64xf32, #tpu.memory_space<vmem>> -> memref<1x128x64xf32, #tpu.memory_space<vmem>>
        %dma_start3A_1243 = tpu.memref_squeeze %dma_start3A_1242 : memref<1x128x64xf32, #tpu.memory_space<vmem>> -> memref<128x64xf32, #tpu.memory_space<vmem>>
        %dma_start3A_1244 = arith.constant 0 : i32
        %dma_start3A_1245 = tpu.memref_slice %arg6[%dma_start3A_1238, %dma_start3A_1244] : memref<8x128xi32, #tpu.memory_space<vmem>> -> memref<1x128xi32, #tpu.memory_space<vmem>>
        %dma_start3A_1246 = tpu.memref_squeeze %dma_start3A_1245 : memref<1x128xi32, #tpu.memory_space<vmem>> -> memref<128xi32, #tpu.memory_space<vmem>>
        %dma_start3A_1247 = arith.constant 0 : i32
        %dma_start3A_1248 = arith.constant 0 : i32
        %dma_start3A_1249 = tpu.memref_slice %arg3[%dma_start3A_1247, %dma_start3A_1248] : memref<100000x64xf32, #tpu.memory_space<hbm>> -> memref<100000x64xf32, #tpu.memory_space<hbm>>
        tpu.enqueue_indirect_dma source(%dma_start3A_1249 : memref<100000x64xf32, #tpu.memory_space<hbm>>) target(%dma_start3A_1243 : memref<128x64xf32, #tpu.memory_space<vmem>>) offsets(%dma_start3A_1246 : memref<128xi32, #tpu.memory_space<vmem>>) semaphore(%arg19 : memref<!tpu.dma_semaphore, #tpu.memory_space<semaphore_mem>>)
      } else {
      }
      %ge3A_828 = arith.constant 4 : i32
      %ge3A_829 = arith.cmpi sge, %add3A_809, %ge3A_828 : i32
      %convert_element_type3A_830 = arith.extui %ge3A_829 : i1 to i32
      %cond3A_831 = arith.constant 0 : i32
      %cond3A_832 = arith.cmpi ne, %convert_element_type3A_830, %cond3A_831 : i32
      scf.if %cond3A_832 {
        %sub3A_1181 = arith.constant 4 : i32
        %sub3A_1182 = arith.subi %add3A_809, %sub3A_1181 : i32
        %dma_wait3A_1183 = arith.constant 3 : i32
        %dma_wait3A_1184 = arith.constant 0 : i32
        %dma_wait3A_1185 = arith.constant 0 : i32
        %dma_wait3A_1186 = arith.constant 0 : i32
        %dma_wait3A_1187 = tpu.memref_slice %arg8[%dma_wait3A_1183, %dma_wait3A_1184, %dma_wait3A_1185, %dma_wait3A_1186] : memref<4x8x8x136xf32, #tpu.memory_space<vmem>> -> memref<1x8x8x128xf32, #tpu.memory_space<vmem>>
        %dma_wait3A_1188 = tpu.memref_squeeze %dma_wait3A_1187 : memref<1x8x8x128xf32, #tpu.memory_space<vmem>> -> memref<8x8x128xf32, #tpu.memory_space<vmem>>
        %dma_wait3A_1189 = arith.constant 0 : i32
        %dma_wait3A_1190 = arith.constant 0 : i32
        %dma_wait3A_1191 = arith.constant 0 : i32
        %dma_wait3A_1192 = tpu.memref_slice %arg5[%sub3A_1182, %dma_wait3A_1189, %add3A, %dma_wait3A_1190, %dma_wait3A_1191] : memref<200x8x32x8x128xf32, #tpu.memory_space<hbm>> -> memref<1x8x1x8x128xf32, #tpu.memory_space<hbm>>
        %dma_wait3A_1193 = tpu.memref_squeeze %dma_wait3A_1192 : memref<1x8x1x8x128xf32, #tpu.memory_space<hbm>> -> memref<8x8x128xf32, #tpu.memory_space<hbm>>
        %dma_wait3A_1194 = arith.constant 0 : i32
        %dma_wait3A_1195 = arith.constant 0 : i32
        %dma_wait3A_1196 = arith.constant 0 : i32
        %dma_wait3A_1197 = tpu.memref_slice %arg5[%sub3A_1182, %dma_wait3A_1194, %add3A, %dma_wait3A_1195, %dma_wait3A_1196] : memref<200x8x32x8x128xf32, #tpu.memory_space<hbm>> -> memref<1x8x1x8x128xf32, #tpu.memory_space<hbm>>
        %dma_wait3A_1198 = tpu.memref_squeeze %dma_wait3A_1197 : memref<1x8x1x8x128xf32, #tpu.memory_space<hbm>> -> memref<8x8x128xf32, #tpu.memory_space<hbm>>
        %dma_wait3A_1199 = arith.constant 0 : i32
        %dma_wait3A_1200 = arith.constant 0 : i32
        %dma_wait3A_1201 = arith.constant 0 : i32
        %dma_wait3A_1202 = tpu.memref_slice %arg8[%dma_wait3A_1183, %dma_wait3A_1199, %dma_wait3A_1200, %dma_wait3A_1201] : memref<4x8x8x136xf32, #tpu.memory_space<vmem>> -> memref<1x8x8x128xf32, #tpu.memory_space<vmem>>
        %dma_wait3A_1203 = tpu.memref_squeeze %dma_wait3A_1202 : memref<1x8x8x128xf32, #tpu.memory_space<vmem>> -> memref<8x8x128xf32, #tpu.memory_space<vmem>>
        tpu.wait_dma2 semaphore(%arg29 : memref<!tpu.dma_semaphore, #tpu.memory_space<semaphore_mem>>) src(%dma_wait3A_1203 : memref<8x8x128xf32, #tpu.memory_space<vmem>>) dst(%dma_wait3A_1198 : memref<8x8x128xf32, #tpu.memory_space<hbm>>)
      } else {
      }
      %dma_wait3A_833 = arith.constant 3 : i32
      %dma_wait3A_834 = arith.constant 3 : i32
      %dma_wait3A_835 = arith.constant 0 : i32
      %dma_wait3A_836 = arith.constant 0 : i32
      %dma_wait3A_837 = tpu.memref_slice %arg7[%dma_wait3A_834, %dma_wait3A_835, %dma_wait3A_836] : memref<8x128x64xf32, #tpu.memory_space<vmem>> -> memref<1x128x64xf32, #tpu.memory_space<vmem>>
      %dma_wait3A_838 = tpu.memref_squeeze %dma_wait3A_837 : memref<1x128x64xf32, #tpu.memory_space<vmem>> -> memref<128x64xf32, #tpu.memory_space<vmem>>
      %dma_wait3A_839 = arith.constant 0 : i32
      %dma_wait3A_840 = tpu.memref_slice %arg6[%dma_wait3A_833, %dma_wait3A_839] : memref<8x128xi32, #tpu.memory_space<vmem>> -> memref<1x128xi32, #tpu.memory_space<vmem>>
      %dma_wait3A_841 = tpu.memref_squeeze %dma_wait3A_840 : memref<1x128xi32, #tpu.memory_space<vmem>> -> memref<128xi32, #tpu.memory_space<vmem>>
      %dma_wait3A_842 = arith.constant 0 : i32
      %dma_wait3A_843 = arith.constant 0 : i32
      %dma_wait3A_844 = tpu.memref_slice %arg3[%dma_wait3A_842, %dma_wait3A_843] : memref<100000x64xf32, #tpu.memory_space<hbm>> -> memref<100000x64xf32, #tpu.memory_space<hbm>>
      tpu.wait_indirect_dma semaphore(%arg21 : memref<!tpu.dma_semaphore, #tpu.memory_space<semaphore_mem>>) src(%dma_wait3A_844 : memref<100000x64xf32, #tpu.memory_space<hbm>>) dst(%dma_wait3A_838 : memref<128x64xf32, #tpu.memory_space<vmem>>)
      %get3A_845 = arith.index_cast %add3A_809 : i32 to index
      %get3A_846 = arith.constant 0 : index
      %get3A_847 = tpu.vector_load %arg9[%get3A_845, %get3A_846] {strides = array<i32>} : memref<200x64xf32, #tpu.memory_space<vmem>>, vector<16xf32>,
      %get3A_848 = arith.index_cast %add3A_809 : i32 to index
      %get3A_849 = arith.constant 16 : index
      %get3A_850 = tpu.vector_load %arg9[%get3A_848, %get3A_849] {strides = array<i32>} : memref<200x64xf32, #tpu.memory_space<vmem>>, vector<16xf32>,
      %get3A_851 = arith.index_cast %add3A_809 : i32 to index
      %get3A_852 = arith.constant 32 : index
      %get3A_853 = tpu.vector_load %arg9[%get3A_851, %get3A_852] {strides = array<i32>} : memref<200x64xf32, #tpu.memory_space<vmem>>, vector<16xf32>,
      %get3A_854 = arith.index_cast %add3A_809 : i32 to index
      %get3A_855 = arith.constant 48 : index
      %get3A_856 = tpu.vector_load %arg9[%get3A_854, %get3A_855] {strides = array<i32>} : memref<200x64xf32, #tpu.memory_space<vmem>>, vector<16xf32>,
      %parallel_loop3A_857 = arith.constant 0 : i32
      %parallel_loop3A_858 = arith.constant 128 : i32
      %parallel_loop3A_859 = arith.constant 1 : i32
      scf.for %parallel_loop3A_1181 = %parallel_loop3A_857 to %parallel_loop3A_858 step %parallel_loop3A_859  : i32 {
        %parallel_loop3A_1182 = vector.broadcast %parallel_loop3A_1181 : i32 to vector<16xi32>
        %parallel_loop3A_1183 = arith.constant 3 : i32
        %parallel_loop3A_1184 = arith.index_cast %parallel_loop3A_1183 : i32 to index
        %parallel_loop3A_1185 = arith.index_cast %parallel_loop3A_1181 : i32 to index
        %parallel_loop3A_1186 = arith.constant 0 : index
        %parallel_loop3A_1187 = tpu.vector_load %arg7[%parallel_loop3A_1184, %parallel_loop3A_1185, %parallel_loop3A_1186] {strides = array<i32>} : memref<8x128x64xf32, #tpu.memory_space<vmem>>, vector<16xf32>,
        %parallel_loop3A_1188 = arith.addf %parallel_loop3A_1187, %get3A_847 : vector<16xf32>
        %parallel_loop3A_1189 = arith.constant 3 : i32
        %parallel_loop3A_1190 = arith.constant 0 : i32
        %parallel_loop3A_1191 = arith.constant 0 : i32
        %parallel_loop3A_1192 = arith.constant 0 : i32
        %parallel_loop3A_1193 = tpu.memref_slice %arg8[%parallel_loop3A_1189, %parallel_loop3A_1190, %parallel_loop3A_1191, %parallel_loop3A_1192] : memref<4x8x8x136xf32, #tpu.memory_space<vmem>> -> memref<1x8x8x136xf32, #tpu.memory_space<vmem>>
        %parallel_loop3A_1194 = tpu.memref_squeeze %parallel_loop3A_1193 : memref<1x8x8x136xf32, #tpu.memory_space<vmem>> -> memref<8x8x136xf32, #tpu.memory_space<vmem>>
        tpu.vector_store_idx %parallel_loop3A_1194[%select_n3A, %select_n3A_151, %parallel_loop3A_1182], %parallel_loop3A_1188 : memref<8x8x136xf32, #tpu.memory_space<vmem>>[vector<16xi32>, vector<16xi32>, vector<16xi32>], vector<16xf32>,
        %parallel_loop3A_1195 = arith.constant 3 : i32
        %parallel_loop3A_1196 = arith.index_cast %parallel_loop3A_1195 : i32 to index
        %parallel_loop3A_1197 = arith.index_cast %parallel_loop3A_1181 : i32 to index
        %parallel_loop3A_1198 = arith.constant 16 : index
        %parallel_loop3A_1199 = tpu.vector_load %arg7[%parallel_loop3A_1196, %parallel_loop3A_1197, %parallel_loop3A_1198] {strides = array<i32>} : memref<8x128x64xf32, #tpu.memory_space<vmem>>, vector<16xf32>,
        %parallel_loop3A_1200 = arith.addf %parallel_loop3A_1199, %get3A_850 : vector<16xf32>
        %parallel_loop3A_1201 = arith.constant 3 : i32
        %parallel_loop3A_1202 = arith.constant 0 : i32
        %parallel_loop3A_1203 = arith.constant 0 : i32
        %parallel_loop3A_1204 = arith.constant 0 : i32
        %parallel_loop3A_1205 = tpu.memref_slice %arg8[%parallel_loop3A_1201, %parallel_loop3A_1202, %parallel_loop3A_1203, %parallel_loop3A_1204] : memref<4x8x8x136xf32, #tpu.memory_space<vmem>> -> memref<1x8x8x136xf32, #tpu.memory_space<vmem>>
        %parallel_loop3A_1206 = tpu.memref_squeeze %parallel_loop3A_1205 : memref<1x8x8x136xf32, #tpu.memory_space<vmem>> -> memref<8x8x136xf32, #tpu.memory_space<vmem>>
        tpu.vector_store_idx %parallel_loop3A_1206[%select_n3A_60, %select_n3A_176, %parallel_loop3A_1182], %parallel_loop3A_1200 : memref<8x8x136xf32, #tpu.memory_space<vmem>>[vector<16xi32>, vector<16xi32>, vector<16xi32>], vector<16xf32>,
        %parallel_loop3A_1207 = arith.constant 3 : i32
        %parallel_loop3A_1208 = arith.index_cast %parallel_loop3A_1207 : i32 to index
        %parallel_loop3A_1209 = arith.index_cast %parallel_loop3A_1181 : i32 to index
        %parallel_loop3A_1210 = arith.constant 32 : index
        %parallel_loop3A_1211 = tpu.vector_load %arg7[%parallel_loop3A_1208, %parallel_loop3A_1209, %parallel_loop3A_1210] {strides = array<i32>} : memref<8x128x64xf32, #tpu.memory_space<vmem>>, vector<16xf32>,
        %parallel_loop3A_1212 = arith.addf %parallel_loop3A_1211, %get3A_853 : vector<16xf32>
        %parallel_loop3A_1213 = arith.constant 3 : i32
        %parallel_loop3A_1214 = arith.constant 0 : i32
        %parallel_loop3A_1215 = arith.constant 0 : i32
        %parallel_loop3A_1216 = arith.constant 0 : i32
        %parallel_loop3A_1217 = tpu.memref_slice %arg8[%parallel_loop3A_1213, %parallel_loop3A_1214, %parallel_loop3A_1215, %parallel_loop3A_1216] : memref<4x8x8x136xf32, #tpu.memory_space<vmem>> -> memref<1x8x8x136xf32, #tpu.memory_space<vmem>>
        %parallel_loop3A_1218 = tpu.memref_squeeze %parallel_loop3A_1217 : memref<1x8x8x136xf32, #tpu.memory_space<vmem>> -> memref<8x8x136xf32, #tpu.memory_space<vmem>>
        tpu.vector_store_idx %parallel_loop3A_1218[%select_n3A_94, %select_n3A_201, %parallel_loop3A_1182], %parallel_loop3A_1212 : memref<8x8x136xf32, #tpu.memory_space<vmem>>[vector<16xi32>, vector<16xi32>, vector<16xi32>], vector<16xf32>,
        %parallel_loop3A_1219 = arith.constant 3 : i32
        %parallel_loop3A_1220 = arith.index_cast %parallel_loop3A_1219 : i32 to index
        %parallel_loop3A_1221 = arith.index_cast %parallel_loop3A_1181 : i32 to index
        %parallel_loop3A_1222 = arith.constant 48 : index
        %parallel_loop3A_1223 = tpu.vector_load %arg7[%parallel_loop3A_1220, %parallel_loop3A_1221, %parallel_loop3A_1222] {strides = array<i32>} : memref<8x128x64xf32, #tpu.memory_space<vmem>>, vector<16xf32>,
        %parallel_loop3A_1224 = arith.addf %parallel_loop3A_1223, %get3A_856 : vector<16xf32>
        %parallel_loop3A_1225 = arith.constant 3 : i32
        %parallel_loop3A_1226 = arith.constant 0 : i32
        %parallel_loop3A_1227 = arith.constant 0 : i32
        %parallel_loop3A_1228 = arith.constant 0 : i32
        %parallel_loop3A_1229 = tpu.memref_slice %arg8[%parallel_loop3A_1225, %parallel_loop3A_1226, %parallel_loop3A_1227, %parallel_loop3A_1228] : memref<4x8x8x136xf32, #tpu.memory_space<vmem>> -> memref<1x8x8x136xf32, #tpu.memory_space<vmem>>
        %parallel_loop3A_1230 = tpu.memref_squeeze %parallel_loop3A_1229 : memref<1x8x8x136xf32, #tpu.memory_space<vmem>> -> memref<8x8x136xf32, #tpu.memory_space<vmem>>
        tpu.vector_store_idx %parallel_loop3A_1230[%select_n3A_128, %select_n3A_226, %parallel_loop3A_1182], %parallel_loop3A_1224 : memref<8x8x136xf32, #tpu.memory_space<vmem>>[vector<16xi32>, vector<16xi32>, vector<16xi32>], vector<16xf32>,
      } {sc.loop_unroll_factor = 4 : i64, sc.parallel_access}
      %dma_start3A_860 = arith.constant 3 : i32
      %dma_start3A_861 = arith.constant 0 : i32
      %dma_start3A_862 = arith.constant 0 : i32
      %dma_start3A_863 = arith.constant 0 : i32
      %dma_start3A_864 = tpu.memref_slice %arg8[%dma_start3A_860, %dma_start3A_861, %dma_start3A_862, %dma_start3A_863] : memref<4x8x8x136xf32, #tpu.memory_space<vmem>> -> memref<1x8x8x128xf32, #tpu.memory_space<vmem>>
      %dma_start3A_865 = tpu.memref_squeeze %dma_start3A_864 : memref<1x8x8x128xf32, #tpu.memory_space<vmem>> -> memref<8x8x128xf32, #tpu.memory_space<vmem>>
      %dma_start3A_866 = arith.constant 0 : i32
      %dma_start3A_867 = arith.constant 0 : i32
      %dma_start3A_868 = arith.constant 0 : i32
      %dma_start3A_869 = tpu.memref_slice %arg5[%add3A_809, %dma_start3A_866, %add3A, %dma_start3A_867, %dma_start3A_868] : memref<200x8x32x8x128xf32, #tpu.memory_space<hbm>> -> memref<1x8x1x8x128xf32, #tpu.memory_space<hbm>>
      %dma_start3A_870 = tpu.memref_squeeze %dma_start3A_869 : memref<1x8x1x8x128xf32, #tpu.memory_space<hbm>> -> memref<8x8x128xf32, #tpu.memory_space<hbm>>
      %dma_start3A_871 = arith.constant 0 : i32
      %dma_start3A_872 = arith.constant 0 : i32
      %dma_start3A_873 = arith.constant 0 : i32
      %dma_start3A_874 = tpu.memref_slice %arg5[%add3A_809, %dma_start3A_871, %add3A, %dma_start3A_872, %dma_start3A_873] : memref<200x8x32x8x128xf32, #tpu.memory_space<hbm>> -> memref<1x8x1x8x128xf32, #tpu.memory_space<hbm>>
      %dma_start3A_875 = tpu.memref_squeeze %dma_start3A_874 : memref<1x8x1x8x128xf32, #tpu.memory_space<hbm>> -> memref<8x8x128xf32, #tpu.memory_space<hbm>>
      %dma_start3A_876 = arith.constant 0 : i32
      %dma_start3A_877 = arith.constant 0 : i32
      %dma_start3A_878 = arith.constant 0 : i32
      %dma_start3A_879 = tpu.memref_slice %arg8[%dma_start3A_860, %dma_start3A_876, %dma_start3A_877, %dma_start3A_878] : memref<4x8x8x136xf32, #tpu.memory_space<vmem>> -> memref<1x8x8x128xf32, #tpu.memory_space<vmem>>
      %dma_start3A_880 = tpu.memref_squeeze %dma_start3A_879 : memref<1x8x8x128xf32, #tpu.memory_space<vmem>> -> memref<8x8x128xf32, #tpu.memory_space<vmem>>
      tpu.enqueue_dma source(%dma_start3A_880 : memref<8x8x128xf32, #tpu.memory_space<vmem>>) target(%dma_start3A_875 : memref<8x8x128xf32, #tpu.memory_space<hbm>>) target_semaphore(%arg29 : memref<!tpu.dma_semaphore, #tpu.memory_space<semaphore_mem>>)
      %mul3A_881 = arith.constant 8 : i32
      %mul3A_882 = arith.muli %mul3A_881, %scan3A_585 : i32
      %add3A_883 = arith.constant 4 : i32
      %add3A_884 = arith.addi %mul3A_882, %add3A_883 : i32
      %add3A_885 = arith.constant 8 : i32
      %add3A_886 = arith.addi %add3A_884, %add3A_885 : i32
      %sub3A_887 = arith.constant 1 : i32
      %sub3A_888 = arith.subi %add3A_886, %sub3A_887 : i32
      %lt3A_889 = arith.constant 200 : i32
      %lt3A_890 = arith.cmpi slt, %sub3A_888, %lt3A_889 : i32
      %convert_element_type3A_891 = arith.extui %lt3A_890 : i1 to i32
      %cond3A_892 = arith.constant 0 : i32
      %cond3A_893 = arith.cmpi ne, %convert_element_type3A_891, %cond3A_892 : i32
      scf.if %cond3A_893 {
        %add3A_1181 = arith.constant 8 : i32
        %add3A_1182 = arith.addi %add3A_884, %add3A_1181 : i32
        %sub3A_1183 = arith.constant 1 : i32
        %sub3A_1184 = arith.subi %add3A_1182, %sub3A_1183 : i32
        %jit3A_1185 = arith.constant 8 : i32
        %div3A_1186 = arith.divsi %sub3A_1184, %jit3A_1185 : i32
        %sign3A_1187 = arith.constant 0 : i32
        %sign3A_1188 = arith.cmpi sgt, %sub3A_1184, %sign3A_1187 : i32
        %sign3A_1189 = arith.extui %sign3A_1188 : i1 to i32
        %sign3A_1190 = arith.constant 0 : i32
        %sign3A_1191 = arith.cmpi slt, %sub3A_1184, %sign3A_1190 : i32
        %sign3A_1192 = arith.extui %sign3A_1191 : i1 to i32
        %sign3A_1193 = arith.subi %sign3A_1189, %sign3A_1192 : i32
        %sign3A_1194 = arith.constant 0 : i32
        %sign3A_1195 = arith.cmpi sgt, %jit3A_1185, %sign3A_1194 : i32
        %sign3A_1196 = arith.extui %sign3A_1195 : i1 to i32
        %sign3A_1197 = arith.constant 0 : i32
        %sign3A_1198 = arith.cmpi slt, %jit3A_1185, %sign3A_1197 : i32
        %sign3A_1199 = arith.extui %sign3A_1198 : i1 to i32
        %sign3A_1200 = arith.subi %sign3A_1196, %sign3A_1199 : i32
        %ne3A_1201 = arith.cmpi ne, %sign3A_1193, %sign3A_1200 : i32
        %rem3A_1202 = arith.remsi %sub3A_1184, %jit3A_1185 : i32
        %ne3A_1203 = arith.constant 0 : i32
        %ne3A_1204 = arith.cmpi ne, %rem3A_1202, %ne3A_1203 : i32
        %and3A_1205 = arith.andi %ne3A_1201, %ne3A_1204 : i1
        %sub3A_1206 = arith.constant 1 : i32
        %sub3A_1207 = arith.subi %div3A_1186, %sub3A_1206 : i32
        %select_n3A_1208 = arith.select %and3A_1205, %sub3A_1207, %div3A_1186 : i32
        %jit3A_1209 = arith.constant 8 : i32
        %eq3A_1210 = arith.constant 0 : i32
        %eq3A_1211 = arith.cmpi eq, %jit3A_1209, %eq3A_1210 : i32
        %jit3A_1212 = arith.constant 1 : i32
        %select_n3A_1213 = arith.select %eq3A_1211, %jit3A_1212, %jit3A_1209 : i32
        %rem3A_1214 = arith.remsi %sub3A_1184, %select_n3A_1213 : i32
        %ne3A_1215 = arith.constant 0 : i32
        %ne3A_1216 = arith.cmpi ne, %rem3A_1214, %ne3A_1215 : i32
        %lt3A_1217 = arith.constant 0 : i32
        %lt3A_1218 = arith.cmpi slt, %rem3A_1214, %lt3A_1217 : i32
        %lt3A_1219 = arith.constant 0 : i32
        %lt3A_1220 = arith.cmpi slt, %select_n3A_1213, %lt3A_1219 : i32
        %ne3A_1221 = arith.xori %lt3A_1218, %lt3A_1220 : i1
        %and3A_1222 = arith.andi %ne3A_1221, %ne3A_1216 : i1
        %add3A_1223 = arith.addi %rem3A_1214, %select_n3A_1213 : i32
        %select_n3A_1224 = arith.select %and3A_1222, %add3A_1223, %rem3A_1214 : i32
        %dma_start3A_1225 = arith.constant 3 : i32
        %dma_start3A_1226 = arith.constant 0 : i32
        %dma_start3A_1227 = tpu.memref_slice %arg6[%dma_start3A_1225, %dma_start3A_1226] : memref<8x128xi32, #tpu.memory_space<vmem>> -> memref<1x128xi32, #tpu.memory_space<vmem>>
        %dma_start3A_1228 = tpu.memref_squeeze %dma_start3A_1227 : memref<1x128xi32, #tpu.memory_space<vmem>> -> memref<128xi32, #tpu.memory_space<vmem>>
        %dma_start3A_1229 = arith.constant 0 : i32
        %dma_start3A_1230 = tpu.memref_slice %arg2[%select_n3A_1208, %add3A, %select_n3A_1224, %dma_start3A_1229] : memref<25x32x8x128xi32, #tpu.memory_space<hbm>> -> memref<1x1x1x128xi32, #tpu.memory_space<hbm>>
        %dma_start3A_1231 = tpu.memref_squeeze %dma_start3A_1230 : memref<1x1x1x128xi32, #tpu.memory_space<hbm>> -> memref<128xi32, #tpu.memory_space<hbm>>
        %dma_start3A_1232 = arith.constant 0 : i32
        %dma_start3A_1233 = tpu.memref_slice %arg6[%dma_start3A_1225, %dma_start3A_1232] : memref<8x128xi32, #tpu.memory_space<vmem>> -> memref<1x128xi32, #tpu.memory_space<vmem>>
        %dma_start3A_1234 = tpu.memref_squeeze %dma_start3A_1233 : memref<1x128xi32, #tpu.memory_space<vmem>> -> memref<128xi32, #tpu.memory_space<vmem>>
        %dma_start3A_1235 = arith.constant 0 : i32
        %dma_start3A_1236 = tpu.memref_slice %arg2[%select_n3A_1208, %add3A, %select_n3A_1224, %dma_start3A_1235] : memref<25x32x8x128xi32, #tpu.memory_space<hbm>> -> memref<1x1x1x128xi32, #tpu.memory_space<hbm>>
        %dma_start3A_1237 = tpu.memref_squeeze %dma_start3A_1236 : memref<1x1x1x128xi32, #tpu.memory_space<hbm>> -> memref<128xi32, #tpu.memory_space<hbm>>
        tpu.enqueue_dma source(%dma_start3A_1237 : memref<128xi32, #tpu.memory_space<hbm>>) target(%dma_start3A_1234 : memref<128xi32, #tpu.memory_space<vmem>>) target_semaphore(%arg13 : memref<!tpu.dma_semaphore, #tpu.memory_space<semaphore_mem>>)
      } else {
      }
      %add3A_894 = arith.constant 8 : i32
      %add3A_895 = arith.addi %add3A_884, %add3A_894 : i32
      %sub3A_896 = arith.constant 2 : i32
      %sub3A_897 = arith.subi %add3A_895, %sub3A_896 : i32
      %lt3A_898 = arith.constant 200 : i32
      %lt3A_899 = arith.cmpi slt, %sub3A_897, %lt3A_898 : i32
      %convert_element_type3A_900 = arith.extui %lt3A_899 : i1 to i32
      %cond3A_901 = arith.constant 0 : i32
      %cond3A_902 = arith.cmpi ne, %convert_element_type3A_900, %cond3A_901 : i32
      scf.if %cond3A_902 {
        %add3A_1181 = arith.constant 8 : i32
        %add3A_1182 = arith.addi %add3A_884, %add3A_1181 : i32
        %sub3A_1183 = arith.constant 2 : i32
        %sub3A_1184 = arith.subi %add3A_1182, %sub3A_1183 : i32
        %jit3A_1185 = arith.constant 8 : i32
        %div3A_1186 = arith.divsi %sub3A_1184, %jit3A_1185 : i32
        %sign3A_1187 = arith.constant 0 : i32
        %sign3A_1188 = arith.cmpi sgt, %sub3A_1184, %sign3A_1187 : i32
        %sign3A_1189 = arith.extui %sign3A_1188 : i1 to i32
        %sign3A_1190 = arith.constant 0 : i32
        %sign3A_1191 = arith.cmpi slt, %sub3A_1184, %sign3A_1190 : i32
        %sign3A_1192 = arith.extui %sign3A_1191 : i1 to i32
        %sign3A_1193 = arith.subi %sign3A_1189, %sign3A_1192 : i32
        %sign3A_1194 = arith.constant 0 : i32
        %sign3A_1195 = arith.cmpi sgt, %jit3A_1185, %sign3A_1194 : i32
        %sign3A_1196 = arith.extui %sign3A_1195 : i1 to i32
        %sign3A_1197 = arith.constant 0 : i32
        %sign3A_1198 = arith.cmpi slt, %jit3A_1185, %sign3A_1197 : i32
        %sign3A_1199 = arith.extui %sign3A_1198 : i1 to i32
        %sign3A_1200 = arith.subi %sign3A_1196, %sign3A_1199 : i32
        %ne3A_1201 = arith.cmpi ne, %sign3A_1193, %sign3A_1200 : i32
        %rem3A_1202 = arith.remsi %sub3A_1184, %jit3A_1185 : i32
        %ne3A_1203 = arith.constant 0 : i32
        %ne3A_1204 = arith.cmpi ne, %rem3A_1202, %ne3A_1203 : i32
        %and3A_1205 = arith.andi %ne3A_1201, %ne3A_1204 : i1
        %sub3A_1206 = arith.constant 1 : i32
        %sub3A_1207 = arith.subi %div3A_1186, %sub3A_1206 : i32
        %select_n3A_1208 = arith.select %and3A_1205, %sub3A_1207, %div3A_1186 : i32
        %jit3A_1209 = arith.constant 8 : i32
        %eq3A_1210 = arith.constant 0 : i32
        %eq3A_1211 = arith.cmpi eq, %jit3A_1209, %eq3A_1210 : i32
        %jit3A_1212 = arith.constant 1 : i32
        %select_n3A_1213 = arith.select %eq3A_1211, %jit3A_1212, %jit3A_1209 : i32
        %rem3A_1214 = arith.remsi %sub3A_1184, %select_n3A_1213 : i32
        %ne3A_1215 = arith.constant 0 : i32
        %ne3A_1216 = arith.cmpi ne, %rem3A_1214, %ne3A_1215 : i32
        %lt3A_1217 = arith.constant 0 : i32
        %lt3A_1218 = arith.cmpi slt, %rem3A_1214, %lt3A_1217 : i32
        %lt3A_1219 = arith.constant 0 : i32
        %lt3A_1220 = arith.cmpi slt, %select_n3A_1213, %lt3A_1219 : i32
        %ne3A_1221 = arith.xori %lt3A_1218, %lt3A_1220 : i1
        %and3A_1222 = arith.andi %ne3A_1221, %ne3A_1216 : i1
        %add3A_1223 = arith.addi %rem3A_1214, %select_n3A_1213 : i32
        %select_n3A_1224 = arith.select %and3A_1222, %add3A_1223, %rem3A_1214 : i32
        %dma_wait3A_1225 = arith.constant 2 : i32
        %dma_wait3A_1226 = arith.constant 0 : i32
        %dma_wait3A_1227 = tpu.memref_slice %arg6[%dma_wait3A_1225, %dma_wait3A_1226] : memref<8x128xi32, #tpu.memory_space<vmem>> -> memref<1x128xi32, #tpu.memory_space<vmem>>
        %dma_wait3A_1228 = tpu.memref_squeeze %dma_wait3A_1227 : memref<1x128xi32, #tpu.memory_space<vmem>> -> memref<128xi32, #tpu.memory_space<vmem>>
        %dma_wait3A_1229 = arith.constant 0 : i32
        %dma_wait3A_1230 = tpu.memref_slice %arg2[%select_n3A_1208, %add3A, %select_n3A_1224, %dma_wait3A_1229] : memref<25x32x8x128xi32, #tpu.memory_space<hbm>> -> memref<1x1x1x128xi32, #tpu.memory_space<hbm>>
        %dma_wait3A_1231 = tpu.memref_squeeze %dma_wait3A_1230 : memref<1x1x1x128xi32, #tpu.memory_space<hbm>> -> memref<128xi32, #tpu.memory_space<hbm>>
        %dma_wait3A_1232 = arith.constant 0 : i32
        %dma_wait3A_1233 = tpu.memref_slice %arg6[%dma_wait3A_1225, %dma_wait3A_1232] : memref<8x128xi32, #tpu.memory_space<vmem>> -> memref<1x128xi32, #tpu.memory_space<vmem>>
        %dma_wait3A_1234 = tpu.memref_squeeze %dma_wait3A_1233 : memref<1x128xi32, #tpu.memory_space<vmem>> -> memref<128xi32, #tpu.memory_space<vmem>>
        %dma_wait3A_1235 = arith.constant 0 : i32
        %dma_wait3A_1236 = tpu.memref_slice %arg2[%select_n3A_1208, %add3A, %select_n3A_1224, %dma_wait3A_1235] : memref<25x32x8x128xi32, #tpu.memory_space<hbm>> -> memref<1x1x1x128xi32, #tpu.memory_space<hbm>>
        %dma_wait3A_1237 = tpu.memref_squeeze %dma_wait3A_1236 : memref<1x1x1x128xi32, #tpu.memory_space<hbm>> -> memref<128xi32, #tpu.memory_space<hbm>>
        tpu.wait_dma2 semaphore(%arg12 : memref<!tpu.dma_semaphore, #tpu.memory_space<semaphore_mem>>) src(%dma_wait3A_1237 : memref<128xi32, #tpu.memory_space<hbm>>) dst(%dma_wait3A_1234 : memref<128xi32, #tpu.memory_space<vmem>>)
        %dma_start3A_1238 = arith.constant 2 : i32
        %dma_start3A_1239 = arith.constant 2 : i32
        %dma_start3A_1240 = arith.constant 0 : i32
        %dma_start3A_1241 = arith.constant 0 : i32
        %dma_start3A_1242 = tpu.memref_slice %arg7[%dma_start3A_1239, %dma_start3A_1240, %dma_start3A_1241] : memref<8x128x64xf32, #tpu.memory_space<vmem>> -> memref<1x128x64xf32, #tpu.memory_space<vmem>>
        %dma_start3A_1243 = tpu.memref_squeeze %dma_start3A_1242 : memref<1x128x64xf32, #tpu.memory_space<vmem>> -> memref<128x64xf32, #tpu.memory_space<vmem>>
        %dma_start3A_1244 = arith.constant 0 : i32
        %dma_start3A_1245 = tpu.memref_slice %arg6[%dma_start3A_1238, %dma_start3A_1244] : memref<8x128xi32, #tpu.memory_space<vmem>> -> memref<1x128xi32, #tpu.memory_space<vmem>>
        %dma_start3A_1246 = tpu.memref_squeeze %dma_start3A_1245 : memref<1x128xi32, #tpu.memory_space<vmem>> -> memref<128xi32, #tpu.memory_space<vmem>>
        %dma_start3A_1247 = arith.constant 0 : i32
        %dma_start3A_1248 = arith.constant 0 : i32
        %dma_start3A_1249 = tpu.memref_slice %arg3[%dma_start3A_1247, %dma_start3A_1248] : memref<100000x64xf32, #tpu.memory_space<hbm>> -> memref<100000x64xf32, #tpu.memory_space<hbm>>
        tpu.enqueue_indirect_dma source(%dma_start3A_1249 : memref<100000x64xf32, #tpu.memory_space<hbm>>) target(%dma_start3A_1243 : memref<128x64xf32, #tpu.memory_space<vmem>>) offsets(%dma_start3A_1246 : memref<128xi32, #tpu.memory_space<vmem>>) semaphore(%arg20 : memref<!tpu.dma_semaphore, #tpu.memory_space<semaphore_mem>>)
      } else {
      }
      %ge3A_903 = arith.constant 4 : i32
      %ge3A_904 = arith.cmpi sge, %add3A_884, %ge3A_903 : i32
      %convert_element_type3A_905 = arith.extui %ge3A_904 : i1 to i32
      %cond3A_906 = arith.constant 0 : i32
      %cond3A_907 = arith.cmpi ne, %convert_element_type3A_905, %cond3A_906 : i32
      scf.if %cond3A_907 {
        %sub3A_1181 = arith.constant 4 : i32
        %sub3A_1182 = arith.subi %add3A_884, %sub3A_1181 : i32
        %dma_wait3A_1183 = arith.constant 0 : i32
        %dma_wait3A_1184 = arith.constant 0 : i32
        %dma_wait3A_1185 = arith.constant 0 : i32
        %dma_wait3A_1186 = arith.constant 0 : i32
        %dma_wait3A_1187 = tpu.memref_slice %arg8[%dma_wait3A_1183, %dma_wait3A_1184, %dma_wait3A_1185, %dma_wait3A_1186] : memref<4x8x8x136xf32, #tpu.memory_space<vmem>> -> memref<1x8x8x128xf32, #tpu.memory_space<vmem>>
        %dma_wait3A_1188 = tpu.memref_squeeze %dma_wait3A_1187 : memref<1x8x8x128xf32, #tpu.memory_space<vmem>> -> memref<8x8x128xf32, #tpu.memory_space<vmem>>
        %dma_wait3A_1189 = arith.constant 0 : i32
        %dma_wait3A_1190 = arith.constant 0 : i32
        %dma_wait3A_1191 = arith.constant 0 : i32
        %dma_wait3A_1192 = tpu.memref_slice %arg5[%sub3A_1182, %dma_wait3A_1189, %add3A, %dma_wait3A_1190, %dma_wait3A_1191] : memref<200x8x32x8x128xf32, #tpu.memory_space<hbm>> -> memref<1x8x1x8x128xf32, #tpu.memory_space<hbm>>
        %dma_wait3A_1193 = tpu.memref_squeeze %dma_wait3A_1192 : memref<1x8x1x8x128xf32, #tpu.memory_space<hbm>> -> memref<8x8x128xf32, #tpu.memory_space<hbm>>
        %dma_wait3A_1194 = arith.constant 0 : i32
        %dma_wait3A_1195 = arith.constant 0 : i32
        %dma_wait3A_1196 = arith.constant 0 : i32
        %dma_wait3A_1197 = tpu.memref_slice %arg5[%sub3A_1182, %dma_wait3A_1194, %add3A, %dma_wait3A_1195, %dma_wait3A_1196] : memref<200x8x32x8x128xf32, #tpu.memory_space<hbm>> -> memref<1x8x1x8x128xf32, #tpu.memory_space<hbm>>
        %dma_wait3A_1198 = tpu.memref_squeeze %dma_wait3A_1197 : memref<1x8x1x8x128xf32, #tpu.memory_space<hbm>> -> memref<8x8x128xf32, #tpu.memory_space<hbm>>
        %dma_wait3A_1199 = arith.constant 0 : i32
        %dma_wait3A_1200 = arith.constant 0 : i32
        %dma_wait3A_1201 = arith.constant 0 : i32
        %dma_wait3A_1202 = tpu.memref_slice %arg8[%dma_wait3A_1183, %dma_wait3A_1199, %dma_wait3A_1200, %dma_wait3A_1201] : memref<4x8x8x136xf32, #tpu.memory_space<vmem>> -> memref<1x8x8x128xf32, #tpu.memory_space<vmem>>
        %dma_wait3A_1203 = tpu.memref_squeeze %dma_wait3A_1202 : memref<1x8x8x128xf32, #tpu.memory_space<vmem>> -> memref<8x8x128xf32, #tpu.memory_space<vmem>>
        tpu.wait_dma2 semaphore(%arg26 : memref<!tpu.dma_semaphore, #tpu.memory_space<semaphore_mem>>) src(%dma_wait3A_1203 : memref<8x8x128xf32, #tpu.memory_space<vmem>>) dst(%dma_wait3A_1198 : memref<8x8x128xf32, #tpu.memory_space<hbm>>)
      } else {
      }
      %dma_wait3A_908 = arith.constant 4 : i32
      %dma_wait3A_909 = arith.constant 4 : i32
      %dma_wait3A_910 = arith.constant 0 : i32
      %dma_wait3A_911 = arith.constant 0 : i32
      %dma_wait3A_912 = tpu.memref_slice %arg7[%dma_wait3A_909, %dma_wait3A_910, %dma_wait3A_911] : memref<8x128x64xf32, #tpu.memory_space<vmem>> -> memref<1x128x64xf32, #tpu.memory_space<vmem>>
      %dma_wait3A_913 = tpu.memref_squeeze %dma_wait3A_912 : memref<1x128x64xf32, #tpu.memory_space<vmem>> -> memref<128x64xf32, #tpu.memory_space<vmem>>
      %dma_wait3A_914 = arith.constant 0 : i32
      %dma_wait3A_915 = tpu.memref_slice %arg6[%dma_wait3A_908, %dma_wait3A_914] : memref<8x128xi32, #tpu.memory_space<vmem>> -> memref<1x128xi32, #tpu.memory_space<vmem>>
      %dma_wait3A_916 = tpu.memref_squeeze %dma_wait3A_915 : memref<1x128xi32, #tpu.memory_space<vmem>> -> memref<128xi32, #tpu.memory_space<vmem>>
      %dma_wait3A_917 = arith.constant 0 : i32
      %dma_wait3A_918 = arith.constant 0 : i32
      %dma_wait3A_919 = tpu.memref_slice %arg3[%dma_wait3A_917, %dma_wait3A_918] : memref<100000x64xf32, #tpu.memory_space<hbm>> -> memref<100000x64xf32, #tpu.memory_space<hbm>>
      tpu.wait_indirect_dma semaphore(%arg22 : memref<!tpu.dma_semaphore, #tpu.memory_space<semaphore_mem>>) src(%dma_wait3A_919 : memref<100000x64xf32, #tpu.memory_space<hbm>>) dst(%dma_wait3A_913 : memref<128x64xf32, #tpu.memory_space<vmem>>)
      %get3A_920 = arith.index_cast %add3A_884 : i32 to index
      %get3A_921 = arith.constant 0 : index
      %get3A_922 = tpu.vector_load %arg9[%get3A_920, %get3A_921] {strides = array<i32>} : memref<200x64xf32, #tpu.memory_space<vmem>>, vector<16xf32>,
      %get3A_923 = arith.index_cast %add3A_884 : i32 to index
      %get3A_924 = arith.constant 16 : index
      %get3A_925 = tpu.vector_load %arg9[%get3A_923, %get3A_924] {strides = array<i32>} : memref<200x64xf32, #tpu.memory_space<vmem>>, vector<16xf32>,
      %get3A_926 = arith.index_cast %add3A_884 : i32 to index
      %get3A_927 = arith.constant 32 : index
      %get3A_928 = tpu.vector_load %arg9[%get3A_926, %get3A_927] {strides = array<i32>} : memref<200x64xf32, #tpu.memory_space<vmem>>, vector<16xf32>,
      %get3A_929 = arith.index_cast %add3A_884 : i32 to index
      %get3A_930 = arith.constant 48 : index
      %get3A_931 = tpu.vector_load %arg9[%get3A_929, %get3A_930] {strides = array<i32>} : memref<200x64xf32, #tpu.memory_space<vmem>>, vector<16xf32>,
      %parallel_loop3A_932 = arith.constant 0 : i32
      %parallel_loop3A_933 = arith.constant 128 : i32
      %parallel_loop3A_934 = arith.constant 1 : i32
      scf.for %parallel_loop3A_1181 = %parallel_loop3A_932 to %parallel_loop3A_933 step %parallel_loop3A_934  : i32 {
        %parallel_loop3A_1182 = vector.broadcast %parallel_loop3A_1181 : i32 to vector<16xi32>
        %parallel_loop3A_1183 = arith.constant 4 : i32
        %parallel_loop3A_1184 = arith.index_cast %parallel_loop3A_1183 : i32 to index
        %parallel_loop3A_1185 = arith.index_cast %parallel_loop3A_1181 : i32 to index
        %parallel_loop3A_1186 = arith.constant 0 : index
        %parallel_loop3A_1187 = tpu.vector_load %arg7[%parallel_loop3A_1184, %parallel_loop3A_1185, %parallel_loop3A_1186] {strides = array<i32>} : memref<8x128x64xf32, #tpu.memory_space<vmem>>, vector<16xf32>,
        %parallel_loop3A_1188 = arith.addf %parallel_loop3A_1187, %get3A_922 : vector<16xf32>
        %parallel_loop3A_1189 = arith.constant 0 : i32
        %parallel_loop3A_1190 = arith.constant 0 : i32
        %parallel_loop3A_1191 = arith.constant 0 : i32
        %parallel_loop3A_1192 = arith.constant 0 : i32
        %parallel_loop3A_1193 = tpu.memref_slice %arg8[%parallel_loop3A_1189, %parallel_loop3A_1190, %parallel_loop3A_1191, %parallel_loop3A_1192] : memref<4x8x8x136xf32, #tpu.memory_space<vmem>> -> memref<1x8x8x136xf32, #tpu.memory_space<vmem>>
        %parallel_loop3A_1194 = tpu.memref_squeeze %parallel_loop3A_1193 : memref<1x8x8x136xf32, #tpu.memory_space<vmem>> -> memref<8x8x136xf32, #tpu.memory_space<vmem>>
        tpu.vector_store_idx %parallel_loop3A_1194[%select_n3A, %select_n3A_151, %parallel_loop3A_1182], %parallel_loop3A_1188 : memref<8x8x136xf32, #tpu.memory_space<vmem>>[vector<16xi32>, vector<16xi32>, vector<16xi32>], vector<16xf32>,
        %parallel_loop3A_1195 = arith.constant 4 : i32
        %parallel_loop3A_1196 = arith.index_cast %parallel_loop3A_1195 : i32 to index
        %parallel_loop3A_1197 = arith.index_cast %parallel_loop3A_1181 : i32 to index
        %parallel_loop3A_1198 = arith.constant 16 : index
        %parallel_loop3A_1199 = tpu.vector_load %arg7[%parallel_loop3A_1196, %parallel_loop3A_1197, %parallel_loop3A_1198] {strides = array<i32>} : memref<8x128x64xf32, #tpu.memory_space<vmem>>, vector<16xf32>,
        %parallel_loop3A_1200 = arith.addf %parallel_loop3A_1199, %get3A_925 : vector<16xf32>
        %parallel_loop3A_1201 = arith.constant 0 : i32
        %parallel_loop3A_1202 = arith.constant 0 : i32
        %parallel_loop3A_1203 = arith.constant 0 : i32
        %parallel_loop3A_1204 = arith.constant 0 : i32
        %parallel_loop3A_1205 = tpu.memref_slice %arg8[%parallel_loop3A_1201, %parallel_loop3A_1202, %parallel_loop3A_1203, %parallel_loop3A_1204] : memref<4x8x8x136xf32, #tpu.memory_space<vmem>> -> memref<1x8x8x136xf32, #tpu.memory_space<vmem>>
        %parallel_loop3A_1206 = tpu.memref_squeeze %parallel_loop3A_1205 : memref<1x8x8x136xf32, #tpu.memory_space<vmem>> -> memref<8x8x136xf32, #tpu.memory_space<vmem>>
        tpu.vector_store_idx %parallel_loop3A_1206[%select_n3A_60, %select_n3A_176, %parallel_loop3A_1182], %parallel_loop3A_1200 : memref<8x8x136xf32, #tpu.memory_space<vmem>>[vector<16xi32>, vector<16xi32>, vector<16xi32>], vector<16xf32>,
        %parallel_loop3A_1207 = arith.constant 4 : i32
        %parallel_loop3A_1208 = arith.index_cast %parallel_loop3A_1207 : i32 to index
        %parallel_loop3A_1209 = arith.index_cast %parallel_loop3A_1181 : i32 to index
        %parallel_loop3A_1210 = arith.constant 32 : index
        %parallel_loop3A_1211 = tpu.vector_load %arg7[%parallel_loop3A_1208, %parallel_loop3A_1209, %parallel_loop3A_1210] {strides = array<i32>} : memref<8x128x64xf32, #tpu.memory_space<vmem>>, vector<16xf32>,
        %parallel_loop3A_1212 = arith.addf %parallel_loop3A_1211, %get3A_928 : vector<16xf32>
        %parallel_loop3A_1213 = arith.constant 0 : i32
        %parallel_loop3A_1214 = arith.constant 0 : i32
        %parallel_loop3A_1215 = arith.constant 0 : i32
        %parallel_loop3A_1216 = arith.constant 0 : i32
        %parallel_loop3A_1217 = tpu.memref_slice %arg8[%parallel_loop3A_1213, %parallel_loop3A_1214, %parallel_loop3A_1215, %parallel_loop3A_1216] : memref<4x8x8x136xf32, #tpu.memory_space<vmem>> -> memref<1x8x8x136xf32, #tpu.memory_space<vmem>>
        %parallel_loop3A_1218 = tpu.memref_squeeze %parallel_loop3A_1217 : memref<1x8x8x136xf32, #tpu.memory_space<vmem>> -> memref<8x8x136xf32, #tpu.memory_space<vmem>>
        tpu.vector_store_idx %parallel_loop3A_1218[%select_n3A_94, %select_n3A_201, %parallel_loop3A_1182], %parallel_loop3A_1212 : memref<8x8x136xf32, #tpu.memory_space<vmem>>[vector<16xi32>, vector<16xi32>, vector<16xi32>], vector<16xf32>,
        %parallel_loop3A_1219 = arith.constant 4 : i32
        %parallel_loop3A_1220 = arith.index_cast %parallel_loop3A_1219 : i32 to index
        %parallel_loop3A_1221 = arith.index_cast %parallel_loop3A_1181 : i32 to index
        %parallel_loop3A_1222 = arith.constant 48 : index
        %parallel_loop3A_1223 = tpu.vector_load %arg7[%parallel_loop3A_1220, %parallel_loop3A_1221, %parallel_loop3A_1222] {strides = array<i32>} : memref<8x128x64xf32, #tpu.memory_space<vmem>>, vector<16xf32>,
        %parallel_loop3A_1224 = arith.addf %parallel_loop3A_1223, %get3A_931 : vector<16xf32>
        %parallel_loop3A_1225 = arith.constant 0 : i32
        %parallel_loop3A_1226 = arith.constant 0 : i32
        %parallel_loop3A_1227 = arith.constant 0 : i32
        %parallel_loop3A_1228 = arith.constant 0 : i32
        %parallel_loop3A_1229 = tpu.memref_slice %arg8[%parallel_loop3A_1225, %parallel_loop3A_1226, %parallel_loop3A_1227, %parallel_loop3A_1228] : memref<4x8x8x136xf32, #tpu.memory_space<vmem>> -> memref<1x8x8x136xf32, #tpu.memory_space<vmem>>
        %parallel_loop3A_1230 = tpu.memref_squeeze %parallel_loop3A_1229 : memref<1x8x8x136xf32, #tpu.memory_space<vmem>> -> memref<8x8x136xf32, #tpu.memory_space<vmem>>
        tpu.vector_store_idx %parallel_loop3A_1230[%select_n3A_128, %select_n3A_226, %parallel_loop3A_1182], %parallel_loop3A_1224 : memref<8x8x136xf32, #tpu.memory_space<vmem>>[vector<16xi32>, vector<16xi32>, vector<16xi32>], vector<16xf32>,
      } {sc.loop_unroll_factor = 4 : i64, sc.parallel_access}
      %dma_start3A_935 = arith.constant 0 : i32
      %dma_start3A_936 = arith.constant 0 : i32
      %dma_start3A_937 = arith.constant 0 : i32
      %dma_start3A_938 = arith.constant 0 : i32
      %dma_start3A_939 = tpu.memref_slice %arg8[%dma_start3A_935, %dma_start3A_936, %dma_start3A_937, %dma_start3A_938] : memref<4x8x8x136xf32, #tpu.memory_space<vmem>> -> memref<1x8x8x128xf32, #tpu.memory_space<vmem>>
      %dma_start3A_940 = tpu.memref_squeeze %dma_start3A_939 : memref<1x8x8x128xf32, #tpu.memory_space<vmem>> -> memref<8x8x128xf32, #tpu.memory_space<vmem>>
      %dma_start3A_941 = arith.constant 0 : i32
      %dma_start3A_942 = arith.constant 0 : i32
      %dma_start3A_943 = arith.constant 0 : i32
      %dma_start3A_944 = tpu.memref_slice %arg5[%add3A_884, %dma_start3A_941, %add3A, %dma_start3A_942, %dma_start3A_943] : memref<200x8x32x8x128xf32, #tpu.memory_space<hbm>> -> memref<1x8x1x8x128xf32, #tpu.memory_space<hbm>>
      %dma_start3A_945 = tpu.memref_squeeze %dma_start3A_944 : memref<1x8x1x8x128xf32, #tpu.memory_space<hbm>> -> memref<8x8x128xf32, #tpu.memory_space<hbm>>
      %dma_start3A_946 = arith.constant 0 : i32
      %dma_start3A_947 = arith.constant 0 : i32
      %dma_start3A_948 = arith.constant 0 : i32
      %dma_start3A_949 = tpu.memref_slice %arg5[%add3A_884, %dma_start3A_946, %add3A, %dma_start3A_947, %dma_start3A_948] : memref<200x8x32x8x128xf32, #tpu.memory_space<hbm>> -> memref<1x8x1x8x128xf32, #tpu.memory_space<hbm>>
      %dma_start3A_950 = tpu.memref_squeeze %dma_start3A_949 : memref<1x8x1x8x128xf32, #tpu.memory_space<hbm>> -> memref<8x8x128xf32, #tpu.memory_space<hbm>>
      %dma_start3A_951 = arith.constant 0 : i32
      %dma_start3A_952 = arith.constant 0 : i32
      %dma_start3A_953 = arith.constant 0 : i32
      %dma_start3A_954 = tpu.memref_slice %arg8[%dma_start3A_935, %dma_start3A_951, %dma_start3A_952, %dma_start3A_953] : memref<4x8x8x136xf32, #tpu.memory_space<vmem>> -> memref<1x8x8x128xf32, #tpu.memory_space<vmem>>
      %dma_start3A_955 = tpu.memref_squeeze %dma_start3A_954 : memref<1x8x8x128xf32, #tpu.memory_space<vmem>> -> memref<8x8x128xf32, #tpu.memory_space<vmem>>
      tpu.enqueue_dma source(%dma_start3A_955 : memref<8x8x128xf32, #tpu.memory_space<vmem>>) target(%dma_start3A_950 : memref<8x8x128xf32, #tpu.memory_space<hbm>>) target_semaphore(%arg26 : memref<!tpu.dma_semaphore, #tpu.memory_space<semaphore_mem>>)
      %mul3A_956 = arith.constant 8 : i32
      %mul3A_957 = arith.muli %mul3A_956, %scan3A_585 : i32
      %add3A_958 = arith.constant 5 : i32
      %add3A_959 = arith.addi %mul3A_957, %add3A_958 : i32
      %add3A_960 = arith.constant 8 : i32
      %add3A_961 = arith.addi %add3A_959, %add3A_960 : i32
      %sub3A_962 = arith.constant 1 : i32
      %sub3A_963 = arith.subi %add3A_961, %sub3A_962 : i32
      %lt3A_964 = arith.constant 200 : i32
      %lt3A_965 = arith.cmpi slt, %sub3A_963, %lt3A_964 : i32
      %convert_element_type3A_966 = arith.extui %lt3A_965 : i1 to i32
      %cond3A_967 = arith.constant 0 : i32
      %cond3A_968 = arith.cmpi ne, %convert_element_type3A_966, %cond3A_967 : i32
      scf.if %cond3A_968 {
        %add3A_1181 = arith.constant 8 : i32
        %add3A_1182 = arith.addi %add3A_959, %add3A_1181 : i32
        %sub3A_1183 = arith.constant 1 : i32
        %sub3A_1184 = arith.subi %add3A_1182, %sub3A_1183 : i32
        %jit3A_1185 = arith.constant 8 : i32
        %div3A_1186 = arith.divsi %sub3A_1184, %jit3A_1185 : i32
        %sign3A_1187 = arith.constant 0 : i32
        %sign3A_1188 = arith.cmpi sgt, %sub3A_1184, %sign3A_1187 : i32
        %sign3A_1189 = arith.extui %sign3A_1188 : i1 to i32
        %sign3A_1190 = arith.constant 0 : i32
        %sign3A_1191 = arith.cmpi slt, %sub3A_1184, %sign3A_1190 : i32
        %sign3A_1192 = arith.extui %sign3A_1191 : i1 to i32
        %sign3A_1193 = arith.subi %sign3A_1189, %sign3A_1192 : i32
        %sign3A_1194 = arith.constant 0 : i32
        %sign3A_1195 = arith.cmpi sgt, %jit3A_1185, %sign3A_1194 : i32
        %sign3A_1196 = arith.extui %sign3A_1195 : i1 to i32
        %sign3A_1197 = arith.constant 0 : i32
        %sign3A_1198 = arith.cmpi slt, %jit3A_1185, %sign3A_1197 : i32
        %sign3A_1199 = arith.extui %sign3A_1198 : i1 to i32
        %sign3A_1200 = arith.subi %sign3A_1196, %sign3A_1199 : i32
        %ne3A_1201 = arith.cmpi ne, %sign3A_1193, %sign3A_1200 : i32
        %rem3A_1202 = arith.remsi %sub3A_1184, %jit3A_1185 : i32
        %ne3A_1203 = arith.constant 0 : i32
        %ne3A_1204 = arith.cmpi ne, %rem3A_1202, %ne3A_1203 : i32
        %and3A_1205 = arith.andi %ne3A_1201, %ne3A_1204 : i1
        %sub3A_1206 = arith.constant 1 : i32
        %sub3A_1207 = arith.subi %div3A_1186, %sub3A_1206 : i32
        %select_n3A_1208 = arith.select %and3A_1205, %sub3A_1207, %div3A_1186 : i32
        %jit3A_1209 = arith.constant 8 : i32
        %eq3A_1210 = arith.constant 0 : i32
        %eq3A_1211 = arith.cmpi eq, %jit3A_1209, %eq3A_1210 : i32
        %jit3A_1212 = arith.constant 1 : i32
        %select_n3A_1213 = arith.select %eq3A_1211, %jit3A_1212, %jit3A_1209 : i32
        %rem3A_1214 = arith.remsi %sub3A_1184, %select_n3A_1213 : i32
        %ne3A_1215 = arith.constant 0 : i32
        %ne3A_1216 = arith.cmpi ne, %rem3A_1214, %ne3A_1215 : i32
        %lt3A_1217 = arith.constant 0 : i32
        %lt3A_1218 = arith.cmpi slt, %rem3A_1214, %lt3A_1217 : i32
        %lt3A_1219 = arith.constant 0 : i32
        %lt3A_1220 = arith.cmpi slt, %select_n3A_1213, %lt3A_1219 : i32
        %ne3A_1221 = arith.xori %lt3A_1218, %lt3A_1220 : i1
        %and3A_1222 = arith.andi %ne3A_1221, %ne3A_1216 : i1
        %add3A_1223 = arith.addi %rem3A_1214, %select_n3A_1213 : i32
        %select_n3A_1224 = arith.select %and3A_1222, %add3A_1223, %rem3A_1214 : i32
        %dma_start3A_1225 = arith.constant 4 : i32
        %dma_start3A_1226 = arith.constant 0 : i32
        %dma_start3A_1227 = tpu.memref_slice %arg6[%dma_start3A_1225, %dma_start3A_1226] : memref<8x128xi32, #tpu.memory_space<vmem>> -> memref<1x128xi32, #tpu.memory_space<vmem>>
        %dma_start3A_1228 = tpu.memref_squeeze %dma_start3A_1227 : memref<1x128xi32, #tpu.memory_space<vmem>> -> memref<128xi32, #tpu.memory_space<vmem>>
        %dma_start3A_1229 = arith.constant 0 : i32
        %dma_start3A_1230 = tpu.memref_slice %arg2[%select_n3A_1208, %add3A, %select_n3A_1224, %dma_start3A_1229] : memref<25x32x8x128xi32, #tpu.memory_space<hbm>> -> memref<1x1x1x128xi32, #tpu.memory_space<hbm>>
        %dma_start3A_1231 = tpu.memref_squeeze %dma_start3A_1230 : memref<1x1x1x128xi32, #tpu.memory_space<hbm>> -> memref<128xi32, #tpu.memory_space<hbm>>
        %dma_start3A_1232 = arith.constant 0 : i32
        %dma_start3A_1233 = tpu.memref_slice %arg6[%dma_start3A_1225, %dma_start3A_1232] : memref<8x128xi32, #tpu.memory_space<vmem>> -> memref<1x128xi32, #tpu.memory_space<vmem>>
        %dma_start3A_1234 = tpu.memref_squeeze %dma_start3A_1233 : memref<1x128xi32, #tpu.memory_space<vmem>> -> memref<128xi32, #tpu.memory_space<vmem>>
        %dma_start3A_1235 = arith.constant 0 : i32
        %dma_start3A_1236 = tpu.memref_slice %arg2[%select_n3A_1208, %add3A, %select_n3A_1224, %dma_start3A_1235] : memref<25x32x8x128xi32, #tpu.memory_space<hbm>> -> memref<1x1x1x128xi32, #tpu.memory_space<hbm>>
        %dma_start3A_1237 = tpu.memref_squeeze %dma_start3A_1236 : memref<1x1x1x128xi32, #tpu.memory_space<hbm>> -> memref<128xi32, #tpu.memory_space<hbm>>
        tpu.enqueue_dma source(%dma_start3A_1237 : memref<128xi32, #tpu.memory_space<hbm>>) target(%dma_start3A_1234 : memref<128xi32, #tpu.memory_space<vmem>>) target_semaphore(%arg14 : memref<!tpu.dma_semaphore, #tpu.memory_space<semaphore_mem>>)
      } else {
      }
      %add3A_969 = arith.constant 8 : i32
      %add3A_970 = arith.addi %add3A_959, %add3A_969 : i32
      %sub3A_971 = arith.constant 2 : i32
      %sub3A_972 = arith.subi %add3A_970, %sub3A_971 : i32
      %lt3A_973 = arith.constant 200 : i32
      %lt3A_974 = arith.cmpi slt, %sub3A_972, %lt3A_973 : i32
      %convert_element_type3A_975 = arith.extui %lt3A_974 : i1 to i32
      %cond3A_976 = arith.constant 0 : i32
      %cond3A_977 = arith.cmpi ne, %convert_element_type3A_975, %cond3A_976 : i32
      scf.if %cond3A_977 {
        %add3A_1181 = arith.constant 8 : i32
        %add3A_1182 = arith.addi %add3A_959, %add3A_1181 : i32
        %sub3A_1183 = arith.constant 2 : i32
        %sub3A_1184 = arith.subi %add3A_1182, %sub3A_1183 : i32
        %jit3A_1185 = arith.constant 8 : i32
        %div3A_1186 = arith.divsi %sub3A_1184, %jit3A_1185 : i32
        %sign3A_1187 = arith.constant 0 : i32
        %sign3A_1188 = arith.cmpi sgt, %sub3A_1184, %sign3A_1187 : i32
        %sign3A_1189 = arith.extui %sign3A_1188 : i1 to i32
        %sign3A_1190 = arith.constant 0 : i32
        %sign3A_1191 = arith.cmpi slt, %sub3A_1184, %sign3A_1190 : i32
        %sign3A_1192 = arith.extui %sign3A_1191 : i1 to i32
        %sign3A_1193 = arith.subi %sign3A_1189, %sign3A_1192 : i32
        %sign3A_1194 = arith.constant 0 : i32
        %sign3A_1195 = arith.cmpi sgt, %jit3A_1185, %sign3A_1194 : i32
        %sign3A_1196 = arith.extui %sign3A_1195 : i1 to i32
        %sign3A_1197 = arith.constant 0 : i32
        %sign3A_1198 = arith.cmpi slt, %jit3A_1185, %sign3A_1197 : i32
        %sign3A_1199 = arith.extui %sign3A_1198 : i1 to i32
        %sign3A_1200 = arith.subi %sign3A_1196, %sign3A_1199 : i32
        %ne3A_1201 = arith.cmpi ne, %sign3A_1193, %sign3A_1200 : i32
        %rem3A_1202 = arith.remsi %sub3A_1184, %jit3A_1185 : i32
        %ne3A_1203 = arith.constant 0 : i32
        %ne3A_1204 = arith.cmpi ne, %rem3A_1202, %ne3A_1203 : i32
        %and3A_1205 = arith.andi %ne3A_1201, %ne3A_1204 : i1
        %sub3A_1206 = arith.constant 1 : i32
        %sub3A_1207 = arith.subi %div3A_1186, %sub3A_1206 : i32
        %select_n3A_1208 = arith.select %and3A_1205, %sub3A_1207, %div3A_1186 : i32
        %jit3A_1209 = arith.constant 8 : i32
        %eq3A_1210 = arith.constant 0 : i32
        %eq3A_1211 = arith.cmpi eq, %jit3A_1209, %eq3A_1210 : i32
        %jit3A_1212 = arith.constant 1 : i32
        %select_n3A_1213 = arith.select %eq3A_1211, %jit3A_1212, %jit3A_1209 : i32
        %rem3A_1214 = arith.remsi %sub3A_1184, %select_n3A_1213 : i32
        %ne3A_1215 = arith.constant 0 : i32
        %ne3A_1216 = arith.cmpi ne, %rem3A_1214, %ne3A_1215 : i32
        %lt3A_1217 = arith.constant 0 : i32
        %lt3A_1218 = arith.cmpi slt, %rem3A_1214, %lt3A_1217 : i32
        %lt3A_1219 = arith.constant 0 : i32
        %lt3A_1220 = arith.cmpi slt, %select_n3A_1213, %lt3A_1219 : i32
        %ne3A_1221 = arith.xori %lt3A_1218, %lt3A_1220 : i1
        %and3A_1222 = arith.andi %ne3A_1221, %ne3A_1216 : i1
        %add3A_1223 = arith.addi %rem3A_1214, %select_n3A_1213 : i32
        %select_n3A_1224 = arith.select %and3A_1222, %add3A_1223, %rem3A_1214 : i32
        %dma_wait3A_1225 = arith.constant 3 : i32
        %dma_wait3A_1226 = arith.constant 0 : i32
        %dma_wait3A_1227 = tpu.memref_slice %arg6[%dma_wait3A_1225, %dma_wait3A_1226] : memref<8x128xi32, #tpu.memory_space<vmem>> -> memref<1x128xi32, #tpu.memory_space<vmem>>
        %dma_wait3A_1228 = tpu.memref_squeeze %dma_wait3A_1227 : memref<1x128xi32, #tpu.memory_space<vmem>> -> memref<128xi32, #tpu.memory_space<vmem>>
        %dma_wait3A_1229 = arith.constant 0 : i32
        %dma_wait3A_1230 = tpu.memref_slice %arg2[%select_n3A_1208, %add3A, %select_n3A_1224, %dma_wait3A_1229] : memref<25x32x8x128xi32, #tpu.memory_space<hbm>> -> memref<1x1x1x128xi32, #tpu.memory_space<hbm>>
        %dma_wait3A_1231 = tpu.memref_squeeze %dma_wait3A_1230 : memref<1x1x1x128xi32, #tpu.memory_space<hbm>> -> memref<128xi32, #tpu.memory_space<hbm>>
        %dma_wait3A_1232 = arith.constant 0 : i32
        %dma_wait3A_1233 = tpu.memref_slice %arg6[%dma_wait3A_1225, %dma_wait3A_1232] : memref<8x128xi32, #tpu.memory_space<vmem>> -> memref<1x128xi32, #tpu.memory_space<vmem>>
        %dma_wait3A_1234 = tpu.memref_squeeze %dma_wait3A_1233 : memref<1x128xi32, #tpu.memory_space<vmem>> -> memref<128xi32, #tpu.memory_space<vmem>>
        %dma_wait3A_1235 = arith.constant 0 : i32
        %dma_wait3A_1236 = tpu.memref_slice %arg2[%select_n3A_1208, %add3A, %select_n3A_1224, %dma_wait3A_1235] : memref<25x32x8x128xi32, #tpu.memory_space<hbm>> -> memref<1x1x1x128xi32, #tpu.memory_space<hbm>>
        %dma_wait3A_1237 = tpu.memref_squeeze %dma_wait3A_1236 : memref<1x1x1x128xi32, #tpu.memory_space<hbm>> -> memref<128xi32, #tpu.memory_space<hbm>>
        tpu.wait_dma2 semaphore(%arg13 : memref<!tpu.dma_semaphore, #tpu.memory_space<semaphore_mem>>) src(%dma_wait3A_1237 : memref<128xi32, #tpu.memory_space<hbm>>) dst(%dma_wait3A_1234 : memref<128xi32, #tpu.memory_space<vmem>>)
        %dma_start3A_1238 = arith.constant 3 : i32
        %dma_start3A_1239 = arith.constant 3 : i32
        %dma_start3A_1240 = arith.constant 0 : i32
        %dma_start3A_1241 = arith.constant 0 : i32
        %dma_start3A_1242 = tpu.memref_slice %arg7[%dma_start3A_1239, %dma_start3A_1240, %dma_start3A_1241] : memref<8x128x64xf32, #tpu.memory_space<vmem>> -> memref<1x128x64xf32, #tpu.memory_space<vmem>>
        %dma_start3A_1243 = tpu.memref_squeeze %dma_start3A_1242 : memref<1x128x64xf32, #tpu.memory_space<vmem>> -> memref<128x64xf32, #tpu.memory_space<vmem>>
        %dma_start3A_1244 = arith.constant 0 : i32
        %dma_start3A_1245 = tpu.memref_slice %arg6[%dma_start3A_1238, %dma_start3A_1244] : memref<8x128xi32, #tpu.memory_space<vmem>> -> memref<1x128xi32, #tpu.memory_space<vmem>>
        %dma_start3A_1246 = tpu.memref_squeeze %dma_start3A_1245 : memref<1x128xi32, #tpu.memory_space<vmem>> -> memref<128xi32, #tpu.memory_space<vmem>>
        %dma_start3A_1247 = arith.constant 0 : i32
        %dma_start3A_1248 = arith.constant 0 : i32
        %dma_start3A_1249 = tpu.memref_slice %arg3[%dma_start3A_1247, %dma_start3A_1248] : memref<100000x64xf32, #tpu.memory_space<hbm>> -> memref<100000x64xf32, #tpu.memory_space<hbm>>
        tpu.enqueue_indirect_dma source(%dma_start3A_1249 : memref<100000x64xf32, #tpu.memory_space<hbm>>) target(%dma_start3A_1243 : memref<128x64xf32, #tpu.memory_space<vmem>>) offsets(%dma_start3A_1246 : memref<128xi32, #tpu.memory_space<vmem>>) semaphore(%arg21 : memref<!tpu.dma_semaphore, #tpu.memory_space<semaphore_mem>>)
      } else {
      }
      %ge3A_978 = arith.constant 4 : i32
      %ge3A_979 = arith.cmpi sge, %add3A_959, %ge3A_978 : i32
      %convert_element_type3A_980 = arith.extui %ge3A_979 : i1 to i32
      %cond3A_981 = arith.constant 0 : i32
      %cond3A_982 = arith.cmpi ne, %convert_element_type3A_980, %cond3A_981 : i32
      scf.if %cond3A_982 {
        %sub3A_1181 = arith.constant 4 : i32
        %sub3A_1182 = arith.subi %add3A_959, %sub3A_1181 : i32
        %dma_wait3A_1183 = arith.constant 1 : i32
        %dma_wait3A_1184 = arith.constant 0 : i32
        %dma_wait3A_1185 = arith.constant 0 : i32
        %dma_wait3A_1186 = arith.constant 0 : i32
        %dma_wait3A_1187 = tpu.memref_slice %arg8[%dma_wait3A_1183, %dma_wait3A_1184, %dma_wait3A_1185, %dma_wait3A_1186] : memref<4x8x8x136xf32, #tpu.memory_space<vmem>> -> memref<1x8x8x128xf32, #tpu.memory_space<vmem>>
        %dma_wait3A_1188 = tpu.memref_squeeze %dma_wait3A_1187 : memref<1x8x8x128xf32, #tpu.memory_space<vmem>> -> memref<8x8x128xf32, #tpu.memory_space<vmem>>
        %dma_wait3A_1189 = arith.constant 0 : i32
        %dma_wait3A_1190 = arith.constant 0 : i32
        %dma_wait3A_1191 = arith.constant 0 : i32
        %dma_wait3A_1192 = tpu.memref_slice %arg5[%sub3A_1182, %dma_wait3A_1189, %add3A, %dma_wait3A_1190, %dma_wait3A_1191] : memref<200x8x32x8x128xf32, #tpu.memory_space<hbm>> -> memref<1x8x1x8x128xf32, #tpu.memory_space<hbm>>
        %dma_wait3A_1193 = tpu.memref_squeeze %dma_wait3A_1192 : memref<1x8x1x8x128xf32, #tpu.memory_space<hbm>> -> memref<8x8x128xf32, #tpu.memory_space<hbm>>
        %dma_wait3A_1194 = arith.constant 0 : i32
        %dma_wait3A_1195 = arith.constant 0 : i32
        %dma_wait3A_1196 = arith.constant 0 : i32
        %dma_wait3A_1197 = tpu.memref_slice %arg5[%sub3A_1182, %dma_wait3A_1194, %add3A, %dma_wait3A_1195, %dma_wait3A_1196] : memref<200x8x32x8x128xf32, #tpu.memory_space<hbm>> -> memref<1x8x1x8x128xf32, #tpu.memory_space<hbm>>
        %dma_wait3A_1198 = tpu.memref_squeeze %dma_wait3A_1197 : memref<1x8x1x8x128xf32, #tpu.memory_space<hbm>> -> memref<8x8x128xf32, #tpu.memory_space<hbm>>
        %dma_wait3A_1199 = arith.constant 0 : i32
        %dma_wait3A_1200 = arith.constant 0 : i32
        %dma_wait3A_1201 = arith.constant 0 : i32
        %dma_wait3A_1202 = tpu.memref_slice %arg8[%dma_wait3A_1183, %dma_wait3A_1199, %dma_wait3A_1200, %dma_wait3A_1201] : memref<4x8x8x136xf32, #tpu.memory_space<vmem>> -> memref<1x8x8x128xf32, #tpu.memory_space<vmem>>
        %dma_wait3A_1203 = tpu.memref_squeeze %dma_wait3A_1202 : memref<1x8x8x128xf32, #tpu.memory_space<vmem>> -> memref<8x8x128xf32, #tpu.memory_space<vmem>>
        tpu.wait_dma2 semaphore(%arg27 : memref<!tpu.dma_semaphore, #tpu.memory_space<semaphore_mem>>) src(%dma_wait3A_1203 : memref<8x8x128xf32, #tpu.memory_space<vmem>>) dst(%dma_wait3A_1198 : memref<8x8x128xf32, #tpu.memory_space<hbm>>)
      } else {
      }
      %dma_wait3A_983 = arith.constant 5 : i32
      %dma_wait3A_984 = arith.constant 5 : i32
      %dma_wait3A_985 = arith.constant 0 : i32
      %dma_wait3A_986 = arith.constant 0 : i32
      %dma_wait3A_987 = tpu.memref_slice %arg7[%dma_wait3A_984, %dma_wait3A_985, %dma_wait3A_986] : memref<8x128x64xf32, #tpu.memory_space<vmem>> -> memref<1x128x64xf32, #tpu.memory_space<vmem>>
      %dma_wait3A_988 = tpu.memref_squeeze %dma_wait3A_987 : memref<1x128x64xf32, #tpu.memory_space<vmem>> -> memref<128x64xf32, #tpu.memory_space<vmem>>
      %dma_wait3A_989 = arith.constant 0 : i32
      %dma_wait3A_990 = tpu.memref_slice %arg6[%dma_wait3A_983, %dma_wait3A_989] : memref<8x128xi32, #tpu.memory_space<vmem>> -> memref<1x128xi32, #tpu.memory_space<vmem>>
      %dma_wait3A_991 = tpu.memref_squeeze %dma_wait3A_990 : memref<1x128xi32, #tpu.memory_space<vmem>> -> memref<128xi32, #tpu.memory_space<vmem>>
      %dma_wait3A_992 = arith.constant 0 : i32
      %dma_wait3A_993 = arith.constant 0 : i32
      %dma_wait3A_994 = tpu.memref_slice %arg3[%dma_wait3A_992, %dma_wait3A_993] : memref<100000x64xf32, #tpu.memory_space<hbm>> -> memref<100000x64xf32, #tpu.memory_space<hbm>>
      tpu.wait_indirect_dma semaphore(%arg23 : memref<!tpu.dma_semaphore, #tpu.memory_space<semaphore_mem>>) src(%dma_wait3A_994 : memref<100000x64xf32, #tpu.memory_space<hbm>>) dst(%dma_wait3A_988 : memref<128x64xf32, #tpu.memory_space<vmem>>)
      %get3A_995 = arith.index_cast %add3A_959 : i32 to index
      %get3A_996 = arith.constant 0 : index
      %get3A_997 = tpu.vector_load %arg9[%get3A_995, %get3A_996] {strides = array<i32>} : memref<200x64xf32, #tpu.memory_space<vmem>>, vector<16xf32>,
      %get3A_998 = arith.index_cast %add3A_959 : i32 to index
      %get3A_999 = arith.constant 16 : index
      %get3A_1000 = tpu.vector_load %arg9[%get3A_998, %get3A_999] {strides = array<i32>} : memref<200x64xf32, #tpu.memory_space<vmem>>, vector<16xf32>,
      %get3A_1001 = arith.index_cast %add3A_959 : i32 to index
      %get3A_1002 = arith.constant 32 : index
      %get3A_1003 = tpu.vector_load %arg9[%get3A_1001, %get3A_1002] {strides = array<i32>} : memref<200x64xf32, #tpu.memory_space<vmem>>, vector<16xf32>,
      %get3A_1004 = arith.index_cast %add3A_959 : i32 to index
      %get3A_1005 = arith.constant 48 : index
      %get3A_1006 = tpu.vector_load %arg9[%get3A_1004, %get3A_1005] {strides = array<i32>} : memref<200x64xf32, #tpu.memory_space<vmem>>, vector<16xf32>,
      %parallel_loop3A_1007 = arith.constant 0 : i32
      %parallel_loop3A_1008 = arith.constant 128 : i32
      %parallel_loop3A_1009 = arith.constant 1 : i32
      scf.for %parallel_loop3A_1181 = %parallel_loop3A_1007 to %parallel_loop3A_1008 step %parallel_loop3A_1009  : i32 {
        %parallel_loop3A_1182 = vector.broadcast %parallel_loop3A_1181 : i32 to vector<16xi32>
        %parallel_loop3A_1183 = arith.constant 5 : i32
        %parallel_loop3A_1184 = arith.index_cast %parallel_loop3A_1183 : i32 to index
        %parallel_loop3A_1185 = arith.index_cast %parallel_loop3A_1181 : i32 to index
        %parallel_loop3A_1186 = arith.constant 0 : index
        %parallel_loop3A_1187 = tpu.vector_load %arg7[%parallel_loop3A_1184, %parallel_loop3A_1185, %parallel_loop3A_1186] {strides = array<i32>} : memref<8x128x64xf32, #tpu.memory_space<vmem>>, vector<16xf32>,
        %parallel_loop3A_1188 = arith.addf %parallel_loop3A_1187, %get3A_997 : vector<16xf32>
        %parallel_loop3A_1189 = arith.constant 1 : i32
        %parallel_loop3A_1190 = arith.constant 0 : i32
        %parallel_loop3A_1191 = arith.constant 0 : i32
        %parallel_loop3A_1192 = arith.constant 0 : i32
        %parallel_loop3A_1193 = tpu.memref_slice %arg8[%parallel_loop3A_1189, %parallel_loop3A_1190, %parallel_loop3A_1191, %parallel_loop3A_1192] : memref<4x8x8x136xf32, #tpu.memory_space<vmem>> -> memref<1x8x8x136xf32, #tpu.memory_space<vmem>>
        %parallel_loop3A_1194 = tpu.memref_squeeze %parallel_loop3A_1193 : memref<1x8x8x136xf32, #tpu.memory_space<vmem>> -> memref<8x8x136xf32, #tpu.memory_space<vmem>>
        tpu.vector_store_idx %parallel_loop3A_1194[%select_n3A, %select_n3A_151, %parallel_loop3A_1182], %parallel_loop3A_1188 : memref<8x8x136xf32, #tpu.memory_space<vmem>>[vector<16xi32>, vector<16xi32>, vector<16xi32>], vector<16xf32>,
        %parallel_loop3A_1195 = arith.constant 5 : i32
        %parallel_loop3A_1196 = arith.index_cast %parallel_loop3A_1195 : i32 to index
        %parallel_loop3A_1197 = arith.index_cast %parallel_loop3A_1181 : i32 to index
        %parallel_loop3A_1198 = arith.constant 16 : index
        %parallel_loop3A_1199 = tpu.vector_load %arg7[%parallel_loop3A_1196, %parallel_loop3A_1197, %parallel_loop3A_1198] {strides = array<i32>} : memref<8x128x64xf32, #tpu.memory_space<vmem>>, vector<16xf32>,
        %parallel_loop3A_1200 = arith.addf %parallel_loop3A_1199, %get3A_1000 : vector<16xf32>
        %parallel_loop3A_1201 = arith.constant 1 : i32
        %parallel_loop3A_1202 = arith.constant 0 : i32
        %parallel_loop3A_1203 = arith.constant 0 : i32
        %parallel_loop3A_1204 = arith.constant 0 : i32
        %parallel_loop3A_1205 = tpu.memref_slice %arg8[%parallel_loop3A_1201, %parallel_loop3A_1202, %parallel_loop3A_1203, %parallel_loop3A_1204] : memref<4x8x8x136xf32, #tpu.memory_space<vmem>> -> memref<1x8x8x136xf32, #tpu.memory_space<vmem>>
        %parallel_loop3A_1206 = tpu.memref_squeeze %parallel_loop3A_1205 : memref<1x8x8x136xf32, #tpu.memory_space<vmem>> -> memref<8x8x136xf32, #tpu.memory_space<vmem>>
        tpu.vector_store_idx %parallel_loop3A_1206[%select_n3A_60, %select_n3A_176, %parallel_loop3A_1182], %parallel_loop3A_1200 : memref<8x8x136xf32, #tpu.memory_space<vmem>>[vector<16xi32>, vector<16xi32>, vector<16xi32>], vector<16xf32>,
        %parallel_loop3A_1207 = arith.constant 5 : i32
        %parallel_loop3A_1208 = arith.index_cast %parallel_loop3A_1207 : i32 to index
        %parallel_loop3A_1209 = arith.index_cast %parallel_loop3A_1181 : i32 to index
        %parallel_loop3A_1210 = arith.constant 32 : index
        %parallel_loop3A_1211 = tpu.vector_load %arg7[%parallel_loop3A_1208, %parallel_loop3A_1209, %parallel_loop3A_1210] {strides = array<i32>} : memref<8x128x64xf32, #tpu.memory_space<vmem>>, vector<16xf32>,
        %parallel_loop3A_1212 = arith.addf %parallel_loop3A_1211, %get3A_1003 : vector<16xf32>
        %parallel_loop3A_1213 = arith.constant 1 : i32
        %parallel_loop3A_1214 = arith.constant 0 : i32
        %parallel_loop3A_1215 = arith.constant 0 : i32
        %parallel_loop3A_1216 = arith.constant 0 : i32
        %parallel_loop3A_1217 = tpu.memref_slice %arg8[%parallel_loop3A_1213, %parallel_loop3A_1214, %parallel_loop3A_1215, %parallel_loop3A_1216] : memref<4x8x8x136xf32, #tpu.memory_space<vmem>> -> memref<1x8x8x136xf32, #tpu.memory_space<vmem>>
        %parallel_loop3A_1218 = tpu.memref_squeeze %parallel_loop3A_1217 : memref<1x8x8x136xf32, #tpu.memory_space<vmem>> -> memref<8x8x136xf32, #tpu.memory_space<vmem>>
        tpu.vector_store_idx %parallel_loop3A_1218[%select_n3A_94, %select_n3A_201, %parallel_loop3A_1182], %parallel_loop3A_1212 : memref<8x8x136xf32, #tpu.memory_space<vmem>>[vector<16xi32>, vector<16xi32>, vector<16xi32>], vector<16xf32>,
        %parallel_loop3A_1219 = arith.constant 5 : i32
        %parallel_loop3A_1220 = arith.index_cast %parallel_loop3A_1219 : i32 to index
        %parallel_loop3A_1221 = arith.index_cast %parallel_loop3A_1181 : i32 to index
        %parallel_loop3A_1222 = arith.constant 48 : index
        %parallel_loop3A_1223 = tpu.vector_load %arg7[%parallel_loop3A_1220, %parallel_loop3A_1221, %parallel_loop3A_1222] {strides = array<i32>} : memref<8x128x64xf32, #tpu.memory_space<vmem>>, vector<16xf32>,
        %parallel_loop3A_1224 = arith.addf %parallel_loop3A_1223, %get3A_1006 : vector<16xf32>
        %parallel_loop3A_1225 = arith.constant 1 : i32
        %parallel_loop3A_1226 = arith.constant 0 : i32
        %parallel_loop3A_1227 = arith.constant 0 : i32
        %parallel_loop3A_1228 = arith.constant 0 : i32
        %parallel_loop3A_1229 = tpu.memref_slice %arg8[%parallel_loop3A_1225, %parallel_loop3A_1226, %parallel_loop3A_1227, %parallel_loop3A_1228] : memref<4x8x8x136xf32, #tpu.memory_space<vmem>> -> memref<1x8x8x136xf32, #tpu.memory_space<vmem>>
        %parallel_loop3A_1230 = tpu.memref_squeeze %parallel_loop3A_1229 : memref<1x8x8x136xf32, #tpu.memory_space<vmem>> -> memref<8x8x136xf32, #tpu.memory_space<vmem>>
        tpu.vector_store_idx %parallel_loop3A_1230[%select_n3A_128, %select_n3A_226, %parallel_loop3A_1182], %parallel_loop3A_1224 : memref<8x8x136xf32, #tpu.memory_space<vmem>>[vector<16xi32>, vector<16xi32>, vector<16xi32>], vector<16xf32>,
      } {sc.loop_unroll_factor = 4 : i64, sc.parallel_access}
      %dma_start3A_1010 = arith.constant 1 : i32
      %dma_start3A_1011 = arith.constant 0 : i32
      %dma_start3A_1012 = arith.constant 0 : i32
      %dma_start3A_1013 = arith.constant 0 : i32
      %dma_start3A_1014 = tpu.memref_slice %arg8[%dma_start3A_1010, %dma_start3A_1011, %dma_start3A_1012, %dma_start3A_1013] : memref<4x8x8x136xf32, #tpu.memory_space<vmem>> -> memref<1x8x8x128xf32, #tpu.memory_space<vmem>>
      %dma_start3A_1015 = tpu.memref_squeeze %dma_start3A_1014 : memref<1x8x8x128xf32, #tpu.memory_space<vmem>> -> memref<8x8x128xf32, #tpu.memory_space<vmem>>
      %dma_start3A_1016 = arith.constant 0 : i32
      %dma_start3A_1017 = arith.constant 0 : i32
      %dma_start3A_1018 = arith.constant 0 : i32
      %dma_start3A_1019 = tpu.memref_slice %arg5[%add3A_959, %dma_start3A_1016, %add3A, %dma_start3A_1017, %dma_start3A_1018] : memref<200x8x32x8x128xf32, #tpu.memory_space<hbm>> -> memref<1x8x1x8x128xf32, #tpu.memory_space<hbm>>
      %dma_start3A_1020 = tpu.memref_squeeze %dma_start3A_1019 : memref<1x8x1x8x128xf32, #tpu.memory_space<hbm>> -> memref<8x8x128xf32, #tpu.memory_space<hbm>>
      %dma_start3A_1021 = arith.constant 0 : i32
      %dma_start3A_1022 = arith.constant 0 : i32
      %dma_start3A_1023 = arith.constant 0 : i32
      %dma_start3A_1024 = tpu.memref_slice %arg5[%add3A_959, %dma_start3A_1021, %add3A, %dma_start3A_1022, %dma_start3A_1023] : memref<200x8x32x8x128xf32, #tpu.memory_space<hbm>> -> memref<1x8x1x8x128xf32, #tpu.memory_space<hbm>>
      %dma_start3A_1025 = tpu.memref_squeeze %dma_start3A_1024 : memref<1x8x1x8x128xf32, #tpu.memory_space<hbm>> -> memref<8x8x128xf32, #tpu.memory_space<hbm>>
      %dma_start3A_1026 = arith.constant 0 : i32
      %dma_start3A_1027 = arith.constant 0 : i32
      %dma_start3A_1028 = arith.constant 0 : i32
      %dma_start3A_1029 = tpu.memref_slice %arg8[%dma_start3A_1010, %dma_start3A_1026, %dma_start3A_1027, %dma_start3A_1028] : memref<4x8x8x136xf32, #tpu.memory_space<vmem>> -> memref<1x8x8x128xf32, #tpu.memory_space<vmem>>
      %dma_start3A_1030 = tpu.memref_squeeze %dma_start3A_1029 : memref<1x8x8x128xf32, #tpu.memory_space<vmem>> -> memref<8x8x128xf32, #tpu.memory_space<vmem>>
      tpu.enqueue_dma source(%dma_start3A_1030 : memref<8x8x128xf32, #tpu.memory_space<vmem>>) target(%dma_start3A_1025 : memref<8x8x128xf32, #tpu.memory_space<hbm>>) target_semaphore(%arg27 : memref<!tpu.dma_semaphore, #tpu.memory_space<semaphore_mem>>)
      %mul3A_1031 = arith.constant 8 : i32
      %mul3A_1032 = arith.muli %mul3A_1031, %scan3A_585 : i32
      %add3A_1033 = arith.constant 6 : i32
      %add3A_1034 = arith.addi %mul3A_1032, %add3A_1033 : i32
      %add3A_1035 = arith.constant 8 : i32
      %add3A_1036 = arith.addi %add3A_1034, %add3A_1035 : i32
      %sub3A_1037 = arith.constant 1 : i32
      %sub3A_1038 = arith.subi %add3A_1036, %sub3A_1037 : i32
      %lt3A_1039 = arith.constant 200 : i32
      %lt3A_1040 = arith.cmpi slt, %sub3A_1038, %lt3A_1039 : i32
      %convert_element_type3A_1041 = arith.extui %lt3A_1040 : i1 to i32
      %cond3A_1042 = arith.constant 0 : i32
      %cond3A_1043 = arith.cmpi ne, %convert_element_type3A_1041, %cond3A_1042 : i32
      scf.if %cond3A_1043 {
        %add3A_1181 = arith.constant 8 : i32
        %add3A_1182 = arith.addi %add3A_1034, %add3A_1181 : i32
        %sub3A_1183 = arith.constant 1 : i32
        %sub3A_1184 = arith.subi %add3A_1182, %sub3A_1183 : i32
        %jit3A_1185 = arith.constant 8 : i32
        %div3A_1186 = arith.divsi %sub3A_1184, %jit3A_1185 : i32
        %sign3A_1187 = arith.constant 0 : i32
        %sign3A_1188 = arith.cmpi sgt, %sub3A_1184, %sign3A_1187 : i32
        %sign3A_1189 = arith.extui %sign3A_1188 : i1 to i32
        %sign3A_1190 = arith.constant 0 : i32
        %sign3A_1191 = arith.cmpi slt, %sub3A_1184, %sign3A_1190 : i32
        %sign3A_1192 = arith.extui %sign3A_1191 : i1 to i32
        %sign3A_1193 = arith.subi %sign3A_1189, %sign3A_1192 : i32
        %sign3A_1194 = arith.constant 0 : i32
        %sign3A_1195 = arith.cmpi sgt, %jit3A_1185, %sign3A_1194 : i32
        %sign3A_1196 = arith.extui %sign3A_1195 : i1 to i32
        %sign3A_1197 = arith.constant 0 : i32
        %sign3A_1198 = arith.cmpi slt, %jit3A_1185, %sign3A_1197 : i32
        %sign3A_1199 = arith.extui %sign3A_1198 : i1 to i32
        %sign3A_1200 = arith.subi %sign3A_1196, %sign3A_1199 : i32
        %ne3A_1201 = arith.cmpi ne, %sign3A_1193, %sign3A_1200 : i32
        %rem3A_1202 = arith.remsi %sub3A_1184, %jit3A_1185 : i32
        %ne3A_1203 = arith.constant 0 : i32
        %ne3A_1204 = arith.cmpi ne, %rem3A_1202, %ne3A_1203 : i32
        %and3A_1205 = arith.andi %ne3A_1201, %ne3A_1204 : i1
        %sub3A_1206 = arith.constant 1 : i32
        %sub3A_1207 = arith.subi %div3A_1186, %sub3A_1206 : i32
        %select_n3A_1208 = arith.select %and3A_1205, %sub3A_1207, %div3A_1186 : i32
        %jit3A_1209 = arith.constant 8 : i32
        %eq3A_1210 = arith.constant 0 : i32
        %eq3A_1211 = arith.cmpi eq, %jit3A_1209, %eq3A_1210 : i32
        %jit3A_1212 = arith.constant 1 : i32
        %select_n3A_1213 = arith.select %eq3A_1211, %jit3A_1212, %jit3A_1209 : i32
        %rem3A_1214 = arith.remsi %sub3A_1184, %select_n3A_1213 : i32
        %ne3A_1215 = arith.constant 0 : i32
        %ne3A_1216 = arith.cmpi ne, %rem3A_1214, %ne3A_1215 : i32
        %lt3A_1217 = arith.constant 0 : i32
        %lt3A_1218 = arith.cmpi slt, %rem3A_1214, %lt3A_1217 : i32
        %lt3A_1219 = arith.constant 0 : i32
        %lt3A_1220 = arith.cmpi slt, %select_n3A_1213, %lt3A_1219 : i32
        %ne3A_1221 = arith.xori %lt3A_1218, %lt3A_1220 : i1
        %and3A_1222 = arith.andi %ne3A_1221, %ne3A_1216 : i1
        %add3A_1223 = arith.addi %rem3A_1214, %select_n3A_1213 : i32
        %select_n3A_1224 = arith.select %and3A_1222, %add3A_1223, %rem3A_1214 : i32
        %dma_start3A_1225 = arith.constant 5 : i32
        %dma_start3A_1226 = arith.constant 0 : i32
        %dma_start3A_1227 = tpu.memref_slice %arg6[%dma_start3A_1225, %dma_start3A_1226] : memref<8x128xi32, #tpu.memory_space<vmem>> -> memref<1x128xi32, #tpu.memory_space<vmem>>
        %dma_start3A_1228 = tpu.memref_squeeze %dma_start3A_1227 : memref<1x128xi32, #tpu.memory_space<vmem>> -> memref<128xi32, #tpu.memory_space<vmem>>
        %dma_start3A_1229 = arith.constant 0 : i32
        %dma_start3A_1230 = tpu.memref_slice %arg2[%select_n3A_1208, %add3A, %select_n3A_1224, %dma_start3A_1229] : memref<25x32x8x128xi32, #tpu.memory_space<hbm>> -> memref<1x1x1x128xi32, #tpu.memory_space<hbm>>
        %dma_start3A_1231 = tpu.memref_squeeze %dma_start3A_1230 : memref<1x1x1x128xi32, #tpu.memory_space<hbm>> -> memref<128xi32, #tpu.memory_space<hbm>>
        %dma_start3A_1232 = arith.constant 0 : i32
        %dma_start3A_1233 = tpu.memref_slice %arg6[%dma_start3A_1225, %dma_start3A_1232] : memref<8x128xi32, #tpu.memory_space<vmem>> -> memref<1x128xi32, #tpu.memory_space<vmem>>
        %dma_start3A_1234 = tpu.memref_squeeze %dma_start3A_1233 : memref<1x128xi32, #tpu.memory_space<vmem>> -> memref<128xi32, #tpu.memory_space<vmem>>
        %dma_start3A_1235 = arith.constant 0 : i32
        %dma_start3A_1236 = tpu.memref_slice %arg2[%select_n3A_1208, %add3A, %select_n3A_1224, %dma_start3A_1235] : memref<25x32x8x128xi32, #tpu.memory_space<hbm>> -> memref<1x1x1x128xi32, #tpu.memory_space<hbm>>
        %dma_start3A_1237 = tpu.memref_squeeze %dma_start3A_1236 : memref<1x1x1x128xi32, #tpu.memory_space<hbm>> -> memref<128xi32, #tpu.memory_space<hbm>>
        tpu.enqueue_dma source(%dma_start3A_1237 : memref<128xi32, #tpu.memory_space<hbm>>) target(%dma_start3A_1234 : memref<128xi32, #tpu.memory_space<vmem>>) target_semaphore(%arg15 : memref<!tpu.dma_semaphore, #tpu.memory_space<semaphore_mem>>)
      } else {
      }
      %add3A_1044 = arith.constant 8 : i32
      %add3A_1045 = arith.addi %add3A_1034, %add3A_1044 : i32
      %sub3A_1046 = arith.constant 2 : i32
      %sub3A_1047 = arith.subi %add3A_1045, %sub3A_1046 : i32
      %lt3A_1048 = arith.constant 200 : i32
      %lt3A_1049 = arith.cmpi slt, %sub3A_1047, %lt3A_1048 : i32
      %convert_element_type3A_1050 = arith.extui %lt3A_1049 : i1 to i32
      %cond3A_1051 = arith.constant 0 : i32
      %cond3A_1052 = arith.cmpi ne, %convert_element_type3A_1050, %cond3A_1051 : i32
      scf.if %cond3A_1052 {
        %add3A_1181 = arith.constant 8 : i32
        %add3A_1182 = arith.addi %add3A_1034, %add3A_1181 : i32
        %sub3A_1183 = arith.constant 2 : i32
        %sub3A_1184 = arith.subi %add3A_1182, %sub3A_1183 : i32
        %jit3A_1185 = arith.constant 8 : i32
        %div3A_1186 = arith.divsi %sub3A_1184, %jit3A_1185 : i32
        %sign3A_1187 = arith.constant 0 : i32
        %sign3A_1188 = arith.cmpi sgt, %sub3A_1184, %sign3A_1187 : i32
        %sign3A_1189 = arith.extui %sign3A_1188 : i1 to i32
        %sign3A_1190 = arith.constant 0 : i32
        %sign3A_1191 = arith.cmpi slt, %sub3A_1184, %sign3A_1190 : i32
        %sign3A_1192 = arith.extui %sign3A_1191 : i1 to i32
        %sign3A_1193 = arith.subi %sign3A_1189, %sign3A_1192 : i32
        %sign3A_1194 = arith.constant 0 : i32
        %sign3A_1195 = arith.cmpi sgt, %jit3A_1185, %sign3A_1194 : i32
        %sign3A_1196 = arith.extui %sign3A_1195 : i1 to i32
        %sign3A_1197 = arith.constant 0 : i32
        %sign3A_1198 = arith.cmpi slt, %jit3A_1185, %sign3A_1197 : i32
        %sign3A_1199 = arith.extui %sign3A_1198 : i1 to i32
        %sign3A_1200 = arith.subi %sign3A_1196, %sign3A_1199 : i32
        %ne3A_1201 = arith.cmpi ne, %sign3A_1193, %sign3A_1200 : i32
        %rem3A_1202 = arith.remsi %sub3A_1184, %jit3A_1185 : i32
        %ne3A_1203 = arith.constant 0 : i32
        %ne3A_1204 = arith.cmpi ne, %rem3A_1202, %ne3A_1203 : i32
        %and3A_1205 = arith.andi %ne3A_1201, %ne3A_1204 : i1
        %sub3A_1206 = arith.constant 1 : i32
        %sub3A_1207 = arith.subi %div3A_1186, %sub3A_1206 : i32
        %select_n3A_1208 = arith.select %and3A_1205, %sub3A_1207, %div3A_1186 : i32
        %jit3A_1209 = arith.constant 8 : i32
        %eq3A_1210 = arith.constant 0 : i32
        %eq3A_1211 = arith.cmpi eq, %jit3A_1209, %eq3A_1210 : i32
        %jit3A_1212 = arith.constant 1 : i32
        %select_n3A_1213 = arith.select %eq3A_1211, %jit3A_1212, %jit3A_1209 : i32
        %rem3A_1214 = arith.remsi %sub3A_1184, %select_n3A_1213 : i32
        %ne3A_1215 = arith.constant 0 : i32
        %ne3A_1216 = arith.cmpi ne, %rem3A_1214, %ne3A_1215 : i32
        %lt3A_1217 = arith.constant 0 : i32
        %lt3A_1218 = arith.cmpi slt, %rem3A_1214, %lt3A_1217 : i32
        %lt3A_1219 = arith.constant 0 : i32
        %lt3A_1220 = arith.cmpi slt, %select_n3A_1213, %lt3A_1219 : i32
        %ne3A_1221 = arith.xori %lt3A_1218, %lt3A_1220 : i1
        %and3A_1222 = arith.andi %ne3A_1221, %ne3A_1216 : i1
        %add3A_1223 = arith.addi %rem3A_1214, %select_n3A_1213 : i32
        %select_n3A_1224 = arith.select %and3A_1222, %add3A_1223, %rem3A_1214 : i32
        %dma_wait3A_1225 = arith.constant 4 : i32
        %dma_wait3A_1226 = arith.constant 0 : i32
        %dma_wait3A_1227 = tpu.memref_slice %arg6[%dma_wait3A_1225, %dma_wait3A_1226] : memref<8x128xi32, #tpu.memory_space<vmem>> -> memref<1x128xi32, #tpu.memory_space<vmem>>
        %dma_wait3A_1228 = tpu.memref_squeeze %dma_wait3A_1227 : memref<1x128xi32, #tpu.memory_space<vmem>> -> memref<128xi32, #tpu.memory_space<vmem>>
        %dma_wait3A_1229 = arith.constant 0 : i32
        %dma_wait3A_1230 = tpu.memref_slice %arg2[%select_n3A_1208, %add3A, %select_n3A_1224, %dma_wait3A_1229] : memref<25x32x8x128xi32, #tpu.memory_space<hbm>> -> memref<1x1x1x128xi32, #tpu.memory_space<hbm>>
        %dma_wait3A_1231 = tpu.memref_squeeze %dma_wait3A_1230 : memref<1x1x1x128xi32, #tpu.memory_space<hbm>> -> memref<128xi32, #tpu.memory_space<hbm>>
        %dma_wait3A_1232 = arith.constant 0 : i32
        %dma_wait3A_1233 = tpu.memref_slice %arg6[%dma_wait3A_1225, %dma_wait3A_1232] : memref<8x128xi32, #tpu.memory_space<vmem>> -> memref<1x128xi32, #tpu.memory_space<vmem>>
        %dma_wait3A_1234 = tpu.memref_squeeze %dma_wait3A_1233 : memref<1x128xi32, #tpu.memory_space<vmem>> -> memref<128xi32, #tpu.memory_space<vmem>>
        %dma_wait3A_1235 = arith.constant 0 : i32
        %dma_wait3A_1236 = tpu.memref_slice %arg2[%select_n3A_1208, %add3A, %select_n3A_1224, %dma_wait3A_1235] : memref<25x32x8x128xi32, #tpu.memory_space<hbm>> -> memref<1x1x1x128xi32, #tpu.memory_space<hbm>>
        %dma_wait3A_1237 = tpu.memref_squeeze %dma_wait3A_1236 : memref<1x1x1x128xi32, #tpu.memory_space<hbm>> -> memref<128xi32, #tpu.memory_space<hbm>>
        tpu.wait_dma2 semaphore(%arg14 : memref<!tpu.dma_semaphore, #tpu.memory_space<semaphore_mem>>) src(%dma_wait3A_1237 : memref<128xi32, #tpu.memory_space<hbm>>) dst(%dma_wait3A_1234 : memref<128xi32, #tpu.memory_space<vmem>>)
        %dma_start3A_1238 = arith.constant 4 : i32
        %dma_start3A_1239 = arith.constant 4 : i32
        %dma_start3A_1240 = arith.constant 0 : i32
        %dma_start3A_1241 = arith.constant 0 : i32
        %dma_start3A_1242 = tpu.memref_slice %arg7[%dma_start3A_1239, %dma_start3A_1240, %dma_start3A_1241] : memref<8x128x64xf32, #tpu.memory_space<vmem>> -> memref<1x128x64xf32, #tpu.memory_space<vmem>>
        %dma_start3A_1243 = tpu.memref_squeeze %dma_start3A_1242 : memref<1x128x64xf32, #tpu.memory_space<vmem>> -> memref<128x64xf32, #tpu.memory_space<vmem>>
        %dma_start3A_1244 = arith.constant 0 : i32
        %dma_start3A_1245 = tpu.memref_slice %arg6[%dma_start3A_1238, %dma_start3A_1244] : memref<8x128xi32, #tpu.memory_space<vmem>> -> memref<1x128xi32, #tpu.memory_space<vmem>>
        %dma_start3A_1246 = tpu.memref_squeeze %dma_start3A_1245 : memref<1x128xi32, #tpu.memory_space<vmem>> -> memref<128xi32, #tpu.memory_space<vmem>>
        %dma_start3A_1247 = arith.constant 0 : i32
        %dma_start3A_1248 = arith.constant 0 : i32
        %dma_start3A_1249 = tpu.memref_slice %arg3[%dma_start3A_1247, %dma_start3A_1248] : memref<100000x64xf32, #tpu.memory_space<hbm>> -> memref<100000x64xf32, #tpu.memory_space<hbm>>
        tpu.enqueue_indirect_dma source(%dma_start3A_1249 : memref<100000x64xf32, #tpu.memory_space<hbm>>) target(%dma_start3A_1243 : memref<128x64xf32, #tpu.memory_space<vmem>>) offsets(%dma_start3A_1246 : memref<128xi32, #tpu.memory_space<vmem>>) semaphore(%arg22 : memref<!tpu.dma_semaphore, #tpu.memory_space<semaphore_mem>>)
      } else {
      }
      %ge3A_1053 = arith.constant 4 : i32
      %ge3A_1054 = arith.cmpi sge, %add3A_1034, %ge3A_1053 : i32
      %convert_element_type3A_1055 = arith.extui %ge3A_1054 : i1 to i32
      %cond3A_1056 = arith.constant 0 : i32
      %cond3A_1057 = arith.cmpi ne, %convert_element_type3A_1055, %cond3A_1056 : i32
      scf.if %cond3A_1057 {
        %sub3A_1181 = arith.constant 4 : i32
        %sub3A_1182 = arith.subi %add3A_1034, %sub3A_1181 : i32
        %dma_wait3A_1183 = arith.constant 2 : i32
        %dma_wait3A_1184 = arith.constant 0 : i32
        %dma_wait3A_1185 = arith.constant 0 : i32
        %dma_wait3A_1186 = arith.constant 0 : i32
        %dma_wait3A_1187 = tpu.memref_slice %arg8[%dma_wait3A_1183, %dma_wait3A_1184, %dma_wait3A_1185, %dma_wait3A_1186] : memref<4x8x8x136xf32, #tpu.memory_space<vmem>> -> memref<1x8x8x128xf32, #tpu.memory_space<vmem>>
        %dma_wait3A_1188 = tpu.memref_squeeze %dma_wait3A_1187 : memref<1x8x8x128xf32, #tpu.memory_space<vmem>> -> memref<8x8x128xf32, #tpu.memory_space<vmem>>
        %dma_wait3A_1189 = arith.constant 0 : i32
        %dma_wait3A_1190 = arith.constant 0 : i32
        %dma_wait3A_1191 = arith.constant 0 : i32
        %dma_wait3A_1192 = tpu.memref_slice %arg5[%sub3A_1182, %dma_wait3A_1189, %add3A, %dma_wait3A_1190, %dma_wait3A_1191] : memref<200x8x32x8x128xf32, #tpu.memory_space<hbm>> -> memref<1x8x1x8x128xf32, #tpu.memory_space<hbm>>
        %dma_wait3A_1193 = tpu.memref_squeeze %dma_wait3A_1192 : memref<1x8x1x8x128xf32, #tpu.memory_space<hbm>> -> memref<8x8x128xf32, #tpu.memory_space<hbm>>
        %dma_wait3A_1194 = arith.constant 0 : i32
        %dma_wait3A_1195 = arith.constant 0 : i32
        %dma_wait3A_1196 = arith.constant 0 : i32
        %dma_wait3A_1197 = tpu.memref_slice %arg5[%sub3A_1182, %dma_wait3A_1194, %add3A, %dma_wait3A_1195, %dma_wait3A_1196] : memref<200x8x32x8x128xf32, #tpu.memory_space<hbm>> -> memref<1x8x1x8x128xf32, #tpu.memory_space<hbm>>
        %dma_wait3A_1198 = tpu.memref_squeeze %dma_wait3A_1197 : memref<1x8x1x8x128xf32, #tpu.memory_space<hbm>> -> memref<8x8x128xf32, #tpu.memory_space<hbm>>
        %dma_wait3A_1199 = arith.constant 0 : i32
        %dma_wait3A_1200 = arith.constant 0 : i32
        %dma_wait3A_1201 = arith.constant 0 : i32
        %dma_wait3A_1202 = tpu.memref_slice %arg8[%dma_wait3A_1183, %dma_wait3A_1199, %dma_wait3A_1200, %dma_wait3A_1201] : memref<4x8x8x136xf32, #tpu.memory_space<vmem>> -> memref<1x8x8x128xf32, #tpu.memory_space<vmem>>
        %dma_wait3A_1203 = tpu.memref_squeeze %dma_wait3A_1202 : memref<1x8x8x128xf32, #tpu.memory_space<vmem>> -> memref<8x8x128xf32, #tpu.memory_space<vmem>>
        tpu.wait_dma2 semaphore(%arg28 : memref<!tpu.dma_semaphore, #tpu.memory_space<semaphore_mem>>) src(%dma_wait3A_1203 : memref<8x8x128xf32, #tpu.memory_space<vmem>>) dst(%dma_wait3A_1198 : memref<8x8x128xf32, #tpu.memory_space<hbm>>)
      } else {
      }
      %dma_wait3A_1058 = arith.constant 6 : i32
      %dma_wait3A_1059 = arith.constant 6 : i32
      %dma_wait3A_1060 = arith.constant 0 : i32
      %dma_wait3A_1061 = arith.constant 0 : i32
      %dma_wait3A_1062 = tpu.memref_slice %arg7[%dma_wait3A_1059, %dma_wait3A_1060, %dma_wait3A_1061] : memref<8x128x64xf32, #tpu.memory_space<vmem>> -> memref<1x128x64xf32, #tpu.memory_space<vmem>>
      %dma_wait3A_1063 = tpu.memref_squeeze %dma_wait3A_1062 : memref<1x128x64xf32, #tpu.memory_space<vmem>> -> memref<128x64xf32, #tpu.memory_space<vmem>>
      %dma_wait3A_1064 = arith.constant 0 : i32
      %dma_wait3A_1065 = tpu.memref_slice %arg6[%dma_wait3A_1058, %dma_wait3A_1064] : memref<8x128xi32, #tpu.memory_space<vmem>> -> memref<1x128xi32, #tpu.memory_space<vmem>>
      %dma_wait3A_1066 = tpu.memref_squeeze %dma_wait3A_1065 : memref<1x128xi32, #tpu.memory_space<vmem>> -> memref<128xi32, #tpu.memory_space<vmem>>
      %dma_wait3A_1067 = arith.constant 0 : i32
      %dma_wait3A_1068 = arith.constant 0 : i32
      %dma_wait3A_1069 = tpu.memref_slice %arg3[%dma_wait3A_1067, %dma_wait3A_1068] : memref<100000x64xf32, #tpu.memory_space<hbm>> -> memref<100000x64xf32, #tpu.memory_space<hbm>>
      tpu.wait_indirect_dma semaphore(%arg24 : memref<!tpu.dma_semaphore, #tpu.memory_space<semaphore_mem>>) src(%dma_wait3A_1069 : memref<100000x64xf32, #tpu.memory_space<hbm>>) dst(%dma_wait3A_1063 : memref<128x64xf32, #tpu.memory_space<vmem>>)
      %get3A_1070 = arith.index_cast %add3A_1034 : i32 to index
      %get3A_1071 = arith.constant 0 : index
      %get3A_1072 = tpu.vector_load %arg9[%get3A_1070, %get3A_1071] {strides = array<i32>} : memref<200x64xf32, #tpu.memory_space<vmem>>, vector<16xf32>,
      %get3A_1073 = arith.index_cast %add3A_1034 : i32 to index
      %get3A_1074 = arith.constant 16 : index
      %get3A_1075 = tpu.vector_load %arg9[%get3A_1073, %get3A_1074] {strides = array<i32>} : memref<200x64xf32, #tpu.memory_space<vmem>>, vector<16xf32>,
      %get3A_1076 = arith.index_cast %add3A_1034 : i32 to index
      %get3A_1077 = arith.constant 32 : index
      %get3A_1078 = tpu.vector_load %arg9[%get3A_1076, %get3A_1077] {strides = array<i32>} : memref<200x64xf32, #tpu.memory_space<vmem>>, vector<16xf32>,
      %get3A_1079 = arith.index_cast %add3A_1034 : i32 to index
      %get3A_1080 = arith.constant 48 : index
      %get3A_1081 = tpu.vector_load %arg9[%get3A_1079, %get3A_1080] {strides = array<i32>} : memref<200x64xf32, #tpu.memory_space<vmem>>, vector<16xf32>,
      %parallel_loop3A_1082 = arith.constant 0 : i32
      %parallel_loop3A_1083 = arith.constant 128 : i32
      %parallel_loop3A_1084 = arith.constant 1 : i32
      scf.for %parallel_loop3A_1181 = %parallel_loop3A_1082 to %parallel_loop3A_1083 step %parallel_loop3A_1084  : i32 {
        %parallel_loop3A_1182 = vector.broadcast %parallel_loop3A_1181 : i32 to vector<16xi32>
        %parallel_loop3A_1183 = arith.constant 6 : i32
        %parallel_loop3A_1184 = arith.index_cast %parallel_loop3A_1183 : i32 to index
        %parallel_loop3A_1185 = arith.index_cast %parallel_loop3A_1181 : i32 to index
        %parallel_loop3A_1186 = arith.constant 0 : index
        %parallel_loop3A_1187 = tpu.vector_load %arg7[%parallel_loop3A_1184, %parallel_loop3A_1185, %parallel_loop3A_1186] {strides = array<i32>} : memref<8x128x64xf32, #tpu.memory_space<vmem>>, vector<16xf32>,
        %parallel_loop3A_1188 = arith.addf %parallel_loop3A_1187, %get3A_1072 : vector<16xf32>
        %parallel_loop3A_1189 = arith.constant 2 : i32
        %parallel_loop3A_1190 = arith.constant 0 : i32
        %parallel_loop3A_1191 = arith.constant 0 : i32
        %parallel_loop3A_1192 = arith.constant 0 : i32
        %parallel_loop3A_1193 = tpu.memref_slice %arg8[%parallel_loop3A_1189, %parallel_loop3A_1190, %parallel_loop3A_1191, %parallel_loop3A_1192] : memref<4x8x8x136xf32, #tpu.memory_space<vmem>> -> memref<1x8x8x136xf32, #tpu.memory_space<vmem>>
        %parallel_loop3A_1194 = tpu.memref_squeeze %parallel_loop3A_1193 : memref<1x8x8x136xf32, #tpu.memory_space<vmem>> -> memref<8x8x136xf32, #tpu.memory_space<vmem>>
        tpu.vector_store_idx %parallel_loop3A_1194[%select_n3A, %select_n3A_151, %parallel_loop3A_1182], %parallel_loop3A_1188 : memref<8x8x136xf32, #tpu.memory_space<vmem>>[vector<16xi32>, vector<16xi32>, vector<16xi32>], vector<16xf32>,
        %parallel_loop3A_1195 = arith.constant 6 : i32
        %parallel_loop3A_1196 = arith.index_cast %parallel_loop3A_1195 : i32 to index
        %parallel_loop3A_1197 = arith.index_cast %parallel_loop3A_1181 : i32 to index
        %parallel_loop3A_1198 = arith.constant 16 : index
        %parallel_loop3A_1199 = tpu.vector_load %arg7[%parallel_loop3A_1196, %parallel_loop3A_1197, %parallel_loop3A_1198] {strides = array<i32>} : memref<8x128x64xf32, #tpu.memory_space<vmem>>, vector<16xf32>,
        %parallel_loop3A_1200 = arith.addf %parallel_loop3A_1199, %get3A_1075 : vector<16xf32>
        %parallel_loop3A_1201 = arith.constant 2 : i32
        %parallel_loop3A_1202 = arith.constant 0 : i32
        %parallel_loop3A_1203 = arith.constant 0 : i32
        %parallel_loop3A_1204 = arith.constant 0 : i32
        %parallel_loop3A_1205 = tpu.memref_slice %arg8[%parallel_loop3A_1201, %parallel_loop3A_1202, %parallel_loop3A_1203, %parallel_loop3A_1204] : memref<4x8x8x136xf32, #tpu.memory_space<vmem>> -> memref<1x8x8x136xf32, #tpu.memory_space<vmem>>
        %parallel_loop3A_1206 = tpu.memref_squeeze %parallel_loop3A_1205 : memref<1x8x8x136xf32, #tpu.memory_space<vmem>> -> memref<8x8x136xf32, #tpu.memory_space<vmem>>
        tpu.vector_store_idx %parallel_loop3A_1206[%select_n3A_60, %select_n3A_176, %parallel_loop3A_1182], %parallel_loop3A_1200 : memref<8x8x136xf32, #tpu.memory_space<vmem>>[vector<16xi32>, vector<16xi32>, vector<16xi32>], vector<16xf32>,
        %parallel_loop3A_1207 = arith.constant 6 : i32
        %parallel_loop3A_1208 = arith.index_cast %parallel_loop3A_1207 : i32 to index
        %parallel_loop3A_1209 = arith.index_cast %parallel_loop3A_1181 : i32 to index
        %parallel_loop3A_1210 = arith.constant 32 : index
        %parallel_loop3A_1211 = tpu.vector_load %arg7[%parallel_loop3A_1208, %parallel_loop3A_1209, %parallel_loop3A_1210] {strides = array<i32>} : memref<8x128x64xf32, #tpu.memory_space<vmem>>, vector<16xf32>,
        %parallel_loop3A_1212 = arith.addf %parallel_loop3A_1211, %get3A_1078 : vector<16xf32>
        %parallel_loop3A_1213 = arith.constant 2 : i32
        %parallel_loop3A_1214 = arith.constant 0 : i32
        %parallel_loop3A_1215 = arith.constant 0 : i32
        %parallel_loop3A_1216 = arith.constant 0 : i32
        %parallel_loop3A_1217 = tpu.memref_slice %arg8[%parallel_loop3A_1213, %parallel_loop3A_1214, %parallel_loop3A_1215, %parallel_loop3A_1216] : memref<4x8x8x136xf32, #tpu.memory_space<vmem>> -> memref<1x8x8x136xf32, #tpu.memory_space<vmem>>
        %parallel_loop3A_1218 = tpu.memref_squeeze %parallel_loop3A_1217 : memref<1x8x8x136xf32, #tpu.memory_space<vmem>> -> memref<8x8x136xf32, #tpu.memory_space<vmem>>
        tpu.vector_store_idx %parallel_loop3A_1218[%select_n3A_94, %select_n3A_201, %parallel_loop3A_1182], %parallel_loop3A_1212 : memref<8x8x136xf32, #tpu.memory_space<vmem>>[vector<16xi32>, vector<16xi32>, vector<16xi32>], vector<16xf32>,
        %parallel_loop3A_1219 = arith.constant 6 : i32
        %parallel_loop3A_1220 = arith.index_cast %parallel_loop3A_1219 : i32 to index
        %parallel_loop3A_1221 = arith.index_cast %parallel_loop3A_1181 : i32 to index
        %parallel_loop3A_1222 = arith.constant 48 : index
        %parallel_loop3A_1223 = tpu.vector_load %arg7[%parallel_loop3A_1220, %parallel_loop3A_1221, %parallel_loop3A_1222] {strides = array<i32>} : memref<8x128x64xf32, #tpu.memory_space<vmem>>, vector<16xf32>,
        %parallel_loop3A_1224 = arith.addf %parallel_loop3A_1223, %get3A_1081 : vector<16xf32>
        %parallel_loop3A_1225 = arith.constant 2 : i32
        %parallel_loop3A_1226 = arith.constant 0 : i32
        %parallel_loop3A_1227 = arith.constant 0 : i32
        %parallel_loop3A_1228 = arith.constant 0 : i32
        %parallel_loop3A_1229 = tpu.memref_slice %arg8[%parallel_loop3A_1225, %parallel_loop3A_1226, %parallel_loop3A_1227, %parallel_loop3A_1228] : memref<4x8x8x136xf32, #tpu.memory_space<vmem>> -> memref<1x8x8x136xf32, #tpu.memory_space<vmem>>
        %parallel_loop3A_1230 = tpu.memref_squeeze %parallel_loop3A_1229 : memref<1x8x8x136xf32, #tpu.memory_space<vmem>> -> memref<8x8x136xf32, #tpu.memory_space<vmem>>
        tpu.vector_store_idx %parallel_loop3A_1230[%select_n3A_128, %select_n3A_226, %parallel_loop3A_1182], %parallel_loop3A_1224 : memref<8x8x136xf32, #tpu.memory_space<vmem>>[vector<16xi32>, vector<16xi32>, vector<16xi32>], vector<16xf32>,
      } {sc.loop_unroll_factor = 4 : i64, sc.parallel_access}
      %dma_start3A_1085 = arith.constant 2 : i32
      %dma_start3A_1086 = arith.constant 0 : i32
      %dma_start3A_1087 = arith.constant 0 : i32
      %dma_start3A_1088 = arith.constant 0 : i32
      %dma_start3A_1089 = tpu.memref_slice %arg8[%dma_start3A_1085, %dma_start3A_1086, %dma_start3A_1087, %dma_start3A_1088] : memref<4x8x8x136xf32, #tpu.memory_space<vmem>> -> memref<1x8x8x128xf32, #tpu.memory_space<vmem>>
      %dma_start3A_1090 = tpu.memref_squeeze %dma_start3A_1089 : memref<1x8x8x128xf32, #tpu.memory_space<vmem>> -> memref<8x8x128xf32, #tpu.memory_space<vmem>>
      %dma_start3A_1091 = arith.constant 0 : i32
      %dma_start3A_1092 = arith.constant 0 : i32
      %dma_start3A_1093 = arith.constant 0 : i32
      %dma_start3A_1094 = tpu.memref_slice %arg5[%add3A_1034, %dma_start3A_1091, %add3A, %dma_start3A_1092, %dma_start3A_1093] : memref<200x8x32x8x128xf32, #tpu.memory_space<hbm>> -> memref<1x8x1x8x128xf32, #tpu.memory_space<hbm>>
      %dma_start3A_1095 = tpu.memref_squeeze %dma_start3A_1094 : memref<1x8x1x8x128xf32, #tpu.memory_space<hbm>> -> memref<8x8x128xf32, #tpu.memory_space<hbm>>
      %dma_start3A_1096 = arith.constant 0 : i32
      %dma_start3A_1097 = arith.constant 0 : i32
      %dma_start3A_1098 = arith.constant 0 : i32
      %dma_start3A_1099 = tpu.memref_slice %arg5[%add3A_1034, %dma_start3A_1096, %add3A, %dma_start3A_1097, %dma_start3A_1098] : memref<200x8x32x8x128xf32, #tpu.memory_space<hbm>> -> memref<1x8x1x8x128xf32, #tpu.memory_space<hbm>>
      %dma_start3A_1100 = tpu.memref_squeeze %dma_start3A_1099 : memref<1x8x1x8x128xf32, #tpu.memory_space<hbm>> -> memref<8x8x128xf32, #tpu.memory_space<hbm>>
      %dma_start3A_1101 = arith.constant 0 : i32
      %dma_start3A_1102 = arith.constant 0 : i32
      %dma_start3A_1103 = arith.constant 0 : i32
      %dma_start3A_1104 = tpu.memref_slice %arg8[%dma_start3A_1085, %dma_start3A_1101, %dma_start3A_1102, %dma_start3A_1103] : memref<4x8x8x136xf32, #tpu.memory_space<vmem>> -> memref<1x8x8x128xf32, #tpu.memory_space<vmem>>
      %dma_start3A_1105 = tpu.memref_squeeze %dma_start3A_1104 : memref<1x8x8x128xf32, #tpu.memory_space<vmem>> -> memref<8x8x128xf32, #tpu.memory_space<vmem>>
      tpu.enqueue_dma source(%dma_start3A_1105 : memref<8x8x128xf32, #tpu.memory_space<vmem>>) target(%dma_start3A_1100 : memref<8x8x128xf32, #tpu.memory_space<hbm>>) target_semaphore(%arg28 : memref<!tpu.dma_semaphore, #tpu.memory_space<semaphore_mem>>)
      %mul3A_1106 = arith.constant 8 : i32
      %mul3A_1107 = arith.muli %mul3A_1106, %scan3A_585 : i32
      %add3A_1108 = arith.constant 7 : i32
      %add3A_1109 = arith.addi %mul3A_1107, %add3A_1108 : i32
      %add3A_1110 = arith.constant 8 : i32
      %add3A_1111 = arith.addi %add3A_1109, %add3A_1110 : i32
      %sub3A_1112 = arith.constant 1 : i32
      %sub3A_1113 = arith.subi %add3A_1111, %sub3A_1112 : i32
      %lt3A_1114 = arith.constant 200 : i32
      %lt3A_1115 = arith.cmpi slt, %sub3A_1113, %lt3A_1114 : i32
      %convert_element_type3A_1116 = arith.extui %lt3A_1115 : i1 to i32
      %cond3A_1117 = arith.constant 0 : i32
      %cond3A_1118 = arith.cmpi ne, %convert_element_type3A_1116, %cond3A_1117 : i32
      scf.if %cond3A_1118 {
        %add3A_1181 = arith.constant 8 : i32
        %add3A_1182 = arith.addi %add3A_1109, %add3A_1181 : i32
        %sub3A_1183 = arith.constant 1 : i32
        %sub3A_1184 = arith.subi %add3A_1182, %sub3A_1183 : i32
        %jit3A_1185 = arith.constant 8 : i32
        %div3A_1186 = arith.divsi %sub3A_1184, %jit3A_1185 : i32
        %sign3A_1187 = arith.constant 0 : i32
        %sign3A_1188 = arith.cmpi sgt, %sub3A_1184, %sign3A_1187 : i32
        %sign3A_1189 = arith.extui %sign3A_1188 : i1 to i32
        %sign3A_1190 = arith.constant 0 : i32
        %sign3A_1191 = arith.cmpi slt, %sub3A_1184, %sign3A_1190 : i32
        %sign3A_1192 = arith.extui %sign3A_1191 : i1 to i32
        %sign3A_1193 = arith.subi %sign3A_1189, %sign3A_1192 : i32
        %sign3A_1194 = arith.constant 0 : i32
        %sign3A_1195 = arith.cmpi sgt, %jit3A_1185, %sign3A_1194 : i32
        %sign3A_1196 = arith.extui %sign3A_1195 : i1 to i32
        %sign3A_1197 = arith.constant 0 : i32
        %sign3A_1198 = arith.cmpi slt, %jit3A_1185, %sign3A_1197 : i32
        %sign3A_1199 = arith.extui %sign3A_1198 : i1 to i32
        %sign3A_1200 = arith.subi %sign3A_1196, %sign3A_1199 : i32
        %ne3A_1201 = arith.cmpi ne, %sign3A_1193, %sign3A_1200 : i32
        %rem3A_1202 = arith.remsi %sub3A_1184, %jit3A_1185 : i32
        %ne3A_1203 = arith.constant 0 : i32
        %ne3A_1204 = arith.cmpi ne, %rem3A_1202, %ne3A_1203 : i32
        %and3A_1205 = arith.andi %ne3A_1201, %ne3A_1204 : i1
        %sub3A_1206 = arith.constant 1 : i32
        %sub3A_1207 = arith.subi %div3A_1186, %sub3A_1206 : i32
        %select_n3A_1208 = arith.select %and3A_1205, %sub3A_1207, %div3A_1186 : i32
        %jit3A_1209 = arith.constant 8 : i32
        %eq3A_1210 = arith.constant 0 : i32
        %eq3A_1211 = arith.cmpi eq, %jit3A_1209, %eq3A_1210 : i32
        %jit3A_1212 = arith.constant 1 : i32
        %select_n3A_1213 = arith.select %eq3A_1211, %jit3A_1212, %jit3A_1209 : i32
        %rem3A_1214 = arith.remsi %sub3A_1184, %select_n3A_1213 : i32
        %ne3A_1215 = arith.constant 0 : i32
        %ne3A_1216 = arith.cmpi ne, %rem3A_1214, %ne3A_1215 : i32
        %lt3A_1217 = arith.constant 0 : i32
        %lt3A_1218 = arith.cmpi slt, %rem3A_1214, %lt3A_1217 : i32
        %lt3A_1219 = arith.constant 0 : i32
        %lt3A_1220 = arith.cmpi slt, %select_n3A_1213, %lt3A_1219 : i32
        %ne3A_1221 = arith.xori %lt3A_1218, %lt3A_1220 : i1
        %and3A_1222 = arith.andi %ne3A_1221, %ne3A_1216 : i1
        %add3A_1223 = arith.addi %rem3A_1214, %select_n3A_1213 : i32
        %select_n3A_1224 = arith.select %and3A_1222, %add3A_1223, %rem3A_1214 : i32
        %dma_start3A_1225 = arith.constant 6 : i32
        %dma_start3A_1226 = arith.constant 0 : i32
        %dma_start3A_1227 = tpu.memref_slice %arg6[%dma_start3A_1225, %dma_start3A_1226] : memref<8x128xi32, #tpu.memory_space<vmem>> -> memref<1x128xi32, #tpu.memory_space<vmem>>
        %dma_start3A_1228 = tpu.memref_squeeze %dma_start3A_1227 : memref<1x128xi32, #tpu.memory_space<vmem>> -> memref<128xi32, #tpu.memory_space<vmem>>
        %dma_start3A_1229 = arith.constant 0 : i32
        %dma_start3A_1230 = tpu.memref_slice %arg2[%select_n3A_1208, %add3A, %select_n3A_1224, %dma_start3A_1229] : memref<25x32x8x128xi32, #tpu.memory_space<hbm>> -> memref<1x1x1x128xi32, #tpu.memory_space<hbm>>
        %dma_start3A_1231 = tpu.memref_squeeze %dma_start3A_1230 : memref<1x1x1x128xi32, #tpu.memory_space<hbm>> -> memref<128xi32, #tpu.memory_space<hbm>>
        %dma_start3A_1232 = arith.constant 0 : i32
        %dma_start3A_1233 = tpu.memref_slice %arg6[%dma_start3A_1225, %dma_start3A_1232] : memref<8x128xi32, #tpu.memory_space<vmem>> -> memref<1x128xi32, #tpu.memory_space<vmem>>
        %dma_start3A_1234 = tpu.memref_squeeze %dma_start3A_1233 : memref<1x128xi32, #tpu.memory_space<vmem>> -> memref<128xi32, #tpu.memory_space<vmem>>
        %dma_start3A_1235 = arith.constant 0 : i32
        %dma_start3A_1236 = tpu.memref_slice %arg2[%select_n3A_1208, %add3A, %select_n3A_1224, %dma_start3A_1235] : memref<25x32x8x128xi32, #tpu.memory_space<hbm>> -> memref<1x1x1x128xi32, #tpu.memory_space<hbm>>
        %dma_start3A_1237 = tpu.memref_squeeze %dma_start3A_1236 : memref<1x1x1x128xi32, #tpu.memory_space<hbm>> -> memref<128xi32, #tpu.memory_space<hbm>>
        tpu.enqueue_dma source(%dma_start3A_1237 : memref<128xi32, #tpu.memory_space<hbm>>) target(%dma_start3A_1234 : memref<128xi32, #tpu.memory_space<vmem>>) target_semaphore(%arg16 : memref<!tpu.dma_semaphore, #tpu.memory_space<semaphore_mem>>)
      } else {
      }
      %add3A_1119 = arith.constant 8 : i32
      %add3A_1120 = arith.addi %add3A_1109, %add3A_1119 : i32
      %sub3A_1121 = arith.constant 2 : i32
      %sub3A_1122 = arith.subi %add3A_1120, %sub3A_1121 : i32
      %lt3A_1123 = arith.constant 200 : i32
      %lt3A_1124 = arith.cmpi slt, %sub3A_1122, %lt3A_1123 : i32
      %convert_element_type3A_1125 = arith.extui %lt3A_1124 : i1 to i32
      %cond3A_1126 = arith.constant 0 : i32
      %cond3A_1127 = arith.cmpi ne, %convert_element_type3A_1125, %cond3A_1126 : i32
      scf.if %cond3A_1127 {
        %add3A_1181 = arith.constant 8 : i32
        %add3A_1182 = arith.addi %add3A_1109, %add3A_1181 : i32
        %sub3A_1183 = arith.constant 2 : i32
        %sub3A_1184 = arith.subi %add3A_1182, %sub3A_1183 : i32
        %jit3A_1185 = arith.constant 8 : i32
        %div3A_1186 = arith.divsi %sub3A_1184, %jit3A_1185 : i32
        %sign3A_1187 = arith.constant 0 : i32
        %sign3A_1188 = arith.cmpi sgt, %sub3A_1184, %sign3A_1187 : i32
        %sign3A_1189 = arith.extui %sign3A_1188 : i1 to i32
        %sign3A_1190 = arith.constant 0 : i32
        %sign3A_1191 = arith.cmpi slt, %sub3A_1184, %sign3A_1190 : i32
        %sign3A_1192 = arith.extui %sign3A_1191 : i1 to i32
        %sign3A_1193 = arith.subi %sign3A_1189, %sign3A_1192 : i32
        %sign3A_1194 = arith.constant 0 : i32
        %sign3A_1195 = arith.cmpi sgt, %jit3A_1185, %sign3A_1194 : i32
        %sign3A_1196 = arith.extui %sign3A_1195 : i1 to i32
        %sign3A_1197 = arith.constant 0 : i32
        %sign3A_1198 = arith.cmpi slt, %jit3A_1185, %sign3A_1197 : i32
        %sign3A_1199 = arith.extui %sign3A_1198 : i1 to i32
        %sign3A_1200 = arith.subi %sign3A_1196, %sign3A_1199 : i32
        %ne3A_1201 = arith.cmpi ne, %sign3A_1193, %sign3A_1200 : i32
        %rem3A_1202 = arith.remsi %sub3A_1184, %jit3A_1185 : i32
        %ne3A_1203 = arith.constant 0 : i32
        %ne3A_1204 = arith.cmpi ne, %rem3A_1202, %ne3A_1203 : i32
        %and3A_1205 = arith.andi %ne3A_1201, %ne3A_1204 : i1
        %sub3A_1206 = arith.constant 1 : i32
        %sub3A_1207 = arith.subi %div3A_1186, %sub3A_1206 : i32
        %select_n3A_1208 = arith.select %and3A_1205, %sub3A_1207, %div3A_1186 : i32
        %jit3A_1209 = arith.constant 8 : i32
        %eq3A_1210 = arith.constant 0 : i32
        %eq3A_1211 = arith.cmpi eq, %jit3A_1209, %eq3A_1210 : i32
        %jit3A_1212 = arith.constant 1 : i32
        %select_n3A_1213 = arith.select %eq3A_1211, %jit3A_1212, %jit3A_1209 : i32
        %rem3A_1214 = arith.remsi %sub3A_1184, %select_n3A_1213 : i32
        %ne3A_1215 = arith.constant 0 : i32
        %ne3A_1216 = arith.cmpi ne, %rem3A_1214, %ne3A_1215 : i32
        %lt3A_1217 = arith.constant 0 : i32
        %lt3A_1218 = arith.cmpi slt, %rem3A_1214, %lt3A_1217 : i32
        %lt3A_1219 = arith.constant 0 : i32
        %lt3A_1220 = arith.cmpi slt, %select_n3A_1213, %lt3A_1219 : i32
        %ne3A_1221 = arith.xori %lt3A_1218, %lt3A_1220 : i1
        %and3A_1222 = arith.andi %ne3A_1221, %ne3A_1216 : i1
        %add3A_1223 = arith.addi %rem3A_1214, %select_n3A_1213 : i32
        %select_n3A_1224 = arith.select %and3A_1222, %add3A_1223, %rem3A_1214 : i32
        %dma_wait3A_1225 = arith.constant 5 : i32
        %dma_wait3A_1226 = arith.constant 0 : i32
        %dma_wait3A_1227 = tpu.memref_slice %arg6[%dma_wait3A_1225, %dma_wait3A_1226] : memref<8x128xi32, #tpu.memory_space<vmem>> -> memref<1x128xi32, #tpu.memory_space<vmem>>
        %dma_wait3A_1228 = tpu.memref_squeeze %dma_wait3A_1227 : memref<1x128xi32, #tpu.memory_space<vmem>> -> memref<128xi32, #tpu.memory_space<vmem>>
        %dma_wait3A_1229 = arith.constant 0 : i32
        %dma_wait3A_1230 = tpu.memref_slice %arg2[%select_n3A_1208, %add3A, %select_n3A_1224, %dma_wait3A_1229] : memref<25x32x8x128xi32, #tpu.memory_space<hbm>> -> memref<1x1x1x128xi32, #tpu.memory_space<hbm>>
        %dma_wait3A_1231 = tpu.memref_squeeze %dma_wait3A_1230 : memref<1x1x1x128xi32, #tpu.memory_space<hbm>> -> memref<128xi32, #tpu.memory_space<hbm>>
        %dma_wait3A_1232 = arith.constant 0 : i32
        %dma_wait3A_1233 = tpu.memref_slice %arg6[%dma_wait3A_1225, %dma_wait3A_1232] : memref<8x128xi32, #tpu.memory_space<vmem>> -> memref<1x128xi32, #tpu.memory_space<vmem>>
        %dma_wait3A_1234 = tpu.memref_squeeze %dma_wait3A_1233 : memref<1x128xi32, #tpu.memory_space<vmem>> -> memref<128xi32, #tpu.memory_space<vmem>>
        %dma_wait3A_1235 = arith.constant 0 : i32
        %dma_wait3A_1236 = tpu.memref_slice %arg2[%select_n3A_1208, %add3A, %select_n3A_1224, %dma_wait3A_1235] : memref<25x32x8x128xi32, #tpu.memory_space<hbm>> -> memref<1x1x1x128xi32, #tpu.memory_space<hbm>>
        %dma_wait3A_1237 = tpu.memref_squeeze %dma_wait3A_1236 : memref<1x1x1x128xi32, #tpu.memory_space<hbm>> -> memref<128xi32, #tpu.memory_space<hbm>>
        tpu.wait_dma2 semaphore(%arg15 : memref<!tpu.dma_semaphore, #tpu.memory_space<semaphore_mem>>) src(%dma_wait3A_1237 : memref<128xi32, #tpu.memory_space<hbm>>) dst(%dma_wait3A_1234 : memref<128xi32, #tpu.memory_space<vmem>>)
        %dma_start3A_1238 = arith.constant 5 : i32
        %dma_start3A_1239 = arith.constant 5 : i32
        %dma_start3A_1240 = arith.constant 0 : i32
        %dma_start3A_1241 = arith.constant 0 : i32
        %dma_start3A_1242 = tpu.memref_slice %arg7[%dma_start3A_1239, %dma_start3A_1240, %dma_start3A_1241] : memref<8x128x64xf32, #tpu.memory_space<vmem>> -> memref<1x128x64xf32, #tpu.memory_space<vmem>>
        %dma_start3A_1243 = tpu.memref_squeeze %dma_start3A_1242 : memref<1x128x64xf32, #tpu.memory_space<vmem>> -> memref<128x64xf32, #tpu.memory_space<vmem>>
        %dma_start3A_1244 = arith.constant 0 : i32
        %dma_start3A_1245 = tpu.memref_slice %arg6[%dma_start3A_1238, %dma_start3A_1244] : memref<8x128xi32, #tpu.memory_space<vmem>> -> memref<1x128xi32, #tpu.memory_space<vmem>>
        %dma_start3A_1246 = tpu.memref_squeeze %dma_start3A_1245 : memref<1x128xi32, #tpu.memory_space<vmem>> -> memref<128xi32, #tpu.memory_space<vmem>>
        %dma_start3A_1247 = arith.constant 0 : i32
        %dma_start3A_1248 = arith.constant 0 : i32
        %dma_start3A_1249 = tpu.memref_slice %arg3[%dma_start3A_1247, %dma_start3A_1248] : memref<100000x64xf32, #tpu.memory_space<hbm>> -> memref<100000x64xf32, #tpu.memory_space<hbm>>
        tpu.enqueue_indirect_dma source(%dma_start3A_1249 : memref<100000x64xf32, #tpu.memory_space<hbm>>) target(%dma_start3A_1243 : memref<128x64xf32, #tpu.memory_space<vmem>>) offsets(%dma_start3A_1246 : memref<128xi32, #tpu.memory_space<vmem>>) semaphore(%arg23 : memref<!tpu.dma_semaphore, #tpu.memory_space<semaphore_mem>>)
      } else {
      }
      %ge3A_1128 = arith.constant 4 : i32
      %ge3A_1129 = arith.cmpi sge, %add3A_1109, %ge3A_1128 : i32
      %convert_element_type3A_1130 = arith.extui %ge3A_1129 : i1 to i32
      %cond3A_1131 = arith.constant 0 : i32
      %cond3A_1132 = arith.cmpi ne, %convert_element_type3A_1130, %cond3A_1131 : i32
      scf.if %cond3A_1132 {
        %sub3A_1181 = arith.constant 4 : i32
        %sub3A_1182 = arith.subi %add3A_1109, %sub3A_1181 : i32
        %dma_wait3A_1183 = arith.constant 3 : i32
        %dma_wait3A_1184 = arith.constant 0 : i32
        %dma_wait3A_1185 = arith.constant 0 : i32
        %dma_wait3A_1186 = arith.constant 0 : i32
        %dma_wait3A_1187 = tpu.memref_slice %arg8[%dma_wait3A_1183, %dma_wait3A_1184, %dma_wait3A_1185, %dma_wait3A_1186] : memref<4x8x8x136xf32, #tpu.memory_space<vmem>> -> memref<1x8x8x128xf32, #tpu.memory_space<vmem>>
        %dma_wait3A_1188 = tpu.memref_squeeze %dma_wait3A_1187 : memref<1x8x8x128xf32, #tpu.memory_space<vmem>> -> memref<8x8x128xf32, #tpu.memory_space<vmem>>
        %dma_wait3A_1189 = arith.constant 0 : i32
        %dma_wait3A_1190 = arith.constant 0 : i32
        %dma_wait3A_1191 = arith.constant 0 : i32
        %dma_wait3A_1192 = tpu.memref_slice %arg5[%sub3A_1182, %dma_wait3A_1189, %add3A, %dma_wait3A_1190, %dma_wait3A_1191] : memref<200x8x32x8x128xf32, #tpu.memory_space<hbm>> -> memref<1x8x1x8x128xf32, #tpu.memory_space<hbm>>
        %dma_wait3A_1193 = tpu.memref_squeeze %dma_wait3A_1192 : memref<1x8x1x8x128xf32, #tpu.memory_space<hbm>> -> memref<8x8x128xf32, #tpu.memory_space<hbm>>
        %dma_wait3A_1194 = arith.constant 0 : i32
        %dma_wait3A_1195 = arith.constant 0 : i32
        %dma_wait3A_1196 = arith.constant 0 : i32
        %dma_wait3A_1197 = tpu.memref_slice %arg5[%sub3A_1182, %dma_wait3A_1194, %add3A, %dma_wait3A_1195, %dma_wait3A_1196] : memref<200x8x32x8x128xf32, #tpu.memory_space<hbm>> -> memref<1x8x1x8x128xf32, #tpu.memory_space<hbm>>
        %dma_wait3A_1198 = tpu.memref_squeeze %dma_wait3A_1197 : memref<1x8x1x8x128xf32, #tpu.memory_space<hbm>> -> memref<8x8x128xf32, #tpu.memory_space<hbm>>
        %dma_wait3A_1199 = arith.constant 0 : i32
        %dma_wait3A_1200 = arith.constant 0 : i32
        %dma_wait3A_1201 = arith.constant 0 : i32
        %dma_wait3A_1202 = tpu.memref_slice %arg8[%dma_wait3A_1183, %dma_wait3A_1199, %dma_wait3A_1200, %dma_wait3A_1201] : memref<4x8x8x136xf32, #tpu.memory_space<vmem>> -> memref<1x8x8x128xf32, #tpu.memory_space<vmem>>
        %dma_wait3A_1203 = tpu.memref_squeeze %dma_wait3A_1202 : memref<1x8x8x128xf32, #tpu.memory_space<vmem>> -> memref<8x8x128xf32, #tpu.memory_space<vmem>>
        tpu.wait_dma2 semaphore(%arg29 : memref<!tpu.dma_semaphore, #tpu.memory_space<semaphore_mem>>) src(%dma_wait3A_1203 : memref<8x8x128xf32, #tpu.memory_space<vmem>>) dst(%dma_wait3A_1198 : memref<8x8x128xf32, #tpu.memory_space<hbm>>)
      } else {
      }
      %dma_wait3A_1133 = arith.constant 7 : i32
      %dma_wait3A_1134 = arith.constant 7 : i32
      %dma_wait3A_1135 = arith.constant 0 : i32
      %dma_wait3A_1136 = arith.constant 0 : i32
      %dma_wait3A_1137 = tpu.memref_slice %arg7[%dma_wait3A_1134, %dma_wait3A_1135, %dma_wait3A_1136] : memref<8x128x64xf32, #tpu.memory_space<vmem>> -> memref<1x128x64xf32, #tpu.memory_space<vmem>>
      %dma_wait3A_1138 = tpu.memref_squeeze %dma_wait3A_1137 : memref<1x128x64xf32, #tpu.memory_space<vmem>> -> memref<128x64xf32, #tpu.memory_space<vmem>>
      %dma_wait3A_1139 = arith.constant 0 : i32
      %dma_wait3A_1140 = tpu.memref_slice %arg6[%dma_wait3A_1133, %dma_wait3A_1139] : memref<8x128xi32, #tpu.memory_space<vmem>> -> memref<1x128xi32, #tpu.memory_space<vmem>>
      %dma_wait3A_1141 = tpu.memref_squeeze %dma_wait3A_1140 : memref<1x128xi32, #tpu.memory_space<vmem>> -> memref<128xi32, #tpu.memory_space<vmem>>
      %dma_wait3A_1142 = arith.constant 0 : i32
      %dma_wait3A_1143 = arith.constant 0 : i32
      %dma_wait3A_1144 = tpu.memref_slice %arg3[%dma_wait3A_1142, %dma_wait3A_1143] : memref<100000x64xf32, #tpu.memory_space<hbm>> -> memref<100000x64xf32, #tpu.memory_space<hbm>>
      tpu.wait_indirect_dma semaphore(%arg25 : memref<!tpu.dma_semaphore, #tpu.memory_space<semaphore_mem>>) src(%dma_wait3A_1144 : memref<100000x64xf32, #tpu.memory_space<hbm>>) dst(%dma_wait3A_1138 : memref<128x64xf32, #tpu.memory_space<vmem>>)
      %get3A_1145 = arith.index_cast %add3A_1109 : i32 to index
      %get3A_1146 = arith.constant 0 : index
      %get3A_1147 = tpu.vector_load %arg9[%get3A_1145, %get3A_1146] {strides = array<i32>} : memref<200x64xf32, #tpu.memory_space<vmem>>, vector<16xf32>,
      %get3A_1148 = arith.index_cast %add3A_1109 : i32 to index
      %get3A_1149 = arith.constant 16 : index
      %get3A_1150 = tpu.vector_load %arg9[%get3A_1148, %get3A_1149] {strides = array<i32>} : memref<200x64xf32, #tpu.memory_space<vmem>>, vector<16xf32>,
      %get3A_1151 = arith.index_cast %add3A_1109 : i32 to index
      %get3A_1152 = arith.constant 32 : index
      %get3A_1153 = tpu.vector_load %arg9[%get3A_1151, %get3A_1152] {strides = array<i32>} : memref<200x64xf32, #tpu.memory_space<vmem>>, vector<16xf32>,
      %get3A_1154 = arith.index_cast %add3A_1109 : i32 to index
      %get3A_1155 = arith.constant 48 : index
      %get3A_1156 = tpu.vector_load %arg9[%get3A_1154, %get3A_1155] {strides = array<i32>} : memref<200x64xf32, #tpu.memory_space<vmem>>, vector<16xf32>,
      %parallel_loop3A_1157 = arith.constant 0 : i32
      %parallel_loop3A_1158 = arith.constant 128 : i32
      %parallel_loop3A_1159 = arith.constant 1 : i32
      scf.for %parallel_loop3A_1181 = %parallel_loop3A_1157 to %parallel_loop3A_1158 step %parallel_loop3A_1159  : i32 {
        %parallel_loop3A_1182 = vector.broadcast %parallel_loop3A_1181 : i32 to vector<16xi32>
        %parallel_loop3A_1183 = arith.constant 7 : i32
        %parallel_loop3A_1184 = arith.index_cast %parallel_loop3A_1183 : i32 to index
        %parallel_loop3A_1185 = arith.index_cast %parallel_loop3A_1181 : i32 to index
        %parallel_loop3A_1186 = arith.constant 0 : index
        %parallel_loop3A_1187 = tpu.vector_load %arg7[%parallel_loop3A_1184, %parallel_loop3A_1185, %parallel_loop3A_1186] {strides = array<i32>} : memref<8x128x64xf32, #tpu.memory_space<vmem>>, vector<16xf32>,
        %parallel_loop3A_1188 = arith.addf %parallel_loop3A_1187, %get3A_1147 : vector<16xf32>
        %parallel_loop3A_1189 = arith.constant 3 : i32
        %parallel_loop3A_1190 = arith.constant 0 : i32
        %parallel_loop3A_1191 = arith.constant 0 : i32
        %parallel_loop3A_1192 = arith.constant 0 : i32
        %parallel_loop3A_1193 = tpu.memref_slice %arg8[%parallel_loop3A_1189, %parallel_loop3A_1190, %parallel_loop3A_1191, %parallel_loop3A_1192] : memref<4x8x8x136xf32, #tpu.memory_space<vmem>> -> memref<1x8x8x136xf32, #tpu.memory_space<vmem>>
        %parallel_loop3A_1194 = tpu.memref_squeeze %parallel_loop3A_1193 : memref<1x8x8x136xf32, #tpu.memory_space<vmem>> -> memref<8x8x136xf32, #tpu.memory_space<vmem>>
        tpu.vector_store_idx %parallel_loop3A_1194[%select_n3A, %select_n3A_151, %parallel_loop3A_1182], %parallel_loop3A_1188 : memref<8x8x136xf32, #tpu.memory_space<vmem>>[vector<16xi32>, vector<16xi32>, vector<16xi32>], vector<16xf32>,
        %parallel_loop3A_1195 = arith.constant 7 : i32
        %parallel_loop3A_1196 = arith.index_cast %parallel_loop3A_1195 : i32 to index
        %parallel_loop3A_1197 = arith.index_cast %parallel_loop3A_1181 : i32 to index
        %parallel_loop3A_1198 = arith.constant 16 : index
        %parallel_loop3A_1199 = tpu.vector_load %arg7[%parallel_loop3A_1196, %parallel_loop3A_1197, %parallel_loop3A_1198] {strides = array<i32>} : memref<8x128x64xf32, #tpu.memory_space<vmem>>, vector<16xf32>,
        %parallel_loop3A_1200 = arith.addf %parallel_loop3A_1199, %get3A_1150 : vector<16xf32>
        %parallel_loop3A_1201 = arith.constant 3 : i32
        %parallel_loop3A_1202 = arith.constant 0 : i32
        %parallel_loop3A_1203 = arith.constant 0 : i32
        %parallel_loop3A_1204 = arith.constant 0 : i32
        %parallel_loop3A_1205 = tpu.memref_slice %arg8[%parallel_loop3A_1201, %parallel_loop3A_1202, %parallel_loop3A_1203, %parallel_loop3A_1204] : memref<4x8x8x136xf32, #tpu.memory_space<vmem>> -> memref<1x8x8x136xf32, #tpu.memory_space<vmem>>
        %parallel_loop3A_1206 = tpu.memref_squeeze %parallel_loop3A_1205 : memref<1x8x8x136xf32, #tpu.memory_space<vmem>> -> memref<8x8x136xf32, #tpu.memory_space<vmem>>
        tpu.vector_store_idx %parallel_loop3A_1206[%select_n3A_60, %select_n3A_176, %parallel_loop3A_1182], %parallel_loop3A_1200 : memref<8x8x136xf32, #tpu.memory_space<vmem>>[vector<16xi32>, vector<16xi32>, vector<16xi32>], vector<16xf32>,
        %parallel_loop3A_1207 = arith.constant 7 : i32
        %parallel_loop3A_1208 = arith.index_cast %parallel_loop3A_1207 : i32 to index
        %parallel_loop3A_1209 = arith.index_cast %parallel_loop3A_1181 : i32 to index
        %parallel_loop3A_1210 = arith.constant 32 : index
        %parallel_loop3A_1211 = tpu.vector_load %arg7[%parallel_loop3A_1208, %parallel_loop3A_1209, %parallel_loop3A_1210] {strides = array<i32>} : memref<8x128x64xf32, #tpu.memory_space<vmem>>, vector<16xf32>,
        %parallel_loop3A_1212 = arith.addf %parallel_loop3A_1211, %get3A_1153 : vector<16xf32>
        %parallel_loop3A_1213 = arith.constant 3 : i32
        %parallel_loop3A_1214 = arith.constant 0 : i32
        %parallel_loop3A_1215 = arith.constant 0 : i32
        %parallel_loop3A_1216 = arith.constant 0 : i32
        %parallel_loop3A_1217 = tpu.memref_slice %arg8[%parallel_loop3A_1213, %parallel_loop3A_1214, %parallel_loop3A_1215, %parallel_loop3A_1216] : memref<4x8x8x136xf32, #tpu.memory_space<vmem>> -> memref<1x8x8x136xf32, #tpu.memory_space<vmem>>
        %parallel_loop3A_1218 = tpu.memref_squeeze %parallel_loop3A_1217 : memref<1x8x8x136xf32, #tpu.memory_space<vmem>> -> memref<8x8x136xf32, #tpu.memory_space<vmem>>
        tpu.vector_store_idx %parallel_loop3A_1218[%select_n3A_94, %select_n3A_201, %parallel_loop3A_1182], %parallel_loop3A_1212 : memref<8x8x136xf32, #tpu.memory_space<vmem>>[vector<16xi32>, vector<16xi32>, vector<16xi32>], vector<16xf32>,
        %parallel_loop3A_1219 = arith.constant 7 : i32
        %parallel_loop3A_1220 = arith.index_cast %parallel_loop3A_1219 : i32 to index
        %parallel_loop3A_1221 = arith.index_cast %parallel_loop3A_1181 : i32 to index
        %parallel_loop3A_1222 = arith.constant 48 : index
        %parallel_loop3A_1223 = tpu.vector_load %arg7[%parallel_loop3A_1220, %parallel_loop3A_1221, %parallel_loop3A_1222] {strides = array<i32>} : memref<8x128x64xf32, #tpu.memory_space<vmem>>, vector<16xf32>,
        %parallel_loop3A_1224 = arith.addf %parallel_loop3A_1223, %get3A_1156 : vector<16xf32>
        %parallel_loop3A_1225 = arith.constant 3 : i32
        %parallel_loop3A_1226 = arith.constant 0 : i32
        %parallel_loop3A_1227 = arith.constant 0 : i32
        %parallel_loop3A_1228 = arith.constant 0 : i32
        %parallel_loop3A_1229 = tpu.memref_slice %arg8[%parallel_loop3A_1225, %parallel_loop3A_1226, %parallel_loop3A_1227, %parallel_loop3A_1228] : memref<4x8x8x136xf32, #tpu.memory_space<vmem>> -> memref<1x8x8x136xf32, #tpu.memory_space<vmem>>
        %parallel_loop3A_1230 = tpu.memref_squeeze %parallel_loop3A_1229 : memref<1x8x8x136xf32, #tpu.memory_space<vmem>> -> memref<8x8x136xf32, #tpu.memory_space<vmem>>
        tpu.vector_store_idx %parallel_loop3A_1230[%select_n3A_128, %select_n3A_226, %parallel_loop3A_1182], %parallel_loop3A_1224 : memref<8x8x136xf32, #tpu.memory_space<vmem>>[vector<16xi32>, vector<16xi32>, vector<16xi32>], vector<16xf32>,
      } {sc.loop_unroll_factor = 4 : i64, sc.parallel_access}
      %dma_start3A_1160 = arith.constant 3 : i32
      %dma_start3A_1161 = arith.constant 0 : i32
      %dma_start3A_1162 = arith.constant 0 : i32
      %dma_start3A_1163 = arith.constant 0 : i32
      %dma_start3A_1164 = tpu.memref_slice %arg8[%dma_start3A_1160, %dma_start3A_1161, %dma_start3A_1162, %dma_start3A_1163] : memref<4x8x8x136xf32, #tpu.memory_space<vmem>> -> memref<1x8x8x128xf32, #tpu.memory_space<vmem>>
      %dma_start3A_1165 = tpu.memref_squeeze %dma_start3A_1164 : memref<1x8x8x128xf32, #tpu.memory_space<vmem>> -> memref<8x8x128xf32, #tpu.memory_space<vmem>>
      %dma_start3A_1166 = arith.constant 0 : i32
      %dma_start3A_1167 = arith.constant 0 : i32
      %dma_start3A_1168 = arith.constant 0 : i32
      %dma_start3A_1169 = tpu.memref_slice %arg5[%add3A_1109, %dma_start3A_1166, %add3A, %dma_start3A_1167, %dma_start3A_1168] : memref<200x8x32x8x128xf32, #tpu.memory_space<hbm>> -> memref<1x8x1x8x128xf32, #tpu.memory_space<hbm>>
      %dma_start3A_1170 = tpu.memref_squeeze %dma_start3A_1169 : memref<1x8x1x8x128xf32, #tpu.memory_space<hbm>> -> memref<8x8x128xf32, #tpu.memory_space<hbm>>
      %dma_start3A_1171 = arith.constant 0 : i32
      %dma_start3A_1172 = arith.constant 0 : i32
      %dma_start3A_1173 = arith.constant 0 : i32
      %dma_start3A_1174 = tpu.memref_slice %arg5[%add3A_1109, %dma_start3A_1171, %add3A, %dma_start3A_1172, %dma_start3A_1173] : memref<200x8x32x8x128xf32, #tpu.memory_space<hbm>> -> memref<1x8x1x8x128xf32, #tpu.memory_space<hbm>>
      %dma_start3A_1175 = tpu.memref_squeeze %dma_start3A_1174 : memref<1x8x1x8x128xf32, #tpu.memory_space<hbm>> -> memref<8x8x128xf32, #tpu.memory_space<hbm>>
      %dma_start3A_1176 = arith.constant 0 : i32
      %dma_start3A_1177 = arith.constant 0 : i32
      %dma_start3A_1178 = arith.constant 0 : i32
      %dma_start3A_1179 = tpu.memref_slice %arg8[%dma_start3A_1160, %dma_start3A_1176, %dma_start3A_1177, %dma_start3A_1178] : memref<4x8x8x136xf32, #tpu.memory_space<vmem>> -> memref<1x8x8x128xf32, #tpu.memory_space<vmem>>
      %dma_start3A_1180 = tpu.memref_squeeze %dma_start3A_1179 : memref<1x8x8x128xf32, #tpu.memory_space<vmem>> -> memref<8x8x128xf32, #tpu.memory_space<vmem>>
      tpu.enqueue_dma source(%dma_start3A_1180 : memref<8x8x128xf32, #tpu.memory_space<vmem>>) target(%dma_start3A_1175 : memref<8x8x128xf32, #tpu.memory_space<hbm>>) target_semaphore(%arg29 : memref<!tpu.dma_semaphore, #tpu.memory_space<semaphore_mem>>)
    }
    %scan3A_496 = arith.constant 25 : i32
    %dma_wait3A_497 = arith.constant 0 : i32
    %dma_wait3A_498 = arith.constant 196 : i32
    %dma_wait3A_499 = arith.constant 0 : i32
    %dma_wait3A_500 = arith.constant 0 : i32
    %dma_wait3A_501 = arith.constant 0 : i32
    %dma_wait3A_502 = tpu.memref_slice %arg8[%dma_wait3A_497, %dma_wait3A_499, %dma_wait3A_500, %dma_wait3A_501] : memref<4x8x8x136xf32, #tpu.memory_space<vmem>> -> memref<1x8x8x128xf32, #tpu.memory_space<vmem>>
    %dma_wait3A_503 = tpu.memref_squeeze %dma_wait3A_502 : memref<1x8x8x128xf32, #tpu.memory_space<vmem>> -> memref<8x8x128xf32, #tpu.memory_space<vmem>>
    %dma_wait3A_504 = arith.constant 0 : i32
    %dma_wait3A_505 = arith.constant 0 : i32
    %dma_wait3A_506 = arith.constant 0 : i32
    %dma_wait3A_507 = tpu.memref_slice %arg5[%dma_wait3A_498, %dma_wait3A_504, %add3A, %dma_wait3A_505, %dma_wait3A_506] : memref<200x8x32x8x128xf32, #tpu.memory_space<hbm>> -> memref<1x8x1x8x128xf32, #tpu.memory_space<hbm>>
    %dma_wait3A_508 = tpu.memref_squeeze %dma_wait3A_507 : memref<1x8x1x8x128xf32, #tpu.memory_space<hbm>> -> memref<8x8x128xf32, #tpu.memory_space<hbm>>
    %dma_wait3A_509 = arith.constant 0 : i32
    %dma_wait3A_510 = arith.constant 0 : i32
    %dma_wait3A_511 = arith.constant 0 : i32
    %dma_wait3A_512 = tpu.memref_slice %arg5[%dma_wait3A_498, %dma_wait3A_509, %add3A, %dma_wait3A_510, %dma_wait3A_511] : memref<200x8x32x8x128xf32, #tpu.memory_space<hbm>> -> memref<1x8x1x8x128xf32, #tpu.memory_space<hbm>>
    %dma_wait3A_513 = tpu.memref_squeeze %dma_wait3A_512 : memref<1x8x1x8x128xf32, #tpu.memory_space<hbm>> -> memref<8x8x128xf32, #tpu.memory_space<hbm>>
    %dma_wait3A_514 = arith.constant 0 : i32
    %dma_wait3A_515 = arith.constant 0 : i32
    %dma_wait3A_516 = arith.constant 0 : i32
    %dma_wait3A_517 = tpu.memref_slice %arg8[%dma_wait3A_497, %dma_wait3A_514, %dma_wait3A_515, %dma_wait3A_516] : memref<4x8x8x136xf32, #tpu.memory_space<vmem>> -> memref<1x8x8x128xf32, #tpu.memory_space<vmem>>
    %dma_wait3A_518 = tpu.memref_squeeze %dma_wait3A_517 : memref<1x8x8x128xf32, #tpu.memory_space<vmem>> -> memref<8x8x128xf32, #tpu.memory_space<vmem>>
    tpu.wait_dma2 semaphore(%arg26 : memref<!tpu.dma_semaphore, #tpu.memory_space<semaphore_mem>>) src(%dma_wait3A_518 : memref<8x8x128xf32, #tpu.memory_space<vmem>>) dst(%dma_wait3A_513 : memref<8x8x128xf32, #tpu.memory_space<hbm>>)
    %dma_wait3A_519 = arith.constant 1 : i32
    %dma_wait3A_520 = arith.constant 197 : i32
    %dma_wait3A_521 = arith.constant 0 : i32
    %dma_wait3A_522 = arith.constant 0 : i32
    %dma_wait3A_523 = arith.constant 0 : i32
    %dma_wait3A_524 = tpu.memref_slice %arg8[%dma_wait3A_519, %dma_wait3A_521, %dma_wait3A_522, %dma_wait3A_523] : memref<4x8x8x136xf32, #tpu.memory_space<vmem>> -> memref<1x8x8x128xf32, #tpu.memory_space<vmem>>
    %dma_wait3A_525 = tpu.memref_squeeze %dma_wait3A_524 : memref<1x8x8x128xf32, #tpu.memory_space<vmem>> -> memref<8x8x128xf32, #tpu.memory_space<vmem>>
    %dma_wait3A_526 = arith.constant 0 : i32
    %dma_wait3A_527 = arith.constant 0 : i32
    %dma_wait3A_528 = arith.constant 0 : i32
    %dma_wait3A_529 = tpu.memref_slice %arg5[%dma_wait3A_520, %dma_wait3A_526, %add3A, %dma_wait3A_527, %dma_wait3A_528] : memref<200x8x32x8x128xf32, #tpu.memory_space<hbm>> -> memref<1x8x1x8x128xf32, #tpu.memory_space<hbm>>
    %dma_wait3A_530 = tpu.memref_squeeze %dma_wait3A_529 : memref<1x8x1x8x128xf32, #tpu.memory_space<hbm>> -> memref<8x8x128xf32, #tpu.memory_space<hbm>>
    %dma_wait3A_531 = arith.constant 0 : i32
    %dma_wait3A_532 = arith.constant 0 : i32
    %dma_wait3A_533 = arith.constant 0 : i32
    %dma_wait3A_534 = tpu.memref_slice %arg5[%dma_wait3A_520, %dma_wait3A_531, %add3A, %dma_wait3A_532, %dma_wait3A_533] : memref<200x8x32x8x128xf32, #tpu.memory_space<hbm>> -> memref<1x8x1x8x128xf32, #tpu.memory_space<hbm>>
    %dma_wait3A_535 = tpu.memref_squeeze %dma_wait3A_534 : memref<1x8x1x8x128xf32, #tpu.memory_space<hbm>> -> memref<8x8x128xf32, #tpu.memory_space<hbm>>
    %dma_wait3A_536 = arith.constant 0 : i32
    %dma_wait3A_537 = arith.constant 0 : i32
    %dma_wait3A_538 = arith.constant 0 : i32
    %dma_wait3A_539 = tpu.memref_slice %arg8[%dma_wait3A_519, %dma_wait3A_536, %dma_wait3A_537, %dma_wait3A_538] : memref<4x8x8x136xf32, #tpu.memory_space<vmem>> -> memref<1x8x8x128xf32, #tpu.memory_space<vmem>>
    %dma_wait3A_540 = tpu.memref_squeeze %dma_wait3A_539 : memref<1x8x8x128xf32, #tpu.memory_space<vmem>> -> memref<8x8x128xf32, #tpu.memory_space<vmem>>
    tpu.wait_dma2 semaphore(%arg27 : memref<!tpu.dma_semaphore, #tpu.memory_space<semaphore_mem>>) src(%dma_wait3A_540 : memref<8x8x128xf32, #tpu.memory_space<vmem>>) dst(%dma_wait3A_535 : memref<8x8x128xf32, #tpu.memory_space<hbm>>)
    %dma_wait3A_541 = arith.constant 2 : i32
    %dma_wait3A_542 = arith.constant 198 : i32
    %dma_wait3A_543 = arith.constant 0 : i32
    %dma_wait3A_544 = arith.constant 0 : i32
    %dma_wait3A_545 = arith.constant 0 : i32
    %dma_wait3A_546 = tpu.memref_slice %arg8[%dma_wait3A_541, %dma_wait3A_543, %dma_wait3A_544, %dma_wait3A_545] : memref<4x8x8x136xf32, #tpu.memory_space<vmem>> -> memref<1x8x8x128xf32, #tpu.memory_space<vmem>>
    %dma_wait3A_547 = tpu.memref_squeeze %dma_wait3A_546 : memref<1x8x8x128xf32, #tpu.memory_space<vmem>> -> memref<8x8x128xf32, #tpu.memory_space<vmem>>
    %dma_wait3A_548 = arith.constant 0 : i32
    %dma_wait3A_549 = arith.constant 0 : i32
    %dma_wait3A_550 = arith.constant 0 : i32
    %dma_wait3A_551 = tpu.memref_slice %arg5[%dma_wait3A_542, %dma_wait3A_548, %add3A, %dma_wait3A_549, %dma_wait3A_550] : memref<200x8x32x8x128xf32, #tpu.memory_space<hbm>> -> memref<1x8x1x8x128xf32, #tpu.memory_space<hbm>>
    %dma_wait3A_552 = tpu.memref_squeeze %dma_wait3A_551 : memref<1x8x1x8x128xf32, #tpu.memory_space<hbm>> -> memref<8x8x128xf32, #tpu.memory_space<hbm>>
    %dma_wait3A_553 = arith.constant 0 : i32
    %dma_wait3A_554 = arith.constant 0 : i32
    %dma_wait3A_555 = arith.constant 0 : i32
    %dma_wait3A_556 = tpu.memref_slice %arg5[%dma_wait3A_542, %dma_wait3A_553, %add3A, %dma_wait3A_554, %dma_wait3A_555] : memref<200x8x32x8x128xf32, #tpu.memory_space<hbm>> -> memref<1x8x1x8x128xf32, #tpu.memory_space<hbm>>
    %dma_wait3A_557 = tpu.memref_squeeze %dma_wait3A_556 : memref<1x8x1x8x128xf32, #tpu.memory_space<hbm>> -> memref<8x8x128xf32, #tpu.memory_space<hbm>>
    %dma_wait3A_558 = arith.constant 0 : i32
    %dma_wait3A_559 = arith.constant 0 : i32
    %dma_wait3A_560 = arith.constant 0 : i32
    %dma_wait3A_561 = tpu.memref_slice %arg8[%dma_wait3A_541, %dma_wait3A_558, %dma_wait3A_559, %dma_wait3A_560] : memref<4x8x8x136xf32, #tpu.memory_space<vmem>> -> memref<1x8x8x128xf32, #tpu.memory_space<vmem>>
    %dma_wait3A_562 = tpu.memref_squeeze %dma_wait3A_561 : memref<1x8x8x128xf32, #tpu.memory_space<vmem>> -> memref<8x8x128xf32, #tpu.memory_space<vmem>>
    tpu.wait_dma2 semaphore(%arg28 : memref<!tpu.dma_semaphore, #tpu.memory_space<semaphore_mem>>) src(%dma_wait3A_562 : memref<8x8x128xf32, #tpu.memory_space<vmem>>) dst(%dma_wait3A_557 : memref<8x8x128xf32, #tpu.memory_space<hbm>>)
    %dma_wait3A_563 = arith.constant 3 : i32
    %dma_wait3A_564 = arith.constant 199 : i32
    %dma_wait3A_565 = arith.constant 0 : i32
    %dma_wait3A_566 = arith.constant 0 : i32
    %dma_wait3A_567 = arith.constant 0 : i32
    %dma_wait3A_568 = tpu.memref_slice %arg8[%dma_wait3A_563, %dma_wait3A_565, %dma_wait3A_566, %dma_wait3A_567] : memref<4x8x8x136xf32, #tpu.memory_space<vmem>> -> memref<1x8x8x128xf32, #tpu.memory_space<vmem>>
    %dma_wait3A_569 = tpu.memref_squeeze %dma_wait3A_568 : memref<1x8x8x128xf32, #tpu.memory_space<vmem>> -> memref<8x8x128xf32, #tpu.memory_space<vmem>>
    %dma_wait3A_570 = arith.constant 0 : i32
    %dma_wait3A_571 = arith.constant 0 : i32
    %dma_wait3A_572 = arith.constant 0 : i32
    %dma_wait3A_573 = tpu.memref_slice %arg5[%dma_wait3A_564, %dma_wait3A_570, %add3A, %dma_wait3A_571, %dma_wait3A_572] : memref<200x8x32x8x128xf32, #tpu.memory_space<hbm>> -> memref<1x8x1x8x128xf32, #tpu.memory_space<hbm>>
    %dma_wait3A_574 = tpu.memref_squeeze %dma_wait3A_573 : memref<1x8x1x8x128xf32, #tpu.memory_space<hbm>> -> memref<8x8x128xf32, #tpu.memory_space<hbm>>
    %dma_wait3A_575 = arith.constant 0 : i32
    %dma_wait3A_576 = arith.constant 0 : i32
    %dma_wait3A_577 = arith.constant 0 : i32
    %dma_wait3A_578 = tpu.memref_slice %arg5[%dma_wait3A_564, %dma_wait3A_575, %add3A, %dma_wait3A_576, %dma_wait3A_577] : memref<200x8x32x8x128xf32, #tpu.memory_space<hbm>> -> memref<1x8x1x8x128xf32, #tpu.memory_space<hbm>>
    %dma_wait3A_579 = tpu.memref_squeeze %dma_wait3A_578 : memref<1x8x1x8x128xf32, #tpu.memory_space<hbm>> -> memref<8x8x128xf32, #tpu.memory_space<hbm>>
    %dma_wait3A_580 = arith.constant 0 : i32
    %dma_wait3A_581 = arith.constant 0 : i32
    %dma_wait3A_582 = arith.constant 0 : i32
    %dma_wait3A_583 = tpu.memref_slice %arg8[%dma_wait3A_563, %dma_wait3A_580, %dma_wait3A_581, %dma_wait3A_582] : memref<4x8x8x136xf32, #tpu.memory_space<vmem>> -> memref<1x8x8x128xf32, #tpu.memory_space<vmem>>
    %dma_wait3A_584 = tpu.memref_squeeze %dma_wait3A_583 : memref<1x8x8x128xf32, #tpu.memory_space<vmem>> -> memref<8x8x128xf32, #tpu.memory_space<vmem>>
    tpu.wait_dma2 semaphore(%arg29 : memref<!tpu.dma_semaphore, #tpu.memory_space<semaphore_mem>>) src(%dma_wait3A_584 : memref<8x8x128xf32, #tpu.memory_space<vmem>>) dst(%dma_wait3A_579 : memref<8x8x128xf32, #tpu.memory_space<hbm>>)
    return
  }
}

</mosaic_0001>

<sc_bundles>
// kernel: kernel.3.cloned.1.call-start
scs
__scs_entry_jumppad:
0x0: {  	(pc) =	sbr.rel $0x88, $3  }
0x1: {  	(tag) =	ssettag $0x0;
	lr =	simm.s32 $0x1  }
0x2: {  	[smem:$0x3F9E] =	sst lr;
	_ =	strace $0xD0000000  }
0x3: {  	_ = 	snop  }
0x4: {  	_ = 	snop  }
0x5: {  	_ = 	snop  }
0x6: {  	_ = 	snop  }
0x7: {  	_ = 	snop  }
__scs_overlays_trampoline_lowered:
0x8: {  	[smem:$0x3FAD] =	sst s0  }
0x9: {  	[smem:$0x3FAE] =	sst s1  }
0xa: {  	[smem:$0x3FAF] =	sst s2  }
0xb: {  	[smem:$0x3FB0] =	sst s3  }
0xc: {  	[smem:$0x3FB1] =	sst s4  }
0xd: {  	[smem:$0x3FB2] =	sst s5  }
0xe: {  	[smem:$0x3FB3] =	sst s6  }
0xf: {  	[smem:$0x3FB4] =	sst s7  }
0x10: {  	[smem:$0x3FB5] =	sst s8  }
0x11: {  	[smem:$0x3FB6] =	sst s9;
	s0 =	simm.s32 @!p0 $0x0  }
0x12: {  	s1 =	sld [smem:$0x3F9C];
	s0 =	simm.s32 @p0 $0x1  }
0x13: {  	[smem:$0x3FB7] =	sst s0;
	s0 =	simm.s32 @!p1 $0x0  }
0x14: {  	s2 =	sld [smem:$0x3F9B];
	s0 =	simm.s32 @p1 $0x1  }
0x15: {  	[smem:$0x3FB8] =	sst s0;
	s0 =	simm.s32 @!p2 $0x0  }
0x16: {  	s3 =	sld [smem:$0x3FDB];
	s0 =	simm.s32 @p2 $0x1  }
0x17: {  	s4 =	simm.s32 $0x1BF5;
	[smem:$0x3FBA] =	sst s0  }
0x18: {  	s0 =	sld [smem:$0x3F9D];
	_ =	swait.ge [sflag:s4], $0x0  }
0x19: {  	s7 =	sld [smem:$0x3F9E]  }
0x1a: {  	s8 =	sadd.s32 $0xFFFFE003, lr  }
0x1b: {  	s9 =	sadd.s32 $0xFFFFFEF7, lr;
	s5 =	simm.s32 $0xFFFFFFFF;
	p2 =	slt.u32 s8, $0xFFFFF086  }
0x1c: {  	p1 =	slt.u32 s9, $0xF7A;
	s5 =	simm.s32 @!p2 $0x0  }
0x1d: {  	s5 =	simm.s32 @p1 $0x1;
	p0 =	seq.s32 s7, s2  }
0x1e: {  	s7 =	smul.u32 @!p0 $0xF7A, s2;
	p2 =	seq.s32 @!p0 s5, $0x0  }
0x1f: {  	s9 =	smul.u32 $0xF7A, s1;
	s8 =	simm.s32 @!p0 $0x1BF5;
	p2 =	por !p2, p0  }
0x20: {  	[sflag:s8] =	ssyncset.s32 @!p0 $0xFFFFF086;
	s6 =	sadd.s32 @!p0 s3, s7;
	s7 =	simm.s32 @!p0 $0x108  }
0x21: {  	s3 =	sadd.s32 s3, s9;
	s6 =	sadd.s32 @!p0 $0x88, s6;
	s7 =	simm.s32 @p2 $0x1082  }
0x22: {  	[simem:s7], [sflag:s8] =	dma.local @!p0 [hbm:s6], $0xF7A  }
0x23: {  	s9 =	sor.u32 $0xD0000000, s2;
	s6 =	simm.s32 $0x108;
	_ =	swait.ge @!p0 [sflag:s8], $0x0  }
0x24: {  	s3 =	sadd.s32 $0x88, s3;
	s6 =	simm.s32 @!p1 $0x1082;
	[sflag:s4] =	ssyncset.s32 $0xFFFFF086  }
0x25: {  	[simem:s6], [sflag:s4] =	dma.local [hbm:s3], $0xF7A  }
0x26: {  	[smem:$0x3F9E] =	sst s1;
	(tag) =	ssettag s2;
	_ =	strace s9  }
0x27: {  	s1 =	sld [smem:$0x3FAE]  }
0x28: {  	s2 =	sld [smem:$0x3FAF]  }
0x29: {  	s4 =	sld [smem:$0x3FB1]  }
0x2a: {  	p0 =	seq.s32 s5, $0x0;
	s5 =	sld [smem:$0x3FB2]  }
0x2b: {  	s6 =	sld [smem:$0x3FB3]  }
0x2c: {  	s7 =	sld [smem:$0x3FB4]  }
0x2d: {  	s3 =	simm.s32 $0x108;
	s8 =	sld [smem:$0x3FB5]  }
0x2e: {  	s3 =	simm.s32 @!p0 $0x1082;
	s9 =	sld [smem:$0x3FB6]  }
0x2f: {  	lr =	sadd.s32 s0, s3;
	s0 =	sld [smem:$0x3FAD]  }
0x30: {  	s3 =	sld [smem:$0x3FB0]  }
0x31: {  	[smem:$0x3FB9] =	sst s10  }
0x32: {  	s10 =	sld [smem:$0x3FB7];
	_ =	sdelay $0x3  }
0x33: {  	p0 =	seq.s32 s10, $0x1;
	s10 =	sld [smem:$0x3FB9];
	_ =	sdelay $0x3  }
0x34: {  	[smem:$0x3FB9] =	sst s10  }
0x35: {  	s10 =	sld [smem:$0x3FB8];
	_ =	sdelay $0x3  }
0x36: {  	p1 =	seq.s32 s10, $0x1;
	s10 =	sld [smem:$0x3FB9];
	_ =	sdelay $0x3  }
0x37: {  	[smem:$0x3FB9] =	sst s10  }
0x38: {  	s10 =	sld [smem:$0x3FBA]  }
0x39: {  	_ = 	snop;
	(pc) =	sbr.ind lr, $3  }
0x3a: {  	_ = 	snop  }
0x3b: {  	_ = 	snop  }
0x3c: {  	p2 =	seq.s32 s10, $0x1;
	s10 =	sld [smem:$0x3FB9]  }
0x3d: {  	_ =	shalt  }
0x3e: {  	_ =	shalt  }
0x3f: {  	_ =	shalt  }
0x40: {  	_ =	shalt  }
0x41: {  	_ =	shalt  }
0x42: {  	_ =	shalt  }
0x43: {  	_ =	shalt  }
0x44: {  	_ =	shalt  }
0x45: {  	_ =	shalt  }
0x46: {  	_ =	shalt  }
0x47: {  	_ =	shalt  }
0x48: {  	_ =	shalt  }
0x49: {  	_ =	shalt  }
0x4a: {  	_ =	shalt  }
0x4b: {  	_ =	shalt  }
0x4c: {  	_ =	shalt  }
0x4d: {  	_ =	shalt  }
0x4e: {  	_ =	shalt  }
0x4f: {  	_ =	shalt  }
0x50: {  	_ =	shalt  }
0x51: {  	_ =	shalt  }
0x52: {  	_ =	shalt  }
0x53: {  	_ =	shalt  }
0x54: {  	_ =	shalt  }
0x55: {  	_ =	shalt  }
0x56: {  	_ =	shalt  }
0x57: {  	_ =	shalt  }
0x58: {  	_ =	shalt  }
0x59: {  	_ =	shalt  }
0x5a: {  	_ =	shalt  }
0x5b: {  	_ =	shalt  }
0x5c: {  	_ =	shalt  }
0x5d: {  	_ =	shalt  }
0x5e: {  	_ =	shalt  }
0x5f: {  	_ =	shalt  }
0x60: {  	_ =	shalt  }
0x61: {  	_ =	shalt  }
0x62: {  	_ =	shalt  }
0x63: {  	_ =	shalt  }
0x64: {  	_ =	shalt  }
0x65: {  	_ =	shalt  }
0x66: {  	_ =	shalt  }
0x67: {  	_ =	shalt  }
0x68: {  	_ =	shalt  }
0x69: {  	_ =	shalt  }
0x6a: {  	_ =	shalt  }
0x6b: {  	_ =	shalt  }
0x6c: {  	_ =	shalt  }
0x6d: {  	_ =	shalt  }
0x6e: {  	_ =	shalt  }
0x6f: {  	_ =	shalt  }
0x70: {  	_ =	shalt  }
0x71: {  	_ =	shalt  }
0x72: {  	_ =	shalt  }
0x73: {  	_ =	shalt  }
0x74: {  	_ =	shalt  }
0x75: {  	_ =	shalt  }
0x76: {  	_ =	shalt  }
0x77: {  	_ =	shalt  }
0x78: {  	_ =	shalt  }
0x79: {  	_ =	shalt  }
0x7a: {  	_ =	shalt  }
0x7b: {  	_ =	shalt  }
0x7c: {  	_ =	shalt  }
0x7d: {  	_ =	shalt  }
0x7e: {  	_ =	shalt  }
0x7f: {  	_ =	shalt  }
0x80: {  	_ =	shalt  }
0x81: {  	_ =	shalt  }
0x82: {  	_ =	shalt  }
0x83: {  	_ =	shalt  }
0x84: {  	_ =	shalt  }
0x85: {  	_ =	shalt  }
0x86: {  	_ =	shalt  }
0x87: {  	_ =	shalt  }
.Lfunc_end0:
.L_simem_size_0:
called_computation_lowered:
.L_overlay_start_0:
0x88: {  	s2 =	sld [smem:$0x3FD9]  }
0x89: {  	s3 =	sld [smem:$0x3FFE];
	_ =	sdelay $0x1  }
0x8a: {  	s1 =	srdreg.scid  }
0x8b: {  	s0 =	sand.u32 $0x1, s1  }
0x8c: {  	s17 =	sshll.u32 s0, $0xA;
	s2 =	sadd.s32 s3, s2  }
0x8d: {  	s2 =	sadd.s32 s2, s17  }
0x8e: {  	[smem:$0x3FC5] =	sst s2  }
0x8f: {  	_ = 	snop  }
0x90: {  	s2 =	sld [smem:$0x3FC9]  }
0x91: {  	s18 =	sld [smem:$0x3FD0];
	(tm) =	ssettm $0x1  }
0x92: {  	s4 =	sld [smem:$0x3FFB];
	_ =	sdelay $0x3  }
0x93: {  	_ =	strace s4  }
0x94: {  	s4 =	sld [smem:$0x3FFC];
	_ =	sdelay $0x3  }
0x95: {  	_ =	strace s4  }
0x96: {  	s4 =	sld [smem:$0x3FFD];
	_ =	sdelay $0x3  }
0x97: {  	_ =	strace s4  }
0x98: {  	_ =	strace $0x8FFFFFFF  }
0x99: {  	s19 =	sld [smem:$0x3FDB];
	_ =	sdelay $0x1  }
0x9a: {  	s5 =	simm.s32 $_scs_section_size  }
0x9b: {  	s6 =	simm.s32 $_size__tile_overlayer_lowered;
	s7 =	simm.s32 $_tile_overlayer_lowered  }
0x9c: {  	s22 =	simm.s32 $0x1BFF;
	s21 =	sshll.u32 s7, $0x1;
	s4 =	sadd.s32 s5, s19  }
0x9d: {  	s8 =	simm.s32 $0x0;
	s20 =	sshll.u32 s6, $0x1;
	s6 =	sadd.s32 s21, s4  }
0x9e: {  	[timem:s8], [sflag:s22] =	dma.local [hbm:s6], s20  }
0x9f: {  	_ =	swait.ge [sflag:s22], s20  }
0xa0: {  	s5 =	ssub.s32 $0x0, s20;
	[sflag:s22] =	ssyncset.done $0x0  }
0xa1: {  	[sflag:s22] =	ssyncadd.s32 s5;
	_ =	sdelay $0x1  }
0xa2: {  	s23 =	simm.s32 $0x1B8B  }
0xa3: {  	_ =	swait.ge [sflag:s23], $0x1  }
0xa4: {  	[sflag:s23] =	ssyncset.done $0x0  }
0xa5: {  	s25 =	simm.s32 $0x1B8E;
	s24 =	sld [smem:$0x3FFE];
	[sflag:s23] =	ssyncadd.s32 $0xFFFFFFFF  }
0xa6: {  	s26 =	simm.s32 $execute0_lowered;
	[smem:$0x3FD2] =	sst s25  }
0xa7: {  	s6 =	sshll.u32 s26, $0x1;
	_ =	strace $0x80000046;
	[dreg:$0x1] =	wrdreg $0xFFFFFFFF  }
0xa8: {  	s28 =	simm.s32 $_size_execute0_lowered;
	s4 =	sadd.s32 s4, s6;
	[dreg:$0x0] =	wrdreg $0x0  }
0xa9: {  	s6 =	sshll.u32 s28, $0x1;
	[dreg:$0x2] =	wrdreg s4  }
0xaa: {  	[dreg:$0x3] =	wrdreg s6  }
0xab: {  	[dreg:$0x4] =	wrdreg $0xC0  }
0xac: {  	_ =	task [dreg:s8], $0x5FFFF  }
0xad: {  	[dreg:$0x1] =	wrdreg $0xFFFFFFFF  }
0xae: {  	[dreg:$0x0] =	wrdreg $0x60  }
0xaf: {  	[dreg:$0x2] =	wrdreg s2  }
0xb0: {  	[dreg:$0x3] =	wrdreg s24  }
0xb1: {  	[dreg:$0x4] =	wrdreg s18  }
0xb2: {  	[dreg:$0x5] =	wrdreg $0x9  }
0xb3: {  	_ =	task.clear_ibuf [dreg:s8], $0x6FFFF;
	_ =	strace $0x90000046  }
0xb4: {  	s29 =	simm.s32 $0x9;
	_ =	strace $0x80000048  }
0xb5: {  	_ =	swait.ge [sflag:s29], $0x1  }
0xb6: {  	[sflag:s29] =	ssyncadd.s32 $0xFFFFFFFF  }
0xb7: {  	_ =	strace $0x90000048  }
0xb8: {  	_ =	sfence  }
0xb9: {  	s30 =	sld [smem:$0x0];
	_ =	sdelay $0x2  }
0xba: {  	s31 =	sshll.u32 s1, $0xD;
	s1 =	sshrl.u32 s1, $0x2  }
0xbb: {  	s3 =	sand.u32 $0x4000, s31;
	s1 =	sadd.s32 s1, s30  }
0xbc: {  	s0 =	sor.u32 s3, s0;
	s1 =	sshll.u32 s1, $0x11  }
0xbd: {  	s0 =	sor.u32 s1, s0  }
0xbe: {  	s0 =	sadd.s32 $0x8F2B, s0  }
0xbf: {  	[sflag:s0] =	ssyncadd.remote.s32 $0x1  }
0xc0: {  	_ =	sfence.sel $0xFFFF  }
0xc1: {  	[dreg:$0x0] =	wrdreg $0xFFFFFFFF;
	(pc) =	sbr.abs _section_cstart, $3  }
0xc2: {  	[dreg:$0x1] =	wrdreg $0xFFFFFFFF  }
0xc3: {  	_ =	task.clear_ibuf [dreg:s8], $0x2FFFF;
	_ =	strace $0x9FFFFFFF  }
0xc4: {  	(tm) =	ssettm $0x7FFFFFFF  }
0xc5: {  	_ =	shalt  }
tec
execute0_lowered:
.L_overlay_start_1:
0x0: {  	(tag) =	ssettag $0x1  }
0x1: {  	s8 =	rddreg [dreg:$0x0]  }
0x2: {  	s0 =	rddreg [dreg:$0x1]  }
0x3: {  	s3 =	rddreg [dreg:$0x2];
	s1 =	srdreg.scid;
	s4 =	simm.s32 $0x0  }
0x4: {  	s2 =	stileid.u32;
	s28 =	simm.s32 $0x16A00;
	s29 =	simm.s32 $0x11  }
0x5: {  	[smem:$0x7FF] =	sst s4;
	s6 =	sadd.s32 $0xC00, s0;
	s0 =	sadd.s32 $0x400, s0  }
0x6: {  	s16 =	sadd.s32 $0x10, s8;
	_ =	strace $0x80000047;
	[dreg:$0x4] =	wrdreg s0  }
0x7: {  	s30 =	simm.s32 $0xD;
	s17 =	sadd.s32 $0x20, s8;
	[dreg:$0x6] =	wrdreg s16  }
0x8: {  	s31 =	simm.s32 $0x12;
	s9 =	sadd.s32 $0x30, s8;
	[dreg:$0x7] =	wrdreg s17  }
0x9: {  	s12 =	simm.s32 $0x13;
	s20 =	sadd.s32 $0x40, s8;
	[dreg:$0x8] =	wrdreg s9  }
0xa: {  	s1 =	sand.u32 $0x1, s1;
	s21 =	sadd.s32 $0x50, s8;
	[dreg:$0xc] =	wrdreg s20  }
0xb: {  	s2 =	sshll.u32 s2, $0xB;
	s22 =	sadd.s32 $0x60, s8;
	[dreg:$0xd] =	wrdreg s21  }
0xc: {  	s25 =	sadd.s32 $0x70, s8;
	s5 =	sshll.u32 s1, $0xA;
	[dreg:$0xe] =	wrdreg s22  }
0xd: {  	s1 =	ssub.s32 $0x2, s1;
	[dreg:$0x12] =	wrdreg s25;
	s5 =	sor.u32 s5, s2  }
0xe: {  	s25 =	simm.s32 $0xB;
	s7 =	sshrl.u32 s5, $0x3;
	s26 =	sor.u32 $0x8000, s5  }
0xf: {  	s13 =	sshrl.u32 s1, $0x1;
	s15 =	sadd.s32 s8, s7;
	[dreg:$0x13] =	wrdreg s26  }
0x10: {  	s14 =	ssub.s32 s1, s13;
	s1 =	sadd.s32 s7, s16;
	[dreg:$0x5] =	wrdreg s15  }
0x11: {  	s2 =	simm.s32 $0x14800;
	s18 =	sadd.s32 s7, s17;
	[dreg:$0x9] =	wrdreg s1  }
0x12: {  	s19 =	sadd.s32 s7, s9;
	s23 =	sadd.s32 s7, s21;
	[dreg:$0xa] =	wrdreg s18  }
0x13: {  	s24 =	sadd.s32 s7, s22;
	s0 =	smax.u32 s14, $0x1;
	[dreg:$0xb] =	wrdreg s19  }
0x14: {  	s14 =	simm.s32 $0x10400;
	s9 =	simm.s32 $0x10;
	[dreg:$0x10] =	wrdreg s23  }
0x15: {  	v0 =	vlaneseq.u32;
	s8 =	simm.s32 $0x0;
	s1 =	sadd.s32 s7, s20;
	[dreg:$0x11] =	wrdreg s24  }
0x16: {  	v0 =	vmul.u32 $0x88, v0;
	[dreg:$0x14] =	wrdreg s0;
	s18 =	simm.s32 $0x80;
	s20 =	simm.s32 $0xA  }
0x17: {  	s23 =	simm.s32 $0x12600;
	s24 =	simm.s32 $0xC;
	s19 =	simm.s32 $0xF  }
0x18: {  	v1 =	vadd.s32 $0x880, v0;
	v2 =	vadd.s32 $0x1100, v0;
	v3 =	vadd.s32 $0x1980, v0;
	s0 =	simm.s32 $0x14;
	[dreg:$0xf] =	wrdreg s1;
	s1 =	simm.s32 $0xE  }
.LBB2_1:
0x19: {  	[dreg:$0x15] =	wrdreg s8  }
0x1a: {  	s7 =	rddreg [dreg:$0x4];
	s10 =	simm.s32 $0x18C00;
	s11 =	simm.s32 $0x15  }
0x1b: {  	[tilespmem:s10], [sflag:$0x15] =	stream.linear.gather [hbm4b:s7+s4], $0x3200, $0x38;
	[tilespmem:$0x1BE00] =	vst v63  }
0x1c: {  	_ =	swait.ge [sflag:s11], $0x3200  }
0x1d: {  	[sflag:s11] =	ssyncset.done $0x0  }
0x1e: {  	s13 =	rddreg [dreg:$0x5];
	[sflag:s11] =	ssyncadd.s32 $0xFFFFCE00  }
0x1f: {  	[tilespmem:s4], [sflag:$0x1] =	stream.linear.gather [hbm4b:s13+s4], $0x80, $0x38;
	[tilespmem:$0x1BE00] =	vst v63  }
0x20: {  	s15 =	rddreg [dreg:$0x9]  }
0x21: {  	[tilespmem:s18], [sflag:$0x2] =	stream.linear.gather [hbm4b:s15+s4], $0x80, $0x38;
	[tilespmem:$0x1BE00] =	vst v63  }
0x22: {  	s8 =	simm.s32 $0x100;
	s16 =	rddreg [dreg:$0xa]  }
0x23: {  	[tilespmem:s8], [sflag:$0x3] =	stream.linear.gather [hbm4b:s16+s4], $0x80, $0x38;
	[tilespmem:$0x1BE00] =	vst v63  }
0x24: {  	s10 =	simm.s32 $0x180;
	s17 =	rddreg [dreg:$0xb]  }
0x25: {  	[tilespmem:s10], [sflag:$0x4] =	stream.linear.gather [hbm4b:s17+s4], $0x80, $0x38;
	[tilespmem:$0x1BE00] =	vst v63  }
0x26: {  	s21 =	rddreg [dreg:$0xf];
	s11 =	simm.s32 $0x200  }
0x27: {  	[tilespmem:s11], [sflag:$0x5] =	stream.linear.gather [hbm4b:s21+s4], $0x80, $0x38;
	[tilespmem:$0x1BE00] =	vst v63  }
0x28: {  	s22 =	rddreg [dreg:$0x10];
	s13 =	simm.s32 $0x280  }
0x29: {  	[tilespmem:s13], [sflag:$0x6] =	stream.linear.gather [hbm4b:s22+s4], $0x80, $0x38;
	[tilespmem:$0x1BE00] =	vst v63  }
0x2a: {  	s26 =	rddreg [dreg:$0x11];
	s15 =	simm.s32 $0x300  }
0x2b: {  	[tilespmem:s15], [sflag:$0x7] =	stream.linear.gather [hbm4b:s26+s4], $0x80, $0x38;
	[tilespmem:$0x1BE00] =	vst v63  }
0x2c: {  	s15 =	simm.s32 $0x1  }
0x2d: {  	_ =	swait.ge [sflag:s15], $0x80  }
0x2e: {  	[sflag:s15] =	ssyncset.done $0x0  }
0x2f: {  	s16 =	simm.s32 $0x400;
	s17 =	simm.s32 $0x2;
	[sflag:s15] =	ssyncadd.s32 $0xFFFFFF80  }
0x30: {  	[tilespmem:s16], [sflag:$0x9] =	stream.indirect.gather [hbm4b:s6+s18], $0x40, s4, s18, $0xb8;
	[tilespmem:$0x1BE00] =	vst v63  }
0x31: {  	_ =	swait.ge [sflag:s17], $0x80  }
0x32: {  	[sflag:s17] =	ssyncset.done $0x0  }
0x33: {  	s21 =	simm.s32 $0x2400;
	s22 =	simm.s32 $0x3;
	[sflag:s17] =	ssyncadd.s32 $0xFFFFFF80  }
0x34: {  	[tilespmem:s21], [sflag:$0xA] =	stream.indirect.gather [hbm4b:s6+s18], $0x40, s18, s18, $0xb8;
	[tilespmem:$0x1BE00] =	vst v63  }
0x35: {  	_ =	swait.ge [sflag:s22], $0x80  }
0x36: {  	[sflag:s22] =	ssyncset.done $0x0  }
0x37: {  	s26 =	simm.s32 $0x4400;
	s15 =	simm.s32 $0x4;
	[sflag:s22] =	ssyncadd.s32 $0xFFFFFF80  }
0x38: {  	[tilespmem:s26], [sflag:$0xB] =	stream.indirect.gather [hbm4b:s6+s18], $0x40, s8, s18, $0xb8;
	[tilespmem:$0x1BE00] =	vst v63  }
0x39: {  	_ =	swait.ge [sflag:s15], $0x80  }
0x3a: {  	[sflag:s15] =	ssyncset.done $0x0  }
0x3b: {  	s16 =	simm.s32 $0x6400;
	s17 =	simm.s32 $0x5;
	[sflag:s15] =	ssyncadd.s32 $0xFFFFFF80  }
0x3c: {  	[tilespmem:s16], [sflag:$0xC] =	stream.indirect.gather [hbm4b:s6+s18], $0x40, s10, s18, $0xb8;
	[tilespmem:$0x1BE00] =	vst v63  }
0x3d: {  	_ =	swait.ge [sflag:s17], $0x80  }
0x3e: {  	[sflag:s17] =	ssyncset.done $0x0  }
0x3f: {  	s21 =	simm.s32 $0x8400;
	s22 =	simm.s32 $0x6;
	[sflag:s17] =	ssyncadd.s32 $0xFFFFFF80  }
0x40: {  	[tilespmem:s21], [sflag:$0xD] =	stream.indirect.gather [hbm4b:s6+s18], $0x40, s11, s18, $0xb8;
	[tilespmem:$0x1BE00] =	vst v63  }
0x41: {  	_ =	swait.ge [sflag:s22], $0x80  }
0x42: {  	[sflag:s22] =	ssyncset.done $0x0  }
0x43: {  	s26 =	simm.s32 $0xA400;
	s10 =	simm.s32 $0x0;
	[sflag:s22] =	ssyncadd.s32 $0xFFFFFF80  }
0x44: {  	[tilespmem:s26], [sflag:$0xE] =	stream.indirect.gather [hbm4b:s6+s18], $0x40, s13, s18, $0xb8;
	[tilespmem:$0x1BE00] =	vst v63  }
.LBB2_2:
0x45: {  	s16 =	sshll.u32 s10, $0xF  }
0x46: {  	s7 =	sor.u32 s5, s16  }
0x47: {  	s8 =	rddreg [dreg:$0x12];
	s7 =	sshrl.u32 s7, $0x3  }
0x48: {  	s26 =	simm.s32 $0x380;
	s7 =	sadd.s32 s7, s8;
	s8 =	simm.s32 $0x7  }
0x49: {  	[tilespmem:s26], [sflag:$0x8] =	stream.linear.gather [hbm4b:s7+s4], $0x80, $0x38;
	[tilespmem:$0x1BE00] =	vst v63  }
0x4a: {  	_ =	swait.ge [sflag:s8], $0x80  }
0x4b: {  	s11 =	simm.s32 $0x300;
	p1 =	seq.s32 s10, $0x0;
	[sflag:s8] =	ssyncset.done $0x0  }
0x4c: {  	s13 =	simm.s32 $0xC400;
	s7 =	simm.s32 @!p1 $0x11;
	[sflag:s8] =	ssyncadd.s32 $0xFFFFFF80  }
0x4d: {  	[tilespmem:s13], [sflag:$0xF] =	stream.indirect.gather [hbm4b:s6+s18], $0x40, s11, s18, $0xb8;
	[tilespmem:$0x1BE00] =	vst v63  }
0x4e: {  	_ =	swait.ge @!p1 [sflag:s7], $0x2000  }
0x4f: {  	[sflag:s7] =	ssyncset.done @!p1 $0x0  }
0x50: {  	s15 =	simm.s32 $0x9;
	[sflag:s7] =	ssyncadd.s32 @!p1 $0xFFFFE000  }
0x51: {  	_ =	swait.ge [sflag:s15], $0x2000  }
0x52: {  	s17 =	sshll.u32 s10, $0x9;
	[sflag:s15] =	ssyncset.done $0x0  }
0x53: {  	s7 =	sand.u32 $0x3FFFFE00, s17;
	[sflag:s15] =	ssyncadd.s32 $0xFFFFE000  }
0x54: {  	s21 =	simm.s32 $0x3;
	s11 =	simm.s32 $0x480;
	v9 =	vld [tilespmem:s7+$0x18C00]  }
0x55: {  	v4 =	vmov s21;
	v7 =	vld [tilespmem:s11+$0x40]  }
0x56: {  	s22 =	simm.s32 $0x0;
	v13 =	vand.u32 $0x7F, v4  }
0x57: {  	v4 =	vmov s22;
	v8 =	vadd.s32 v0, v13;
	v6 =	vld [tilespmem:s7+$0x18C10]  }
0x58: {  	v12 =	vand.u32 $0x7C, v4;
	s26 =	simm.s32 $0x1;
	v10 =	vld [tilespmem:s11+$0xFFFFFF80]  }
0x59: {  	v15 =	vadd.s32 v0, v12;
	v4 =	vmov s26;
	s15 =	simm.s32 $0x2;
	v11 =	vld [tilespmem:s11+$0xFFFFFFC0]  }
0x5a: {  	v19 =	vand.u32 $0x7D, v4;
	v14 =	vmov s15;
	v16 =	vld [tilespmem:s11+$0x0];
	v7 =	vadd.f32 v7, v9  }
0x5b: {  	v17 =	vadd.s32 v0, v19;
	v5 =	vld [tilespmem:s7+$0x18C20];
	v21 =	vand.u32 $0x7E, v14  }
0x5c: {  	v4 =	vld [tilespmem:s7+$0x18C30];
	v14 =	vadd.s32 v0, v21;
	[tilespmem:v8+s14+$0x0] =	vst.idx.msk $0xffff, v7  }
0x5d: {  	v7 =	vadd.f32 v10, v9;
	v8 =	vld [tilespmem:s11+$0x50]  }
0x5e: {  	v10 =	vadd.f32 v11, v9  }
0x5f: {  	v11 =	vadd.s32 v1, v13;
	[tilespmem:v15+s14+$0x0] =	vst.idx.msk $0xffff, v7;
	v7 =	vadd.f32 v16, v9  }
0x60: {  	[tilespmem:v17+s14+$0x0] =	vst.idx.msk $0xffff, v10;
	v15 =	vld [tilespmem:s11+$0xFFFFFF90]  }
0x61: {  	v10 =	vld [tilespmem:s11+$0xFFFFFFD0];
	[tilespmem:v14+s14+$0x0] =	vst.idx.msk $0xffff, v7  }
0x62: {  	v14 =	vld [tilespmem:s11+$0x10];
	v7 =	vadd.f32 v8, v6  }
0x63: {  	s21 =	simm.s32 $0x580;
	s15 =	simm.s32 $0x7;
	v16 =	vadd.s32 v1, v19  }
0x64: {  	v26 =	vadd.s32 v2, v13;
	s13 =	simm.s32 $0x4;
	v18 =	vld [tilespmem:s21+$0x40];
	v17 =	vadd.s32 v1, v21;
	[tilespmem:v11+s14+$0x0] =	vst.idx.msk $0xffff, v7;
	v7 =	vmov s15  }
0x65: {  	v20 =	vadd.s32 v1, v12;
	v8 =	vmov s13;
	v7 =	vand.u32 $0x7F, v7;
	v22 =	vld [tilespmem:s11+$0x60]  }
0x66: {  	s17 =	simm.s32 $0x5;
	v23 =	vld [tilespmem:s21+$0xFFFFFF80];
	v8 =	vand.u32 $0x7C, v8;
	v10 =	vadd.f32 v10, v6;
	v24 =	vadd.s32 v0, v7  }
0x67: {  	s22 =	simm.s32 $0x6;
	v25 =	vld [tilespmem:s21+$0xFFFFFFC0];
	v15 =	vadd.f32 v15, v6;
	v11 =	vadd.f32 v14, v6;
	v14 =	vmov s17  }
0x68: {  	v27 =	vadd.s32 v0, v8;
	[tilespmem:v16+s14+$0x0] =	vst.idx.msk $0xffff, v10;
	v16 =	vmov s22;
	v10 =	vand.u32 $0x7D, v14;
	v14 =	vld [tilespmem:s21+$0x0]  }
0x69: {  	[tilespmem:v17+s14+$0x0] =	vst.idx.msk $0xffff, v11;
	v17 =	vadd.s32 v0, v10;
	v11 =	vand.u32 $0x7E, v16;
	v16 =	vadd.f32 v18, v9;
	v18 =	vld [tilespmem:s11+$0xFFFFFFE0]  }
0x6a: {  	[tilespmem:v20+s14+$0x0] =	vst.idx.msk $0xffff, v15;
	v15 =	vadd.s32 v0, v11;
	v20 =	vld [tilespmem:s11+$0x20];
	v22 =	vadd.f32 v22, v5  }
0x6b: {  	v23 =	vadd.f32 v23, v9;
	[tilespmem:v24+s14+$0x0] =	vst.idx.msk $0xffff, v16;
	v16 =	vld [tilespmem:s11+$0xFFFFFFA0];
	v24 =	vadd.s32 v2, v19  }
0x6c: {  	v29 =	vadd.s32 v2, v21;
	v25 =	vadd.f32 v25, v9;
	v28 =	vld [tilespmem:s21+$0x50];
	[tilespmem:v26+s14+$0x0] =	vst.idx.msk $0xffff, v22  }
0x6d: {  	[tilespmem:v27+s14+$0x0] =	vst.idx.msk $0xffff, v23;
	v23 =	vadd.s32 v2, v12;
	v14 =	vadd.f32 v14, v9;
	v26 =	vld [tilespmem:s11+$0x70]  }
0x6e: {  	v27 =	vld [tilespmem:s21+$0xFFFFFF90];
	[tilespmem:v17+s14+$0x0] =	vst.idx.msk $0xffff, v25;
	v25 =	vadd.s32 v1, v7;
	v18 =	vadd.f32 v18, v5  }
0x6f: {  	v31 =	vadd.s32 v3, v13;
	v30 =	vld [tilespmem:s21+$0xFFFFFFD0];
	[tilespmem:v15+s14+$0x0] =	vst.idx.msk $0xffff, v14;
	v14 =	vadd.f32 v20, v5  }
0x70: {  	v22 =	vadd.s32 v1, v8;
	v17 =	vld [tilespmem:s21+$0x10];
	v13 =	vadd.f32 v16, v5;
	[tilespmem:v24+s14+$0x0] =	vst.idx.msk $0xffff, v18  }
0x71: {  	s7 =	simm.s32 $0x8;
	v20 =	vadd.s32 v1, v10;
	[tilespmem:v29+s14+$0x0] =	vst.idx.msk $0xffff, v14;
	v18 =	vadd.f32 v28, v6;
	v16 =	vld [tilespmem:s11+$0xFFFFFFF0]  }
0x72: {  	v24 =	vmov s7;
	v14 =	vadd.s32 v1, v11;
	v15 =	vld [tilespmem:s11+$0x30];
	[tilespmem:v23+s14+$0x0] =	vst.idx.msk $0xffff, v13;
	v63 =	vadd.f32 v26, v4  }
0x73: {  	s26 =	simm.s32 $0xB;
	s17 =	sshll.u32 s10, $0x3;
	s22 =	simm.s32 $0x680;
	v19 =	vadd.s32 v3, v19;
	v13 =	vand.u32 $0x7C, v24;
	v24 =	vadd.f32 v27, v6;
	[tilespmem:v25+s14+$0x0] =	vst.idx.msk $0xffff, v18;
	v18 =	vld [tilespmem:s11+$0xFFFFFFB0]  }
0x74: {  	s8 =	simm.s32 $0xC;
	v21 =	vadd.s32 v3, v21;
	s15 =	sor.u32 $0x6, s17;
	v26 =	vmov s26;
	v23 =	vld [tilespmem:s22+$0x40];
	s11 =	sshllo.u32 s10, $0x3;
	v25 =	vadd.f32 v30, v6;
	[tilespmem:v31+s14+$0x0] =	vst.idx.msk $0xffff, v63  }
.LBB2_3:
0x75: {  	p0 =	slt.u32 s8, $0x7C;
	s26 =	sadd.s32 $0x1, s7;
	v26 =	vand.u32 $0x7F, v26;
	[tilespmem:v22+s14+$0x0] =	vst.idx.msk $0xffff, v24;
	v17 =	vadd.f32 v17, v6;
	v22 =	vld [tilespmem:s21+$0x60];
	v24 =	vadd.s32 v3, v12  }
0x76: {  	v30 =	vmovc v11;
	v27 =	vld [tilespmem:s22+$0xFFFFFF80];
	v28 =	vmov s26;
	s26 =	sadd.s32 $0x2, s7;
	v29 =	vadd.s32 v0, v26;
	[tilespmem:v20+s14+$0x0] =	vst.idx.msk $0xffff, v25;
	v16 =	vadd.f32 v16, v4;
	s7 =	smov.u32 s8  }
0x77: {  	v12 =	vmovc v8;
	v20 =	vld [tilespmem:s22+$0xFFFFFFC0];
	v11 =	vmov s26;
	[tilespmem:v14+s14+$0x0] =	vst.idx.msk $0xffff, v17;
	v14 =	vadd.s32 v2, v7;
	v15 =	vadd.f32 v15, v4  }
0x78: {  	v17 =	vadd.s32 v0, v13;
	v28 =	vand.u32 $0x7D, v28;
	v25 =	vld [tilespmem:s22+$0x0];
	v31 =	vadd.f32 v18, v4;
	[tilespmem:v19+s14+$0x0] =	vst.idx.msk $0xffff, v16  }
0x79: {  	v16 =	vadd.s32 v0, v28;
	v11 =	vand.u32 $0x7E, v11;
	v18 =	vadd.f32 v23, v9;
	v19 =	vld [tilespmem:s21+$0xFFFFFFE0];
	[tilespmem:v21+s14+$0x0] =	vst.idx.msk $0xffff, v15  }
0x7a: {  	v8 =	vmov v13;
	v15 =	vadd.s32 v0, v11;
	v21 =	vld [tilespmem:s21+$0x20];
	v22 =	vadd.f32 v22, v5;
	[tilespmem:v24+s14+$0x0] =	vst.idx.msk $0xffff, v31  }
0x7b: {  	v23 =	vadd.s32 v2, v10;
	v13 =	vadd.f32 v27, v9;
	[tilespmem:v29+s14+$0x0] =	vst.idx.msk $0xffff, v18;
	v18 =	vld [tilespmem:s21+$0xFFFFFFA0]  }
0x7c: {  	v27 =	vadd.s32 v2, v30;
	v20 =	vadd.f32 v20, v9;
	v24 =	vld [tilespmem:s22+$0x50];
	[tilespmem:v14+s14+$0x0] =	vst.idx.msk $0xffff, v22  }
0x7d: {  	[tilespmem:v17+s14+$0x0] =	vst.idx.msk $0xffff, v13;
	v13 =	vadd.f32 v25, v9;
	v25 =	vadd.s32 v2, v12;
	v29 =	vld [tilespmem:s21+$0x70]  }
0x7e: {  	v32 =	vadd.s32 v1, v26;
	v31 =	vld [tilespmem:s22+$0xFFFFFF90];
	[tilespmem:v16+s14+$0x0] =	vst.idx.msk $0xffff, v20;
	v14 =	vadd.f32 v19, v5  }
0x7f: {  	v34 =	vadd.s32 v3, v7;
	v7 =	vmov v26;
	v33 =	vld [tilespmem:s22+$0xFFFFFFD0];
	[tilespmem:v15+s14+$0x0] =	vst.idx.msk $0xffff, v13;
	v13 =	vadd.f32 v21, v5  }
.Ltmp0:
0x80: {  	v22 =	vadd.s32 v1, v8;
	v17 =	vld [tilespmem:s22+$0x10];
	v15 =	vadd.f32 v18, v5;
	[tilespmem:v23+s14+$0x0] =	vst.idx.msk $0xffff, v14;
	(pc) =	sbr.rel @p0 .LBB2_3-.Ltmp0, $4  }
0x81: {  	v20 =	vadd.s32 v1, v28;
	v18 =	vadd.f32 v24, v6;
	v16 =	vld [tilespmem:s21+$0xFFFFFFF0];
	[tilespmem:v27+s14+$0x0] =	vst.idx.msk $0xffff, v13  }
0x82: {  	v14 =	vadd.s32 v1, v11;
	v13 =	vmov s8;
	[tilespmem:v25+s14+$0x0] =	vst.idx.msk $0xffff, v15;
	v15 =	vld [tilespmem:s21+$0x30];
	v27 =	vadd.f32 v29, v4  }
0x83: {  	s26 =	sadd.s32 $0x3, s8;
	v19 =	vadd.s32 v3, v10;
	v13 =	vand.u32 $0x7C, v13;
	v24 =	vadd.f32 v31, v6;
	[tilespmem:v32+s14+$0x0] =	vst.idx.msk $0xffff, v18;
	v18 =	vld [tilespmem:s21+$0xFFFFFFB0];
	s21 =	smov.u32 s22;
	s22 =	sadd.s32 $0x100, s22  }
0x84: {  	v26 =	vmov s26;
	v10 =	vmovc v28;
	v21 =	vadd.s32 v3, v30;
	s8 =	sadd.s32 $0x4, s8;
	v23 =	vld [tilespmem:s22+$0x40];
	v25 =	vadd.f32 v33, v6;
	[tilespmem:v34+s14+$0x0] =	vst.idx.msk $0xffff, v27  }
0x85: {  	s8 =	sadd.s32 $0x1, s7  }
0x86: {  	v26 =	vand.u32 $0x7F, v26;
	s13 =	sadd.s32 $0x2, s7;
	v28 =	vld [tilespmem:s22+$0xFFFFFFC0];
	v27 =	vmov s8  }
0x87: {  	v31 =	vld [tilespmem:s22+$0x0];
	v29 =	vadd.s32 v0, v26;
	v30 =	vmov s13;
	v27 =	vand.u32 $0x7D, v27  }
0x88: {  	v32 =	vld [tilespmem:s22+$0xFFFFFF80];
	v30 =	vand.u32 $0x7E, v30;
	v33 =	vadd.s32 v0, v27  }
0x89: {  	v34 =	vadd.s32 v0, v30  }
0x8a: {  	[tilespmem:v22+s14+$0x0] =	vst.idx.msk $0xffff, v24;
	v44 =	vadd.s32 v0, v13;
	v23 =	vadd.f32 v23, v9  }
0x8b: {  	[tilespmem:v20+s14+$0x0] =	vst.idx.msk $0xffff, v25;
	v45 =	vadd.f32 v28, v9  }
0x8c: {  	v46 =	vadd.f32 v31, v9;
	[tilespmem:v29+s14+$0x0] =	vst.idx.msk $0xffff, v23  }
0x8d: {  	v47 =	vadd.f32 v32, v9;
	v48 =	vld [tilespmem:s22+$0x50];
	[tilespmem:v33+s14+$0x0] =	vst.idx.msk $0xffff, v45  }
0x8e: {  	v17 =	vadd.f32 v17, v6;
	v12 =	vadd.s32 v3, v12;
	[tilespmem:v34+s14+$0x0] =	vst.idx.msk $0xffff, v46;
	v20 =	vld [tilespmem:s22+$0xFFFFFFD0]  }
0x8f: {  	v16 =	vadd.f32 v16, v4;
	v49 =	vadd.s32 v1, v26;
	[tilespmem:v44+s14+$0x0] =	vst.idx.msk $0xffff, v47;
	v50 =	vld [tilespmem:s22+$0x10]  }
0x90: {  	[tilespmem:v14+s14+$0x0] =	vst.idx.msk $0xffff, v17;
	v51 =	vadd.f32 v15, v4;
	v53 =	vadd.s32 v1, v27;
	v52 =	vld [tilespmem:s22+$0xFFFFFF90]  }
0x91: {  	v54 =	vld [tilespmem:s21+$0x60];
	v18 =	vadd.f32 v18, v4;
	[tilespmem:v19+s14+$0x0] =	vst.idx.msk $0xffff, v16;
	v55 =	vadd.s32 v1, v30  }
0x92: {  	v57 =	vadd.s32 v1, v13;
	v60 =	vld [tilespmem:s21+$0x20];
	[tilespmem:v21+s14+$0x0] =	vst.idx.msk $0xffff, v51;
	v58 =	vadd.f32 v48, v6  }
0x93: {  	v59 =	vadd.s32 v2, v7;
	v56 =	vld [tilespmem:s21+$0xFFFFFFE0];
	[tilespmem:v12+s14+$0x0] =	vst.idx.msk $0xffff, v18;
	v61 =	vadd.f32 v20, v6  }
0x94: {  	v62 =	vld [tilespmem:s21+$0xFFFFFFA0];
	v29 =	vadd.s32 v2, v11;
	[tilespmem:v49+s14+$0x0] =	vst.idx.msk $0xffff, v58;
	v28 =	vadd.f32 v50, v6  }
0x95: {  	v63 =	vadd.s32 v2, v10;
	v31 =	vadd.f32 v52, v6;
	v32 =	vld [tilespmem:s22+$0x60];
	[tilespmem:v53+s14+$0x0] =	vst.idx.msk $0xffff, v61  }
0x96: {  	v33 =	vadd.f32 v54, v5;
	v34 =	vadd.s32 v2, v8;
	[tilespmem:v55+s14+$0x0] =	vst.idx.msk $0xffff, v28;
	v35 =	vld [tilespmem:s22+$0xFFFFFFE0]  }
0x97: {  	v37 =	vadd.s32 v2, v26;
	v39 =	vadd.f32 v60, v5;
	[tilespmem:v57+s14+$0x0] =	vst.idx.msk $0xffff, v31;
	v38 =	vld [tilespmem:s22+$0x20]  }
0x98: {  	v41 =	vadd.s32 v2, v27;
	v36 =	vadd.f32 v56, v5;
	[tilespmem:v59+s14+$0x0] =	vst.idx.msk $0xffff, v33;
	v40 =	vld [tilespmem:s22+$0xFFFFFFA0]  }
0x99: {  	v43 =	vadd.s32 v2, v30;
	v18 =	vadd.f32 v62, v5;
	v42 =	vld [tilespmem:s21+$0x70];
	[tilespmem:v29+s14+$0x0] =	vst.idx.msk $0xffff, v39  }
0x9a: {  	v45 =	vadd.s32 v2, v13;
	[tilespmem:v63+s14+$0x0] =	vst.idx.msk $0xffff, v36;
	v47 =	vld [tilespmem:s21+$0x30];
	v44 =	vadd.f32 v32, v5  }
0x9b: {  	v46 =	vadd.s32 v3, v7;
	[tilespmem:v34+s14+$0x0] =	vst.idx.msk $0xffff, v18;
	v20 =	vld [tilespmem:s21+$0xFFFFFFF0];
	v9 =	vadd.f32 v35, v5  }
0x9c: {  	v18 =	vld [tilespmem:s21+$0xFFFFFFB0];
	v50 =	vadd.s32 v3, v11;
	[tilespmem:v37+s14+$0x0] =	vst.idx.msk $0xffff, v44;
	v49 =	vadd.f32 v38, v5  }
0x9d: {  	v48 =	vadd.s32 v3, v10;
	v5 =	vadd.f32 v40, v5;
	v12 =	vld [tilespmem:s22+$0x70];
	[tilespmem:v41+s14+$0x0] =	vst.idx.msk $0xffff, v9  }
0x9e: {  	v52 =	vadd.s32 v3, v8;
	v51 =	vadd.f32 v42, v4;
	[tilespmem:v43+s14+$0x0] =	vst.idx.msk $0xffff, v49;
	v53 =	vld [tilespmem:s22+$0xFFFFFFF0]  }
0x9f: {  	v55 =	vadd.s32 v3, v26;
	v56 =	vadd.f32 v47, v4;
	[tilespmem:v45+s14+$0x0] =	vst.idx.msk $0xffff, v5;
	v5 =	vld [tilespmem:s22+$0x30]  }
0xa0: {  	v58 =	vadd.s32 v3, v27;
	[tilespmem:v46+s14+$0x0] =	vst.idx.msk $0xffff, v51;
	v54 =	vadd.f32 v20, v4;
	v57 =	vld [tilespmem:s22+$0xFFFFFFB0]  }
0xa1: {  	v60 =	vadd.s32 v3, v30;
	v59 =	vadd.f32 v18, v4;
	[tilespmem:v50+s14+$0x0] =	vst.idx.msk $0xffff, v56  }
0xa2: {  	v62 =	vadd.s32 v3, v13;
	[tilespmem:v48+s14+$0x0] =	vst.idx.msk $0xffff, v54;
	v61 =	vadd.f32 v12, v4  }
0xa3: {  	[tilespmem:v52+s14+$0x0] =	vst.idx.msk $0xffff, v59;
	v63 =	vadd.f32 v53, v4  }
0xa4: {  	s21 =	sshll.u32 s10, $0x15;
	[tilespmem:v55+s14+$0x0] =	vst.idx.msk $0xffff, v61;
	v5 =	vadd.f32 v5, v4  }
0xa5: {  	s7 =	sor.u32 s5, s21;
	v4 =	vadd.f32 v57, v4;
	[tilespmem:v58+s14+$0x0] =	vst.idx.msk $0xffff, v63  }
0xa6: {  	s7 =	sshrl.u32 s7, $0x3;
	[tilespmem:v60+s14+$0x0] =	vst.idx.msk $0xffff, v5  }
0xa7: {  	s8 =	sadd.s32 s3, s7;
	s22 =	simm.s32 $0x10400;
	[tilespmem:v62+s14+$0x0] =	vst.idx.msk $0xffff, v4  }
0xa8: {  	[hbm4b:s8+s4] =	stream.linear.scatter [tilespmem:s22], [sflag:$0x11], $0x80, $0x38;
	[tilespmem:$0x1BE00] =	vst v63  }
0xa9: {  	s26 =	simm.s32 $0x10488;
	s13 =	sadd.s32 $0x10, s8  }
0xaa: {  	[hbm4b:s13+s4] =	stream.linear.scatter [tilespmem:s26], [sflag:$0x11], $0x80, $0x38;
	[tilespmem:$0x1BE00] =	vst v63  }
0xab: {  	s21 =	simm.s32 $0x10510;
	s22 =	sadd.s32 $0x20, s8  }
0xac: {  	[hbm4b:s22+s4] =	stream.linear.scatter [tilespmem:s21], [sflag:$0x11], $0x80, $0x38;
	[tilespmem:$0x1BE00] =	vst v63  }
0xad: {  	s26 =	simm.s32 $0x10598;
	s13 =	sadd.s32 $0x30, s8  }
0xae: {  	[hbm4b:s13+s4] =	stream.linear.scatter [tilespmem:s26], [sflag:$0x11], $0x80, $0x38;
	[tilespmem:$0x1BE00] =	vst v63  }
0xaf: {  	s21 =	simm.s32 $0x10620;
	s22 =	sadd.s32 $0x40, s8  }
0xb0: {  	[hbm4b:s22+s4] =	stream.linear.scatter [tilespmem:s21], [sflag:$0x11], $0x80, $0x38;
	[tilespmem:$0x1BE00] =	vst v63  }
0xb1: {  	s7 =	simm.s32 $0x440;
	s26 =	simm.s32 $0x106A8;
	s13 =	sadd.s32 $0x50, s8  }
0xb2: {  	[hbm4b:s13+s4] =	stream.linear.scatter [tilespmem:s26], [sflag:$0x11], $0x80, $0x38;
	[tilespmem:$0x1BE00] =	vst v63  }
0xb3: {  	s22 =	simm.s32 $0x10730;
	s21 =	simm.s32 $0x2200;
	s26 =	sadd.s32 $0x60, s8  }
0xb4: {  	[hbm4b:s26+s4] =	stream.linear.scatter [tilespmem:s22], [sflag:$0x11], $0x80, $0x38;
	[tilespmem:$0x1BE00] =	vst v63  }
0xb5: {  	s22 =	simm.s32 $0x107B8;
	s26 =	sadd.s32 $0x70, s8;
	s8 =	sadd.s32 $0x1000, s8  }
.LBB2_5:
0xb6: {  	[hbm4b:s26+s4] =	stream.linear.scatter [tilespmem:s22], [sflag:$0x11], $0x80, $0x38;
	[tilespmem:$0x1BE00] =	vst v63  }
0xb7: {  	s22 =	smov.u32 s7;
	s7 =	smov.u32 s21  }
0xb8: {  	s13 =	sadd.s32 $0x1100, s21;
	s7 =	sshra.s32 s7, $0x2;
	s26 =	sadd.s32 $0x10400, s22  }
0xb9: {  	[hbm4b:s8+s4] =	stream.linear.scatter [tilespmem:s26], [sflag:$0x11], $0x80, $0x38;
	[tilespmem:$0x1BE00] =	vst v63  }
0xba: {  	p0 =	sne.s32 s21, $0x7700;
	s21 =	sadd.s32 $0x10488, s22;
	s26 =	sadd.s32 $0x10, s8  }
0xbb: {  	[hbm4b:s26+s4] =	stream.linear.scatter [tilespmem:s21], [sflag:$0x11], $0x80, $0x38;
	[tilespmem:$0x1BE00] =	vst v63  }
0xbc: {  	s21 =	sadd.s32 $0x10510, s22;
	s26 =	sadd.s32 $0x20, s8  }
0xbd: {  	[hbm4b:s26+s4] =	stream.linear.scatter [tilespmem:s21], [sflag:$0x11], $0x80, $0x38;
	[tilespmem:$0x1BE00] =	vst v63  }
0xbe: {  	s21 =	sadd.s32 $0x10598, s22;
	s26 =	sadd.s32 $0x30, s8  }
0xbf: {  	[hbm4b:s26+s4] =	stream.linear.scatter [tilespmem:s21], [sflag:$0x11], $0x80, $0x38;
	[tilespmem:$0x1BE00] =	vst v63  }
0xc0: {  	s21 =	sadd.s32 $0x10620, s22;
	s26 =	sadd.s32 $0x40, s8  }
0xc1: {  	[hbm4b:s26+s4] =	stream.linear.scatter [tilespmem:s21], [sflag:$0x11], $0x80, $0x38;
	[tilespmem:$0x1BE00] =	vst v63  }
.Ltmp1:
0xc2: {  	s21 =	sadd.s32 $0x106A8, s22;
	s26 =	sadd.s32 $0x50, s8;
	(pc) =	sbr.rel @p0 .LBB2_5-.Ltmp1, $4  }
0xc3: {  	[hbm4b:s26+s4] =	stream.linear.scatter [tilespmem:s21], [sflag:$0x11], $0x80, $0x38;
	[tilespmem:$0x1BE00] =	vst v63  }
0xc4: {  	s21 =	sadd.s32 $0x10730, s22;
	s26 =	sadd.s32 $0x60, s8;
	s22 =	sadd.s32 $0x107B8, s22  }
0xc5: {  	[hbm4b:s26+s4] =	stream.linear.scatter [tilespmem:s21], [sflag:$0x11], $0x80, $0x38;
	[tilespmem:$0x1BE00] =	vst v63  }
0xc6: {  	s26 =	sadd.s32 $0x70, s8;
	s8 =	sadd.s32 $0x1000, s8;
	s21 =	smov.u32 s13  }
0xc7: {  	[hbm4b:s26+s4] =	stream.linear.scatter [tilespmem:s22], [sflag:$0x11], $0x80, $0x38;
	[tilespmem:$0x1BE00] =	vst v63  }
0xc8: {  	s13 =	sadd.s32 $0x10400, s7  }
0xc9: {  	[hbm4b:s8+s4] =	stream.linear.scatter [tilespmem:s13], [sflag:$0x11], $0x80, $0x38;
	[tilespmem:$0x1BE00] =	vst v63  }
0xca: {  	s26 =	sadd.s32 $0x10488, s7;
	s21 =	sadd.s32 $0x10, s8  }
0xcb: {  	[hbm4b:s21+s4] =	stream.linear.scatter [tilespmem:s26], [sflag:$0x11], $0x80, $0x38;
	[tilespmem:$0x1BE00] =	vst v63  }
0xcc: {  	s22 =	sadd.s32 $0x10510, s7;
	s26 =	sadd.s32 $0x20, s8  }
0xcd: {  	[hbm4b:s26+s4] =	stream.linear.scatter [tilespmem:s22], [sflag:$0x11], $0x80, $0x38;
	[tilespmem:$0x1BE00] =	vst v63  }
0xce: {  	s22 =	sadd.s32 $0x10598, s7;
	s26 =	sadd.s32 $0x30, s8  }
0xcf: {  	[hbm4b:s26+s4] =	stream.linear.scatter [tilespmem:s22], [sflag:$0x11], $0x80, $0x38;
	[tilespmem:$0x1BE00] =	vst v63  }
0xd0: {  	s22 =	sadd.s32 $0x10620, s7;
	s26 =	sadd.s32 $0x40, s8  }
0xd1: {  	[hbm4b:s26+s4] =	stream.linear.scatter [tilespmem:s22], [sflag:$0x11], $0x80, $0x38;
	[tilespmem:$0x1BE00] =	vst v63  }
0xd2: {  	s22 =	sadd.s32 $0x106A8, s7;
	s26 =	sadd.s32 $0x50, s8  }
0xd3: {  	[hbm4b:s26+s4] =	stream.linear.scatter [tilespmem:s22], [sflag:$0x11], $0x80, $0x38;
	[tilespmem:$0x1BE00] =	vst v63  }
0xd4: {  	s22 =	sadd.s32 $0x10730, s7;
	s26 =	sadd.s32 $0x60, s8  }
0xd5: {  	[hbm4b:s26+s4] =	stream.linear.scatter [tilespmem:s22], [sflag:$0x11], $0x80, $0x38;
	[tilespmem:$0x1BE00] =	vst v63  }
0xd6: {  	p0 =	seq.s32 s10, $0x18;
	s22 =	sadd.s32 $0x107B8, s7;
	s7 =	rddreg [dreg:$0x13]  }
0xd7: {  	s26 =	sadd.s32 $0x70, s8;
	s7 =	sadd.s32 @!p0 s7, s16  }
0xd8: {  	[hbm4b:s26+s4] =	stream.linear.scatter [tilespmem:s22], [sflag:$0x11], $0x80, $0x38;
	[tilespmem:$0x1BE00] =	vst v63  }
0xd9: {  	s16 =	sshrl.u32 @!p0 s7, $0x3;
	s7 =	rddreg [dreg:$0x0]  }
0xda: {  	s8 =	simm.s32 @!p0 $0x0;
	s7 =	sadd.s32 @!p0 s7, s16  }
0xdb: {  	[tilespmem:s8], [sflag:$0x1] =	stream.linear.gather @!p0 [hbm4b:s7+s8], $0x80, $0x38;
	[tilespmem:$0x1BE00] =	vst v63  }
0xdc: {  	s8 =	simm.s32 $0x8  }
0xdd: {  	_ =	swait.ge [sflag:s8], $0x80  }
0xde: {  	s13 =	simm.s32 $0x380;
	[sflag:s8] =	ssyncset.done $0x0  }
0xdf: {  	s21 =	simm.s32 $0xE400;
	s7 =	simm.s32 @!p1 $0x12;
	[sflag:s8] =	ssyncadd.s32 $0xFFFFFF80  }
0xe0: {  	[tilespmem:s21], [sflag:$0x10] =	stream.indirect.gather [hbm4b:s6+s18], $0x40, s13, s18, $0xb8;
	[tilespmem:$0x1BE00] =	vst v63  }
0xe1: {  	_ =	swait.ge @!p1 [sflag:s7], $0x2000  }
0xe2: {  	[sflag:s7] =	ssyncset.done @!p1 $0x0  }
0xe3: {  	[sflag:s7] =	ssyncadd.s32 @!p1 $0xFFFFE000  }
0xe4: {  	s21 =	sor.u32 $0x1, s17;
	_ =	swait.ge [sflag:s20], $0x2000  }
0xe5: {  	s22 =	sshll.u32 s21, $0x6;
	[sflag:s20] =	ssyncset.done $0x0  }
0xe6: {  	s7 =	sand.u32 $0x3FFFFFC0, s22;
	[sflag:s20] =	ssyncadd.s32 $0xFFFFE000  }
0xe7: {  	s26 =	simm.s32 $0x3;
	s8 =	simm.s32 $0x24F0;
	v9 =	vld [tilespmem:s7+$0x18C00]  }
0xe8: {  	v4 =	vmov s26;
	v7 =	vld [tilespmem:s8+$0xFFFFFFD0]  }
0xe9: {  	v13 =	vand.u32 $0x7F, v4  }
0xea: {  	v8 =	vadd.s32 v0, v13;
	s18 =	simm.s32 $0x0;
	v6 =	vld [tilespmem:s7+$0x18C10]  }
0xeb: {  	s26 =	simm.s32 $0x2;
	v4 =	vmov s18;
	s22 =	simm.s32 $0x1;
	v10 =	vld [tilespmem:s8+$0xFFFFFF10]  }
0xec: {  	v14 =	vmov s26;
	v12 =	vand.u32 $0x7C, v4;
	v4 =	vmov s22;
	v11 =	vld [tilespmem:s8+$0xFFFFFF50]  }
0xed: {  	v15 =	vadd.s32 v0, v12;
	v19 =	vand.u32 $0x7D, v4;
	v16 =	vld [tilespmem:s8+$0xFFFFFF90];
	v7 =	vadd.f32 v7, v9  }
0xee: {  	v20 =	vand.u32 $0x7E, v14;
	v17 =	vadd.s32 v0, v19;
	v5 =	vld [tilespmem:s7+$0x18C20]  }
0xef: {  	v14 =	vadd.s32 v0, v20;
	v4 =	vld [tilespmem:s7+$0x18C30];
	[tilespmem:v8+s23+$0x0] =	vst.idx.msk $0xffff, v7  }
0xf0: {  	v7 =	vadd.f32 v10, v9;
	v8 =	vld [tilespmem:s8+$0xFFFFFFE0]  }
0xf1: {  	v10 =	vadd.f32 v11, v9  }
0xf2: {  	v11 =	vadd.s32 v1, v13;
	[tilespmem:v15+s23+$0x0] =	vst.idx.msk $0xffff, v7;
	v7 =	vadd.f32 v16, v9  }
0xf3: {  	[tilespmem:v17+s23+$0x0] =	vst.idx.msk $0xffff, v10;
	v15 =	vld [tilespmem:s8+$0xFFFFFF20]  }
0xf4: {  	v10 =	vld [tilespmem:s8+$0xFFFFFF60];
	[tilespmem:v14+s23+$0x0] =	vst.idx.msk $0xffff, v7  }
0xf5: {  	v14 =	vld [tilespmem:s8+$0xFFFFFFA0];
	v7 =	vadd.f32 v8, v6  }
0xf6: {  	s18 =	simm.s32 $0x7;
	s22 =	simm.s32 $0x25F0;
	v16 =	vadd.s32 v1, v19  }
0xf7: {  	v26 =	vadd.s32 v2, v13;
	s13 =	simm.s32 $0x4;
	v18 =	vld [tilespmem:s22+$0xFFFFFFD0];
	v17 =	vadd.s32 v1, v20;
	[tilespmem:v11+s23+$0x0] =	vst.idx.msk $0xffff, v7;
	v7 =	vmov s18  }
0xf8: {  	v21 =	vadd.s32 v1, v12;
	v8 =	vmov s13;
	v7 =	vand.u32 $0x7F, v7;
	v22 =	vld [tilespmem:s8+$0xFFFFFFF0]  }
0xf9: {  	s26 =	simm.s32 $0x5;
	v23 =	vld [tilespmem:s22+$0xFFFFFF10];
	v8 =	vand.u32 $0x7C, v8;
	v10 =	vadd.f32 v10, v6;
	v24 =	vadd.s32 v0, v7  }
0xfa: {  	v25 =	vld [tilespmem:s22+$0xFFFFFF50];
	s13 =	simm.s32 $0x6;
	v15 =	vadd.f32 v15, v6;
	v11 =	vadd.f32 v14, v6;
	v14 =	vmov s26  }
0xfb: {  	v27 =	vadd.s32 v0, v8;
	[tilespmem:v16+s23+$0x0] =	vst.idx.msk $0xffff, v10;
	v16 =	vmov s13;
	v10 =	vand.u32 $0x7D, v14;
	v14 =	vld [tilespmem:s22+$0xFFFFFF90]  }
0xfc: {  	[tilespmem:v17+s23+$0x0] =	vst.idx.msk $0xffff, v11;
	v17 =	vadd.s32 v0, v10;
	v11 =	vand.u32 $0x7E, v16;
	v16 =	vadd.f32 v18, v9;
	v18 =	vld [tilespmem:s8+$0xFFFFFF70]  }
0xfd: {  	[tilespmem:v21+s23+$0x0] =	vst.idx.msk $0xffff, v15;
	v15 =	vadd.s32 v0, v11;
	v21 =	vld [tilespmem:s8+$0xFFFFFFB0];
	v22 =	vadd.f32 v22, v5  }
0xfe: {  	v23 =	vadd.f32 v23, v9;
	[tilespmem:v24+s23+$0x0] =	vst.idx.msk $0xffff, v16;
	v16 =	vld [tilespmem:s8+$0xFFFFFF30];
	v24 =	vadd.s32 v2, v19  }
0xff: {  	v29 =	vadd.s32 v2, v20;
	v25 =	vadd.f32 v25, v9;
	v28 =	vld [tilespmem:s22+$0xFFFFFFE0];
	[tilespmem:v26+s23+$0x0] =	vst.idx.msk $0xffff, v22  }
0x100: {  	[tilespmem:v27+s23+$0x0] =	vst.idx.msk $0xffff, v23;
	v23 =	vadd.s32 v2, v12;
	v14 =	vadd.f32 v14, v9;
	v26 =	vld [tilespmem:s8+$0x0]  }
0x101: {  	v27 =	vld [tilespmem:s22+$0xFFFFFF20];
	[tilespmem:v17+s23+$0x0] =	vst.idx.msk $0xffff, v25;
	v25 =	vadd.s32 v1, v7;
	v18 =	vadd.f32 v18, v5  }
0x102: {  	v31 =	vadd.s32 v3, v13;
	v30 =	vld [tilespmem:s22+$0xFFFFFF60];
	[tilespmem:v15+s23+$0x0] =	vst.idx.msk $0xffff, v14;
	v14 =	vadd.f32 v21, v5  }
0x103: {  	v22 =	vadd.s32 v1, v8;
	v17 =	vld [tilespmem:s22+$0xFFFFFFA0];
	v13 =	vadd.f32 v16, v5;
	[tilespmem:v24+s23+$0x0] =	vst.idx.msk $0xffff, v18  }
0x104: {  	s26 =	simm.s32 $0x8;
	v21 =	vadd.s32 v1, v10;
	[tilespmem:v29+s23+$0x0] =	vst.idx.msk $0xffff, v14;
	v18 =	vadd.f32 v28, v6;
	v16 =	vld [tilespmem:s8+$0xFFFFFF80]  }
0x105: {  	v24 =	vmov s26;
	v14 =	vadd.s32 v1, v11;
	v15 =	vld [tilespmem:s8+$0xFFFFFFC0];
	[tilespmem:v23+s23+$0x0] =	vst.idx.msk $0xffff, v13;
	v63 =	vadd.f32 v26, v4  }
0x106: {  	s7 =	simm.s32 $0x26F0;
	s18 =	simm.s32 $0xB;
	v19 =	vadd.s32 v3, v19;
	v13 =	vand.u32 $0x7C, v24;
	v24 =	vadd.f32 v27, v6;
	[tilespmem:v25+s23+$0x0] =	vst.idx.msk $0xffff, v18;
	v18 =	vld [tilespmem:s8+$0xFFFFFF40]  }
0x107: {  	v20 =	vadd.s32 v3, v20;
	v26 =	vmov s18;
	v23 =	vld [tilespmem:s7+$0xFFFFFFD0];
	s8 =	simm.s32 $0xC;
	v25 =	vadd.f32 v30, v6;
	[tilespmem:v31+s23+$0x0] =	vst.idx.msk $0xffff, v63  }
.LBB2_7:
0x108: {  	p1 =	slt.u32 s8, $0x7C;
	s13 =	sadd.s32 $0x1, s26;
	v26 =	vand.u32 $0x7F, v26;
	[tilespmem:v22+s23+$0x0] =	vst.idx.msk $0xffff, v24;
	v17 =	vadd.f32 v17, v6;
	v22 =	vld [tilespmem:s22+$0xFFFFFFF0];
	v24 =	vadd.s32 v3, v12  }
0x109: {  	v30 =	vmovc v11;
	v27 =	vld [tilespmem:s7+$0xFFFFFF10];
	v28 =	vmov s13;
	s13 =	sadd.s32 $0x2, s26;
	v29 =	vadd.s32 v0, v26;
	[tilespmem:v21+s23+$0x0] =	vst.idx.msk $0xffff, v25;
	v16 =	vadd.f32 v16, v4;
	s26 =	smov.u32 s8  }
0x10a: {  	v12 =	vmovc v8;
	v21 =	vld [tilespmem:s7+$0xFFFFFF50];
	v11 =	vmov s13;
	[tilespmem:v14+s23+$0x0] =	vst.idx.msk $0xffff, v17;
	v14 =	vadd.s32 v2, v7;
	v15 =	vadd.f32 v15, v4  }
0x10b: {  	v17 =	vadd.s32 v0, v13;
	v28 =	vand.u32 $0x7D, v28;
	v25 =	vld [tilespmem:s7+$0xFFFFFF90];
	v31 =	vadd.f32 v18, v4;
	[tilespmem:v19+s23+$0x0] =	vst.idx.msk $0xffff, v16  }
0x10c: {  	v16 =	vadd.s32 v0, v28;
	v11 =	vand.u32 $0x7E, v11;
	v18 =	vadd.f32 v23, v9;
	v19 =	vld [tilespmem:s22+$0xFFFFFF70];
	[tilespmem:v20+s23+$0x0] =	vst.idx.msk $0xffff, v15  }
0x10d: {  	v8 =	vmov v13;
	v15 =	vadd.s32 v0, v11;
	v20 =	vld [tilespmem:s22+$0xFFFFFFB0];
	v22 =	vadd.f32 v22, v5;
	[tilespmem:v24+s23+$0x0] =	vst.idx.msk $0xffff, v31  }
0x10e: {  	v23 =	vadd.s32 v2, v10;
	v13 =	vadd.f32 v27, v9;
	[tilespmem:v29+s23+$0x0] =	vst.idx.msk $0xffff, v18;
	v18 =	vld [tilespmem:s22+$0xFFFFFF30]  }
0x10f: {  	v27 =	vadd.s32 v2, v30;
	v21 =	vadd.f32 v21, v9;
	v24 =	vld [tilespmem:s7+$0xFFFFFFE0];
	[tilespmem:v14+s23+$0x0] =	vst.idx.msk $0xffff, v22  }
0x110: {  	[tilespmem:v17+s23+$0x0] =	vst.idx.msk $0xffff, v13;
	v13 =	vadd.f32 v25, v9;
	v25 =	vadd.s32 v2, v12;
	v29 =	vld [tilespmem:s22+$0x0]  }
0x111: {  	v32 =	vadd.s32 v1, v26;
	v31 =	vld [tilespmem:s7+$0xFFFFFF20];
	[tilespmem:v16+s23+$0x0] =	vst.idx.msk $0xffff, v21;
	v14 =	vadd.f32 v19, v5  }
0x112: {  	v34 =	vadd.s32 v3, v7;
	v7 =	vmov v26;
	v33 =	vld [tilespmem:s7+$0xFFFFFF60];
	[tilespmem:v15+s23+$0x0] =	vst.idx.msk $0xffff, v13;
	v13 =	vadd.f32 v20, v5  }
.Ltmp2:
0x113: {  	v22 =	vadd.s32 v1, v8;
	v17 =	vld [tilespmem:s7+$0xFFFFFFA0];
	v15 =	vadd.f32 v18, v5;
	[tilespmem:v23+s23+$0x0] =	vst.idx.msk $0xffff, v14;
	(pc) =	sbr.rel @p1 .LBB2_7-.Ltmp2, $4  }
0x114: {  	v21 =	vadd.s32 v1, v28;
	v18 =	vadd.f32 v24, v6;
	v16 =	vld [tilespmem:s22+$0xFFFFFF80];
	[tilespmem:v27+s23+$0x0] =	vst.idx.msk $0xffff, v13  }
0x115: {  	v14 =	vadd.s32 v1, v11;
	v13 =	vmov s8;
	[tilespmem:v25+s23+$0x0] =	vst.idx.msk $0xffff, v15;
	v15 =	vld [tilespmem:s22+$0xFFFFFFC0];
	v27 =	vadd.f32 v29, v4  }
0x116: {  	s13 =	sadd.s32 $0x3, s8;
	v19 =	vadd.s32 v3, v10;
	v13 =	vand.u32 $0x7C, v13;
	v24 =	vadd.f32 v31, v6;
	[tilespmem:v32+s23+$0x0] =	vst.idx.msk $0xffff, v18;
	v18 =	vld [tilespmem:s22+$0xFFFFFF40];
	s22 =	smov.u32 s7;
	s7 =	sadd.s32 $0x100, s7  }
0x117: {  	v26 =	vmov s13;
	v10 =	vmovc v28;
	v20 =	vadd.s32 v3, v30;
	s8 =	sadd.s32 $0x4, s8;
	v23 =	vld [tilespmem:s7+$0xFFFFFFD0];
	v25 =	vadd.f32 v33, v6;
	[tilespmem:v34+s23+$0x0] =	vst.idx.msk $0xffff, v27  }
0x118: {  	s8 =	sadd.s32 $0x1, s26  }
0x119: {  	v26 =	vand.u32 $0x7F, v26;
	s26 =	sadd.s32 $0x2, s26;
	v28 =	vld [tilespmem:s7+$0xFFFFFF50];
	v27 =	vmov s8  }
0x11a: {  	v31 =	vld [tilespmem:s7+$0xFFFFFF90];
	v29 =	vadd.s32 v0, v26;
	v30 =	vmov s26;
	v27 =	vand.u32 $0x7D, v27  }
0x11b: {  	v32 =	vld [tilespmem:s7+$0xFFFFFF10];
	v30 =	vand.u32 $0x7E, v30;
	v33 =	vadd.s32 v0, v27  }
0x11c: {  	v34 =	vadd.s32 v0, v30  }
0x11d: {  	[tilespmem:v22+s23+$0x0] =	vst.idx.msk $0xffff, v24;
	v44 =	vadd.s32 v0, v13;
	v23 =	vadd.f32 v23, v9  }
0x11e: {  	[tilespmem:v21+s23+$0x0] =	vst.idx.msk $0xffff, v25;
	v45 =	vadd.f32 v28, v9  }
0x11f: {  	v46 =	vadd.f32 v31, v9;
	[tilespmem:v29+s23+$0x0] =	vst.idx.msk $0xffff, v23  }
0x120: {  	v47 =	vadd.f32 v32, v9;
	v48 =	vld [tilespmem:s7+$0xFFFFFFE0];
	[tilespmem:v33+s23+$0x0] =	vst.idx.msk $0xffff, v45  }
0x121: {  	v17 =	vadd.f32 v17, v6;
	v12 =	vadd.s32 v3, v12;
	[tilespmem:v34+s23+$0x0] =	vst.idx.msk $0xffff, v46;
	v21 =	vld [tilespmem:s7+$0xFFFFFF60]  }
0x122: {  	v16 =	vadd.f32 v16, v4;
	v49 =	vadd.s32 v1, v26;
	[tilespmem:v44+s23+$0x0] =	vst.idx.msk $0xffff, v47;
	v50 =	vld [tilespmem:s7+$0xFFFFFFA0]  }
0x123: {  	[tilespmem:v14+s23+$0x0] =	vst.idx.msk $0xffff, v17;
	v51 =	vadd.f32 v15, v4;
	v53 =	vadd.s32 v1, v27;
	v52 =	vld [tilespmem:s7+$0xFFFFFF20]  }
0x124: {  	v54 =	vld [tilespmem:s22+$0xFFFFFFF0];
	v18 =	vadd.f32 v18, v4;
	[tilespmem:v19+s23+$0x0] =	vst.idx.msk $0xffff, v16;
	v55 =	vadd.s32 v1, v30  }
0x125: {  	v57 =	vadd.s32 v1, v13;
	v60 =	vld [tilespmem:s22+$0xFFFFFFB0];
	[tilespmem:v20+s23+$0x0] =	vst.idx.msk $0xffff, v51;
	v58 =	vadd.f32 v48, v6  }
0x126: {  	v59 =	vadd.s32 v2, v7;
	v56 =	vld [tilespmem:s22+$0xFFFFFF70];
	[tilespmem:v12+s23+$0x0] =	vst.idx.msk $0xffff, v18;
	v61 =	vadd.f32 v21, v6  }
0x127: {  	v62 =	vld [tilespmem:s22+$0xFFFFFF30];
	v29 =	vadd.s32 v2, v11;
	[tilespmem:v49+s23+$0x0] =	vst.idx.msk $0xffff, v58;
	v28 =	vadd.f32 v50, v6  }
0x128: {  	v63 =	vadd.s32 v2, v10;
	v31 =	vadd.f32 v52, v6;
	v32 =	vld [tilespmem:s7+$0xFFFFFFF0];
	[tilespmem:v53+s23+$0x0] =	vst.idx.msk $0xffff, v61  }
0x129: {  	v33 =	vadd.f32 v54, v5;
	v34 =	vadd.s32 v2, v8;
	[tilespmem:v55+s23+$0x0] =	vst.idx.msk $0xffff, v28;
	v35 =	vld [tilespmem:s7+$0xFFFFFF70]  }
0x12a: {  	v37 =	vadd.s32 v2, v26;
	v39 =	vadd.f32 v60, v5;
	[tilespmem:v57+s23+$0x0] =	vst.idx.msk $0xffff, v31;
	v38 =	vld [tilespmem:s7+$0xFFFFFFB0]  }
0x12b: {  	v41 =	vadd.s32 v2, v27;
	v36 =	vadd.f32 v56, v5;
	[tilespmem:v59+s23+$0x0] =	vst.idx.msk $0xffff, v33;
	v40 =	vld [tilespmem:s7+$0xFFFFFF30]  }
0x12c: {  	v43 =	vadd.s32 v2, v30;
	v18 =	vadd.f32 v62, v5;
	v42 =	vld [tilespmem:s22+$0x0];
	[tilespmem:v29+s23+$0x0] =	vst.idx.msk $0xffff, v39  }
0x12d: {  	v45 =	vadd.s32 v2, v13;
	[tilespmem:v63+s23+$0x0] =	vst.idx.msk $0xffff, v36;
	v47 =	vld [tilespmem:s22+$0xFFFFFFC0];
	v44 =	vadd.f32 v32, v5  }
0x12e: {  	v46 =	vadd.s32 v3, v7;
	[tilespmem:v34+s23+$0x0] =	vst.idx.msk $0xffff, v18;
	v21 =	vld [tilespmem:s22+$0xFFFFFF80];
	v9 =	vadd.f32 v35, v5  }
0x12f: {  	v18 =	vld [tilespmem:s22+$0xFFFFFF40];
	v50 =	vadd.s32 v3, v11;
	[tilespmem:v37+s23+$0x0] =	vst.idx.msk $0xffff, v44;
	v49 =	vadd.f32 v38, v5  }
0x130: {  	v48 =	vadd.s32 v3, v10;
	v5 =	vadd.f32 v40, v5;
	v12 =	vld [tilespmem:s7+$0x0];
	[tilespmem:v41+s23+$0x0] =	vst.idx.msk $0xffff, v9  }
0x131: {  	v52 =	vadd.s32 v3, v8;
	v51 =	vadd.f32 v42, v4;
	[tilespmem:v43+s23+$0x0] =	vst.idx.msk $0xffff, v49;
	v53 =	vld [tilespmem:s7+$0xFFFFFF80]  }
0x132: {  	v55 =	vadd.s32 v3, v26;
	v56 =	vadd.f32 v47, v4;
	[tilespmem:v45+s23+$0x0] =	vst.idx.msk $0xffff, v5;
	v5 =	vld [tilespmem:s7+$0xFFFFFFC0]  }
0x133: {  	v58 =	vadd.s32 v3, v27;
	[tilespmem:v46+s23+$0x0] =	vst.idx.msk $0xffff, v51;
	v54 =	vadd.f32 v21, v4;
	v57 =	vld [tilespmem:s7+$0xFFFFFF40]  }
0x134: {  	v60 =	vadd.s32 v3, v30;
	v59 =	vadd.f32 v18, v4;
	[tilespmem:v50+s23+$0x0] =	vst.idx.msk $0xffff, v56  }
0x135: {  	v62 =	vadd.s32 v3, v13;
	[tilespmem:v48+s23+$0x0] =	vst.idx.msk $0xffff, v54;
	v61 =	vadd.f32 v12, v4  }
0x136: {  	[tilespmem:v52+s23+$0x0] =	vst.idx.msk $0xffff, v59;
	v63 =	vadd.f32 v53, v4  }
0x137: {  	s13 =	sshll.u32 s21, $0x12;
	[tilespmem:v55+s23+$0x0] =	vst.idx.msk $0xffff, v61;
	v5 =	vadd.f32 v5, v4  }
0x138: {  	s7 =	sor.u32 s5, s13;
	v4 =	vadd.f32 v57, v4;
	[tilespmem:v58+s23+$0x0] =	vst.idx.msk $0xffff, v63  }
0x139: {  	s7 =	sshrl.u32 s7, $0x3;
	[tilespmem:v60+s23+$0x0] =	vst.idx.msk $0xffff, v5  }
0x13a: {  	s18 =	simm.s32 $0x12600;
	s8 =	sadd.s32 s3, s7;
	[tilespmem:v62+s23+$0x0] =	vst.idx.msk $0xffff, v4  }
0x13b: {  	[hbm4b:s8+s4] =	stream.linear.scatter [tilespmem:s18], [sflag:$0x12], $0x80, $0x38;
	[tilespmem:$0x1BE00] =	vst v63  }
0x13c: {  	s21 =	simm.s32 $0x12688;
	s13 =	sadd.s32 $0x10, s8  }
0x13d: {  	[hbm4b:s13+s4] =	stream.linear.scatter [tilespmem:s21], [sflag:$0x12], $0x80, $0x38;
	[tilespmem:$0x1BE00] =	vst v63  }
0x13e: {  	s22 =	simm.s32 $0x12710;
	s26 =	sadd.s32 $0x20, s8  }
0x13f: {  	[hbm4b:s26+s4] =	stream.linear.scatter [tilespmem:s22], [sflag:$0x12], $0x80, $0x38;
	[tilespmem:$0x1BE00] =	vst v63  }
0x140: {  	s18 =	simm.s32 $0x12798;
	s21 =	sadd.s32 $0x30, s8  }
0x141: {  	[hbm4b:s21+s4] =	stream.linear.scatter [tilespmem:s18], [sflag:$0x12], $0x80, $0x38;
	[tilespmem:$0x1BE00] =	vst v63  }
0x142: {  	s22 =	simm.s32 $0x12820;
	s26 =	sadd.s32 $0x40, s8  }
0x143: {  	[hbm4b:s26+s4] =	stream.linear.scatter [tilespmem:s22], [sflag:$0x12], $0x80, $0x38;
	[tilespmem:$0x1BE00] =	vst v63  }
0x144: {  	s7 =	simm.s32 $0x440;
	s18 =	simm.s32 $0x128A8;
	s21 =	sadd.s32 $0x50, s8  }
0x145: {  	[hbm4b:s21+s4] =	stream.linear.scatter [tilespmem:s18], [sflag:$0x12], $0x80, $0x38;
	[tilespmem:$0x1BE00] =	vst v63  }
0x146: {  	s22 =	simm.s32 $0x12930;
	s26 =	sadd.s32 $0x60, s8;
	s21 =	simm.s32 $0x2200  }
0x147: {  	[hbm4b:s26+s4] =	stream.linear.scatter [tilespmem:s22], [sflag:$0x12], $0x80, $0x38;
	[tilespmem:$0x1BE00] =	vst v63  }
0x148: {  	s22 =	simm.s32 $0x129B8;
	s26 =	sadd.s32 $0x70, s8;
	s8 =	sadd.s32 $0x1000, s8  }
.LBB2_9:
0x149: {  	[hbm4b:s26+s4] =	stream.linear.scatter [tilespmem:s22], [sflag:$0x12], $0x80, $0x38;
	[tilespmem:$0x1BE00] =	vst v63  }
0x14a: {  	s13 =	smov.u32 s7;
	s7 =	smov.u32 s21  }
0x14b: {  	s18 =	sadd.s32 $0x1100, s21;
	s7 =	sshra.s32 s7, $0x2;
	s22 =	sadd.s32 $0x12600, s13  }
0x14c: {  	[hbm4b:s8+s4] =	stream.linear.scatter [tilespmem:s22], [sflag:$0x12], $0x80, $0x38;
	[tilespmem:$0x1BE00] =	vst v63  }
0x14d: {  	p1 =	sne.s32 s21, $0x7700;
	s21 =	sadd.s32 $0x12688, s13;
	s22 =	sadd.s32 $0x10, s8  }
0x14e: {  	[hbm4b:s22+s4] =	stream.linear.scatter [tilespmem:s21], [sflag:$0x12], $0x80, $0x38;
	[tilespmem:$0x1BE00] =	vst v63  }
0x14f: {  	s21 =	sadd.s32 $0x12710, s13;
	s22 =	sadd.s32 $0x20, s8  }
0x150: {  	[hbm4b:s22+s4] =	stream.linear.scatter [tilespmem:s21], [sflag:$0x12], $0x80, $0x38;
	[tilespmem:$0x1BE00] =	vst v63  }
0x151: {  	s21 =	sadd.s32 $0x12798, s13;
	s22 =	sadd.s32 $0x30, s8  }
0x152: {  	[hbm4b:s22+s4] =	stream.linear.scatter [tilespmem:s21], [sflag:$0x12], $0x80, $0x38;
	[tilespmem:$0x1BE00] =	vst v63  }
0x153: {  	s21 =	sadd.s32 $0x12820, s13;
	s22 =	sadd.s32 $0x40, s8  }
0x154: {  	[hbm4b:s22+s4] =	stream.linear.scatter [tilespmem:s21], [sflag:$0x12], $0x80, $0x38;
	[tilespmem:$0x1BE00] =	vst v63  }
.Ltmp3:
0x155: {  	s21 =	sadd.s32 $0x128A8, s13;
	s22 =	sadd.s32 $0x50, s8;
	(pc) =	sbr.rel @p1 .LBB2_9-.Ltmp3, $4  }
0x156: {  	[hbm4b:s22+s4] =	stream.linear.scatter [tilespmem:s21], [sflag:$0x12], $0x80, $0x38;
	[tilespmem:$0x1BE00] =	vst v63  }
0x157: {  	s26 =	sadd.s32 $0x70, s8;
	s21 =	sadd.s32 $0x12930, s13;
	s22 =	sadd.s32 $0x60, s8  }
0x158: {  	[hbm4b:s22+s4] =	stream.linear.scatter [tilespmem:s21], [sflag:$0x12], $0x80, $0x38;
	[tilespmem:$0x1BE00] =	vst v63  }
0x159: {  	s8 =	sadd.s32 $0x1000, s8;
	s22 =	sadd.s32 $0x129B8, s13;
	s21 =	smov.u32 s18  }
0x15a: {  	[hbm4b:s26+s4] =	stream.linear.scatter [tilespmem:s22], [sflag:$0x12], $0x80, $0x38;
	[tilespmem:$0x1BE00] =	vst v63  }
0x15b: {  	s13 =	sadd.s32 $0x12600, s7  }
0x15c: {  	[hbm4b:s8+s4] =	stream.linear.scatter [tilespmem:s13], [sflag:$0x12], $0x80, $0x38;
	[tilespmem:$0x1BE00] =	vst v63  }
0x15d: {  	s21 =	sadd.s32 $0x12688, s7;
	s18 =	sadd.s32 $0x10, s8  }
0x15e: {  	[hbm4b:s18+s4] =	stream.linear.scatter [tilespmem:s21], [sflag:$0x12], $0x80, $0x38;
	[tilespmem:$0x1BE00] =	vst v63  }
0x15f: {  	s22 =	sadd.s32 $0x12710, s7;
	s26 =	sadd.s32 $0x20, s8  }
0x160: {  	[hbm4b:s26+s4] =	stream.linear.scatter [tilespmem:s22], [sflag:$0x12], $0x80, $0x38;
	[tilespmem:$0x1BE00] =	vst v63  }
0x161: {  	s18 =	sadd.s32 $0x12798, s7;
	s21 =	sadd.s32 $0x30, s8  }
0x162: {  	[hbm4b:s21+s4] =	stream.linear.scatter [tilespmem:s18], [sflag:$0x12], $0x80, $0x38;
	[tilespmem:$0x1BE00] =	vst v63  }
0x163: {  	s22 =	sadd.s32 $0x12820, s7;
	s26 =	sadd.s32 $0x40, s8  }
0x164: {  	[hbm4b:s26+s4] =	stream.linear.scatter [tilespmem:s22], [sflag:$0x12], $0x80, $0x38;
	[tilespmem:$0x1BE00] =	vst v63  }
0x165: {  	s18 =	sadd.s32 $0x128A8, s7;
	s21 =	sadd.s32 $0x50, s8  }
0x166: {  	[hbm4b:s21+s4] =	stream.linear.scatter [tilespmem:s18], [sflag:$0x12], $0x80, $0x38;
	[tilespmem:$0x1BE00] =	vst v63  }
0x167: {  	s22 =	sadd.s32 $0x12930, s7;
	s26 =	sadd.s32 $0x60, s8  }
0x168: {  	[hbm4b:s26+s4] =	stream.linear.scatter [tilespmem:s22], [sflag:$0x12], $0x80, $0x38;
	[tilespmem:$0x1BE00] =	vst v63  }
0x169: {  	s18 =	sadd.s32 $0x129B8, s7;
	s21 =	sadd.s32 $0x70, s8;
	s7 =	rddreg [dreg:$0x6]  }
0x16a: {  	[hbm4b:s21+s4] =	stream.linear.scatter [tilespmem:s18], [sflag:$0x12], $0x80, $0x38;
	[tilespmem:$0x1BE00] =	vst v63  }
0x16b: {  	s13 =	simm.s32 @!p0 $0x80;
	s8 =	simm.s32 @!p0 $0x0;
	s7 =	sadd.s32 @!p0 s16, s7  }
0x16c: {  	[tilespmem:s13], [sflag:$0x2] =	stream.linear.gather @!p0 [hbm4b:s7+s8], $0x80, $0x38;
	[tilespmem:$0x1BE00] =	vst v63  }
0x16d: {  	s7 =	simm.s32 @!p0 $0x1  }
0x16e: {  	_ =	swait.ge @!p0 [sflag:s7], $0x80  }
0x16f: {  	p1 =	seq.s32 @!p0 s10, $0x0;
	[sflag:s7] =	ssyncset.done @!p0 $0x0  }
0x170: {  	p1 =	por p0, !p1;
	[sflag:s7] =	ssyncadd.s32 @!p0 $0xFFFFFF80;
	s7 =	simm.s32 @!p0 $0x400  }
0x171: {  	[tilespmem:s7], [sflag:$0x9] =	stream.indirect.gather @!p0 [hbm4b:s6+s13], $0x40, s8, s13, $0xb8;
	[tilespmem:$0x1BE00] =	vst v63  }
0x172: {  	_ =	swait.ge @p1 [sflag:s12], $0x2000  }
0x173: {  	[sflag:s12] =	ssyncset.done @p1 $0x0  }
0x174: {  	[sflag:s12] =	ssyncadd.s32 @p1 $0xFFFFE000  }
0x175: {  	s21 =	sor.u32 $0x2, s17;
	_ =	swait.ge [sflag:s25], $0x2000  }
0x176: {  	s22 =	sshll.u32 s21, $0x6;
	[sflag:s25] =	ssyncset.done $0x0  }
0x177: {  	s7 =	sand.u32 $0x3FFFFFC0, s22;
	[sflag:s25] =	ssyncadd.s32 $0xFFFFE000  }
0x178: {  	s26 =	simm.s32 $0x3;
	s8 =	simm.s32 $0x44F0;
	v9 =	vld [tilespmem:s7+$0x18C00]  }
0x179: {  	v4 =	vmov s26;
	v7 =	vld [tilespmem:s8+$0xFFFFFFD0]  }
0x17a: {  	v13 =	vand.u32 $0x7F, v4  }
0x17b: {  	s18 =	simm.s32 $0x0;
	v8 =	vadd.s32 v0, v13;
	v6 =	vld [tilespmem:s7+$0x18C10]  }
0x17c: {  	s26 =	simm.s32 $0x2;
	v4 =	vmov s18;
	s22 =	simm.s32 $0x1;
	v10 =	vld [tilespmem:s8+$0xFFFFFF10]  }
0x17d: {  	v14 =	vmov s26;
	v12 =	vand.u32 $0x7C, v4;
	v4 =	vmov s22;
	v11 =	vld [tilespmem:s8+$0xFFFFFF50]  }
0x17e: {  	v15 =	vadd.s32 v0, v12;
	v19 =	vand.u32 $0x7D, v4;
	v16 =	vld [tilespmem:s8+$0xFFFFFF90];
	v7 =	vadd.f32 v7, v9  }
0x17f: {  	v20 =	vand.u32 $0x7E, v14;
	v17 =	vadd.s32 v0, v19;
	v5 =	vld [tilespmem:s7+$0x18C20]  }
0x180: {  	v14 =	vadd.s32 v0, v20;
	v4 =	vld [tilespmem:s7+$0x18C30];
	[tilespmem:v8+s2+$0x0] =	vst.idx.msk $0xffff, v7  }
0x181: {  	v7 =	vadd.f32 v10, v9;
	v8 =	vld [tilespmem:s8+$0xFFFFFFE0]  }
0x182: {  	v10 =	vadd.f32 v11, v9  }
0x183: {  	v11 =	vadd.s32 v1, v13;
	[tilespmem:v15+s2+$0x0] =	vst.idx.msk $0xffff, v7;
	v7 =	vadd.f32 v16, v9  }
0x184: {  	[tilespmem:v17+s2+$0x0] =	vst.idx.msk $0xffff, v10;
	v15 =	vld [tilespmem:s8+$0xFFFFFF20]  }
0x185: {  	v10 =	vld [tilespmem:s8+$0xFFFFFF60];
	[tilespmem:v14+s2+$0x0] =	vst.idx.msk $0xffff, v7  }
0x186: {  	v14 =	vld [tilespmem:s8+$0xFFFFFFA0];
	v7 =	vadd.f32 v8, v6  }
0x187: {  	s18 =	simm.s32 $0x7;
	s22 =	simm.s32 $0x45F0;
	v16 =	vadd.s32 v1, v19  }
0x188: {  	v26 =	vadd.s32 v2, v13;
	s13 =	simm.s32 $0x4;
	v18 =	vld [tilespmem:s22+$0xFFFFFFD0];
	v17 =	vadd.s32 v1, v20;
	[tilespmem:v11+s2+$0x0] =	vst.idx.msk $0xffff, v7;
	v7 =	vmov s18  }
0x189: {  	v21 =	vadd.s32 v1, v12;
	v8 =	vmov s13;
	v7 =	vand.u32 $0x7F, v7;
	v22 =	vld [tilespmem:s8+$0xFFFFFFF0]  }
0x18a: {  	s26 =	simm.s32 $0x5;
	v23 =	vld [tilespmem:s22+$0xFFFFFF10];
	v8 =	vand.u32 $0x7C, v8;
	v10 =	vadd.f32 v10, v6;
	v24 =	vadd.s32 v0, v7  }
0x18b: {  	v25 =	vld [tilespmem:s22+$0xFFFFFF50];
	s13 =	simm.s32 $0x6;
	v15 =	vadd.f32 v15, v6;
	v11 =	vadd.f32 v14, v6;
	v14 =	vmov s26  }
0x18c: {  	v27 =	vadd.s32 v0, v8;
	[tilespmem:v16+s2+$0x0] =	vst.idx.msk $0xffff, v10;
	v16 =	vmov s13;
	v10 =	vand.u32 $0x7D, v14;
	v14 =	vld [tilespmem:s22+$0xFFFFFF90]  }
0x18d: {  	[tilespmem:v17+s2+$0x0] =	vst.idx.msk $0xffff, v11;
	v17 =	vadd.s32 v0, v10;
	v11 =	vand.u32 $0x7E, v16;
	v16 =	vadd.f32 v18, v9;
	v18 =	vld [tilespmem:s8+$0xFFFFFF70]  }
0x18e: {  	[tilespmem:v21+s2+$0x0] =	vst.idx.msk $0xffff, v15;
	v15 =	vadd.s32 v0, v11;
	v21 =	vld [tilespmem:s8+$0xFFFFFFB0];
	v22 =	vadd.f32 v22, v5  }
0x18f: {  	v23 =	vadd.f32 v23, v9;
	[tilespmem:v24+s2+$0x0] =	vst.idx.msk $0xffff, v16;
	v16 =	vld [tilespmem:s8+$0xFFFFFF30];
	v24 =	vadd.s32 v2, v19  }
0x190: {  	v29 =	vadd.s32 v2, v20;
	v25 =	vadd.f32 v25, v9;
	v28 =	vld [tilespmem:s22+$0xFFFFFFE0];
	[tilespmem:v26+s2+$0x0] =	vst.idx.msk $0xffff, v22  }
0x191: {  	[tilespmem:v27+s2+$0x0] =	vst.idx.msk $0xffff, v23;
	v23 =	vadd.s32 v2, v12;
	v14 =	vadd.f32 v14, v9;
	v26 =	vld [tilespmem:s8+$0x0]  }
0x192: {  	v27 =	vld [tilespmem:s22+$0xFFFFFF20];
	[tilespmem:v17+s2+$0x0] =	vst.idx.msk $0xffff, v25;
	v25 =	vadd.s32 v1, v7;
	v18 =	vadd.f32 v18, v5  }
0x193: {  	v31 =	vadd.s32 v3, v13;
	v30 =	vld [tilespmem:s22+$0xFFFFFF60];
	[tilespmem:v15+s2+$0x0] =	vst.idx.msk $0xffff, v14;
	v14 =	vadd.f32 v21, v5  }
0x194: {  	v22 =	vadd.s32 v1, v8;
	v17 =	vld [tilespmem:s22+$0xFFFFFFA0];
	v13 =	vadd.f32 v16, v5;
	[tilespmem:v24+s2+$0x0] =	vst.idx.msk $0xffff, v18  }
0x195: {  	s26 =	simm.s32 $0x8;
	v21 =	vadd.s32 v1, v10;
	[tilespmem:v29+s2+$0x0] =	vst.idx.msk $0xffff, v14;
	v18 =	vadd.f32 v28, v6;
	v16 =	vld [tilespmem:s8+$0xFFFFFF80]  }
0x196: {  	v24 =	vmov s26;
	v14 =	vadd.s32 v1, v11;
	v15 =	vld [tilespmem:s8+$0xFFFFFFC0];
	[tilespmem:v23+s2+$0x0] =	vst.idx.msk $0xffff, v13;
	v63 =	vadd.f32 v26, v4  }
0x197: {  	s7 =	simm.s32 $0x46F0;
	s18 =	simm.s32 $0xB;
	v19 =	vadd.s32 v3, v19;
	v13 =	vand.u32 $0x7C, v24;
	v24 =	vadd.f32 v27, v6;
	[tilespmem:v25+s2+$0x0] =	vst.idx.msk $0xffff, v18;
	v18 =	vld [tilespmem:s8+$0xFFFFFF40]  }
0x198: {  	v20 =	vadd.s32 v3, v20;
	v26 =	vmov s18;
	v23 =	vld [tilespmem:s7+$0xFFFFFFD0];
	s8 =	simm.s32 $0xC;
	v25 =	vadd.f32 v30, v6;
	[tilespmem:v31+s2+$0x0] =	vst.idx.msk $0xffff, v63  }
.LBB2_11:
0x199: {  	p2 =	slt.u32 s8, $0x7C;
	s13 =	sadd.s32 $0x1, s26;
	v26 =	vand.u32 $0x7F, v26;
	[tilespmem:v22+s2+$0x0] =	vst.idx.msk $0xffff, v24;
	v17 =	vadd.f32 v17, v6;
	v22 =	vld [tilespmem:s22+$0xFFFFFFF0];
	v24 =	vadd.s32 v3, v12  }
0x19a: {  	v30 =	vmovc v11;
	v27 =	vld [tilespmem:s7+$0xFFFFFF10];
	v28 =	vmov s13;
	s13 =	sadd.s32 $0x2, s26;
	v29 =	vadd.s32 v0, v26;
	[tilespmem:v21+s2+$0x0] =	vst.idx.msk $0xffff, v25;
	v16 =	vadd.f32 v16, v4;
	s26 =	smov.u32 s8  }
0x19b: {  	v12 =	vmovc v8;
	v21 =	vld [tilespmem:s7+$0xFFFFFF50];
	v11 =	vmov s13;
	[tilespmem:v14+s2+$0x0] =	vst.idx.msk $0xffff, v17;
	v14 =	vadd.s32 v2, v7;
	v15 =	vadd.f32 v15, v4  }
0x19c: {  	v17 =	vadd.s32 v0, v13;
	v28 =	vand.u32 $0x7D, v28;
	v25 =	vld [tilespmem:s7+$0xFFFFFF90];
	v31 =	vadd.f32 v18, v4;
	[tilespmem:v19+s2+$0x0] =	vst.idx.msk $0xffff, v16  }
0x19d: {  	v16 =	vadd.s32 v0, v28;
	v11 =	vand.u32 $0x7E, v11;
	v18 =	vadd.f32 v23, v9;
	v19 =	vld [tilespmem:s22+$0xFFFFFF70];
	[tilespmem:v20+s2+$0x0] =	vst.idx.msk $0xffff, v15  }
0x19e: {  	v8 =	vmov v13;
	v15 =	vadd.s32 v0, v11;
	v20 =	vld [tilespmem:s22+$0xFFFFFFB0];
	v22 =	vadd.f32 v22, v5;
	[tilespmem:v24+s2+$0x0] =	vst.idx.msk $0xffff, v31  }
0x19f: {  	v23 =	vadd.s32 v2, v10;
	v13 =	vadd.f32 v27, v9;
	[tilespmem:v29+s2+$0x0] =	vst.idx.msk $0xffff, v18;
	v18 =	vld [tilespmem:s22+$0xFFFFFF30]  }
0x1a0: {  	v27 =	vadd.s32 v2, v30;
	v21 =	vadd.f32 v21, v9;
	v24 =	vld [tilespmem:s7+$0xFFFFFFE0];
	[tilespmem:v14+s2+$0x0] =	vst.idx.msk $0xffff, v22  }
0x1a1: {  	[tilespmem:v17+s2+$0x0] =	vst.idx.msk $0xffff, v13;
	v13 =	vadd.f32 v25, v9;
	v25 =	vadd.s32 v2, v12;
	v29 =	vld [tilespmem:s22+$0x0]  }
0x1a2: {  	v32 =	vadd.s32 v1, v26;
	v31 =	vld [tilespmem:s7+$0xFFFFFF20];
	[tilespmem:v16+s2+$0x0] =	vst.idx.msk $0xffff, v21;
	v14 =	vadd.f32 v19, v5  }
0x1a3: {  	v34 =	vadd.s32 v3, v7;
	v7 =	vmov v26;
	v33 =	vld [tilespmem:s7+$0xFFFFFF60];
	[tilespmem:v15+s2+$0x0] =	vst.idx.msk $0xffff, v13;
	v13 =	vadd.f32 v20, v5  }
.Ltmp4:
0x1a4: {  	v22 =	vadd.s32 v1, v8;
	v17 =	vld [tilespmem:s7+$0xFFFFFFA0];
	v15 =	vadd.f32 v18, v5;
	[tilespmem:v23+s2+$0x0] =	vst.idx.msk $0xffff, v14;
	(pc) =	sbr.rel @p2 .LBB2_11-.Ltmp4, $4  }
0x1a5: {  	v21 =	vadd.s32 v1, v28;
	v18 =	vadd.f32 v24, v6;
	v16 =	vld [tilespmem:s22+$0xFFFFFF80];
	[tilespmem:v27+s2+$0x0] =	vst.idx.msk $0xffff, v13  }
0x1a6: {  	v14 =	vadd.s32 v1, v11;
	v13 =	vmov s8;
	[tilespmem:v25+s2+$0x0] =	vst.idx.msk $0xffff, v15;
	v15 =	vld [tilespmem:s22+$0xFFFFFFC0];
	v27 =	vadd.f32 v29, v4  }
0x1a7: {  	s13 =	sadd.s32 $0x3, s8;
	v19 =	vadd.s32 v3, v10;
	v13 =	vand.u32 $0x7C, v13;
	v24 =	vadd.f32 v31, v6;
	[tilespmem:v32+s2+$0x0] =	vst.idx.msk $0xffff, v18;
	v18 =	vld [tilespmem:s22+$0xFFFFFF40];
	s22 =	smov.u32 s7;
	s7 =	sadd.s32 $0x100, s7  }
0x1a8: {  	v26 =	vmov s13;
	v10 =	vmovc v28;
	v20 =	vadd.s32 v3, v30;
	s8 =	sadd.s32 $0x4, s8;
	v23 =	vld [tilespmem:s7+$0xFFFFFFD0];
	v25 =	vadd.f32 v33, v6;
	[tilespmem:v34+s2+$0x0] =	vst.idx.msk $0xffff, v27  }
0x1a9: {  	s8 =	sadd.s32 $0x1, s26  }
0x1aa: {  	v26 =	vand.u32 $0x7F, v26;
	s26 =	sadd.s32 $0x2, s26;
	v28 =	vld [tilespmem:s7+$0xFFFFFF50];
	v27 =	vmov s8  }
0x1ab: {  	v31 =	vld [tilespmem:s7+$0xFFFFFF90];
	v29 =	vadd.s32 v0, v26;
	v30 =	vmov s26;
	v27 =	vand.u32 $0x7D, v27  }
0x1ac: {  	v32 =	vld [tilespmem:s7+$0xFFFFFF10];
	v30 =	vand.u32 $0x7E, v30;
	v33 =	vadd.s32 v0, v27  }
0x1ad: {  	v34 =	vadd.s32 v0, v30  }
0x1ae: {  	[tilespmem:v22+s2+$0x0] =	vst.idx.msk $0xffff, v24;
	v44 =	vadd.s32 v0, v13;
	v23 =	vadd.f32 v23, v9  }
0x1af: {  	[tilespmem:v21+s2+$0x0] =	vst.idx.msk $0xffff, v25;
	v45 =	vadd.f32 v28, v9  }
0x1b0: {  	v46 =	vadd.f32 v31, v9;
	[tilespmem:v29+s2+$0x0] =	vst.idx.msk $0xffff, v23  }
0x1b1: {  	v47 =	vadd.f32 v32, v9;
	v48 =	vld [tilespmem:s7+$0xFFFFFFE0];
	[tilespmem:v33+s2+$0x0] =	vst.idx.msk $0xffff, v45  }
0x1b2: {  	v17 =	vadd.f32 v17, v6;
	v12 =	vadd.s32 v3, v12;
	[tilespmem:v34+s2+$0x0] =	vst.idx.msk $0xffff, v46;
	v21 =	vld [tilespmem:s7+$0xFFFFFF60]  }
0x1b3: {  	v16 =	vadd.f32 v16, v4;
	v49 =	vadd.s32 v1, v26;
	[tilespmem:v44+s2+$0x0] =	vst.idx.msk $0xffff, v47;
	v50 =	vld [tilespmem:s7+$0xFFFFFFA0]  }
0x1b4: {  	[tilespmem:v14+s2+$0x0] =	vst.idx.msk $0xffff, v17;
	v51 =	vadd.f32 v15, v4;
	v53 =	vadd.s32 v1, v27;
	v52 =	vld [tilespmem:s7+$0xFFFFFF20]  }
0x1b5: {  	v54 =	vld [tilespmem:s22+$0xFFFFFFF0];
	v18 =	vadd.f32 v18, v4;
	[tilespmem:v19+s2+$0x0] =	vst.idx.msk $0xffff, v16;
	v55 =	vadd.s32 v1, v30  }
0x1b6: {  	v57 =	vadd.s32 v1, v13;
	v60 =	vld [tilespmem:s22+$0xFFFFFFB0];
	[tilespmem:v20+s2+$0x0] =	vst.idx.msk $0xffff, v51;
	v58 =	vadd.f32 v48, v6  }
0x1b7: {  	v59 =	vadd.s32 v2, v7;
	v56 =	vld [tilespmem:s22+$0xFFFFFF70];
	[tilespmem:v12+s2+$0x0] =	vst.idx.msk $0xffff, v18;
	v61 =	vadd.f32 v21, v6  }
0x1b8: {  	v62 =	vld [tilespmem:s22+$0xFFFFFF30];
	v29 =	vadd.s32 v2, v11;
	[tilespmem:v49+s2+$0x0] =	vst.idx.msk $0xffff, v58;
	v28 =	vadd.f32 v50, v6  }
0x1b9: {  	v63 =	vadd.s32 v2, v10;
	v31 =	vadd.f32 v52, v6;
	v32 =	vld [tilespmem:s7+$0xFFFFFFF0];
	[tilespmem:v53+s2+$0x0] =	vst.idx.msk $0xffff, v61  }
0x1ba: {  	v33 =	vadd.f32 v54, v5;
	v34 =	vadd.s32 v2, v8;
	[tilespmem:v55+s2+$0x0] =	vst.idx.msk $0xffff, v28;
	v35 =	vld [tilespmem:s7+$0xFFFFFF70]  }
0x1bb: {  	v37 =	vadd.s32 v2, v26;
	v39 =	vadd.f32 v60, v5;
	[tilespmem:v57+s2+$0x0] =	vst.idx.msk $0xffff, v31;
	v38 =	vld [tilespmem:s7+$0xFFFFFFB0]  }
0x1bc: {  	v41 =	vadd.s32 v2, v27;
	v36 =	vadd.f32 v56, v5;
	[tilespmem:v59+s2+$0x0] =	vst.idx.msk $0xffff, v33;
	v40 =	vld [tilespmem:s7+$0xFFFFFF30]  }
0x1bd: {  	v43 =	vadd.s32 v2, v30;
	v18 =	vadd.f32 v62, v5;
	v42 =	vld [tilespmem:s22+$0x0];
	[tilespmem:v29+s2+$0x0] =	vst.idx.msk $0xffff, v39  }
0x1be: {  	v45 =	vadd.s32 v2, v13;
	[tilespmem:v63+s2+$0x0] =	vst.idx.msk $0xffff, v36;
	v47 =	vld [tilespmem:s22+$0xFFFFFFC0];
	v44 =	vadd.f32 v32, v5  }
0x1bf: {  	v46 =	vadd.s32 v3, v7;
	[tilespmem:v34+s2+$0x0] =	vst.idx.msk $0xffff, v18;
	v21 =	vld [tilespmem:s22+$0xFFFFFF80];
	v9 =	vadd.f32 v35, v5  }
0x1c0: {  	v18 =	vld [tilespmem:s22+$0xFFFFFF40];
	v50 =	vadd.s32 v3, v11;
	[tilespmem:v37+s2+$0x0] =	vst.idx.msk $0xffff, v44;
	v49 =	vadd.f32 v38, v5  }
0x1c1: {  	v48 =	vadd.s32 v3, v10;
	v5 =	vadd.f32 v40, v5;
	v12 =	vld [tilespmem:s7+$0x0];
	[tilespmem:v41+s2+$0x0] =	vst.idx.msk $0xffff, v9  }
0x1c2: {  	v52 =	vadd.s32 v3, v8;
	v51 =	vadd.f32 v42, v4;
	[tilespmem:v43+s2+$0x0] =	vst.idx.msk $0xffff, v49;
	v53 =	vld [tilespmem:s7+$0xFFFFFF80]  }
0x1c3: {  	v55 =	vadd.s32 v3, v26;
	v56 =	vadd.f32 v47, v4;
	[tilespmem:v45+s2+$0x0] =	vst.idx.msk $0xffff, v5;
	v5 =	vld [tilespmem:s7+$0xFFFFFFC0]  }
0x1c4: {  	v58 =	vadd.s32 v3, v27;
	[tilespmem:v46+s2+$0x0] =	vst.idx.msk $0xffff, v51;
	v54 =	vadd.f32 v21, v4;
	v57 =	vld [tilespmem:s7+$0xFFFFFF40]  }
0x1c5: {  	v60 =	vadd.s32 v3, v30;
	v59 =	vadd.f32 v18, v4;
	[tilespmem:v50+s2+$0x0] =	vst.idx.msk $0xffff, v56  }
0x1c6: {  	v62 =	vadd.s32 v3, v13;
	[tilespmem:v48+s2+$0x0] =	vst.idx.msk $0xffff, v54;
	v61 =	vadd.f32 v12, v4  }
0x1c7: {  	[tilespmem:v52+s2+$0x0] =	vst.idx.msk $0xffff, v59;
	v63 =	vadd.f32 v53, v4  }
0x1c8: {  	s13 =	sshll.u32 s21, $0x12;
	[tilespmem:v55+s2+$0x0] =	vst.idx.msk $0xffff, v61;
	v5 =	vadd.f32 v5, v4  }
0x1c9: {  	s7 =	sor.u32 s5, s13;
	v4 =	vadd.f32 v57, v4;
	[tilespmem:v58+s2+$0x0] =	vst.idx.msk $0xffff, v63  }
0x1ca: {  	s7 =	sshrl.u32 s7, $0x3;
	[tilespmem:v60+s2+$0x0] =	vst.idx.msk $0xffff, v5  }
0x1cb: {  	s18 =	simm.s32 $0x14800;
	s8 =	sadd.s32 s3, s7;
	[tilespmem:v62+s2+$0x0] =	vst.idx.msk $0xffff, v4  }
0x1cc: {  	[hbm4b:s8+s4] =	stream.linear.scatter [tilespmem:s18], [sflag:$0x13], $0x80, $0x38;
	[tilespmem:$0x1BE00] =	vst v63  }
0x1cd: {  	s21 =	simm.s32 $0x14888;
	s13 =	sadd.s32 $0x10, s8  }
0x1ce: {  	[hbm4b:s13+s4] =	stream.linear.scatter [tilespmem:s21], [sflag:$0x13], $0x80, $0x38;
	[tilespmem:$0x1BE00] =	vst v63  }
0x1cf: {  	s22 =	simm.s32 $0x14910;
	s26 =	sadd.s32 $0x20, s8  }
0x1d0: {  	[hbm4b:s26+s4] =	stream.linear.scatter [tilespmem:s22], [sflag:$0x13], $0x80, $0x38;
	[tilespmem:$0x1BE00] =	vst v63  }
0x1d1: {  	s18 =	simm.s32 $0x14998;
	s21 =	sadd.s32 $0x30, s8  }
0x1d2: {  	[hbm4b:s21+s4] =	stream.linear.scatter [tilespmem:s18], [sflag:$0x13], $0x80, $0x38;
	[tilespmem:$0x1BE00] =	vst v63  }
0x1d3: {  	s22 =	simm.s32 $0x14A20;
	s26 =	sadd.s32 $0x40, s8  }
0x1d4: {  	[hbm4b:s26+s4] =	stream.linear.scatter [tilespmem:s22], [sflag:$0x13], $0x80, $0x38;
	[tilespmem:$0x1BE00] =	vst v63  }
0x1d5: {  	s7 =	simm.s32 $0x440;
	s18 =	simm.s32 $0x14AA8;
	s21 =	sadd.s32 $0x50, s8  }
0x1d6: {  	[hbm4b:s21+s4] =	stream.linear.scatter [tilespmem:s18], [sflag:$0x13], $0x80, $0x38;
	[tilespmem:$0x1BE00] =	vst v63  }
0x1d7: {  	s22 =	simm.s32 $0x14B30;
	s26 =	sadd.s32 $0x60, s8;
	s21 =	simm.s32 $0x2200  }
0x1d8: {  	[hbm4b:s26+s4] =	stream.linear.scatter [tilespmem:s22], [sflag:$0x13], $0x80, $0x38;
	[tilespmem:$0x1BE00] =	vst v63  }
0x1d9: {  	s22 =	simm.s32 $0x14BB8;
	s26 =	sadd.s32 $0x70, s8;
	s8 =	sadd.s32 $0x1000, s8  }
.LBB2_13:
0x1da: {  	[hbm4b:s26+s4] =	stream.linear.scatter [tilespmem:s22], [sflag:$0x13], $0x80, $0x38;
	[tilespmem:$0x1BE00] =	vst v63  }
0x1db: {  	s13 =	smov.u32 s7;
	s7 =	smov.u32 s21  }
0x1dc: {  	s18 =	sadd.s32 $0x1100, s21;
	s7 =	sshra.s32 s7, $0x2;
	s22 =	sadd.s32 $0x14800, s13  }
0x1dd: {  	[hbm4b:s8+s4] =	stream.linear.scatter [tilespmem:s22], [sflag:$0x13], $0x80, $0x38;
	[tilespmem:$0x1BE00] =	vst v63  }
0x1de: {  	p2 =	sne.s32 s21, $0x7700;
	s21 =	sadd.s32 $0x14888, s13;
	s22 =	sadd.s32 $0x10, s8  }
0x1df: {  	[hbm4b:s22+s4] =	stream.linear.scatter [tilespmem:s21], [sflag:$0x13], $0x80, $0x38;
	[tilespmem:$0x1BE00] =	vst v63  }
0x1e0: {  	s21 =	sadd.s32 $0x14910, s13;
	s22 =	sadd.s32 $0x20, s8  }
0x1e1: {  	[hbm4b:s22+s4] =	stream.linear.scatter [tilespmem:s21], [sflag:$0x13], $0x80, $0x38;
	[tilespmem:$0x1BE00] =	vst v63  }
0x1e2: {  	s21 =	sadd.s32 $0x14998, s13;
	s22 =	sadd.s32 $0x30, s8  }
0x1e3: {  	[hbm4b:s22+s4] =	stream.linear.scatter [tilespmem:s21], [sflag:$0x13], $0x80, $0x38;
	[tilespmem:$0x1BE00] =	vst v63  }
0x1e4: {  	s21 =	sadd.s32 $0x14A20, s13;
	s22 =	sadd.s32 $0x40, s8  }
0x1e5: {  	[hbm4b:s22+s4] =	stream.linear.scatter [tilespmem:s21], [sflag:$0x13], $0x80, $0x38;
	[tilespmem:$0x1BE00] =	vst v63  }
.Ltmp5:
0x1e6: {  	s21 =	sadd.s32 $0x14AA8, s13;
	s22 =	sadd.s32 $0x50, s8;
	(pc) =	sbr.rel @p2 .LBB2_13-.Ltmp5, $4  }
0x1e7: {  	[hbm4b:s22+s4] =	stream.linear.scatter [tilespmem:s21], [sflag:$0x13], $0x80, $0x38;
	[tilespmem:$0x1BE00] =	vst v63  }
0x1e8: {  	s26 =	sadd.s32 $0x70, s8;
	s21 =	sadd.s32 $0x14B30, s13;
	s22 =	sadd.s32 $0x60, s8  }
0x1e9: {  	[hbm4b:s22+s4] =	stream.linear.scatter [tilespmem:s21], [sflag:$0x13], $0x80, $0x38;
	[tilespmem:$0x1BE00] =	vst v63  }
0x1ea: {  	s8 =	sadd.s32 $0x1000, s8;
	s22 =	sadd.s32 $0x14BB8, s13;
	s21 =	smov.u32 s18  }
0x1eb: {  	[hbm4b:s26+s4] =	stream.linear.scatter [tilespmem:s22], [sflag:$0x13], $0x80, $0x38;
	[tilespmem:$0x1BE00] =	vst v63  }
0x1ec: {  	s13 =	sadd.s32 $0x14800, s7  }
0x1ed: {  	[hbm4b:s8+s4] =	stream.linear.scatter [tilespmem:s13], [sflag:$0x13], $0x80, $0x38;
	[tilespmem:$0x1BE00] =	vst v63  }
0x1ee: {  	s21 =	sadd.s32 $0x14888, s7;
	s18 =	sadd.s32 $0x10, s8  }
0x1ef: {  	[hbm4b:s18+s4] =	stream.linear.scatter [tilespmem:s21], [sflag:$0x13], $0x80, $0x38;
	[tilespmem:$0x1BE00] =	vst v63  }
0x1f0: {  	s22 =	sadd.s32 $0x14910, s7;
	s26 =	sadd.s32 $0x20, s8  }
0x1f1: {  	[hbm4b:s26+s4] =	stream.linear.scatter [tilespmem:s22], [sflag:$0x13], $0x80, $0x38;
	[tilespmem:$0x1BE00] =	vst v63  }
0x1f2: {  	s18 =	sadd.s32 $0x14998, s7;
	s21 =	sadd.s32 $0x30, s8  }
0x1f3: {  	[hbm4b:s21+s4] =	stream.linear.scatter [tilespmem:s18], [sflag:$0x13], $0x80, $0x38;
	[tilespmem:$0x1BE00] =	vst v63  }
0x1f4: {  	s22 =	sadd.s32 $0x14A20, s7;
	s26 =	sadd.s32 $0x40, s8  }
0x1f5: {  	[hbm4b:s26+s4] =	stream.linear.scatter [tilespmem:s22], [sflag:$0x13], $0x80, $0x38;
	[tilespmem:$0x1BE00] =	vst v63  }
0x1f6: {  	s18 =	sadd.s32 $0x14AA8, s7;
	s21 =	sadd.s32 $0x50, s8  }
0x1f7: {  	[hbm4b:s21+s4] =	stream.linear.scatter [tilespmem:s18], [sflag:$0x13], $0x80, $0x38;
	[tilespmem:$0x1BE00] =	vst v63  }
0x1f8: {  	s22 =	sadd.s32 $0x14B30, s7;
	s26 =	sadd.s32 $0x60, s8  }
0x1f9: {  	[hbm4b:s26+s4] =	stream.linear.scatter [tilespmem:s22], [sflag:$0x13], $0x80, $0x38;
	[tilespmem:$0x1BE00] =	vst v63  }
0x1fa: {  	s18 =	sadd.s32 $0x14BB8, s7;
	s21 =	sadd.s32 $0x70, s8;
	s7 =	rddreg [dreg:$0x7]  }
0x1fb: {  	[hbm4b:s21+s4] =	stream.linear.scatter [tilespmem:s18], [sflag:$0x13], $0x80, $0x38;
	[tilespmem:$0x1BE00] =	vst v63  }
0x1fc: {  	s13 =	simm.s32 @!p0 $0x100;
	s8 =	simm.s32 @!p0 $0x0;
	s7 =	sadd.s32 @!p0 s16, s7  }
0x1fd: {  	[tilespmem:s13], [sflag:$0x3] =	stream.linear.gather @!p0 [hbm4b:s7+s8], $0x80, $0x38;
	[tilespmem:$0x1BE00] =	vst v63  }
0x1fe: {  	s7 =	simm.s32 @!p0 $0x2  }
0x1ff: {  	_ =	swait.ge @!p0 [sflag:s7], $0x80  }
0x200: {  	[sflag:s7] =	ssyncset.done @!p0 $0x0  }
0x201: {  	s8 =	simm.s32 @!p0 $0x2400;
	[sflag:s7] =	ssyncadd.s32 @!p0 $0xFFFFFF80;
	s7 =	simm.s32 @!p0 $0x80  }
0x202: {  	[tilespmem:s8], [sflag:$0xA] =	stream.indirect.gather @!p0 [hbm4b:s6+s7], $0x40, s7, s7, $0xb8;
	[tilespmem:$0x1BE00] =	vst v63  }
0x203: {  	_ =	swait.ge @p1 [sflag:s0], $0x2000  }
0x204: {  	[sflag:s0] =	ssyncset.done @p1 $0x0  }
0x205: {  	[sflag:s0] =	ssyncadd.s32 @p1 $0xFFFFE000  }
0x206: {  	s21 =	sor.u32 $0x3, s17;
	_ =	swait.ge [sflag:s24], $0x2000  }
0x207: {  	s22 =	sshll.u32 s21, $0x6;
	[sflag:s24] =	ssyncset.done $0x0  }
0x208: {  	s7 =	sand.u32 $0x3FFFFFC0, s22;
	[sflag:s24] =	ssyncadd.s32 $0xFFFFE000  }
0x209: {  	s26 =	simm.s32 $0x3;
	s8 =	simm.s32 $0x64F0;
	v9 =	vld [tilespmem:s7+$0x18C00]  }
0x20a: {  	v4 =	vmov s26;
	v7 =	vld [tilespmem:s8+$0xFFFFFFD0]  }
0x20b: {  	v13 =	vand.u32 $0x7F, v4  }
0x20c: {  	s18 =	simm.s32 $0x0;
	v8 =	vadd.s32 v0, v13;
	v6 =	vld [tilespmem:s7+$0x18C10]  }
0x20d: {  	s26 =	simm.s32 $0x2;
	v4 =	vmov s18;
	s22 =	simm.s32 $0x1;
	v10 =	vld [tilespmem:s8+$0xFFFFFF10]  }
0x20e: {  	v14 =	vmov s26;
	v12 =	vand.u32 $0x7C, v4;
	v4 =	vmov s22;
	v11 =	vld [tilespmem:s8+$0xFFFFFF50]  }
0x20f: {  	v15 =	vadd.s32 v0, v12;
	v19 =	vand.u32 $0x7D, v4;
	v16 =	vld [tilespmem:s8+$0xFFFFFF90];
	v7 =	vadd.f32 v7, v9  }
0x210: {  	v20 =	vand.u32 $0x7E, v14;
	v17 =	vadd.s32 v0, v19;
	v5 =	vld [tilespmem:s7+$0x18C20]  }
0x211: {  	v14 =	vadd.s32 v0, v20;
	v4 =	vld [tilespmem:s7+$0x18C30];
	[tilespmem:v8+s28+$0x0] =	vst.idx.msk $0xffff, v7  }
0x212: {  	v7 =	vadd.f32 v10, v9;
	v8 =	vld [tilespmem:s8+$0xFFFFFFE0]  }
0x213: {  	v10 =	vadd.f32 v11, v9  }
0x214: {  	v11 =	vadd.s32 v1, v13;
	[tilespmem:v15+s28+$0x0] =	vst.idx.msk $0xffff, v7;
	v7 =	vadd.f32 v16, v9  }
0x215: {  	[tilespmem:v17+s28+$0x0] =	vst.idx.msk $0xffff, v10;
	v15 =	vld [tilespmem:s8+$0xFFFFFF20]  }
0x216: {  	v10 =	vld [tilespmem:s8+$0xFFFFFF60];
	[tilespmem:v14+s28+$0x0] =	vst.idx.msk $0xffff, v7  }
0x217: {  	v14 =	vld [tilespmem:s8+$0xFFFFFFA0];
	v7 =	vadd.f32 v8, v6  }
0x218: {  	s18 =	simm.s32 $0x7;
	s22 =	simm.s32 $0x65F0;
	v16 =	vadd.s32 v1, v19  }
0x219: {  	v26 =	vadd.s32 v2, v13;
	s13 =	simm.s32 $0x4;
	v18 =	vld [tilespmem:s22+$0xFFFFFFD0];
	v17 =	vadd.s32 v1, v20;
	[tilespmem:v11+s28+$0x0] =	vst.idx.msk $0xffff, v7;
	v7 =	vmov s18  }
0x21a: {  	v21 =	vadd.s32 v1, v12;
	v8 =	vmov s13;
	v7 =	vand.u32 $0x7F, v7;
	v22 =	vld [tilespmem:s8+$0xFFFFFFF0]  }
0x21b: {  	s26 =	simm.s32 $0x5;
	v23 =	vld [tilespmem:s22+$0xFFFFFF10];
	v8 =	vand.u32 $0x7C, v8;
	v10 =	vadd.f32 v10, v6;
	v24 =	vadd.s32 v0, v7  }
0x21c: {  	v25 =	vld [tilespmem:s22+$0xFFFFFF50];
	s13 =	simm.s32 $0x6;
	v15 =	vadd.f32 v15, v6;
	v11 =	vadd.f32 v14, v6;
	v14 =	vmov s26  }
0x21d: {  	v27 =	vadd.s32 v0, v8;
	[tilespmem:v16+s28+$0x0] =	vst.idx.msk $0xffff, v10;
	v16 =	vmov s13;
	v10 =	vand.u32 $0x7D, v14;
	v14 =	vld [tilespmem:s22+$0xFFFFFF90]  }
0x21e: {  	[tilespmem:v17+s28+$0x0] =	vst.idx.msk $0xffff, v11;
	v17 =	vadd.s32 v0, v10;
	v11 =	vand.u32 $0x7E, v16;
	v16 =	vadd.f32 v18, v9;
	v18 =	vld [tilespmem:s8+$0xFFFFFF70]  }
0x21f: {  	[tilespmem:v21+s28+$0x0] =	vst.idx.msk $0xffff, v15;
	v15 =	vadd.s32 v0, v11;
	v21 =	vld [tilespmem:s8+$0xFFFFFFB0];
	v22 =	vadd.f32 v22, v5  }
0x220: {  	v23 =	vadd.f32 v23, v9;
	[tilespmem:v24+s28+$0x0] =	vst.idx.msk $0xffff, v16;
	v16 =	vld [tilespmem:s8+$0xFFFFFF30];
	v24 =	vadd.s32 v2, v19  }
0x221: {  	v29 =	vadd.s32 v2, v20;
	v25 =	vadd.f32 v25, v9;
	v28 =	vld [tilespmem:s22+$0xFFFFFFE0];
	[tilespmem:v26+s28+$0x0] =	vst.idx.msk $0xffff, v22  }
0x222: {  	[tilespmem:v27+s28+$0x0] =	vst.idx.msk $0xffff, v23;
	v23 =	vadd.s32 v2, v12;
	v14 =	vadd.f32 v14, v9;
	v26 =	vld [tilespmem:s8+$0x0]  }
0x223: {  	v27 =	vld [tilespmem:s22+$0xFFFFFF20];
	[tilespmem:v17+s28+$0x0] =	vst.idx.msk $0xffff, v25;
	v25 =	vadd.s32 v1, v7;
	v18 =	vadd.f32 v18, v5  }
0x224: {  	v31 =	vadd.s32 v3, v13;
	v30 =	vld [tilespmem:s22+$0xFFFFFF60];
	[tilespmem:v15+s28+$0x0] =	vst.idx.msk $0xffff, v14;
	v14 =	vadd.f32 v21, v5  }
0x225: {  	v22 =	vadd.s32 v1, v8;
	v17 =	vld [tilespmem:s22+$0xFFFFFFA0];
	v13 =	vadd.f32 v16, v5;
	[tilespmem:v24+s28+$0x0] =	vst.idx.msk $0xffff, v18  }
0x226: {  	s26 =	simm.s32 $0x8;
	v21 =	vadd.s32 v1, v10;
	[tilespmem:v29+s28+$0x0] =	vst.idx.msk $0xffff, v14;
	v18 =	vadd.f32 v28, v6;
	v16 =	vld [tilespmem:s8+$0xFFFFFF80]  }
0x227: {  	v24 =	vmov s26;
	v14 =	vadd.s32 v1, v11;
	v15 =	vld [tilespmem:s8+$0xFFFFFFC0];
	[tilespmem:v23+s28+$0x0] =	vst.idx.msk $0xffff, v13;
	v63 =	vadd.f32 v26, v4  }
0x228: {  	s7 =	simm.s32 $0x66F0;
	s18 =	simm.s32 $0xB;
	v19 =	vadd.s32 v3, v19;
	v13 =	vand.u32 $0x7C, v24;
	v24 =	vadd.f32 v27, v6;
	[tilespmem:v25+s28+$0x0] =	vst.idx.msk $0xffff, v18;
	v18 =	vld [tilespmem:s8+$0xFFFFFF40]  }
0x229: {  	v20 =	vadd.s32 v3, v20;
	v26 =	vmov s18;
	v23 =	vld [tilespmem:s7+$0xFFFFFFD0];
	s8 =	simm.s32 $0xC;
	v25 =	vadd.f32 v30, v6;
	[tilespmem:v31+s28+$0x0] =	vst.idx.msk $0xffff, v63  }
.LBB2_15:
0x22a: {  	p1 =	slt.u32 s8, $0x7C;
	s13 =	sadd.s32 $0x1, s26;
	v26 =	vand.u32 $0x7F, v26;
	[tilespmem:v22+s28+$0x0] =	vst.idx.msk $0xffff, v24;
	v17 =	vadd.f32 v17, v6;
	v22 =	vld [tilespmem:s22+$0xFFFFFFF0];
	v24 =	vadd.s32 v3, v12  }
0x22b: {  	v30 =	vmovc v11;
	v27 =	vld [tilespmem:s7+$0xFFFFFF10];
	v28 =	vmov s13;
	s13 =	sadd.s32 $0x2, s26;
	v29 =	vadd.s32 v0, v26;
	[tilespmem:v21+s28+$0x0] =	vst.idx.msk $0xffff, v25;
	v16 =	vadd.f32 v16, v4;
	s26 =	smov.u32 s8  }
0x22c: {  	v12 =	vmovc v8;
	v21 =	vld [tilespmem:s7+$0xFFFFFF50];
	v11 =	vmov s13;
	[tilespmem:v14+s28+$0x0] =	vst.idx.msk $0xffff, v17;
	v14 =	vadd.s32 v2, v7;
	v15 =	vadd.f32 v15, v4  }
0x22d: {  	v17 =	vadd.s32 v0, v13;
	v28 =	vand.u32 $0x7D, v28;
	v25 =	vld [tilespmem:s7+$0xFFFFFF90];
	v31 =	vadd.f32 v18, v4;
	[tilespmem:v19+s28+$0x0] =	vst.idx.msk $0xffff, v16  }
0x22e: {  	v16 =	vadd.s32 v0, v28;
	v11 =	vand.u32 $0x7E, v11;
	v18 =	vadd.f32 v23, v9;
	v19 =	vld [tilespmem:s22+$0xFFFFFF70];
	[tilespmem:v20+s28+$0x0] =	vst.idx.msk $0xffff, v15  }
0x22f: {  	v8 =	vmov v13;
	v15 =	vadd.s32 v0, v11;
	v20 =	vld [tilespmem:s22+$0xFFFFFFB0];
	v22 =	vadd.f32 v22, v5;
	[tilespmem:v24+s28+$0x0] =	vst.idx.msk $0xffff, v31  }
0x230: {  	v23 =	vadd.s32 v2, v10;
	v13 =	vadd.f32 v27, v9;
	[tilespmem:v29+s28+$0x0] =	vst.idx.msk $0xffff, v18;
	v18 =	vld [tilespmem:s22+$0xFFFFFF30]  }
0x231: {  	v27 =	vadd.s32 v2, v30;
	v21 =	vadd.f32 v21, v9;
	v24 =	vld [tilespmem:s7+$0xFFFFFFE0];
	[tilespmem:v14+s28+$0x0] =	vst.idx.msk $0xffff, v22  }
0x232: {  	[tilespmem:v17+s28+$0x0] =	vst.idx.msk $0xffff, v13;
	v13 =	vadd.f32 v25, v9;
	v25 =	vadd.s32 v2, v12;
	v29 =	vld [tilespmem:s22+$0x0]  }
0x233: {  	v32 =	vadd.s32 v1, v26;
	v31 =	vld [tilespmem:s7+$0xFFFFFF20];
	[tilespmem:v16+s28+$0x0] =	vst.idx.msk $0xffff, v21;
	v14 =	vadd.f32 v19, v5  }
0x234: {  	v34 =	vadd.s32 v3, v7;
	v7 =	vmov v26;
	v33 =	vld [tilespmem:s7+$0xFFFFFF60];
	[tilespmem:v15+s28+$0x0] =	vst.idx.msk $0xffff, v13;
	v13 =	vadd.f32 v20, v5  }
.Ltmp6:
0x235: {  	v22 =	vadd.s32 v1, v8;
	v17 =	vld [tilespmem:s7+$0xFFFFFFA0];
	v15 =	vadd.f32 v18, v5;
	[tilespmem:v23+s28+$0x0] =	vst.idx.msk $0xffff, v14;
	(pc) =	sbr.rel @p1 .LBB2_15-.Ltmp6, $4  }
0x236: {  	v21 =	vadd.s32 v1, v28;
	v18 =	vadd.f32 v24, v6;
	v16 =	vld [tilespmem:s22+$0xFFFFFF80];
	[tilespmem:v27+s28+$0x0] =	vst.idx.msk $0xffff, v13  }
0x237: {  	v14 =	vadd.s32 v1, v11;
	v13 =	vmov s8;
	[tilespmem:v25+s28+$0x0] =	vst.idx.msk $0xffff, v15;
	v15 =	vld [tilespmem:s22+$0xFFFFFFC0];
	v27 =	vadd.f32 v29, v4  }
0x238: {  	s13 =	sadd.s32 $0x3, s8;
	v19 =	vadd.s32 v3, v10;
	v13 =	vand.u32 $0x7C, v13;
	v24 =	vadd.f32 v31, v6;
	[tilespmem:v32+s28+$0x0] =	vst.idx.msk $0xffff, v18;
	v18 =	vld [tilespmem:s22+$0xFFFFFF40];
	s22 =	smov.u32 s7;
	s7 =	sadd.s32 $0x100, s7  }
0x239: {  	v26 =	vmov s13;
	v10 =	vmovc v28;
	v20 =	vadd.s32 v3, v30;
	s8 =	sadd.s32 $0x4, s8;
	v23 =	vld [tilespmem:s7+$0xFFFFFFD0];
	v25 =	vadd.f32 v33, v6;
	[tilespmem:v34+s28+$0x0] =	vst.idx.msk $0xffff, v27  }
0x23a: {  	s8 =	sadd.s32 $0x1, s26  }
0x23b: {  	v26 =	vand.u32 $0x7F, v26;
	s26 =	sadd.s32 $0x2, s26;
	v28 =	vld [tilespmem:s7+$0xFFFFFF50];
	v27 =	vmov s8  }
0x23c: {  	v31 =	vld [tilespmem:s7+$0xFFFFFF90];
	v29 =	vadd.s32 v0, v26;
	v30 =	vmov s26;
	v27 =	vand.u32 $0x7D, v27  }
0x23d: {  	v32 =	vld [tilespmem:s7+$0xFFFFFF10];
	v30 =	vand.u32 $0x7E, v30;
	v33 =	vadd.s32 v0, v27  }
0x23e: {  	v34 =	vadd.s32 v0, v30  }
0x23f: {  	[tilespmem:v22+s28+$0x0] =	vst.idx.msk $0xffff, v24;
	v44 =	vadd.s32 v0, v13;
	v23 =	vadd.f32 v23, v9  }
0x240: {  	[tilespmem:v21+s28+$0x0] =	vst.idx.msk $0xffff, v25;
	v45 =	vadd.f32 v28, v9  }
0x241: {  	v46 =	vadd.f32 v31, v9;
	[tilespmem:v29+s28+$0x0] =	vst.idx.msk $0xffff, v23  }
0x242: {  	v47 =	vadd.f32 v32, v9;
	v48 =	vld [tilespmem:s7+$0xFFFFFFE0];
	[tilespmem:v33+s28+$0x0] =	vst.idx.msk $0xffff, v45  }
0x243: {  	v17 =	vadd.f32 v17, v6;
	v12 =	vadd.s32 v3, v12;
	[tilespmem:v34+s28+$0x0] =	vst.idx.msk $0xffff, v46;
	v21 =	vld [tilespmem:s7+$0xFFFFFF60]  }
0x244: {  	v16 =	vadd.f32 v16, v4;
	v49 =	vadd.s32 v1, v26;
	[tilespmem:v44+s28+$0x0] =	vst.idx.msk $0xffff, v47;
	v50 =	vld [tilespmem:s7+$0xFFFFFFA0]  }
0x245: {  	[tilespmem:v14+s28+$0x0] =	vst.idx.msk $0xffff, v17;
	v51 =	vadd.f32 v15, v4;
	v53 =	vadd.s32 v1, v27;
	v52 =	vld [tilespmem:s7+$0xFFFFFF20]  }
0x246: {  	v54 =	vld [tilespmem:s22+$0xFFFFFFF0];
	v18 =	vadd.f32 v18, v4;
	[tilespmem:v19+s28+$0x0] =	vst.idx.msk $0xffff, v16;
	v55 =	vadd.s32 v1, v30  }
0x247: {  	v57 =	vadd.s32 v1, v13;
	v60 =	vld [tilespmem:s22+$0xFFFFFFB0];
	[tilespmem:v20+s28+$0x0] =	vst.idx.msk $0xffff, v51;
	v58 =	vadd.f32 v48, v6  }
0x248: {  	v59 =	vadd.s32 v2, v7;
	v56 =	vld [tilespmem:s22+$0xFFFFFF70];
	[tilespmem:v12+s28+$0x0] =	vst.idx.msk $0xffff, v18;
	v61 =	vadd.f32 v21, v6  }
0x249: {  	v62 =	vld [tilespmem:s22+$0xFFFFFF30];
	v29 =	vadd.s32 v2, v11;
	[tilespmem:v49+s28+$0x0] =	vst.idx.msk $0xffff, v58;
	v28 =	vadd.f32 v50, v6  }
0x24a: {  	v63 =	vadd.s32 v2, v10;
	v31 =	vadd.f32 v52, v6;
	v32 =	vld [tilespmem:s7+$0xFFFFFFF0];
	[tilespmem:v53+s28+$0x0] =	vst.idx.msk $0xffff, v61  }
0x24b: {  	v33 =	vadd.f32 v54, v5;
	v34 =	vadd.s32 v2, v8;
	[tilespmem:v55+s28+$0x0] =	vst.idx.msk $0xffff, v28;
	v35 =	vld [tilespmem:s7+$0xFFFFFF70]  }
0x24c: {  	v37 =	vadd.s32 v2, v26;
	v39 =	vadd.f32 v60, v5;
	[tilespmem:v57+s28+$0x0] =	vst.idx.msk $0xffff, v31;
	v38 =	vld [tilespmem:s7+$0xFFFFFFB0]  }
0x24d: {  	v41 =	vadd.s32 v2, v27;
	v36 =	vadd.f32 v56, v5;
	[tilespmem:v59+s28+$0x0] =	vst.idx.msk $0xffff, v33;
	v40 =	vld [tilespmem:s7+$0xFFFFFF30]  }
0x24e: {  	v43 =	vadd.s32 v2, v30;
	v18 =	vadd.f32 v62, v5;
	v42 =	vld [tilespmem:s22+$0x0];
	[tilespmem:v29+s28+$0x0] =	vst.idx.msk $0xffff, v39  }
0x24f: {  	v45 =	vadd.s32 v2, v13;
	[tilespmem:v63+s28+$0x0] =	vst.idx.msk $0xffff, v36;
	v47 =	vld [tilespmem:s22+$0xFFFFFFC0];
	v44 =	vadd.f32 v32, v5  }
0x250: {  	v46 =	vadd.s32 v3, v7;
	[tilespmem:v34+s28+$0x0] =	vst.idx.msk $0xffff, v18;
	v21 =	vld [tilespmem:s22+$0xFFFFFF80];
	v9 =	vadd.f32 v35, v5  }
0x251: {  	v18 =	vld [tilespmem:s22+$0xFFFFFF40];
	v50 =	vadd.s32 v3, v11;
	[tilespmem:v37+s28+$0x0] =	vst.idx.msk $0xffff, v44;
	v49 =	vadd.f32 v38, v5  }
0x252: {  	v48 =	vadd.s32 v3, v10;
	v5 =	vadd.f32 v40, v5;
	v12 =	vld [tilespmem:s7+$0x0];
	[tilespmem:v41+s28+$0x0] =	vst.idx.msk $0xffff, v9  }
0x253: {  	v52 =	vadd.s32 v3, v8;
	v51 =	vadd.f32 v42, v4;
	[tilespmem:v43+s28+$0x0] =	vst.idx.msk $0xffff, v49;
	v53 =	vld [tilespmem:s7+$0xFFFFFF80]  }
0x254: {  	v55 =	vadd.s32 v3, v26;
	v56 =	vadd.f32 v47, v4;
	[tilespmem:v45+s28+$0x0] =	vst.idx.msk $0xffff, v5;
	v5 =	vld [tilespmem:s7+$0xFFFFFFC0]  }
0x255: {  	v58 =	vadd.s32 v3, v27;
	[tilespmem:v46+s28+$0x0] =	vst.idx.msk $0xffff, v51;
	v54 =	vadd.f32 v21, v4;
	v57 =	vld [tilespmem:s7+$0xFFFFFF40]  }
0x256: {  	v60 =	vadd.s32 v3, v30;
	v59 =	vadd.f32 v18, v4;
	[tilespmem:v50+s28+$0x0] =	vst.idx.msk $0xffff, v56  }
0x257: {  	v62 =	vadd.s32 v3, v13;
	[tilespmem:v48+s28+$0x0] =	vst.idx.msk $0xffff, v54;
	v61 =	vadd.f32 v12, v4  }
0x258: {  	[tilespmem:v52+s28+$0x0] =	vst.idx.msk $0xffff, v59;
	v63 =	vadd.f32 v53, v4  }
0x259: {  	s13 =	sshll.u32 s21, $0x12;
	[tilespmem:v55+s28+$0x0] =	vst.idx.msk $0xffff, v61;
	v5 =	vadd.f32 v5, v4  }
0x25a: {  	s7 =	sor.u32 s5, s13;
	v4 =	vadd.f32 v57, v4;
	[tilespmem:v58+s28+$0x0] =	vst.idx.msk $0xffff, v63  }
0x25b: {  	s7 =	sshrl.u32 s7, $0x3;
	[tilespmem:v60+s28+$0x0] =	vst.idx.msk $0xffff, v5  }
0x25c: {  	s18 =	simm.s32 $0x16A00;
	s8 =	sadd.s32 s3, s7;
	[tilespmem:v62+s28+$0x0] =	vst.idx.msk $0xffff, v4  }
0x25d: {  	[hbm4b:s8+s4] =	stream.linear.scatter [tilespmem:s18], [sflag:$0x14], $0x80, $0x38;
	[tilespmem:$0x1BE00] =	vst v63  }
0x25e: {  	s21 =	simm.s32 $0x16A88;
	s13 =	sadd.s32 $0x10, s8  }
0x25f: {  	[hbm4b:s13+s4] =	stream.linear.scatter [tilespmem:s21], [sflag:$0x14], $0x80, $0x38;
	[tilespmem:$0x1BE00] =	vst v63  }
0x260: {  	s22 =	simm.s32 $0x16B10;
	s26 =	sadd.s32 $0x20, s8  }
0x261: {  	[hbm4b:s26+s4] =	stream.linear.scatter [tilespmem:s22], [sflag:$0x14], $0x80, $0x38;
	[tilespmem:$0x1BE00] =	vst v63  }
0x262: {  	s18 =	simm.s32 $0x16B98;
	s21 =	sadd.s32 $0x30, s8  }
0x263: {  	[hbm4b:s21+s4] =	stream.linear.scatter [tilespmem:s18], [sflag:$0x14], $0x80, $0x38;
	[tilespmem:$0x1BE00] =	vst v63  }
0x264: {  	s22 =	simm.s32 $0x16C20;
	s26 =	sadd.s32 $0x40, s8  }
0x265: {  	[hbm4b:s26+s4] =	stream.linear.scatter [tilespmem:s22], [sflag:$0x14], $0x80, $0x38;
	[tilespmem:$0x1BE00] =	vst v63  }
0x266: {  	s7 =	simm.s32 $0x440;
	s18 =	simm.s32 $0x16CA8;
	s21 =	sadd.s32 $0x50, s8  }
0x267: {  	[hbm4b:s21+s4] =	stream.linear.scatter [tilespmem:s18], [sflag:$0x14], $0x80, $0x38;
	[tilespmem:$0x1BE00] =	vst v63  }
0x268: {  	s22 =	simm.s32 $0x16D30;
	s26 =	sadd.s32 $0x60, s8;
	s21 =	simm.s32 $0x2200  }
0x269: {  	[hbm4b:s26+s4] =	stream.linear.scatter [tilespmem:s22], [sflag:$0x14], $0x80, $0x38;
	[tilespmem:$0x1BE00] =	vst v63  }
0x26a: {  	s22 =	simm.s32 $0x16DB8;
	s26 =	sadd.s32 $0x70, s8;
	s8 =	sadd.s32 $0x1000, s8  }
.LBB2_17:
0x26b: {  	[hbm4b:s26+s4] =	stream.linear.scatter [tilespmem:s22], [sflag:$0x14], $0x80, $0x38;
	[tilespmem:$0x1BE00] =	vst v63  }
0x26c: {  	s13 =	smov.u32 s7;
	s7 =	smov.u32 s21  }
0x26d: {  	s18 =	sadd.s32 $0x1100, s21;
	s7 =	sshra.s32 s7, $0x2;
	s22 =	sadd.s32 $0x16A00, s13  }
0x26e: {  	[hbm4b:s8+s4] =	stream.linear.scatter [tilespmem:s22], [sflag:$0x14], $0x80, $0x38;
	[tilespmem:$0x1BE00] =	vst v63  }
0x26f: {  	p1 =	sne.s32 s21, $0x7700;
	s21 =	sadd.s32 $0x16A88, s13;
	s22 =	sadd.s32 $0x10, s8  }
0x270: {  	[hbm4b:s22+s4] =	stream.linear.scatter [tilespmem:s21], [sflag:$0x14], $0x80, $0x38;
	[tilespmem:$0x1BE00] =	vst v63  }
0x271: {  	s21 =	sadd.s32 $0x16B10, s13;
	s22 =	sadd.s32 $0x20, s8  }
0x272: {  	[hbm4b:s22+s4] =	stream.linear.scatter [tilespmem:s21], [sflag:$0x14], $0x80, $0x38;
	[tilespmem:$0x1BE00] =	vst v63  }
0x273: {  	s21 =	sadd.s32 $0x16B98, s13;
	s22 =	sadd.s32 $0x30, s8  }
0x274: {  	[hbm4b:s22+s4] =	stream.linear.scatter [tilespmem:s21], [sflag:$0x14], $0x80, $0x38;
	[tilespmem:$0x1BE00] =	vst v63  }
0x275: {  	s21 =	sadd.s32 $0x16C20, s13;
	s22 =	sadd.s32 $0x40, s8  }
0x276: {  	[hbm4b:s22+s4] =	stream.linear.scatter [tilespmem:s21], [sflag:$0x14], $0x80, $0x38;
	[tilespmem:$0x1BE00] =	vst v63  }
.Ltmp7:
0x277: {  	s21 =	sadd.s32 $0x16CA8, s13;
	s22 =	sadd.s32 $0x50, s8;
	(pc) =	sbr.rel @p1 .LBB2_17-.Ltmp7, $4  }
0x278: {  	[hbm4b:s22+s4] =	stream.linear.scatter [tilespmem:s21], [sflag:$0x14], $0x80, $0x38;
	[tilespmem:$0x1BE00] =	vst v63  }
0x279: {  	s26 =	sadd.s32 $0x70, s8;
	s21 =	sadd.s32 $0x16D30, s13;
	s22 =	sadd.s32 $0x60, s8  }
0x27a: {  	[hbm4b:s22+s4] =	stream.linear.scatter [tilespmem:s21], [sflag:$0x14], $0x80, $0x38;
	[tilespmem:$0x1BE00] =	vst v63  }
0x27b: {  	s8 =	sadd.s32 $0x1000, s8;
	s22 =	sadd.s32 $0x16DB8, s13;
	s21 =	smov.u32 s18  }
0x27c: {  	[hbm4b:s26+s4] =	stream.linear.scatter [tilespmem:s22], [sflag:$0x14], $0x80, $0x38;
	[tilespmem:$0x1BE00] =	vst v63  }
0x27d: {  	s13 =	sadd.s32 $0x16A00, s7  }
0x27e: {  	[hbm4b:s8+s4] =	stream.linear.scatter [tilespmem:s13], [sflag:$0x14], $0x80, $0x38;
	[tilespmem:$0x1BE00] =	vst v63  }
0x27f: {  	s21 =	sadd.s32 $0x16A88, s7;
	s18 =	sadd.s32 $0x10, s8  }
0x280: {  	[hbm4b:s18+s4] =	stream.linear.scatter [tilespmem:s21], [sflag:$0x14], $0x80, $0x38;
	[tilespmem:$0x1BE00] =	vst v63  }
0x281: {  	s22 =	sadd.s32 $0x16B10, s7;
	s26 =	sadd.s32 $0x20, s8  }
0x282: {  	[hbm4b:s26+s4] =	stream.linear.scatter [tilespmem:s22], [sflag:$0x14], $0x80, $0x38;
	[tilespmem:$0x1BE00] =	vst v63  }
0x283: {  	s18 =	sadd.s32 $0x16B98, s7;
	s21 =	sadd.s32 $0x30, s8  }
0x284: {  	[hbm4b:s21+s4] =	stream.linear.scatter [tilespmem:s18], [sflag:$0x14], $0x80, $0x38;
	[tilespmem:$0x1BE00] =	vst v63  }
0x285: {  	s22 =	sadd.s32 $0x16C20, s7;
	s26 =	sadd.s32 $0x40, s8  }
0x286: {  	[hbm4b:s26+s4] =	stream.linear.scatter [tilespmem:s22], [sflag:$0x14], $0x80, $0x38;
	[tilespmem:$0x1BE00] =	vst v63  }
0x287: {  	s18 =	sadd.s32 $0x16CA8, s7;
	s21 =	sadd.s32 $0x50, s8  }
0x288: {  	[hbm4b:s21+s4] =	stream.linear.scatter [tilespmem:s18], [sflag:$0x14], $0x80, $0x38;
	[tilespmem:$0x1BE00] =	vst v63  }
0x289: {  	s22 =	sadd.s32 $0x16D30, s7;
	s26 =	sadd.s32 $0x60, s8  }
0x28a: {  	[hbm4b:s26+s4] =	stream.linear.scatter [tilespmem:s22], [sflag:$0x14], $0x80, $0x38;
	[tilespmem:$0x1BE00] =	vst v63  }
0x28b: {  	s18 =	sadd.s32 $0x16DB8, s7;
	s21 =	sadd.s32 $0x70, s8;
	s7 =	rddreg [dreg:$0x8]  }
0x28c: {  	[hbm4b:s21+s4] =	stream.linear.scatter [tilespmem:s18], [sflag:$0x14], $0x80, $0x38;
	[tilespmem:$0x1BE00] =	vst v63  }
0x28d: {  	s13 =	simm.s32 @!p0 $0x180;
	s8 =	simm.s32 @!p0 $0x0;
	s7 =	sadd.s32 @!p0 s16, s7  }
0x28e: {  	[tilespmem:s13], [sflag:$0x4] =	stream.linear.gather @!p0 [hbm4b:s7+s8], $0x80, $0x38;
	[tilespmem:$0x1BE00] =	vst v63  }
0x28f: {  	s7 =	simm.s32 @!p0 $0x3  }
0x290: {  	_ =	swait.ge @!p0 [sflag:s7], $0x80  }
0x291: {  	s8 =	simm.s32 @!p0 $0x100;
	[sflag:s7] =	ssyncset.done @!p0 $0x0  }
0x292: {  	s13 =	simm.s32 @!p0 $0x4400;
	[sflag:s7] =	ssyncadd.s32 @!p0 $0xFFFFFF80;
	s7 =	simm.s32 @!p0 $0x80  }
0x293: {  	[tilespmem:s13], [sflag:$0xB] =	stream.indirect.gather @!p0 [hbm4b:s6+s7], $0x40, s8, s7, $0xb8;
	[tilespmem:$0x1BE00] =	vst v63  }
0x294: {  	_ =	swait.ge [sflag:s29], $0x2000  }
0x295: {  	[sflag:s29] =	ssyncset.done $0x0  }
0x296: {  	[sflag:s29] =	ssyncadd.s32 $0xFFFFE000  }
0x297: {  	s21 =	sor.u32 $0x4, s17;
	_ =	swait.ge [sflag:s30], $0x2000  }
0x298: {  	s22 =	sshll.u32 s21, $0x6;
	[sflag:s30] =	ssyncset.done $0x0  }
0x299: {  	s7 =	sand.u32 $0x3FFFFFC0, s22;
	[sflag:s30] =	ssyncadd.s32 $0xFFFFE000  }
0x29a: {  	s26 =	simm.s32 $0x3;
	s8 =	simm.s32 $0x84F0;
	v9 =	vld [tilespmem:s7+$0x18C00]  }
0x29b: {  	v4 =	vmov s26;
	v7 =	vld [tilespmem:s8+$0xFFFFFFD0]  }
0x29c: {  	v13 =	vand.u32 $0x7F, v4  }
0x29d: {  	s18 =	simm.s32 $0x0;
	v8 =	vadd.s32 v0, v13;
	v6 =	vld [tilespmem:s7+$0x18C10]  }
0x29e: {  	s26 =	simm.s32 $0x2;
	v4 =	vmov s18;
	s22 =	simm.s32 $0x1;
	v10 =	vld [tilespmem:s8+$0xFFFFFF10]  }
0x29f: {  	v14 =	vmov s26;
	v12 =	vand.u32 $0x7C, v4;
	v4 =	vmov s22;
	v11 =	vld [tilespmem:s8+$0xFFFFFF50]  }
0x2a0: {  	v15 =	vadd.s32 v0, v12;
	v19 =	vand.u32 $0x7D, v4;
	v16 =	vld [tilespmem:s8+$0xFFFFFF90];
	v7 =	vadd.f32 v7, v9  }
0x2a1: {  	v20 =	vand.u32 $0x7E, v14;
	v17 =	vadd.s32 v0, v19;
	v5 =	vld [tilespmem:s7+$0x18C20]  }
0x2a2: {  	v14 =	vadd.s32 v0, v20;
	v4 =	vld [tilespmem:s7+$0x18C30];
	[tilespmem:v8+s14+$0x0] =	vst.idx.msk $0xffff, v7  }
0x2a3: {  	v7 =	vadd.f32 v10, v9;
	v8 =	vld [tilespmem:s8+$0xFFFFFFE0]  }
0x2a4: {  	v10 =	vadd.f32 v11, v9  }
0x2a5: {  	v11 =	vadd.s32 v1, v13;
	[tilespmem:v15+s14+$0x0] =	vst.idx.msk $0xffff, v7;
	v7 =	vadd.f32 v16, v9  }
0x2a6: {  	[tilespmem:v17+s14+$0x0] =	vst.idx.msk $0xffff, v10;
	v15 =	vld [tilespmem:s8+$0xFFFFFF20]  }
0x2a7: {  	v10 =	vld [tilespmem:s8+$0xFFFFFF60];
	[tilespmem:v14+s14+$0x0] =	vst.idx.msk $0xffff, v7  }
0x2a8: {  	v14 =	vld [tilespmem:s8+$0xFFFFFFA0];
	v7 =	vadd.f32 v8, v6  }
0x2a9: {  	s18 =	simm.s32 $0x7;
	s22 =	simm.s32 $0x85F0;
	v16 =	vadd.s32 v1, v19  }
0x2aa: {  	v26 =	vadd.s32 v2, v13;
	s13 =	simm.s32 $0x4;
	v18 =	vld [tilespmem:s22+$0xFFFFFFD0];
	v17 =	vadd.s32 v1, v20;
	[tilespmem:v11+s14+$0x0] =	vst.idx.msk $0xffff, v7;
	v7 =	vmov s18  }
0x2ab: {  	v21 =	vadd.s32 v1, v12;
	v8 =	vmov s13;
	v7 =	vand.u32 $0x7F, v7;
	v22 =	vld [tilespmem:s8+$0xFFFFFFF0]  }
0x2ac: {  	s26 =	simm.s32 $0x5;
	v23 =	vld [tilespmem:s22+$0xFFFFFF10];
	v8 =	vand.u32 $0x7C, v8;
	v10 =	vadd.f32 v10, v6;
	v24 =	vadd.s32 v0, v7  }
0x2ad: {  	v25 =	vld [tilespmem:s22+$0xFFFFFF50];
	s13 =	simm.s32 $0x6;
	v15 =	vadd.f32 v15, v6;
	v11 =	vadd.f32 v14, v6;
	v14 =	vmov s26  }
0x2ae: {  	v27 =	vadd.s32 v0, v8;
	[tilespmem:v16+s14+$0x0] =	vst.idx.msk $0xffff, v10;
	v16 =	vmov s13;
	v10 =	vand.u32 $0x7D, v14;
	v14 =	vld [tilespmem:s22+$0xFFFFFF90]  }
0x2af: {  	[tilespmem:v17+s14+$0x0] =	vst.idx.msk $0xffff, v11;
	v17 =	vadd.s32 v0, v10;
	v11 =	vand.u32 $0x7E, v16;
	v16 =	vadd.f32 v18, v9;
	v18 =	vld [tilespmem:s8+$0xFFFFFF70]  }
0x2b0: {  	[tilespmem:v21+s14+$0x0] =	vst.idx.msk $0xffff, v15;
	v15 =	vadd.s32 v0, v11;
	v21 =	vld [tilespmem:s8+$0xFFFFFFB0];
	v22 =	vadd.f32 v22, v5  }
0x2b1: {  	v23 =	vadd.f32 v23, v9;
	[tilespmem:v24+s14+$0x0] =	vst.idx.msk $0xffff, v16;
	v16 =	vld [tilespmem:s8+$0xFFFFFF30];
	v24 =	vadd.s32 v2, v19  }
0x2b2: {  	v29 =	vadd.s32 v2, v20;
	v25 =	vadd.f32 v25, v9;
	v28 =	vld [tilespmem:s22+$0xFFFFFFE0];
	[tilespmem:v26+s14+$0x0] =	vst.idx.msk $0xffff, v22  }
0x2b3: {  	[tilespmem:v27+s14+$0x0] =	vst.idx.msk $0xffff, v23;
	v23 =	vadd.s32 v2, v12;
	v14 =	vadd.f32 v14, v9;
	v26 =	vld [tilespmem:s8+$0x0]  }
0x2b4: {  	v27 =	vld [tilespmem:s22+$0xFFFFFF20];
	[tilespmem:v17+s14+$0x0] =	vst.idx.msk $0xffff, v25;
	v25 =	vadd.s32 v1, v7;
	v18 =	vadd.f32 v18, v5  }
0x2b5: {  	v31 =	vadd.s32 v3, v13;
	v30 =	vld [tilespmem:s22+$0xFFFFFF60];
	[tilespmem:v15+s14+$0x0] =	vst.idx.msk $0xffff, v14;
	v14 =	vadd.f32 v21, v5  }
0x2b6: {  	v22 =	vadd.s32 v1, v8;
	v17 =	vld [tilespmem:s22+$0xFFFFFFA0];
	v13 =	vadd.f32 v16, v5;
	[tilespmem:v24+s14+$0x0] =	vst.idx.msk $0xffff, v18  }
0x2b7: {  	s26 =	simm.s32 $0x8;
	v21 =	vadd.s32 v1, v10;
	[tilespmem:v29+s14+$0x0] =	vst.idx.msk $0xffff, v14;
	v18 =	vadd.f32 v28, v6;
	v16 =	vld [tilespmem:s8+$0xFFFFFF80]  }
0x2b8: {  	v24 =	vmov s26;
	v14 =	vadd.s32 v1, v11;
	v15 =	vld [tilespmem:s8+$0xFFFFFFC0];
	[tilespmem:v23+s14+$0x0] =	vst.idx.msk $0xffff, v13;
	v63 =	vadd.f32 v26, v4  }
0x2b9: {  	s7 =	simm.s32 $0x86F0;
	s18 =	simm.s32 $0xB;
	v19 =	vadd.s32 v3, v19;
	v13 =	vand.u32 $0x7C, v24;
	v24 =	vadd.f32 v27, v6;
	[tilespmem:v25+s14+$0x0] =	vst.idx.msk $0xffff, v18;
	v18 =	vld [tilespmem:s8+$0xFFFFFF40]  }
0x2ba: {  	v20 =	vadd.s32 v3, v20;
	v26 =	vmov s18;
	v23 =	vld [tilespmem:s7+$0xFFFFFFD0];
	s8 =	simm.s32 $0xC;
	v25 =	vadd.f32 v30, v6;
	[tilespmem:v31+s14+$0x0] =	vst.idx.msk $0xffff, v63  }
.LBB2_19:
0x2bb: {  	p1 =	slt.u32 s8, $0x7C;
	s13 =	sadd.s32 $0x1, s26;
	v26 =	vand.u32 $0x7F, v26;
	[tilespmem:v22+s14+$0x0] =	vst.idx.msk $0xffff, v24;
	v17 =	vadd.f32 v17, v6;
	v22 =	vld [tilespmem:s22+$0xFFFFFFF0];
	v24 =	vadd.s32 v3, v12  }
0x2bc: {  	v30 =	vmovc v11;
	v27 =	vld [tilespmem:s7+$0xFFFFFF10];
	v28 =	vmov s13;
	s13 =	sadd.s32 $0x2, s26;
	v29 =	vadd.s32 v0, v26;
	[tilespmem:v21+s14+$0x0] =	vst.idx.msk $0xffff, v25;
	v16 =	vadd.f32 v16, v4;
	s26 =	smov.u32 s8  }
0x2bd: {  	v12 =	vmovc v8;
	v21 =	vld [tilespmem:s7+$0xFFFFFF50];
	v11 =	vmov s13;
	[tilespmem:v14+s14+$0x0] =	vst.idx.msk $0xffff, v17;
	v14 =	vadd.s32 v2, v7;
	v15 =	vadd.f32 v15, v4  }
0x2be: {  	v17 =	vadd.s32 v0, v13;
	v28 =	vand.u32 $0x7D, v28;
	v25 =	vld [tilespmem:s7+$0xFFFFFF90];
	v31 =	vadd.f32 v18, v4;
	[tilespmem:v19+s14+$0x0] =	vst.idx.msk $0xffff, v16  }
0x2bf: {  	v16 =	vadd.s32 v0, v28;
	v11 =	vand.u32 $0x7E, v11;
	v18 =	vadd.f32 v23, v9;
	v19 =	vld [tilespmem:s22+$0xFFFFFF70];
	[tilespmem:v20+s14+$0x0] =	vst.idx.msk $0xffff, v15  }
0x2c0: {  	v8 =	vmov v13;
	v15 =	vadd.s32 v0, v11;
	v20 =	vld [tilespmem:s22+$0xFFFFFFB0];
	v22 =	vadd.f32 v22, v5;
	[tilespmem:v24+s14+$0x0] =	vst.idx.msk $0xffff, v31  }
0x2c1: {  	v23 =	vadd.s32 v2, v10;
	v13 =	vadd.f32 v27, v9;
	[tilespmem:v29+s14+$0x0] =	vst.idx.msk $0xffff, v18;
	v18 =	vld [tilespmem:s22+$0xFFFFFF30]  }
0x2c2: {  	v27 =	vadd.s32 v2, v30;
	v21 =	vadd.f32 v21, v9;
	v24 =	vld [tilespmem:s7+$0xFFFFFFE0];
	[tilespmem:v14+s14+$0x0] =	vst.idx.msk $0xffff, v22  }
0x2c3: {  	[tilespmem:v17+s14+$0x0] =	vst.idx.msk $0xffff, v13;
	v13 =	vadd.f32 v25, v9;
	v25 =	vadd.s32 v2, v12;
	v29 =	vld [tilespmem:s22+$0x0]  }
0x2c4: {  	v32 =	vadd.s32 v1, v26;
	v31 =	vld [tilespmem:s7+$0xFFFFFF20];
	[tilespmem:v16+s14+$0x0] =	vst.idx.msk $0xffff, v21;
	v14 =	vadd.f32 v19, v5  }
0x2c5: {  	v34 =	vadd.s32 v3, v7;
	v7 =	vmov v26;
	v33 =	vld [tilespmem:s7+$0xFFFFFF60];
	[tilespmem:v15+s14+$0x0] =	vst.idx.msk $0xffff, v13;
	v13 =	vadd.f32 v20, v5  }
.Ltmp8:
0x2c6: {  	v22 =	vadd.s32 v1, v8;
	v17 =	vld [tilespmem:s7+$0xFFFFFFA0];
	v15 =	vadd.f32 v18, v5;
	[tilespmem:v23+s14+$0x0] =	vst.idx.msk $0xffff, v14;
	(pc) =	sbr.rel @p1 .LBB2_19-.Ltmp8, $4  }
0x2c7: {  	v21 =	vadd.s32 v1, v28;
	v18 =	vadd.f32 v24, v6;
	v16 =	vld [tilespmem:s22+$0xFFFFFF80];
	[tilespmem:v27+s14+$0x0] =	vst.idx.msk $0xffff, v13  }
0x2c8: {  	v14 =	vadd.s32 v1, v11;
	v13 =	vmov s8;
	[tilespmem:v25+s14+$0x0] =	vst.idx.msk $0xffff, v15;
	v15 =	vld [tilespmem:s22+$0xFFFFFFC0];
	v27 =	vadd.f32 v29, v4  }
0x2c9: {  	s13 =	sadd.s32 $0x3, s8;
	v19 =	vadd.s32 v3, v10;
	v13 =	vand.u32 $0x7C, v13;
	v24 =	vadd.f32 v31, v6;
	[tilespmem:v32+s14+$0x0] =	vst.idx.msk $0xffff, v18;
	v18 =	vld [tilespmem:s22+$0xFFFFFF40];
	s22 =	smov.u32 s7;
	s7 =	sadd.s32 $0x100, s7  }
0x2ca: {  	v26 =	vmov s13;
	v10 =	vmovc v28;
	v20 =	vadd.s32 v3, v30;
	s8 =	sadd.s32 $0x4, s8;
	v23 =	vld [tilespmem:s7+$0xFFFFFFD0];
	v25 =	vadd.f32 v33, v6;
	[tilespmem:v34+s14+$0x0] =	vst.idx.msk $0xffff, v27  }
0x2cb: {  	s8 =	sadd.s32 $0x1, s26  }
0x2cc: {  	v26 =	vand.u32 $0x7F, v26;
	s26 =	sadd.s32 $0x2, s26;
	v28 =	vld [tilespmem:s7+$0xFFFFFF50];
	v27 =	vmov s8  }
0x2cd: {  	v31 =	vld [tilespmem:s7+$0xFFFFFF90];
	v29 =	vadd.s32 v0, v26;
	v30 =	vmov s26;
	v27 =	vand.u32 $0x7D, v27  }
0x2ce: {  	v32 =	vld [tilespmem:s7+$0xFFFFFF10];
	v30 =	vand.u32 $0x7E, v30;
	v33 =	vadd.s32 v0, v27  }
0x2cf: {  	v34 =	vadd.s32 v0, v30  }
0x2d0: {  	[tilespmem:v22+s14+$0x0] =	vst.idx.msk $0xffff, v24;
	v44 =	vadd.s32 v0, v13;
	v23 =	vadd.f32 v23, v9  }
0x2d1: {  	[tilespmem:v21+s14+$0x0] =	vst.idx.msk $0xffff, v25;
	v45 =	vadd.f32 v28, v9  }
0x2d2: {  	v46 =	vadd.f32 v31, v9;
	[tilespmem:v29+s14+$0x0] =	vst.idx.msk $0xffff, v23  }
0x2d3: {  	v47 =	vadd.f32 v32, v9;
	v48 =	vld [tilespmem:s7+$0xFFFFFFE0];
	[tilespmem:v33+s14+$0x0] =	vst.idx.msk $0xffff, v45  }
0x2d4: {  	v17 =	vadd.f32 v17, v6;
	v12 =	vadd.s32 v3, v12;
	[tilespmem:v34+s14+$0x0] =	vst.idx.msk $0xffff, v46;
	v21 =	vld [tilespmem:s7+$0xFFFFFF60]  }
0x2d5: {  	v16 =	vadd.f32 v16, v4;
	v49 =	vadd.s32 v1, v26;
	[tilespmem:v44+s14+$0x0] =	vst.idx.msk $0xffff, v47;
	v50 =	vld [tilespmem:s7+$0xFFFFFFA0]  }
0x2d6: {  	[tilespmem:v14+s14+$0x0] =	vst.idx.msk $0xffff, v17;
	v51 =	vadd.f32 v15, v4;
	v53 =	vadd.s32 v1, v27;
	v52 =	vld [tilespmem:s7+$0xFFFFFF20]  }
0x2d7: {  	v54 =	vld [tilespmem:s22+$0xFFFFFFF0];
	v18 =	vadd.f32 v18, v4;
	[tilespmem:v19+s14+$0x0] =	vst.idx.msk $0xffff, v16;
	v55 =	vadd.s32 v1, v30  }
0x2d8: {  	v57 =	vadd.s32 v1, v13;
	v60 =	vld [tilespmem:s22+$0xFFFFFFB0];
	[tilespmem:v20+s14+$0x0] =	vst.idx.msk $0xffff, v51;
	v58 =	vadd.f32 v48, v6  }
0x2d9: {  	v59 =	vadd.s32 v2, v7;
	v56 =	vld [tilespmem:s22+$0xFFFFFF70];
	[tilespmem:v12+s14+$0x0] =	vst.idx.msk $0xffff, v18;
	v61 =	vadd.f32 v21, v6  }
0x2da: {  	v62 =	vld [tilespmem:s22+$0xFFFFFF30];
	v29 =	vadd.s32 v2, v11;
	[tilespmem:v49+s14+$0x0] =	vst.idx.msk $0xffff, v58;
	v28 =	vadd.f32 v50, v6  }
0x2db: {  	v63 =	vadd.s32 v2, v10;
	v31 =	vadd.f32 v52, v6;
	v32 =	vld [tilespmem:s7+$0xFFFFFFF0];
	[tilespmem:v53+s14+$0x0] =	vst.idx.msk $0xffff, v61  }
0x2dc: {  	v33 =	vadd.f32 v54, v5;
	v34 =	vadd.s32 v2, v8;
	[tilespmem:v55+s14+$0x0] =	vst.idx.msk $0xffff, v28;
	v35 =	vld [tilespmem:s7+$0xFFFFFF70]  }
0x2dd: {  	v37 =	vadd.s32 v2, v26;
	v39 =	vadd.f32 v60, v5;
	[tilespmem:v57+s14+$0x0] =	vst.idx.msk $0xffff, v31;
	v38 =	vld [tilespmem:s7+$0xFFFFFFB0]  }
0x2de: {  	v41 =	vadd.s32 v2, v27;
	v36 =	vadd.f32 v56, v5;
	[tilespmem:v59+s14+$0x0] =	vst.idx.msk $0xffff, v33;
	v40 =	vld [tilespmem:s7+$0xFFFFFF30]  }
0x2df: {  	v43 =	vadd.s32 v2, v30;
	v18 =	vadd.f32 v62, v5;
	v42 =	vld [tilespmem:s22+$0x0];
	[tilespmem:v29+s14+$0x0] =	vst.idx.msk $0xffff, v39  }
0x2e0: {  	v45 =	vadd.s32 v2, v13;
	[tilespmem:v63+s14+$0x0] =	vst.idx.msk $0xffff, v36;
	v47 =	vld [tilespmem:s22+$0xFFFFFFC0];
	v44 =	vadd.f32 v32, v5  }
0x2e1: {  	v46 =	vadd.s32 v3, v7;
	[tilespmem:v34+s14+$0x0] =	vst.idx.msk $0xffff, v18;
	v21 =	vld [tilespmem:s22+$0xFFFFFF80];
	v9 =	vadd.f32 v35, v5  }
0x2e2: {  	v18 =	vld [tilespmem:s22+$0xFFFFFF40];
	v50 =	vadd.s32 v3, v11;
	[tilespmem:v37+s14+$0x0] =	vst.idx.msk $0xffff, v44;
	v49 =	vadd.f32 v38, v5  }
0x2e3: {  	v48 =	vadd.s32 v3, v10;
	v5 =	vadd.f32 v40, v5;
	v12 =	vld [tilespmem:s7+$0x0];
	[tilespmem:v41+s14+$0x0] =	vst.idx.msk $0xffff, v9  }
0x2e4: {  	v52 =	vadd.s32 v3, v8;
	v51 =	vadd.f32 v42, v4;
	[tilespmem:v43+s14+$0x0] =	vst.idx.msk $0xffff, v49;
	v53 =	vld [tilespmem:s7+$0xFFFFFF80]  }
0x2e5: {  	v55 =	vadd.s32 v3, v26;
	v56 =	vadd.f32 v47, v4;
	[tilespmem:v45+s14+$0x0] =	vst.idx.msk $0xffff, v5;
	v5 =	vld [tilespmem:s7+$0xFFFFFFC0]  }
0x2e6: {  	v58 =	vadd.s32 v3, v27;
	[tilespmem:v46+s14+$0x0] =	vst.idx.msk $0xffff, v51;
	v54 =	vadd.f32 v21, v4;
	v57 =	vld [tilespmem:s7+$0xFFFFFF40]  }
0x2e7: {  	v60 =	vadd.s32 v3, v30;
	v59 =	vadd.f32 v18, v4;
	[tilespmem:v50+s14+$0x0] =	vst.idx.msk $0xffff, v56  }
0x2e8: {  	v62 =	vadd.s32 v3, v13;
	[tilespmem:v48+s14+$0x0] =	vst.idx.msk $0xffff, v54;
	v61 =	vadd.f32 v12, v4  }
0x2e9: {  	[tilespmem:v52+s14+$0x0] =	vst.idx.msk $0xffff, v59;
	v63 =	vadd.f32 v53, v4  }
0x2ea: {  	s13 =	sshll.u32 s21, $0x12;
	[tilespmem:v55+s14+$0x0] =	vst.idx.msk $0xffff, v61;
	v5 =	vadd.f32 v5, v4  }
0x2eb: {  	s7 =	sor.u32 s5, s13;
	v4 =	vadd.f32 v57, v4;
	[tilespmem:v58+s14+$0x0] =	vst.idx.msk $0xffff, v63  }
0x2ec: {  	s7 =	sshrl.u32 s7, $0x3;
	[tilespmem:v60+s14+$0x0] =	vst.idx.msk $0xffff, v5  }
0x2ed: {  	s18 =	simm.s32 $0x10400;
	s8 =	sadd.s32 s3, s7;
	[tilespmem:v62+s14+$0x0] =	vst.idx.msk $0xffff, v4  }
0x2ee: {  	[hbm4b:s8+s4] =	stream.linear.scatter [tilespmem:s18], [sflag:$0x11], $0x80, $0x38;
	[tilespmem:$0x1BE00] =	vst v63  }
0x2ef: {  	s21 =	simm.s32 $0x10488;
	s13 =	sadd.s32 $0x10, s8  }
0x2f0: {  	[hbm4b:s13+s4] =	stream.linear.scatter [tilespmem:s21], [sflag:$0x11], $0x80, $0x38;
	[tilespmem:$0x1BE00] =	vst v63  }
0x2f1: {  	s22 =	simm.s32 $0x10510;
	s26 =	sadd.s32 $0x20, s8  }
0x2f2: {  	[hbm4b:s26+s4] =	stream.linear.scatter [tilespmem:s22], [sflag:$0x11], $0x80, $0x38;
	[tilespmem:$0x1BE00] =	vst v63  }
0x2f3: {  	s18 =	simm.s32 $0x10598;
	s21 =	sadd.s32 $0x30, s8  }
0x2f4: {  	[hbm4b:s21+s4] =	stream.linear.scatter [tilespmem:s18], [sflag:$0x11], $0x80, $0x38;
	[tilespmem:$0x1BE00] =	vst v63  }
0x2f5: {  	s22 =	simm.s32 $0x10620;
	s26 =	sadd.s32 $0x40, s8  }
0x2f6: {  	[hbm4b:s26+s4] =	stream.linear.scatter [tilespmem:s22], [sflag:$0x11], $0x80, $0x38;
	[tilespmem:$0x1BE00] =	vst v63  }
0x2f7: {  	s7 =	simm.s32 $0x440;
	s18 =	simm.s32 $0x106A8;
	s21 =	sadd.s32 $0x50, s8  }
0x2f8: {  	[hbm4b:s21+s4] =	stream.linear.scatter [tilespmem:s18], [sflag:$0x11], $0x80, $0x38;
	[tilespmem:$0x1BE00] =	vst v63  }
0x2f9: {  	s22 =	simm.s32 $0x10730;
	s26 =	sadd.s32 $0x60, s8;
	s21 =	simm.s32 $0x2200  }
0x2fa: {  	[hbm4b:s26+s4] =	stream.linear.scatter [tilespmem:s22], [sflag:$0x11], $0x80, $0x38;
	[tilespmem:$0x1BE00] =	vst v63  }
0x2fb: {  	s22 =	simm.s32 $0x107B8;
	s26 =	sadd.s32 $0x70, s8;
	s8 =	sadd.s32 $0x1000, s8  }
.LBB2_21:
0x2fc: {  	[hbm4b:s26+s4] =	stream.linear.scatter [tilespmem:s22], [sflag:$0x11], $0x80, $0x38;
	[tilespmem:$0x1BE00] =	vst v63  }
0x2fd: {  	s13 =	smov.u32 s7;
	s7 =	smov.u32 s21  }
0x2fe: {  	s18 =	sadd.s32 $0x1100, s21;
	s7 =	sshra.s32 s7, $0x2;
	s22 =	sadd.s32 $0x10400, s13  }
0x2ff: {  	[hbm4b:s8+s4] =	stream.linear.scatter [tilespmem:s22], [sflag:$0x11], $0x80, $0x38;
	[tilespmem:$0x1BE00] =	vst v63  }
0x300: {  	p1 =	sne.s32 s21, $0x7700;
	s21 =	sadd.s32 $0x10488, s13;
	s22 =	sadd.s32 $0x10, s8  }
0x301: {  	[hbm4b:s22+s4] =	stream.linear.scatter [tilespmem:s21], [sflag:$0x11], $0x80, $0x38;
	[tilespmem:$0x1BE00] =	vst v63  }
0x302: {  	s21 =	sadd.s32 $0x10510, s13;
	s22 =	sadd.s32 $0x20, s8  }
0x303: {  	[hbm4b:s22+s4] =	stream.linear.scatter [tilespmem:s21], [sflag:$0x11], $0x80, $0x38;
	[tilespmem:$0x1BE00] =	vst v63  }
0x304: {  	s21 =	sadd.s32 $0x10598, s13;
	s22 =	sadd.s32 $0x30, s8  }
0x305: {  	[hbm4b:s22+s4] =	stream.linear.scatter [tilespmem:s21], [sflag:$0x11], $0x80, $0x38;
	[tilespmem:$0x1BE00] =	vst v63  }
0x306: {  	s21 =	sadd.s32 $0x10620, s13;
	s22 =	sadd.s32 $0x40, s8  }
0x307: {  	[hbm4b:s22+s4] =	stream.linear.scatter [tilespmem:s21], [sflag:$0x11], $0x80, $0x38;
	[tilespmem:$0x1BE00] =	vst v63  }
.Ltmp9:
0x308: {  	s21 =	sadd.s32 $0x106A8, s13;
	s22 =	sadd.s32 $0x50, s8;
	(pc) =	sbr.rel @p1 .LBB2_21-.Ltmp9, $4  }
0x309: {  	[hbm4b:s22+s4] =	stream.linear.scatter [tilespmem:s21], [sflag:$0x11], $0x80, $0x38;
	[tilespmem:$0x1BE00] =	vst v63  }
0x30a: {  	s26 =	sadd.s32 $0x70, s8;
	s21 =	sadd.s32 $0x10730, s13;
	s22 =	sadd.s32 $0x60, s8  }
0x30b: {  	[hbm4b:s22+s4] =	stream.linear.scatter [tilespmem:s21], [sflag:$0x11], $0x80, $0x38;
	[tilespmem:$0x1BE00] =	vst v63  }
0x30c: {  	s8 =	sadd.s32 $0x1000, s8;
	s22 =	sadd.s32 $0x107B8, s13;
	s21 =	smov.u32 s18  }
0x30d: {  	[hbm4b:s26+s4] =	stream.linear.scatter [tilespmem:s22], [sflag:$0x11], $0x80, $0x38;
	[tilespmem:$0x1BE00] =	vst v63  }
0x30e: {  	s13 =	sadd.s32 $0x10400, s7  }
0x30f: {  	[hbm4b:s8+s4] =	stream.linear.scatter [tilespmem:s13], [sflag:$0x11], $0x80, $0x38;
	[tilespmem:$0x1BE00] =	vst v63  }
0x310: {  	s21 =	sadd.s32 $0x10488, s7;
	s18 =	sadd.s32 $0x10, s8  }
0x311: {  	[hbm4b:s18+s4] =	stream.linear.scatter [tilespmem:s21], [sflag:$0x11], $0x80, $0x38;
	[tilespmem:$0x1BE00] =	vst v63  }
0x312: {  	s22 =	sadd.s32 $0x10510, s7;
	s26 =	sadd.s32 $0x20, s8  }
0x313: {  	[hbm4b:s26+s4] =	stream.linear.scatter [tilespmem:s22], [sflag:$0x11], $0x80, $0x38;
	[tilespmem:$0x1BE00] =	vst v63  }
0x314: {  	s18 =	sadd.s32 $0x10598, s7;
	s21 =	sadd.s32 $0x30, s8  }
0x315: {  	[hbm4b:s21+s4] =	stream.linear.scatter [tilespmem:s18], [sflag:$0x11], $0x80, $0x38;
	[tilespmem:$0x1BE00] =	vst v63  }
0x316: {  	s22 =	sadd.s32 $0x10620, s7;
	s26 =	sadd.s32 $0x40, s8  }
0x317: {  	[hbm4b:s26+s4] =	stream.linear.scatter [tilespmem:s22], [sflag:$0x11], $0x80, $0x38;
	[tilespmem:$0x1BE00] =	vst v63  }
0x318: {  	s18 =	sadd.s32 $0x106A8, s7;
	s21 =	sadd.s32 $0x50, s8  }
0x319: {  	[hbm4b:s21+s4] =	stream.linear.scatter [tilespmem:s18], [sflag:$0x11], $0x80, $0x38;
	[tilespmem:$0x1BE00] =	vst v63  }
0x31a: {  	s22 =	sadd.s32 $0x10730, s7;
	s26 =	sadd.s32 $0x60, s8  }
0x31b: {  	[hbm4b:s26+s4] =	stream.linear.scatter [tilespmem:s22], [sflag:$0x11], $0x80, $0x38;
	[tilespmem:$0x1BE00] =	vst v63  }
0x31c: {  	s13 =	sadd.s32 $0x107B8, s7;
	s7 =	rddreg [dreg:$0xc];
	s18 =	sadd.s32 $0x70, s8  }
0x31d: {  	[hbm4b:s18+s4] =	stream.linear.scatter [tilespmem:s13], [sflag:$0x11], $0x80, $0x38;
	[tilespmem:$0x1BE00] =	vst v63  }
0x31e: {  	s7 =	sadd.s32 @!p0 s16, s7;
	s8 =	simm.s32 @!p0 $0x0;
	s13 =	simm.s32 @!p0 $0x200  }
0x31f: {  	[tilespmem:s13], [sflag:$0x5] =	stream.linear.gather @!p0 [hbm4b:s7+s8], $0x80, $0x38;
	[tilespmem:$0x1BE00] =	vst v63  }
0x320: {  	s7 =	simm.s32 @!p0 $0x4  }
0x321: {  	_ =	swait.ge @!p0 [sflag:s7], $0x80  }
0x322: {  	s8 =	simm.s32 @!p0 $0x180;
	[sflag:s7] =	ssyncset.done @!p0 $0x0  }
0x323: {  	s13 =	simm.s32 @!p0 $0x6400;
	[sflag:s7] =	ssyncadd.s32 @!p0 $0xFFFFFF80;
	s7 =	simm.s32 @!p0 $0x80  }
0x324: {  	[tilespmem:s13], [sflag:$0xC] =	stream.indirect.gather @!p0 [hbm4b:s6+s7], $0x40, s8, s7, $0xb8;
	[tilespmem:$0x1BE00] =	vst v63  }
0x325: {  	_ =	swait.ge [sflag:s31], $0x2000  }
0x326: {  	[sflag:s31] =	ssyncset.done $0x0  }
0x327: {  	[sflag:s31] =	ssyncadd.s32 $0xFFFFE000  }
0x328: {  	s17 =	sor.u32 $0x5, s17;
	_ =	swait.ge [sflag:s1], $0x2000  }
0x329: {  	s21 =	sshll.u32 s17, $0x6;
	[sflag:s1] =	ssyncset.done $0x0  }
0x32a: {  	s7 =	sand.u32 $0x3FFFFFC0, s21;
	[sflag:s1] =	ssyncadd.s32 $0xFFFFE000  }
0x32b: {  	s22 =	simm.s32 $0x3;
	s8 =	simm.s32 $0xA4F0;
	v9 =	vld [tilespmem:s7+$0x18C00]  }
0x32c: {  	v4 =	vmov s22;
	v7 =	vld [tilespmem:s8+$0xFFFFFFD0]  }
0x32d: {  	s26 =	simm.s32 $0x0;
	v13 =	vand.u32 $0x7F, v4  }
0x32e: {  	v4 =	vmov s26;
	v8 =	vadd.s32 v0, v13;
	v6 =	vld [tilespmem:s7+$0x18C10]  }
0x32f: {  	s18 =	simm.s32 $0x1;
	v12 =	vand.u32 $0x7C, v4;
	v10 =	vld [tilespmem:s8+$0xFFFFFF10]  }
0x330: {  	v4 =	vmov s18;
	v15 =	vadd.s32 v0, v12;
	s21 =	simm.s32 $0x2;
	v11 =	vld [tilespmem:s8+$0xFFFFFF50]  }
0x331: {  	v19 =	vand.u32 $0x7D, v4;
	v14 =	vmov s21;
	v16 =	vld [tilespmem:s8+$0xFFFFFF90];
	v7 =	vadd.f32 v7, v9  }
0x332: {  	v17 =	vadd.s32 v0, v19;
	v20 =	vand.u32 $0x7E, v14;
	v5 =	vld [tilespmem:s7+$0x18C20]  }
0x333: {  	v14 =	vadd.s32 v0, v20;
	v4 =	vld [tilespmem:s7+$0x18C30];
	[tilespmem:v8+s23+$0x0] =	vst.idx.msk $0xffff, v7  }
0x334: {  	v7 =	vadd.f32 v10, v9;
	v8 =	vld [tilespmem:s8+$0xFFFFFFE0]  }
0x335: {  	v10 =	vadd.f32 v11, v9  }
0x336: {  	v11 =	vadd.s32 v1, v13;
	[tilespmem:v15+s23+$0x0] =	vst.idx.msk $0xffff, v7;
	v7 =	vadd.f32 v16, v9  }
0x337: {  	[tilespmem:v17+s23+$0x0] =	vst.idx.msk $0xffff, v10;
	v15 =	vld [tilespmem:s8+$0xFFFFFF20]  }
0x338: {  	v10 =	vld [tilespmem:s8+$0xFFFFFF60];
	[tilespmem:v14+s23+$0x0] =	vst.idx.msk $0xffff, v7  }
0x339: {  	v14 =	vld [tilespmem:s8+$0xFFFFFFA0];
	v7 =	vadd.f32 v8, v6  }
0x33a: {  	s26 =	simm.s32 $0x7;
	s21 =	simm.s32 $0xA5F0;
	v16 =	vadd.s32 v1, v19  }
0x33b: {  	s22 =	simm.s32 $0x4;
	v26 =	vadd.s32 v2, v13;
	v18 =	vld [tilespmem:s21+$0xFFFFFFD0];
	v17 =	vadd.s32 v1, v20;
	[tilespmem:v11+s23+$0x0] =	vst.idx.msk $0xffff, v7;
	v7 =	vmov s26  }
0x33c: {  	v21 =	vadd.s32 v1, v12;
	v8 =	vmov s22;
	v7 =	vand.u32 $0x7F, v7;
	v22 =	vld [tilespmem:s8+$0xFFFFFFF0]  }
0x33d: {  	s18 =	simm.s32 $0x5;
	v23 =	vld [tilespmem:s21+$0xFFFFFF10];
	v8 =	vand.u32 $0x7C, v8;
	v10 =	vadd.f32 v10, v6;
	v24 =	vadd.s32 v0, v7  }
0x33e: {  	v25 =	vld [tilespmem:s21+$0xFFFFFF50];
	s22 =	simm.s32 $0x6;
	v15 =	vadd.f32 v15, v6;
	v11 =	vadd.f32 v14, v6;
	v14 =	vmov s18  }
0x33f: {  	v27 =	vadd.s32 v0, v8;
	[tilespmem:v16+s23+$0x0] =	vst.idx.msk $0xffff, v10;
	v16 =	vmov s22;
	v10 =	vand.u32 $0x7D, v14;
	v14 =	vld [tilespmem:s21+$0xFFFFFF90]  }
0x340: {  	[tilespmem:v17+s23+$0x0] =	vst.idx.msk $0xffff, v11;
	v17 =	vadd.s32 v0, v10;
	v11 =	vand.u32 $0x7E, v16;
	v16 =	vadd.f32 v18, v9;
	v18 =	vld [tilespmem:s8+$0xFFFFFF70]  }
0x341: {  	[tilespmem:v21+s23+$0x0] =	vst.idx.msk $0xffff, v15;
	v15 =	vadd.s32 v0, v11;
	v21 =	vld [tilespmem:s8+$0xFFFFFFB0];
	v22 =	vadd.f32 v22, v5  }
0x342: {  	v23 =	vadd.f32 v23, v9;
	[tilespmem:v24+s23+$0x0] =	vst.idx.msk $0xffff, v16;
	v16 =	vld [tilespmem:s8+$0xFFFFFF30];
	v24 =	vadd.s32 v2, v19  }
0x343: {  	v29 =	vadd.s32 v2, v20;
	v25 =	vadd.f32 v25, v9;
	v28 =	vld [tilespmem:s21+$0xFFFFFFE0];
	[tilespmem:v26+s23+$0x0] =	vst.idx.msk $0xffff, v22  }
0x344: {  	[tilespmem:v27+s23+$0x0] =	vst.idx.msk $0xffff, v23;
	v23 =	vadd.s32 v2, v12;
	v14 =	vadd.f32 v14, v9;
	v26 =	vld [tilespmem:s8+$0x0]  }
0x345: {  	v27 =	vld [tilespmem:s21+$0xFFFFFF20];
	[tilespmem:v17+s23+$0x0] =	vst.idx.msk $0xffff, v25;
	v25 =	vadd.s32 v1, v7;
	v18 =	vadd.f32 v18, v5  }
0x346: {  	v31 =	vadd.s32 v3, v13;
	v30 =	vld [tilespmem:s21+$0xFFFFFF60];
	[tilespmem:v15+s23+$0x0] =	vst.idx.msk $0xffff, v14;
	v14 =	vadd.f32 v21, v5  }
0x347: {  	v22 =	vadd.s32 v1, v8;
	v17 =	vld [tilespmem:s21+$0xFFFFFFA0];
	v13 =	vadd.f32 v16, v5;
	[tilespmem:v24+s23+$0x0] =	vst.idx.msk $0xffff, v18  }
0x348: {  	s22 =	simm.s32 $0x8;
	v21 =	vadd.s32 v1, v10;
	[tilespmem:v29+s23+$0x0] =	vst.idx.msk $0xffff, v14;
	v18 =	vadd.f32 v28, v6;
	v16 =	vld [tilespmem:s8+$0xFFFFFF80]  }
0x349: {  	v24 =	vmov s22;
	v14 =	vadd.s32 v1, v11;
	v15 =	vld [tilespmem:s8+$0xFFFFFFC0];
	[tilespmem:v23+s23+$0x0] =	vst.idx.msk $0xffff, v13;
	v63 =	vadd.f32 v26, v4  }
0x34a: {  	s7 =	simm.s32 $0xA6F0;
	s26 =	simm.s32 $0xB;
	v19 =	vadd.s32 v3, v19;
	v13 =	vand.u32 $0x7C, v24;
	v24 =	vadd.f32 v27, v6;
	[tilespmem:v25+s23+$0x0] =	vst.idx.msk $0xffff, v18;
	v18 =	vld [tilespmem:s8+$0xFFFFFF40]  }
0x34b: {  	v20 =	vadd.s32 v3, v20;
	v26 =	vmov s26;
	v23 =	vld [tilespmem:s7+$0xFFFFFFD0];
	s8 =	simm.s32 $0xC;
	v25 =	vadd.f32 v30, v6;
	[tilespmem:v31+s23+$0x0] =	vst.idx.msk $0xffff, v63  }
.LBB2_23:
0x34c: {  	p1 =	slt.u32 s8, $0x7C;
	s13 =	sadd.s32 $0x1, s22;
	v26 =	vand.u32 $0x7F, v26;
	[tilespmem:v22+s23+$0x0] =	vst.idx.msk $0xffff, v24;
	v17 =	vadd.f32 v17, v6;
	v22 =	vld [tilespmem:s21+$0xFFFFFFF0];
	v24 =	vadd.s32 v3, v12  }
0x34d: {  	v30 =	vmovc v11;
	v27 =	vld [tilespmem:s7+$0xFFFFFF10];
	v28 =	vmov s13;
	s13 =	sadd.s32 $0x2, s22;
	v29 =	vadd.s32 v0, v26;
	[tilespmem:v21+s23+$0x0] =	vst.idx.msk $0xffff, v25;
	v16 =	vadd.f32 v16, v4;
	s22 =	smov.u32 s8  }
0x34e: {  	v12 =	vmovc v8;
	v21 =	vld [tilespmem:s7+$0xFFFFFF50];
	v11 =	vmov s13;
	[tilespmem:v14+s23+$0x0] =	vst.idx.msk $0xffff, v17;
	v14 =	vadd.s32 v2, v7;
	v15 =	vadd.f32 v15, v4  }
0x34f: {  	v17 =	vadd.s32 v0, v13;
	v28 =	vand.u32 $0x7D, v28;
	v25 =	vld [tilespmem:s7+$0xFFFFFF90];
	v31 =	vadd.f32 v18, v4;
	[tilespmem:v19+s23+$0x0] =	vst.idx.msk $0xffff, v16  }
0x350: {  	v16 =	vadd.s32 v0, v28;
	v11 =	vand.u32 $0x7E, v11;
	v18 =	vadd.f32 v23, v9;
	v19 =	vld [tilespmem:s21+$0xFFFFFF70];
	[tilespmem:v20+s23+$0x0] =	vst.idx.msk $0xffff, v15  }
0x351: {  	v8 =	vmov v13;
	v15 =	vadd.s32 v0, v11;
	v20 =	vld [tilespmem:s21+$0xFFFFFFB0];
	v22 =	vadd.f32 v22, v5;
	[tilespmem:v24+s23+$0x0] =	vst.idx.msk $0xffff, v31  }
0x352: {  	v23 =	vadd.s32 v2, v10;
	v13 =	vadd.f32 v27, v9;
	[tilespmem:v29+s23+$0x0] =	vst.idx.msk $0xffff, v18;
	v18 =	vld [tilespmem:s21+$0xFFFFFF30]  }
0x353: {  	v27 =	vadd.s32 v2, v30;
	v21 =	vadd.f32 v21, v9;
	v24 =	vld [tilespmem:s7+$0xFFFFFFE0];
	[tilespmem:v14+s23+$0x0] =	vst.idx.msk $0xffff, v22  }
0x354: {  	[tilespmem:v17+s23+$0x0] =	vst.idx.msk $0xffff, v13;
	v13 =	vadd.f32 v25, v9;
	v25 =	vadd.s32 v2, v12;
	v29 =	vld [tilespmem:s21+$0x0]  }
0x355: {  	v32 =	vadd.s32 v1, v26;
	v31 =	vld [tilespmem:s7+$0xFFFFFF20];
	[tilespmem:v16+s23+$0x0] =	vst.idx.msk $0xffff, v21;
	v14 =	vadd.f32 v19, v5  }
0x356: {  	v34 =	vadd.s32 v3, v7;
	v7 =	vmov v26;
	v33 =	vld [tilespmem:s7+$0xFFFFFF60];
	[tilespmem:v15+s23+$0x0] =	vst.idx.msk $0xffff, v13;
	v13 =	vadd.f32 v20, v5  }
.Ltmp10:
0x357: {  	v22 =	vadd.s32 v1, v8;
	v17 =	vld [tilespmem:s7+$0xFFFFFFA0];
	v15 =	vadd.f32 v18, v5;
	[tilespmem:v23+s23+$0x0] =	vst.idx.msk $0xffff, v14;
	(pc) =	sbr.rel @p1 .LBB2_23-.Ltmp10, $4  }
0x358: {  	v21 =	vadd.s32 v1, v28;
	v18 =	vadd.f32 v24, v6;
	v16 =	vld [tilespmem:s21+$0xFFFFFF80];
	[tilespmem:v27+s23+$0x0] =	vst.idx.msk $0xffff, v13  }
0x359: {  	v14 =	vadd.s32 v1, v11;
	v13 =	vmov s8;
	[tilespmem:v25+s23+$0x0] =	vst.idx.msk $0xffff, v15;
	v15 =	vld [tilespmem:s21+$0xFFFFFFC0];
	v27 =	vadd.f32 v29, v4  }
0x35a: {  	s13 =	sadd.s32 $0x3, s8;
	v19 =	vadd.s32 v3, v10;
	v13 =	vand.u32 $0x7C, v13;
	v24 =	vadd.f32 v31, v6;
	[tilespmem:v32+s23+$0x0] =	vst.idx.msk $0xffff, v18;
	v18 =	vld [tilespmem:s21+$0xFFFFFF40];
	s21 =	smov.u32 s7;
	s7 =	sadd.s32 $0x100, s7  }
0x35b: {  	v26 =	vmov s13;
	v10 =	vmovc v28;
	v20 =	vadd.s32 v3, v30;
	s8 =	sadd.s32 $0x4, s8;
	v23 =	vld [tilespmem:s7+$0xFFFFFFD0];
	v25 =	vadd.f32 v33, v6;
	[tilespmem:v34+s23+$0x0] =	vst.idx.msk $0xffff, v27  }
0x35c: {  	s8 =	sadd.s32 $0x1, s22  }
0x35d: {  	v26 =	vand.u32 $0x7F, v26;
	s26 =	sadd.s32 $0x2, s22;
	v28 =	vld [tilespmem:s7+$0xFFFFFF50];
	v27 =	vmov s8  }
0x35e: {  	v31 =	vld [tilespmem:s7+$0xFFFFFF90];
	v29 =	vadd.s32 v0, v26;
	v30 =	vmov s26;
	v27 =	vand.u32 $0x7D, v27  }
0x35f: {  	v32 =	vld [tilespmem:s7+$0xFFFFFF10];
	v30 =	vand.u32 $0x7E, v30;
	v33 =	vadd.s32 v0, v27  }
0x360: {  	v34 =	vadd.s32 v0, v30  }
0x361: {  	[tilespmem:v22+s23+$0x0] =	vst.idx.msk $0xffff, v24;
	v44 =	vadd.s32 v0, v13;
	v23 =	vadd.f32 v23, v9  }
0x362: {  	[tilespmem:v21+s23+$0x0] =	vst.idx.msk $0xffff, v25;
	v45 =	vadd.f32 v28, v9  }
0x363: {  	v46 =	vadd.f32 v31, v9;
	[tilespmem:v29+s23+$0x0] =	vst.idx.msk $0xffff, v23  }
0x364: {  	v47 =	vadd.f32 v32, v9;
	v48 =	vld [tilespmem:s7+$0xFFFFFFE0];
	[tilespmem:v33+s23+$0x0] =	vst.idx.msk $0xffff, v45  }
0x365: {  	v17 =	vadd.f32 v17, v6;
	v12 =	vadd.s32 v3, v12;
	[tilespmem:v34+s23+$0x0] =	vst.idx.msk $0xffff, v46;
	v21 =	vld [tilespmem:s7+$0xFFFFFF60]  }
0x366: {  	v16 =	vadd.f32 v16, v4;
	v49 =	vadd.s32 v1, v26;
	[tilespmem:v44+s23+$0x0] =	vst.idx.msk $0xffff, v47;
	v50 =	vld [tilespmem:s7+$0xFFFFFFA0]  }
0x367: {  	[tilespmem:v14+s23+$0x0] =	vst.idx.msk $0xffff, v17;
	v51 =	vadd.f32 v15, v4;
	v53 =	vadd.s32 v1, v27;
	v52 =	vld [tilespmem:s7+$0xFFFFFF20]  }
0x368: {  	v54 =	vld [tilespmem:s21+$0xFFFFFFF0];
	v18 =	vadd.f32 v18, v4;
	[tilespmem:v19+s23+$0x0] =	vst.idx.msk $0xffff, v16;
	v55 =	vadd.s32 v1, v30  }
0x369: {  	v57 =	vadd.s32 v1, v13;
	v60 =	vld [tilespmem:s21+$0xFFFFFFB0];
	[tilespmem:v20+s23+$0x0] =	vst.idx.msk $0xffff, v51;
	v58 =	vadd.f32 v48, v6  }
0x36a: {  	v59 =	vadd.s32 v2, v7;
	v56 =	vld [tilespmem:s21+$0xFFFFFF70];
	[tilespmem:v12+s23+$0x0] =	vst.idx.msk $0xffff, v18;
	v61 =	vadd.f32 v21, v6  }
0x36b: {  	v62 =	vld [tilespmem:s21+$0xFFFFFF30];
	v29 =	vadd.s32 v2, v11;
	[tilespmem:v49+s23+$0x0] =	vst.idx.msk $0xffff, v58;
	v28 =	vadd.f32 v50, v6  }
0x36c: {  	v63 =	vadd.s32 v2, v10;
	v31 =	vadd.f32 v52, v6;
	v32 =	vld [tilespmem:s7+$0xFFFFFFF0];
	[tilespmem:v53+s23+$0x0] =	vst.idx.msk $0xffff, v61  }
0x36d: {  	v33 =	vadd.f32 v54, v5;
	v34 =	vadd.s32 v2, v8;
	[tilespmem:v55+s23+$0x0] =	vst.idx.msk $0xffff, v28;
	v35 =	vld [tilespmem:s7+$0xFFFFFF70]  }
0x36e: {  	v37 =	vadd.s32 v2, v26;
	v39 =	vadd.f32 v60, v5;
	[tilespmem:v57+s23+$0x0] =	vst.idx.msk $0xffff, v31;
	v38 =	vld [tilespmem:s7+$0xFFFFFFB0]  }
0x36f: {  	v41 =	vadd.s32 v2, v27;
	v36 =	vadd.f32 v56, v5;
	[tilespmem:v59+s23+$0x0] =	vst.idx.msk $0xffff, v33;
	v40 =	vld [tilespmem:s7+$0xFFFFFF30]  }
0x370: {  	v43 =	vadd.s32 v2, v30;
	v18 =	vadd.f32 v62, v5;
	v42 =	vld [tilespmem:s21+$0x0];
	[tilespmem:v29+s23+$0x0] =	vst.idx.msk $0xffff, v39  }
0x371: {  	v45 =	vadd.s32 v2, v13;
	[tilespmem:v63+s23+$0x0] =	vst.idx.msk $0xffff, v36;
	v47 =	vld [tilespmem:s21+$0xFFFFFFC0];
	v44 =	vadd.f32 v32, v5  }
0x372: {  	v46 =	vadd.s32 v3, v7;
	[tilespmem:v34+s23+$0x0] =	vst.idx.msk $0xffff, v18;
	v21 =	vld [tilespmem:s21+$0xFFFFFF80];
	v9 =	vadd.f32 v35, v5  }
0x373: {  	v18 =	vld [tilespmem:s21+$0xFFFFFF40];
	v50 =	vadd.s32 v3, v11;
	[tilespmem:v37+s23+$0x0] =	vst.idx.msk $0xffff, v44;
	v49 =	vadd.f32 v38, v5  }
0x374: {  	v48 =	vadd.s32 v3, v10;
	v5 =	vadd.f32 v40, v5;
	v12 =	vld [tilespmem:s7+$0x0];
	[tilespmem:v41+s23+$0x0] =	vst.idx.msk $0xffff, v9  }
0x375: {  	v52 =	vadd.s32 v3, v8;
	v51 =	vadd.f32 v42, v4;
	[tilespmem:v43+s23+$0x0] =	vst.idx.msk $0xffff, v49;
	v53 =	vld [tilespmem:s7+$0xFFFFFF80]  }
0x376: {  	v55 =	vadd.s32 v3, v26;
	v56 =	vadd.f32 v47, v4;
	[tilespmem:v45+s23+$0x0] =	vst.idx.msk $0xffff, v5;
	v5 =	vld [tilespmem:s7+$0xFFFFFFC0]  }
0x377: {  	v58 =	vadd.s32 v3, v27;
	[tilespmem:v46+s23+$0x0] =	vst.idx.msk $0xffff, v51;
	v54 =	vadd.f32 v21, v4;
	v57 =	vld [tilespmem:s7+$0xFFFFFF40]  }
0x378: {  	v60 =	vadd.s32 v3, v30;
	v59 =	vadd.f32 v18, v4;
	[tilespmem:v50+s23+$0x0] =	vst.idx.msk $0xffff, v56  }
0x379: {  	v62 =	vadd.s32 v3, v13;
	[tilespmem:v48+s23+$0x0] =	vst.idx.msk $0xffff, v54;
	v61 =	vadd.f32 v12, v4  }
0x37a: {  	[tilespmem:v52+s23+$0x0] =	vst.idx.msk $0xffff, v59;
	v63 =	vadd.f32 v53, v4  }
0x37b: {  	s8 =	sshll.u32 s17, $0x12;
	[tilespmem:v55+s23+$0x0] =	vst.idx.msk $0xffff, v61;
	v5 =	vadd.f32 v5, v4  }
0x37c: {  	s7 =	sor.u32 s5, s8;
	v4 =	vadd.f32 v57, v4;
	[tilespmem:v58+s23+$0x0] =	vst.idx.msk $0xffff, v63  }
0x37d: {  	s7 =	sshrl.u32 s7, $0x3;
	[tilespmem:v60+s23+$0x0] =	vst.idx.msk $0xffff, v5  }
0x37e: {  	s13 =	simm.s32 $0x12600;
	s8 =	sadd.s32 s3, s7;
	[tilespmem:v62+s23+$0x0] =	vst.idx.msk $0xffff, v4  }
0x37f: {  	[hbm4b:s8+s4] =	stream.linear.scatter [tilespmem:s13], [sflag:$0x12], $0x80, $0x38;
	[tilespmem:$0x1BE00] =	vst v63  }
0x380: {  	s17 =	simm.s32 $0x12688;
	s13 =	sadd.s32 $0x10, s8  }
0x381: {  	[hbm4b:s13+s4] =	stream.linear.scatter [tilespmem:s17], [sflag:$0x12], $0x80, $0x38;
	[tilespmem:$0x1BE00] =	vst v63  }
0x382: {  	s18 =	simm.s32 $0x12710;
	s21 =	sadd.s32 $0x20, s8  }
0x383: {  	[hbm4b:s21+s4] =	stream.linear.scatter [tilespmem:s18], [sflag:$0x12], $0x80, $0x38;
	[tilespmem:$0x1BE00] =	vst v63  }
0x384: {  	s22 =	simm.s32 $0x12798;
	s26 =	sadd.s32 $0x30, s8  }
0x385: {  	[hbm4b:s26+s4] =	stream.linear.scatter [tilespmem:s22], [sflag:$0x12], $0x80, $0x38;
	[tilespmem:$0x1BE00] =	vst v63  }
0x386: {  	s13 =	simm.s32 $0x12820;
	s17 =	sadd.s32 $0x40, s8  }
0x387: {  	[hbm4b:s17+s4] =	stream.linear.scatter [tilespmem:s13], [sflag:$0x12], $0x80, $0x38;
	[tilespmem:$0x1BE00] =	vst v63  }
0x388: {  	s7 =	simm.s32 $0x440;
	s18 =	simm.s32 $0x128A8;
	s21 =	sadd.s32 $0x50, s8  }
0x389: {  	[hbm4b:s21+s4] =	stream.linear.scatter [tilespmem:s18], [sflag:$0x12], $0x80, $0x38;
	[tilespmem:$0x1BE00] =	vst v63  }
0x38a: {  	s22 =	simm.s32 $0x12930;
	s26 =	sadd.s32 $0x60, s8;
	s17 =	simm.s32 $0x2200  }
0x38b: {  	[hbm4b:s26+s4] =	stream.linear.scatter [tilespmem:s22], [sflag:$0x12], $0x80, $0x38;
	[tilespmem:$0x1BE00] =	vst v63  }
0x38c: {  	s21 =	simm.s32 $0x129B8;
	s22 =	sadd.s32 $0x70, s8;
	s8 =	sadd.s32 $0x1000, s8  }
.LBB2_25:
0x38d: {  	[hbm4b:s22+s4] =	stream.linear.scatter [tilespmem:s21], [sflag:$0x12], $0x80, $0x38;
	[tilespmem:$0x1BE00] =	vst v63  }
0x38e: {  	s13 =	smov.u32 s7;
	s7 =	smov.u32 s17  }
0x38f: {  	s18 =	sadd.s32 $0x1100, s17;
	s7 =	sshra.s32 s7, $0x2;
	s21 =	sadd.s32 $0x12600, s13  }
0x390: {  	[hbm4b:s8+s4] =	stream.linear.scatter [tilespmem:s21], [sflag:$0x12], $0x80, $0x38;
	[tilespmem:$0x1BE00] =	vst v63  }
0x391: {  	p1 =	sne.s32 s17, $0x7700;
	s17 =	sadd.s32 $0x12688, s13;
	s21 =	sadd.s32 $0x10, s8  }
0x392: {  	[hbm4b:s21+s4] =	stream.linear.scatter [tilespmem:s17], [sflag:$0x12], $0x80, $0x38;
	[tilespmem:$0x1BE00] =	vst v63  }
0x393: {  	s17 =	sadd.s32 $0x12710, s13;
	s21 =	sadd.s32 $0x20, s8  }
0x394: {  	[hbm4b:s21+s4] =	stream.linear.scatter [tilespmem:s17], [sflag:$0x12], $0x80, $0x38;
	[tilespmem:$0x1BE00] =	vst v63  }
0x395: {  	s17 =	sadd.s32 $0x12798, s13;
	s21 =	sadd.s32 $0x30, s8  }
0x396: {  	[hbm4b:s21+s4] =	stream.linear.scatter [tilespmem:s17], [sflag:$0x12], $0x80, $0x38;
	[tilespmem:$0x1BE00] =	vst v63  }
0x397: {  	s17 =	sadd.s32 $0x12820, s13;
	s21 =	sadd.s32 $0x40, s8  }
0x398: {  	[hbm4b:s21+s4] =	stream.linear.scatter [tilespmem:s17], [sflag:$0x12], $0x80, $0x38;
	[tilespmem:$0x1BE00] =	vst v63  }
.Ltmp11:
0x399: {  	s17 =	sadd.s32 $0x128A8, s13;
	s21 =	sadd.s32 $0x50, s8;
	(pc) =	sbr.rel @p1 .LBB2_25-.Ltmp11, $4  }
0x39a: {  	[hbm4b:s21+s4] =	stream.linear.scatter [tilespmem:s17], [sflag:$0x12], $0x80, $0x38;
	[tilespmem:$0x1BE00] =	vst v63  }
0x39b: {  	s22 =	sadd.s32 $0x70, s8;
	s17 =	sadd.s32 $0x12930, s13;
	s21 =	sadd.s32 $0x60, s8  }
0x39c: {  	[hbm4b:s21+s4] =	stream.linear.scatter [tilespmem:s17], [sflag:$0x12], $0x80, $0x38;
	[tilespmem:$0x1BE00] =	vst v63  }
0x39d: {  	s8 =	sadd.s32 $0x1000, s8;
	s21 =	sadd.s32 $0x129B8, s13;
	s17 =	smov.u32 s18  }
0x39e: {  	[hbm4b:s22+s4] =	stream.linear.scatter [tilespmem:s21], [sflag:$0x12], $0x80, $0x38;
	[tilespmem:$0x1BE00] =	vst v63  }
0x39f: {  	s13 =	sadd.s32 $0x12600, s7  }
0x3a0: {  	[hbm4b:s8+s4] =	stream.linear.scatter [tilespmem:s13], [sflag:$0x12], $0x80, $0x38;
	[tilespmem:$0x1BE00] =	vst v63  }
0x3a1: {  	s21 =	sadd.s32 $0x12688, s7;
	s17 =	sadd.s32 $0x10, s8  }
0x3a2: {  	[hbm4b:s17+s4] =	stream.linear.scatter [tilespmem:s21], [sflag:$0x12], $0x80, $0x38;
	[tilespmem:$0x1BE00] =	vst v63  }
0x3a3: {  	s22 =	sadd.s32 $0x12710, s7;
	s26 =	sadd.s32 $0x20, s8  }
0x3a4: {  	[hbm4b:s26+s4] =	stream.linear.scatter [tilespmem:s22], [sflag:$0x12], $0x80, $0x38;
	[tilespmem:$0x1BE00] =	vst v63  }
0x3a5: {  	s18 =	sadd.s32 $0x12798, s7;
	s21 =	sadd.s32 $0x30, s8  }
0x3a6: {  	[hbm4b:s21+s4] =	stream.linear.scatter [tilespmem:s18], [sflag:$0x12], $0x80, $0x38;
	[tilespmem:$0x1BE00] =	vst v63  }
0x3a7: {  	s22 =	sadd.s32 $0x12820, s7;
	s26 =	sadd.s32 $0x40, s8  }
0x3a8: {  	[hbm4b:s26+s4] =	stream.linear.scatter [tilespmem:s22], [sflag:$0x12], $0x80, $0x38;
	[tilespmem:$0x1BE00] =	vst v63  }
0x3a9: {  	s17 =	sadd.s32 $0x128A8, s7;
	s18 =	sadd.s32 $0x50, s8  }
0x3aa: {  	[hbm4b:s18+s4] =	stream.linear.scatter [tilespmem:s17], [sflag:$0x12], $0x80, $0x38;
	[tilespmem:$0x1BE00] =	vst v63  }
0x3ab: {  	s21 =	sadd.s32 $0x12930, s7;
	s22 =	sadd.s32 $0x60, s8  }
0x3ac: {  	[hbm4b:s22+s4] =	stream.linear.scatter [tilespmem:s21], [sflag:$0x12], $0x80, $0x38;
	[tilespmem:$0x1BE00] =	vst v63  }
0x3ad: {  	s13 =	sadd.s32 $0x70, s8;
	s26 =	sadd.s32 $0x129B8, s7;
	s7 =	rddreg [dreg:$0xd]  }
0x3ae: {  	[hbm4b:s13+s4] =	stream.linear.scatter [tilespmem:s26], [sflag:$0x12], $0x80, $0x38;
	[tilespmem:$0x1BE00] =	vst v63  }
0x3af: {  	s8 =	simm.s32 @!p0 $0x0;
	s7 =	sadd.s32 @!p0 s16, s7;
	s13 =	simm.s32 @!p0 $0x280  }
0x3b0: {  	[tilespmem:s13], [sflag:$0x6] =	stream.linear.gather @!p0 [hbm4b:s7+s8], $0x80, $0x38;
	[tilespmem:$0x1BE00] =	vst v63  }
0x3b1: {  	s7 =	simm.s32 @!p0 $0x5  }
0x3b2: {  	_ =	swait.ge @!p0 [sflag:s7], $0x80  }
0x3b3: {  	s8 =	simm.s32 @!p0 $0x200;
	[sflag:s7] =	ssyncset.done @!p0 $0x0  }
0x3b4: {  	s13 =	simm.s32 @!p0 $0x8400;
	[sflag:s7] =	ssyncadd.s32 @!p0 $0xFFFFFF80;
	s7 =	simm.s32 @!p0 $0x80  }
0x3b5: {  	[tilespmem:s13], [sflag:$0xD] =	stream.indirect.gather @!p0 [hbm4b:s6+s7], $0x40, s8, s7, $0xb8;
	[tilespmem:$0x1BE00] =	vst v63  }
0x3b6: {  	_ =	swait.ge [sflag:s12], $0x2000  }
0x3b7: {  	[sflag:s12] =	ssyncset.done $0x0  }
0x3b8: {  	[sflag:s12] =	ssyncadd.s32 $0xFFFFE000  }
0x3b9: {  	_ =	swait.ge [sflag:s19], $0x2000  }
0x3ba: {  	s17 =	sshll.u32 s15, $0x6;
	[sflag:s19] =	ssyncset.done $0x0  }
0x3bb: {  	s7 =	sand.u32 $0x3FFFFFC0, s17;
	[sflag:s19] =	ssyncadd.s32 $0xFFFFE000  }
0x3bc: {  	s18 =	simm.s32 $0x3;
	s8 =	simm.s32 $0xC4F0;
	v9 =	vld [tilespmem:s7+$0x18C00]  }
0x3bd: {  	v4 =	vmov s18;
	v7 =	vld [tilespmem:s8+$0xFFFFFFD0]  }
0x3be: {  	v13 =	vand.u32 $0x7F, v4  }
0x3bf: {  	s21 =	simm.s32 $0x0;
	v8 =	vadd.s32 v0, v13;
	v6 =	vld [tilespmem:s7+$0x18C10]  }
0x3c0: {  	s22 =	simm.s32 $0x1;
	v4 =	vmov s21;
	s26 =	simm.s32 $0x2;
	v10 =	vld [tilespmem:s8+$0xFFFFFF10]  }
0x3c1: {  	v12 =	vand.u32 $0x7C, v4;
	v4 =	vmov s22;
	v14 =	vmov s26;
	v11 =	vld [tilespmem:s8+$0xFFFFFF50]  }
0x3c2: {  	v15 =	vadd.s32 v0, v12;
	v19 =	vand.u32 $0x7D, v4;
	v16 =	vld [tilespmem:s8+$0xFFFFFF90];
	v7 =	vadd.f32 v7, v9  }
0x3c3: {  	v17 =	vadd.s32 v0, v19;
	v20 =	vand.u32 $0x7E, v14;
	v5 =	vld [tilespmem:s7+$0x18C20]  }
0x3c4: {  	v14 =	vadd.s32 v0, v20;
	v4 =	vld [tilespmem:s7+$0x18C30];
	[tilespmem:v8+s2+$0x0] =	vst.idx.msk $0xffff, v7  }
0x3c5: {  	v7 =	vadd.f32 v10, v9;
	v8 =	vld [tilespmem:s8+$0xFFFFFFE0]  }
0x3c6: {  	v10 =	vadd.f32 v11, v9  }
0x3c7: {  	v11 =	vadd.s32 v1, v13;
	[tilespmem:v15+s2+$0x0] =	vst.idx.msk $0xffff, v7;
	v7 =	vadd.f32 v16, v9  }
0x3c8: {  	[tilespmem:v17+s2+$0x0] =	vst.idx.msk $0xffff, v10;
	v15 =	vld [tilespmem:s8+$0xFFFFFF20]  }
0x3c9: {  	v10 =	vld [tilespmem:s8+$0xFFFFFF60];
	[tilespmem:v14+s2+$0x0] =	vst.idx.msk $0xffff, v7  }
0x3ca: {  	v14 =	vld [tilespmem:s8+$0xFFFFFFA0];
	v7 =	vadd.f32 v8, v6  }
0x3cb: {  	s18 =	simm.s32 $0x7;
	s17 =	simm.s32 $0xC5F0;
	v16 =	vadd.s32 v1, v19  }
0x3cc: {  	v26 =	vadd.s32 v2, v13;
	s13 =	simm.s32 $0x4;
	v18 =	vld [tilespmem:s17+$0xFFFFFFD0];
	v17 =	vadd.s32 v1, v20;
	[tilespmem:v11+s2+$0x0] =	vst.idx.msk $0xffff, v7;
	v7 =	vmov s18  }
0x3cd: {  	v21 =	vadd.s32 v1, v12;
	v8 =	vmov s13;
	v7 =	vand.u32 $0x7F, v7;
	v22 =	vld [tilespmem:s8+$0xFFFFFFF0]  }
0x3ce: {  	s21 =	simm.s32 $0x5;
	v23 =	vld [tilespmem:s17+$0xFFFFFF10];
	v8 =	vand.u32 $0x7C, v8;
	v10 =	vadd.f32 v10, v6;
	v24 =	vadd.s32 v0, v7  }
0x3cf: {  	s22 =	simm.s32 $0x6;
	v25 =	vld [tilespmem:s17+$0xFFFFFF50];
	v15 =	vadd.f32 v15, v6;
	v11 =	vadd.f32 v14, v6;
	v14 =	vmov s21  }
0x3d0: {  	v27 =	vadd.s32 v0, v8;
	[tilespmem:v16+s2+$0x0] =	vst.idx.msk $0xffff, v10;
	v16 =	vmov s22;
	v10 =	vand.u32 $0x7D, v14;
	v14 =	vld [tilespmem:s17+$0xFFFFFF90]  }
0x3d1: {  	[tilespmem:v17+s2+$0x0] =	vst.idx.msk $0xffff, v11;
	v17 =	vadd.s32 v0, v10;
	v11 =	vand.u32 $0x7E, v16;
	v16 =	vadd.f32 v18, v9;
	v18 =	vld [tilespmem:s8+$0xFFFFFF70]  }
0x3d2: {  	[tilespmem:v21+s2+$0x0] =	vst.idx.msk $0xffff, v15;
	v15 =	vadd.s32 v0, v11;
	v21 =	vld [tilespmem:s8+$0xFFFFFFB0];
	v22 =	vadd.f32 v22, v5  }
0x3d3: {  	v23 =	vadd.f32 v23, v9;
	[tilespmem:v24+s2+$0x0] =	vst.idx.msk $0xffff, v16;
	v16 =	vld [tilespmem:s8+$0xFFFFFF30];
	v24 =	vadd.s32 v2, v19  }
0x3d4: {  	v29 =	vadd.s32 v2, v20;
	v25 =	vadd.f32 v25, v9;
	v28 =	vld [tilespmem:s17+$0xFFFFFFE0];
	[tilespmem:v26+s2+$0x0] =	vst.idx.msk $0xffff, v22  }
0x3d5: {  	[tilespmem:v27+s2+$0x0] =	vst.idx.msk $0xffff, v23;
	v23 =	vadd.s32 v2, v12;
	v14 =	vadd.f32 v14, v9;
	v26 =	vld [tilespmem:s8+$0x0]  }
0x3d6: {  	v27 =	vld [tilespmem:s17+$0xFFFFFF20];
	[tilespmem:v17+s2+$0x0] =	vst.idx.msk $0xffff, v25;
	v25 =	vadd.s32 v1, v7;
	v18 =	vadd.f32 v18, v5  }
0x3d7: {  	v31 =	vadd.s32 v3, v13;
	v30 =	vld [tilespmem:s17+$0xFFFFFF60];
	[tilespmem:v15+s2+$0x0] =	vst.idx.msk $0xffff, v14;
	v14 =	vadd.f32 v21, v5  }
0x3d8: {  	v22 =	vadd.s32 v1, v8;
	v17 =	vld [tilespmem:s17+$0xFFFFFFA0];
	v13 =	vadd.f32 v16, v5;
	[tilespmem:v24+s2+$0x0] =	vst.idx.msk $0xffff, v18  }
0x3d9: {  	s21 =	simm.s32 $0x8;
	v21 =	vadd.s32 v1, v10;
	[tilespmem:v29+s2+$0x0] =	vst.idx.msk $0xffff, v14;
	v18 =	vadd.f32 v28, v6;
	v16 =	vld [tilespmem:s8+$0xFFFFFF80]  }
0x3da: {  	v24 =	vmov s21;
	v14 =	vadd.s32 v1, v11;
	v15 =	vld [tilespmem:s8+$0xFFFFFFC0];
	[tilespmem:v23+s2+$0x0] =	vst.idx.msk $0xffff, v13;
	v63 =	vadd.f32 v26, v4  }
0x3db: {  	s26 =	simm.s32 $0xB;
	s7 =	simm.s32 $0xC6F0;
	v19 =	vadd.s32 v3, v19;
	v13 =	vand.u32 $0x7C, v24;
	v24 =	vadd.f32 v27, v6;
	[tilespmem:v25+s2+$0x0] =	vst.idx.msk $0xffff, v18;
	v18 =	vld [tilespmem:s8+$0xFFFFFF40]  }
0x3dc: {  	v20 =	vadd.s32 v3, v20;
	v26 =	vmov s26;
	v23 =	vld [tilespmem:s7+$0xFFFFFFD0];
	s8 =	simm.s32 $0xC;
	v25 =	vadd.f32 v30, v6;
	[tilespmem:v31+s2+$0x0] =	vst.idx.msk $0xffff, v63  }
.LBB2_27:
0x3dd: {  	p1 =	slt.u32 s8, $0x7C;
	s13 =	sadd.s32 $0x1, s21;
	v26 =	vand.u32 $0x7F, v26;
	[tilespmem:v22+s2+$0x0] =	vst.idx.msk $0xffff, v24;
	v17 =	vadd.f32 v17, v6;
	v22 =	vld [tilespmem:s17+$0xFFFFFFF0];
	v24 =	vadd.s32 v3, v12  }
0x3de: {  	v30 =	vmovc v11;
	v27 =	vld [tilespmem:s7+$0xFFFFFF10];
	v28 =	vmov s13;
	s13 =	sadd.s32 $0x2, s21;
	v29 =	vadd.s32 v0, v26;
	[tilespmem:v21+s2+$0x0] =	vst.idx.msk $0xffff, v25;
	v16 =	vadd.f32 v16, v4;
	s21 =	smov.u32 s8  }
0x3df: {  	v12 =	vmovc v8;
	v21 =	vld [tilespmem:s7+$0xFFFFFF50];
	v11 =	vmov s13;
	[tilespmem:v14+s2+$0x0] =	vst.idx.msk $0xffff, v17;
	v14 =	vadd.s32 v2, v7;
	v15 =	vadd.f32 v15, v4  }
0x3e0: {  	v17 =	vadd.s32 v0, v13;
	v28 =	vand.u32 $0x7D, v28;
	v25 =	vld [tilespmem:s7+$0xFFFFFF90];
	v31 =	vadd.f32 v18, v4;
	[tilespmem:v19+s2+$0x0] =	vst.idx.msk $0xffff, v16  }
0x3e1: {  	v16 =	vadd.s32 v0, v28;
	v11 =	vand.u32 $0x7E, v11;
	v18 =	vadd.f32 v23, v9;
	v19 =	vld [tilespmem:s17+$0xFFFFFF70];
	[tilespmem:v20+s2+$0x0] =	vst.idx.msk $0xffff, v15  }
0x3e2: {  	v8 =	vmov v13;
	v15 =	vadd.s32 v0, v11;
	v20 =	vld [tilespmem:s17+$0xFFFFFFB0];
	v22 =	vadd.f32 v22, v5;
	[tilespmem:v24+s2+$0x0] =	vst.idx.msk $0xffff, v31  }
0x3e3: {  	v23 =	vadd.s32 v2, v10;
	v13 =	vadd.f32 v27, v9;
	[tilespmem:v29+s2+$0x0] =	vst.idx.msk $0xffff, v18;
	v18 =	vld [tilespmem:s17+$0xFFFFFF30]  }
0x3e4: {  	v27 =	vadd.s32 v2, v30;
	v21 =	vadd.f32 v21, v9;
	v24 =	vld [tilespmem:s7+$0xFFFFFFE0];
	[tilespmem:v14+s2+$0x0] =	vst.idx.msk $0xffff, v22  }
0x3e5: {  	[tilespmem:v17+s2+$0x0] =	vst.idx.msk $0xffff, v13;
	v13 =	vadd.f32 v25, v9;
	v25 =	vadd.s32 v2, v12;
	v29 =	vld [tilespmem:s17+$0x0]  }
0x3e6: {  	v32 =	vadd.s32 v1, v26;
	v31 =	vld [tilespmem:s7+$0xFFFFFF20];
	[tilespmem:v16+s2+$0x0] =	vst.idx.msk $0xffff, v21;
	v14 =	vadd.f32 v19, v5  }
0x3e7: {  	v34 =	vadd.s32 v3, v7;
	v7 =	vmov v26;
	v33 =	vld [tilespmem:s7+$0xFFFFFF60];
	[tilespmem:v15+s2+$0x0] =	vst.idx.msk $0xffff, v13;
	v13 =	vadd.f32 v20, v5  }
.Ltmp12:
0x3e8: {  	v22 =	vadd.s32 v1, v8;
	v17 =	vld [tilespmem:s7+$0xFFFFFFA0];
	v15 =	vadd.f32 v18, v5;
	[tilespmem:v23+s2+$0x0] =	vst.idx.msk $0xffff, v14;
	(pc) =	sbr.rel @p1 .LBB2_27-.Ltmp12, $4  }
0x3e9: {  	v21 =	vadd.s32 v1, v28;
	v18 =	vadd.f32 v24, v6;
	v16 =	vld [tilespmem:s17+$0xFFFFFF80];
	[tilespmem:v27+s2+$0x0] =	vst.idx.msk $0xffff, v13  }
0x3ea: {  	v14 =	vadd.s32 v1, v11;
	v13 =	vmov s8;
	[tilespmem:v25+s2+$0x0] =	vst.idx.msk $0xffff, v15;
	v15 =	vld [tilespmem:s17+$0xFFFFFFC0];
	v27 =	vadd.f32 v29, v4  }
0x3eb: {  	s13 =	sadd.s32 $0x3, s8;
	v19 =	vadd.s32 v3, v10;
	v13 =	vand.u32 $0x7C, v13;
	v24 =	vadd.f32 v31, v6;
	[tilespmem:v32+s2+$0x0] =	vst.idx.msk $0xffff, v18;
	v18 =	vld [tilespmem:s17+$0xFFFFFF40];
	s17 =	smov.u32 s7;
	s7 =	sadd.s32 $0x100, s7  }
0x3ec: {  	v26 =	vmov s13;
	v10 =	vmovc v28;
	v20 =	vadd.s32 v3, v30;
	s8 =	sadd.s32 $0x4, s8;
	v23 =	vld [tilespmem:s7+$0xFFFFFFD0];
	v25 =	vadd.f32 v33, v6;
	[tilespmem:v34+s2+$0x0] =	vst.idx.msk $0xffff, v27  }
0x3ed: {  	s8 =	sadd.s32 $0x1, s21  }
0x3ee: {  	v26 =	vand.u32 $0x7F, v26;
	s26 =	sadd.s32 $0x2, s21;
	v28 =	vld [tilespmem:s7+$0xFFFFFF50];
	v27 =	vmov s8  }
0x3ef: {  	v31 =	vld [tilespmem:s7+$0xFFFFFF90];
	v29 =	vadd.s32 v0, v26;
	v30 =	vmov s26;
	v27 =	vand.u32 $0x7D, v27  }
0x3f0: {  	v32 =	vld [tilespmem:s7+$0xFFFFFF10];
	v30 =	vand.u32 $0x7E, v30;
	v33 =	vadd.s32 v0, v27  }
0x3f1: {  	v34 =	vadd.s32 v0, v30  }
0x3f2: {  	[tilespmem:v22+s2+$0x0] =	vst.idx.msk $0xffff, v24;
	v44 =	vadd.s32 v0, v13;
	v23 =	vadd.f32 v23, v9  }
0x3f3: {  	[tilespmem:v21+s2+$0x0] =	vst.idx.msk $0xffff, v25;
	v45 =	vadd.f32 v28, v9  }
0x3f4: {  	v46 =	vadd.f32 v31, v9;
	[tilespmem:v29+s2+$0x0] =	vst.idx.msk $0xffff, v23  }
0x3f5: {  	v47 =	vadd.f32 v32, v9;
	v48 =	vld [tilespmem:s7+$0xFFFFFFE0];
	[tilespmem:v33+s2+$0x0] =	vst.idx.msk $0xffff, v45  }
0x3f6: {  	v17 =	vadd.f32 v17, v6;
	v12 =	vadd.s32 v3, v12;
	[tilespmem:v34+s2+$0x0] =	vst.idx.msk $0xffff, v46;
	v21 =	vld [tilespmem:s7+$0xFFFFFF60]  }
0x3f7: {  	v16 =	vadd.f32 v16, v4;
	v49 =	vadd.s32 v1, v26;
	[tilespmem:v44+s2+$0x0] =	vst.idx.msk $0xffff, v47;
	v50 =	vld [tilespmem:s7+$0xFFFFFFA0]  }
0x3f8: {  	[tilespmem:v14+s2+$0x0] =	vst.idx.msk $0xffff, v17;
	v51 =	vadd.f32 v15, v4;
	v53 =	vadd.s32 v1, v27;
	v52 =	vld [tilespmem:s7+$0xFFFFFF20]  }
0x3f9: {  	v54 =	vld [tilespmem:s17+$0xFFFFFFF0];
	v18 =	vadd.f32 v18, v4;
	[tilespmem:v19+s2+$0x0] =	vst.idx.msk $0xffff, v16;
	v55 =	vadd.s32 v1, v30  }
0x3fa: {  	v57 =	vadd.s32 v1, v13;
	v60 =	vld [tilespmem:s17+$0xFFFFFFB0];
	[tilespmem:v20+s2+$0x0] =	vst.idx.msk $0xffff, v51;
	v58 =	vadd.f32 v48, v6  }
0x3fb: {  	v59 =	vadd.s32 v2, v7;
	v56 =	vld [tilespmem:s17+$0xFFFFFF70];
	[tilespmem:v12+s2+$0x0] =	vst.idx.msk $0xffff, v18;
	v61 =	vadd.f32 v21, v6  }
0x3fc: {  	v62 =	vld [tilespmem:s17+$0xFFFFFF30];
	v29 =	vadd.s32 v2, v11;
	[tilespmem:v49+s2+$0x0] =	vst.idx.msk $0xffff, v58;
	v28 =	vadd.f32 v50, v6  }
0x3fd: {  	v63 =	vadd.s32 v2, v10;
	v31 =	vadd.f32 v52, v6;
	v32 =	vld [tilespmem:s7+$0xFFFFFFF0];
	[tilespmem:v53+s2+$0x0] =	vst.idx.msk $0xffff, v61  }
0x3fe: {  	v33 =	vadd.f32 v54, v5;
	v34 =	vadd.s32 v2, v8;
	[tilespmem:v55+s2+$0x0] =	vst.idx.msk $0xffff, v28;
	v35 =	vld [tilespmem:s7+$0xFFFFFF70]  }
0x3ff: {  	v37 =	vadd.s32 v2, v26;
	v39 =	vadd.f32 v60, v5;
	[tilespmem:v57+s2+$0x0] =	vst.idx.msk $0xffff, v31;
	v38 =	vld [tilespmem:s7+$0xFFFFFFB0]  }
0x400: {  	v41 =	vadd.s32 v2, v27;
	v36 =	vadd.f32 v56, v5;
	[tilespmem:v59+s2+$0x0] =	vst.idx.msk $0xffff, v33;
	v40 =	vld [tilespmem:s7+$0xFFFFFF30]  }
0x401: {  	v43 =	vadd.s32 v2, v30;
	v18 =	vadd.f32 v62, v5;
	v42 =	vld [tilespmem:s17+$0x0];
	[tilespmem:v29+s2+$0x0] =	vst.idx.msk $0xffff, v39  }
0x402: {  	v45 =	vadd.s32 v2, v13;
	[tilespmem:v63+s2+$0x0] =	vst.idx.msk $0xffff, v36;
	v47 =	vld [tilespmem:s17+$0xFFFFFFC0];
	v44 =	vadd.f32 v32, v5  }
0x403: {  	v46 =	vadd.s32 v3, v7;
	[tilespmem:v34+s2+$0x0] =	vst.idx.msk $0xffff, v18;
	v21 =	vld [tilespmem:s17+$0xFFFFFF80];
	v9 =	vadd.f32 v35, v5  }
0x404: {  	v18 =	vld [tilespmem:s17+$0xFFFFFF40];
	v50 =	vadd.s32 v3, v11;
	[tilespmem:v37+s2+$0x0] =	vst.idx.msk $0xffff, v44;
	v49 =	vadd.f32 v38, v5  }
0x405: {  	v48 =	vadd.s32 v3, v10;
	v5 =	vadd.f32 v40, v5;
	v12 =	vld [tilespmem:s7+$0x0];
	[tilespmem:v41+s2+$0x0] =	vst.idx.msk $0xffff, v9  }
0x406: {  	v52 =	vadd.s32 v3, v8;
	v51 =	vadd.f32 v42, v4;
	[tilespmem:v43+s2+$0x0] =	vst.idx.msk $0xffff, v49;
	v53 =	vld [tilespmem:s7+$0xFFFFFF80]  }
0x407: {  	v55 =	vadd.s32 v3, v26;
	v56 =	vadd.f32 v47, v4;
	[tilespmem:v45+s2+$0x0] =	vst.idx.msk $0xffff, v5;
	v5 =	vld [tilespmem:s7+$0xFFFFFFC0]  }
0x408: {  	v58 =	vadd.s32 v3, v27;
	[tilespmem:v46+s2+$0x0] =	vst.idx.msk $0xffff, v51;
	v54 =	vadd.f32 v21, v4;
	v57 =	vld [tilespmem:s7+$0xFFFFFF40]  }
0x409: {  	v60 =	vadd.s32 v3, v30;
	v59 =	vadd.f32 v18, v4;
	[tilespmem:v50+s2+$0x0] =	vst.idx.msk $0xffff, v56  }
0x40a: {  	v62 =	vadd.s32 v3, v13;
	[tilespmem:v48+s2+$0x0] =	vst.idx.msk $0xffff, v54;
	v61 =	vadd.f32 v12, v4  }
0x40b: {  	[tilespmem:v52+s2+$0x0] =	vst.idx.msk $0xffff, v59;
	v63 =	vadd.f32 v53, v4  }
0x40c: {  	s13 =	sshll.u32 s15, $0x12;
	[tilespmem:v55+s2+$0x0] =	vst.idx.msk $0xffff, v61;
	v5 =	vadd.f32 v5, v4  }
0x40d: {  	s7 =	sor.u32 s5, s13;
	v4 =	vadd.f32 v57, v4;
	[tilespmem:v58+s2+$0x0] =	vst.idx.msk $0xffff, v63  }
0x40e: {  	s7 =	sshrl.u32 s7, $0x3;
	[tilespmem:v60+s2+$0x0] =	vst.idx.msk $0xffff, v5  }
0x40f: {  	s15 =	simm.s32 $0x14800;
	s8 =	sadd.s32 s3, s7;
	[tilespmem:v62+s2+$0x0] =	vst.idx.msk $0xffff, v4  }
0x410: {  	[hbm4b:s8+s4] =	stream.linear.scatter [tilespmem:s15], [sflag:$0x13], $0x80, $0x38;
	[tilespmem:$0x1BE00] =	vst v63  }
0x411: {  	s17 =	simm.s32 $0x14888;
	s13 =	sadd.s32 $0x10, s8  }
0x412: {  	[hbm4b:s13+s4] =	stream.linear.scatter [tilespmem:s17], [sflag:$0x13], $0x80, $0x38;
	[tilespmem:$0x1BE00] =	vst v63  }
0x413: {  	s18 =	simm.s32 $0x14910;
	s22 =	simm.s32 $0x14998;
	s21 =	sadd.s32 $0x20, s8  }
0x414: {  	[hbm4b:s21+s4] =	stream.linear.scatter [tilespmem:s18], [sflag:$0x13], $0x80, $0x38;
	[tilespmem:$0x1BE00] =	vst v63  }
0x415: {  	s7 =	simm.s32 $0x440;
	s26 =	sadd.s32 $0x30, s8;
	s15 =	simm.s32 $0x14A20  }
0x416: {  	[hbm4b:s26+s4] =	stream.linear.scatter [tilespmem:s22], [sflag:$0x13], $0x80, $0x38;
	[tilespmem:$0x1BE00] =	vst v63  }
0x417: {  	s17 =	sadd.s32 $0x40, s8;
	s18 =	simm.s32 $0x14AA8;
	s21 =	sadd.s32 $0x50, s8  }
0x418: {  	[hbm4b:s17+s4] =	stream.linear.scatter [tilespmem:s15], [sflag:$0x13], $0x80, $0x38;
	[tilespmem:$0x1BE00] =	vst v63  }
0x419: {  	s22 =	simm.s32 $0x14B30;
	s26 =	sadd.s32 $0x60, s8;
	s15 =	simm.s32 $0x2200  }
0x41a: {  	[hbm4b:s21+s4] =	stream.linear.scatter [tilespmem:s18], [sflag:$0x13], $0x80, $0x38;
	[tilespmem:$0x1BE00] =	vst v63  }
0x41b: {  	s17 =	simm.s32 $0x14BB8;
	s21 =	sadd.s32 $0x70, s8;
	s8 =	sadd.s32 $0x1000, s8  }
0x41c: {  	[hbm4b:s26+s4] =	stream.linear.scatter [tilespmem:s22], [sflag:$0x13], $0x80, $0x38;
	[tilespmem:$0x1BE00] =	vst v63  }
.LBB2_29:
0x41d: {  	[hbm4b:s21+s4] =	stream.linear.scatter [tilespmem:s17], [sflag:$0x13], $0x80, $0x38;
	[tilespmem:$0x1BE00] =	vst v63  }
0x41e: {  	s13 =	smov.u32 s7;
	s7 =	smov.u32 s15  }
0x41f: {  	s18 =	sadd.s32 $0x1100, s15;
	s7 =	sshra.s32 s7, $0x2;
	s17 =	sadd.s32 $0x14800, s13  }
0x420: {  	[hbm4b:s8+s4] =	stream.linear.scatter [tilespmem:s17], [sflag:$0x13], $0x80, $0x38;
	[tilespmem:$0x1BE00] =	vst v63  }
0x421: {  	p1 =	sne.s32 s15, $0x7700;
	s15 =	sadd.s32 $0x14888, s13;
	s17 =	sadd.s32 $0x10, s8  }
0x422: {  	[hbm4b:s17+s4] =	stream.linear.scatter [tilespmem:s15], [sflag:$0x13], $0x80, $0x38;
	[tilespmem:$0x1BE00] =	vst v63  }
0x423: {  	s15 =	sadd.s32 $0x14910, s13;
	s17 =	sadd.s32 $0x20, s8  }
0x424: {  	[hbm4b:s17+s4] =	stream.linear.scatter [tilespmem:s15], [sflag:$0x13], $0x80, $0x38;
	[tilespmem:$0x1BE00] =	vst v63  }
0x425: {  	s15 =	sadd.s32 $0x14998, s13;
	s17 =	sadd.s32 $0x30, s8  }
0x426: {  	[hbm4b:s17+s4] =	stream.linear.scatter [tilespmem:s15], [sflag:$0x13], $0x80, $0x38;
	[tilespmem:$0x1BE00] =	vst v63  }
0x427: {  	s15 =	sadd.s32 $0x14A20, s13;
	s17 =	sadd.s32 $0x40, s8  }
0x428: {  	[hbm4b:s17+s4] =	stream.linear.scatter [tilespmem:s15], [sflag:$0x13], $0x80, $0x38;
	[tilespmem:$0x1BE00] =	vst v63  }
.Ltmp13:
0x429: {  	s15 =	sadd.s32 $0x14AA8, s13;
	s17 =	sadd.s32 $0x50, s8;
	(pc) =	sbr.rel @p1 .LBB2_29-.Ltmp13, $4  }
0x42a: {  	[hbm4b:s17+s4] =	stream.linear.scatter [tilespmem:s15], [sflag:$0x13], $0x80, $0x38;
	[tilespmem:$0x1BE00] =	vst v63  }
0x42b: {  	s21 =	sadd.s32 $0x70, s8;
	s15 =	sadd.s32 $0x14B30, s13;
	s17 =	sadd.s32 $0x60, s8  }
0x42c: {  	[hbm4b:s17+s4] =	stream.linear.scatter [tilespmem:s15], [sflag:$0x13], $0x80, $0x38;
	[tilespmem:$0x1BE00] =	vst v63  }
0x42d: {  	s8 =	sadd.s32 $0x1000, s8;
	s17 =	sadd.s32 $0x14BB8, s13;
	s15 =	smov.u32 s18  }
0x42e: {  	[hbm4b:s21+s4] =	stream.linear.scatter [tilespmem:s17], [sflag:$0x13], $0x80, $0x38;
	[tilespmem:$0x1BE00] =	vst v63  }
0x42f: {  	s13 =	sadd.s32 $0x14800, s7  }
0x430: {  	[hbm4b:s8+s4] =	stream.linear.scatter [tilespmem:s13], [sflag:$0x13], $0x80, $0x38;
	[tilespmem:$0x1BE00] =	vst v63  }
0x431: {  	s17 =	sadd.s32 $0x14888, s7;
	s15 =	sadd.s32 $0x10, s8  }
0x432: {  	[hbm4b:s15+s4] =	stream.linear.scatter [tilespmem:s17], [sflag:$0x13], $0x80, $0x38;
	[tilespmem:$0x1BE00] =	vst v63  }
0x433: {  	s18 =	sadd.s32 $0x14910, s7;
	s21 =	sadd.s32 $0x20, s8  }
0x434: {  	[hbm4b:s21+s4] =	stream.linear.scatter [tilespmem:s18], [sflag:$0x13], $0x80, $0x38;
	[tilespmem:$0x1BE00] =	vst v63  }
0x435: {  	s22 =	sadd.s32 $0x14998, s7;
	s26 =	sadd.s32 $0x30, s8  }
0x436: {  	[hbm4b:s26+s4] =	stream.linear.scatter [tilespmem:s22], [sflag:$0x13], $0x80, $0x38;
	[tilespmem:$0x1BE00] =	vst v63  }
0x437: {  	s15 =	sadd.s32 $0x14A20, s7;
	s17 =	sadd.s32 $0x40, s8  }
0x438: {  	[hbm4b:s17+s4] =	stream.linear.scatter [tilespmem:s15], [sflag:$0x13], $0x80, $0x38;
	[tilespmem:$0x1BE00] =	vst v63  }
0x439: {  	s18 =	sadd.s32 $0x14AA8, s7;
	s21 =	sadd.s32 $0x50, s8  }
0x43a: {  	[hbm4b:s21+s4] =	stream.linear.scatter [tilespmem:s18], [sflag:$0x13], $0x80, $0x38;
	[tilespmem:$0x1BE00] =	vst v63  }
0x43b: {  	s22 =	sadd.s32 $0x14B30, s7;
	s26 =	sadd.s32 $0x60, s8  }
0x43c: {  	[hbm4b:s26+s4] =	stream.linear.scatter [tilespmem:s22], [sflag:$0x13], $0x80, $0x38;
	[tilespmem:$0x1BE00] =	vst v63  }
0x43d: {  	s17 =	sadd.s32 $0x14BB8, s7;
	s7 =	rddreg [dreg:$0xe];
	s18 =	sadd.s32 $0x70, s8  }
0x43e: {  	[hbm4b:s18+s4] =	stream.linear.scatter [tilespmem:s17], [sflag:$0x13], $0x80, $0x38;
	[tilespmem:$0x1BE00] =	vst v63  }
0x43f: {  	s13 =	simm.s32 @!p0 $0x300;
	s7 =	sadd.s32 @!p0 s16, s7;
	s8 =	simm.s32 @!p0 $0x0  }
0x440: {  	[tilespmem:s13], [sflag:$0x7] =	stream.linear.gather @!p0 [hbm4b:s7+s8], $0x80, $0x38;
	[tilespmem:$0x1BE00] =	vst v63  }
0x441: {  	s7 =	simm.s32 @!p0 $0x6  }
0x442: {  	_ =	swait.ge @!p0 [sflag:s7], $0x80  }
0x443: {  	s8 =	simm.s32 @!p0 $0x280;
	[sflag:s7] =	ssyncset.done @!p0 $0x0  }
0x444: {  	s13 =	simm.s32 @!p0 $0xA400;
	[sflag:s7] =	ssyncadd.s32 @!p0 $0xFFFFFF80;
	s7 =	simm.s32 @!p0 $0x80  }
0x445: {  	[tilespmem:s13], [sflag:$0xE] =	stream.indirect.gather @!p0 [hbm4b:s6+s7], $0x40, s8, s7, $0xb8;
	[tilespmem:$0x1BE00] =	vst v63  }
0x446: {  	_ =	swait.ge [sflag:s0], $0x2000  }
0x447: {  	[sflag:s0] =	ssyncset.done $0x0  }
0x448: {  	[sflag:s0] =	ssyncadd.s32 $0xFFFFE000  }
0x449: {  	_ =	swait.ge [sflag:s9], $0x2000  }
0x44a: {  	s21 =	sshll.u32 s11, $0x6;
	[sflag:s9] =	ssyncset.done $0x0  }
0x44b: {  	s7 =	sand.u32 $0x3FFFFFC0, s21;
	[sflag:s9] =	ssyncadd.s32 $0xFFFFE000  }
0x44c: {  	s22 =	simm.s32 $0x3;
	s8 =	simm.s32 $0xE4F0;
	v9 =	vld [tilespmem:s7+$0x18C00]  }
0x44d: {  	v4 =	vmov s22;
	v7 =	vld [tilespmem:s8+$0xFFFFFFD0]  }
0x44e: {  	v13 =	vand.u32 $0x7F, v4  }
0x44f: {  	s26 =	simm.s32 $0x0;
	v8 =	vadd.s32 v0, v13;
	v6 =	vld [tilespmem:s7+$0x18C10]  }
0x450: {  	s15 =	simm.s32 $0x1;
	s16 =	simm.s32 $0x2;
	v4 =	vmov s26;
	v10 =	vld [tilespmem:s8+$0xFFFFFF10]  }
0x451: {  	v14 =	vmov s16;
	v12 =	vand.u32 $0x7C, v4;
	v4 =	vmov s15;
	v11 =	vld [tilespmem:s8+$0xFFFFFF50]  }
0x452: {  	v15 =	vadd.s32 v0, v12;
	v19 =	vand.u32 $0x7D, v4;
	v16 =	vld [tilespmem:s8+$0xFFFFFF90];
	v7 =	vadd.f32 v7, v9  }
0x453: {  	v20 =	vand.u32 $0x7E, v14;
	v17 =	vadd.s32 v0, v19;
	v5 =	vld [tilespmem:s7+$0x18C20]  }
0x454: {  	v14 =	vadd.s32 v0, v20;
	v4 =	vld [tilespmem:s7+$0x18C30];
	[tilespmem:v8+s28+$0x0] =	vst.idx.msk $0xffff, v7  }
0x455: {  	v7 =	vadd.f32 v10, v9;
	v8 =	vld [tilespmem:s8+$0xFFFFFFE0]  }
0x456: {  	v10 =	vadd.f32 v11, v9  }
0x457: {  	v11 =	vadd.s32 v1, v13;
	[tilespmem:v15+s28+$0x0] =	vst.idx.msk $0xffff, v7;
	v7 =	vadd.f32 v16, v9  }
0x458: {  	[tilespmem:v17+s28+$0x0] =	vst.idx.msk $0xffff, v10;
	v15 =	vld [tilespmem:s8+$0xFFFFFF20]  }
0x459: {  	v10 =	vld [tilespmem:s8+$0xFFFFFF60];
	[tilespmem:v14+s28+$0x0] =	vst.idx.msk $0xffff, v7  }
0x45a: {  	v14 =	vld [tilespmem:s8+$0xFFFFFFA0];
	v7 =	vadd.f32 v8, v6  }
0x45b: {  	s18 =	simm.s32 $0x7;
	s15 =	simm.s32 $0xE5F0;
	v16 =	vadd.s32 v1, v19  }
0x45c: {  	s17 =	simm.s32 $0x4;
	v26 =	vadd.s32 v2, v13;
	v18 =	vld [tilespmem:s15+$0xFFFFFFD0];
	v17 =	vadd.s32 v1, v20;
	[tilespmem:v11+s28+$0x0] =	vst.idx.msk $0xffff, v7;
	v7 =	vmov s18  }
0x45d: {  	v21 =	vadd.s32 v1, v12;
	v8 =	vmov s17;
	v7 =	vand.u32 $0x7F, v7;
	v22 =	vld [tilespmem:s8+$0xFFFFFFF0]  }
0x45e: {  	s21 =	simm.s32 $0x5;
	v23 =	vld [tilespmem:s15+$0xFFFFFF10];
	v8 =	vand.u32 $0x7C, v8;
	v10 =	vadd.f32 v10, v6;
	v24 =	vadd.s32 v0, v7  }
0x45f: {  	s22 =	simm.s32 $0x6;
	v25 =	vld [tilespmem:s15+$0xFFFFFF50];
	v15 =	vadd.f32 v15, v6;
	v11 =	vadd.f32 v14, v6;
	v14 =	vmov s21  }
0x460: {  	v27 =	vadd.s32 v0, v8;
	[tilespmem:v16+s28+$0x0] =	vst.idx.msk $0xffff, v10;
	v16 =	vmov s22;
	v10 =	vand.u32 $0x7D, v14;
	v14 =	vld [tilespmem:s15+$0xFFFFFF90]  }
0x461: {  	[tilespmem:v17+s28+$0x0] =	vst.idx.msk $0xffff, v11;
	v17 =	vadd.s32 v0, v10;
	v11 =	vand.u32 $0x7E, v16;
	v16 =	vadd.f32 v18, v9;
	v18 =	vld [tilespmem:s8+$0xFFFFFF70]  }
0x462: {  	[tilespmem:v21+s28+$0x0] =	vst.idx.msk $0xffff, v15;
	v15 =	vadd.s32 v0, v11;
	v21 =	vld [tilespmem:s8+$0xFFFFFFB0];
	v22 =	vadd.f32 v22, v5  }
0x463: {  	v23 =	vadd.f32 v23, v9;
	[tilespmem:v24+s28+$0x0] =	vst.idx.msk $0xffff, v16;
	v16 =	vld [tilespmem:s8+$0xFFFFFF30];
	v24 =	vadd.s32 v2, v19  }
0x464: {  	v29 =	vadd.s32 v2, v20;
	v25 =	vadd.f32 v25, v9;
	v28 =	vld [tilespmem:s15+$0xFFFFFFE0];
	[tilespmem:v26+s28+$0x0] =	vst.idx.msk $0xffff, v22  }
0x465: {  	[tilespmem:v27+s28+$0x0] =	vst.idx.msk $0xffff, v23;
	v23 =	vadd.s32 v2, v12;
	v14 =	vadd.f32 v14, v9;
	v26 =	vld [tilespmem:s8+$0x0]  }
0x466: {  	v27 =	vld [tilespmem:s15+$0xFFFFFF20];
	[tilespmem:v17+s28+$0x0] =	vst.idx.msk $0xffff, v25;
	v25 =	vadd.s32 v1, v7;
	v18 =	vadd.f32 v18, v5  }
0x467: {  	v31 =	vadd.s32 v3, v13;
	v30 =	vld [tilespmem:s15+$0xFFFFFF60];
	[tilespmem:v15+s28+$0x0] =	vst.idx.msk $0xffff, v14;
	v14 =	vadd.f32 v21, v5  }
0x468: {  	v22 =	vadd.s32 v1, v8;
	v17 =	vld [tilespmem:s15+$0xFFFFFFA0];
	v13 =	vadd.f32 v16, v5;
	[tilespmem:v24+s28+$0x0] =	vst.idx.msk $0xffff, v18  }
0x469: {  	s16 =	simm.s32 $0x8;
	v21 =	vadd.s32 v1, v10;
	[tilespmem:v29+s28+$0x0] =	vst.idx.msk $0xffff, v14;
	v18 =	vadd.f32 v28, v6;
	v16 =	vld [tilespmem:s8+$0xFFFFFF80]  }
0x46a: {  	v24 =	vmov s16;
	v14 =	vadd.s32 v1, v11;
	v15 =	vld [tilespmem:s8+$0xFFFFFFC0];
	[tilespmem:v23+s28+$0x0] =	vst.idx.msk $0xffff, v13;
	v63 =	vadd.f32 v26, v4  }
0x46b: {  	s26 =	simm.s32 $0xB;
	s7 =	simm.s32 $0xE6F0;
	v19 =	vadd.s32 v3, v19;
	v13 =	vand.u32 $0x7C, v24;
	v24 =	vadd.f32 v27, v6;
	[tilespmem:v25+s28+$0x0] =	vst.idx.msk $0xffff, v18;
	v18 =	vld [tilespmem:s8+$0xFFFFFF40]  }
0x46c: {  	v20 =	vadd.s32 v3, v20;
	v26 =	vmov s26;
	v23 =	vld [tilespmem:s7+$0xFFFFFFD0];
	s8 =	simm.s32 $0xC;
	v25 =	vadd.f32 v30, v6;
	[tilespmem:v31+s28+$0x0] =	vst.idx.msk $0xffff, v63  }
.LBB2_31:
0x46d: {  	p0 =	slt.u32 s8, $0x7C;
	s13 =	sadd.s32 $0x1, s16;
	v26 =	vand.u32 $0x7F, v26;
	[tilespmem:v22+s28+$0x0] =	vst.idx.msk $0xffff, v24;
	v17 =	vadd.f32 v17, v6;
	v22 =	vld [tilespmem:s15+$0xFFFFFFF0];
	v24 =	vadd.s32 v3, v12  }
0x46e: {  	v30 =	vmovc v11;
	v27 =	vld [tilespmem:s7+$0xFFFFFF10];
	v28 =	vmov s13;
	s13 =	sadd.s32 $0x2, s16;
	v29 =	vadd.s32 v0, v26;
	[tilespmem:v21+s28+$0x0] =	vst.idx.msk $0xffff, v25;
	v16 =	vadd.f32 v16, v4;
	s16 =	smov.u32 s8  }
0x46f: {  	v12 =	vmovc v8;
	v21 =	vld [tilespmem:s7+$0xFFFFFF50];
	v11 =	vmov s13;
	[tilespmem:v14+s28+$0x0] =	vst.idx.msk $0xffff, v17;
	v14 =	vadd.s32 v2, v7;
	v15 =	vadd.f32 v15, v4  }
0x470: {  	v17 =	vadd.s32 v0, v13;
	v28 =	vand.u32 $0x7D, v28;
	v25 =	vld [tilespmem:s7+$0xFFFFFF90];
	v31 =	vadd.f32 v18, v4;
	[tilespmem:v19+s28+$0x0] =	vst.idx.msk $0xffff, v16  }
0x471: {  	v16 =	vadd.s32 v0, v28;
	v11 =	vand.u32 $0x7E, v11;
	v18 =	vadd.f32 v23, v9;
	v19 =	vld [tilespmem:s15+$0xFFFFFF70];
	[tilespmem:v20+s28+$0x0] =	vst.idx.msk $0xffff, v15  }
0x472: {  	v8 =	vmov v13;
	v15 =	vadd.s32 v0, v11;
	v20 =	vld [tilespmem:s15+$0xFFFFFFB0];
	v22 =	vadd.f32 v22, v5;
	[tilespmem:v24+s28+$0x0] =	vst.idx.msk $0xffff, v31  }
0x473: {  	v23 =	vadd.s32 v2, v10;
	v13 =	vadd.f32 v27, v9;
	[tilespmem:v29+s28+$0x0] =	vst.idx.msk $0xffff, v18;
	v18 =	vld [tilespmem:s15+$0xFFFFFF30]  }
0x474: {  	v27 =	vadd.s32 v2, v30;
	v21 =	vadd.f32 v21, v9;
	v24 =	vld [tilespmem:s7+$0xFFFFFFE0];
	[tilespmem:v14+s28+$0x0] =	vst.idx.msk $0xffff, v22  }
0x475: {  	[tilespmem:v17+s28+$0x0] =	vst.idx.msk $0xffff, v13;
	v13 =	vadd.f32 v25, v9;
	v25 =	vadd.s32 v2, v12;
	v29 =	vld [tilespmem:s15+$0x0]  }
0x476: {  	v32 =	vadd.s32 v1, v26;
	v31 =	vld [tilespmem:s7+$0xFFFFFF20];
	[tilespmem:v16+s28+$0x0] =	vst.idx.msk $0xffff, v21;
	v14 =	vadd.f32 v19, v5  }
0x477: {  	v34 =	vadd.s32 v3, v7;
	v7 =	vmov v26;
	v33 =	vld [tilespmem:s7+$0xFFFFFF60];
	[tilespmem:v15+s28+$0x0] =	vst.idx.msk $0xffff, v13;
	v13 =	vadd.f32 v20, v5  }
.Ltmp14:
0x478: {  	v22 =	vadd.s32 v1, v8;
	v17 =	vld [tilespmem:s7+$0xFFFFFFA0];
	v15 =	vadd.f32 v18, v5;
	[tilespmem:v23+s28+$0x0] =	vst.idx.msk $0xffff, v14;
	(pc) =	sbr.rel @p0 .LBB2_31-.Ltmp14, $4  }
0x479: {  	v21 =	vadd.s32 v1, v28;
	v18 =	vadd.f32 v24, v6;
	v16 =	vld [tilespmem:s15+$0xFFFFFF80];
	[tilespmem:v27+s28+$0x0] =	vst.idx.msk $0xffff, v13  }
0x47a: {  	v14 =	vadd.s32 v1, v11;
	v13 =	vmov s8;
	[tilespmem:v25+s28+$0x0] =	vst.idx.msk $0xffff, v15;
	v15 =	vld [tilespmem:s15+$0xFFFFFFC0];
	v27 =	vadd.f32 v29, v4  }
0x47b: {  	s13 =	sadd.s32 $0x3, s8;
	v19 =	vadd.s32 v3, v10;
	v13 =	vand.u32 $0x7C, v13;
	v24 =	vadd.f32 v31, v6;
	[tilespmem:v32+s28+$0x0] =	vst.idx.msk $0xffff, v18;
	v18 =	vld [tilespmem:s15+$0xFFFFFF40];
	s15 =	smov.u32 s7;
	s7 =	sadd.s32 $0x100, s7  }
0x47c: {  	v26 =	vmov s13;
	v10 =	vmovc v28;
	v20 =	vadd.s32 v3, v30;
	s8 =	sadd.s32 $0x4, s8;
	v23 =	vld [tilespmem:s7+$0xFFFFFFD0];
	v25 =	vadd.f32 v33, v6;
	[tilespmem:v34+s28+$0x0] =	vst.idx.msk $0xffff, v27  }
0x47d: {  	s8 =	sadd.s32 $0x1, s16  }
0x47e: {  	v26 =	vand.u32 $0x7F, v26;
	s13 =	sadd.s32 $0x2, s16;
	v28 =	vld [tilespmem:s7+$0xFFFFFF50];
	v27 =	vmov s8  }
0x47f: {  	v31 =	vld [tilespmem:s7+$0xFFFFFF90];
	v29 =	vadd.s32 v0, v26;
	v30 =	vmov s13;
	v27 =	vand.u32 $0x7D, v27  }
0x480: {  	v32 =	vld [tilespmem:s7+$0xFFFFFF10];
	v30 =	vand.u32 $0x7E, v30;
	v33 =	vadd.s32 v0, v27  }
0x481: {  	v34 =	vadd.s32 v0, v30  }
0x482: {  	[tilespmem:v22+s28+$0x0] =	vst.idx.msk $0xffff, v24;
	v44 =	vadd.s32 v0, v13;
	v23 =	vadd.f32 v23, v9  }
0x483: {  	[tilespmem:v21+s28+$0x0] =	vst.idx.msk $0xffff, v25;
	v45 =	vadd.f32 v28, v9  }
0x484: {  	v46 =	vadd.f32 v31, v9;
	[tilespmem:v29+s28+$0x0] =	vst.idx.msk $0xffff, v23  }
0x485: {  	v47 =	vadd.f32 v32, v9;
	v48 =	vld [tilespmem:s7+$0xFFFFFFE0];
	[tilespmem:v33+s28+$0x0] =	vst.idx.msk $0xffff, v45  }
0x486: {  	v17 =	vadd.f32 v17, v6;
	v12 =	vadd.s32 v3, v12;
	[tilespmem:v34+s28+$0x0] =	vst.idx.msk $0xffff, v46;
	v21 =	vld [tilespmem:s7+$0xFFFFFF60]  }
0x487: {  	v16 =	vadd.f32 v16, v4;
	v49 =	vadd.s32 v1, v26;
	[tilespmem:v44+s28+$0x0] =	vst.idx.msk $0xffff, v47;
	v50 =	vld [tilespmem:s7+$0xFFFFFFA0]  }
0x488: {  	[tilespmem:v14+s28+$0x0] =	vst.idx.msk $0xffff, v17;
	v51 =	vadd.f32 v15, v4;
	v53 =	vadd.s32 v1, v27;
	v52 =	vld [tilespmem:s7+$0xFFFFFF20]  }
0x489: {  	v54 =	vld [tilespmem:s15+$0xFFFFFFF0];
	v18 =	vadd.f32 v18, v4;
	[tilespmem:v19+s28+$0x0] =	vst.idx.msk $0xffff, v16;
	v55 =	vadd.s32 v1, v30  }
0x48a: {  	v57 =	vadd.s32 v1, v13;
	v60 =	vld [tilespmem:s15+$0xFFFFFFB0];
	[tilespmem:v20+s28+$0x0] =	vst.idx.msk $0xffff, v51;
	v58 =	vadd.f32 v48, v6  }
0x48b: {  	v59 =	vadd.s32 v2, v7;
	v56 =	vld [tilespmem:s15+$0xFFFFFF70];
	[tilespmem:v12+s28+$0x0] =	vst.idx.msk $0xffff, v18;
	v61 =	vadd.f32 v21, v6  }
0x48c: {  	v62 =	vld [tilespmem:s15+$0xFFFFFF30];
	v29 =	vadd.s32 v2, v11;
	[tilespmem:v49+s28+$0x0] =	vst.idx.msk $0xffff, v58;
	v28 =	vadd.f32 v50, v6  }
0x48d: {  	v63 =	vadd.s32 v2, v10;
	v31 =	vadd.f32 v52, v6;
	v32 =	vld [tilespmem:s7+$0xFFFFFFF0];
	[tilespmem:v53+s28+$0x0] =	vst.idx.msk $0xffff, v61  }
0x48e: {  	v33 =	vadd.f32 v54, v5;
	v34 =	vadd.s32 v2, v8;
	[tilespmem:v55+s28+$0x0] =	vst.idx.msk $0xffff, v28;
	v35 =	vld [tilespmem:s7+$0xFFFFFF70]  }
0x48f: {  	v37 =	vadd.s32 v2, v26;
	v39 =	vadd.f32 v60, v5;
	[tilespmem:v57+s28+$0x0] =	vst.idx.msk $0xffff, v31;
	v38 =	vld [tilespmem:s7+$0xFFFFFFB0]  }
0x490: {  	v41 =	vadd.s32 v2, v27;
	v36 =	vadd.f32 v56, v5;
	[tilespmem:v59+s28+$0x0] =	vst.idx.msk $0xffff, v33;
	v40 =	vld [tilespmem:s7+$0xFFFFFF30]  }
0x491: {  	v43 =	vadd.s32 v2, v30;
	v18 =	vadd.f32 v62, v5;
	v42 =	vld [tilespmem:s15+$0x0];
	[tilespmem:v29+s28+$0x0] =	vst.idx.msk $0xffff, v39  }
0x492: {  	v45 =	vadd.s32 v2, v13;
	[tilespmem:v63+s28+$0x0] =	vst.idx.msk $0xffff, v36;
	v47 =	vld [tilespmem:s15+$0xFFFFFFC0];
	v44 =	vadd.f32 v32, v5  }
0x493: {  	v46 =	vadd.s32 v3, v7;
	[tilespmem:v34+s28+$0x0] =	vst.idx.msk $0xffff, v18;
	v21 =	vld [tilespmem:s15+$0xFFFFFF80];
	v9 =	vadd.f32 v35, v5  }
0x494: {  	v18 =	vld [tilespmem:s15+$0xFFFFFF40];
	v50 =	vadd.s32 v3, v11;
	[tilespmem:v37+s28+$0x0] =	vst.idx.msk $0xffff, v44;
	v49 =	vadd.f32 v38, v5  }
0x495: {  	v48 =	vadd.s32 v3, v10;
	v5 =	vadd.f32 v40, v5;
	v12 =	vld [tilespmem:s7+$0x0];
	[tilespmem:v41+s28+$0x0] =	vst.idx.msk $0xffff, v9  }
0x496: {  	v52 =	vadd.s32 v3, v8;
	v51 =	vadd.f32 v42, v4;
	[tilespmem:v43+s28+$0x0] =	vst.idx.msk $0xffff, v49;
	v53 =	vld [tilespmem:s7+$0xFFFFFF80]  }
0x497: {  	v55 =	vadd.s32 v3, v26;
	v56 =	vadd.f32 v47, v4;
	[tilespmem:v45+s28+$0x0] =	vst.idx.msk $0xffff, v5;
	v5 =	vld [tilespmem:s7+$0xFFFFFFC0]  }
0x498: {  	v58 =	vadd.s32 v3, v27;
	[tilespmem:v46+s28+$0x0] =	vst.idx.msk $0xffff, v51;
	v54 =	vadd.f32 v21, v4;
	v57 =	vld [tilespmem:s7+$0xFFFFFF40]  }
0x499: {  	v60 =	vadd.s32 v3, v30;
	v59 =	vadd.f32 v18, v4;
	[tilespmem:v50+s28+$0x0] =	vst.idx.msk $0xffff, v56  }
0x49a: {  	v62 =	vadd.s32 v3, v13;
	[tilespmem:v48+s28+$0x0] =	vst.idx.msk $0xffff, v54;
	v61 =	vadd.f32 v12, v4  }
0x49b: {  	[tilespmem:v52+s28+$0x0] =	vst.idx.msk $0xffff, v59;
	v63 =	vadd.f32 v53, v4  }
0x49c: {  	s16 =	sshll.u32 s11, $0x12;
	[tilespmem:v55+s28+$0x0] =	vst.idx.msk $0xffff, v61;
	v5 =	vadd.f32 v5, v4  }
0x49d: {  	s7 =	sor.u32 s5, s16;
	v4 =	vadd.f32 v57, v4;
	[tilespmem:v58+s28+$0x0] =	vst.idx.msk $0xffff, v63  }
0x49e: {  	s7 =	sshrl.u32 s7, $0x3;
	[tilespmem:v60+s28+$0x0] =	vst.idx.msk $0xffff, v5  }
0x49f: {  	s17 =	simm.s32 $0x16A00;
	s8 =	sadd.s32 s3, s7;
	[tilespmem:v62+s28+$0x0] =	vst.idx.msk $0xffff, v4  }
0x4a0: {  	[hbm4b:s8+s4] =	stream.linear.scatter [tilespmem:s17], [sflag:$0x14], $0x80, $0x38;
	[tilespmem:$0x1BE00] =	vst v63  }
0x4a1: {  	s18 =	simm.s32 $0x16A88;
	s22 =	simm.s32 $0x16B10;
	s21 =	sadd.s32 $0x10, s8  }
0x4a2: {  	[hbm4b:s21+s4] =	stream.linear.scatter [tilespmem:s18], [sflag:$0x14], $0x80, $0x38;
	[tilespmem:$0x1BE00] =	vst v63  }
0x4a3: {  	s11 =	simm.s32 $0x2200;
	s13 =	simm.s32 $0x16B98;
	s26 =	sadd.s32 $0x20, s8  }
0x4a4: {  	[hbm4b:s26+s4] =	stream.linear.scatter [tilespmem:s22], [sflag:$0x14], $0x80, $0x38;
	[tilespmem:$0x1BE00] =	vst v63  }
0x4a5: {  	s16 =	simm.s32 $0x16C20;
	s7 =	simm.s32 $0x440;
	s15 =	sadd.s32 $0x30, s8  }
0x4a6: {  	[hbm4b:s15+s4] =	stream.linear.scatter [tilespmem:s13], [sflag:$0x14], $0x80, $0x38;
	[tilespmem:$0x1BE00] =	vst v63  }
0x4a7: {  	s17 =	sadd.s32 $0x40, s8;
	s18 =	simm.s32 $0x16CA8;
	s21 =	sadd.s32 $0x50, s8  }
0x4a8: {  	[hbm4b:s17+s4] =	stream.linear.scatter [tilespmem:s16], [sflag:$0x14], $0x80, $0x38;
	[tilespmem:$0x1BE00] =	vst v63  }
0x4a9: {  	s22 =	simm.s32 $0x16D30;
	s26 =	sadd.s32 $0x60, s8;
	s15 =	simm.s32 $0x16DB8  }
0x4aa: {  	[hbm4b:s21+s4] =	stream.linear.scatter [tilespmem:s18], [sflag:$0x14], $0x80, $0x38;
	[tilespmem:$0x1BE00] =	vst v63  }
0x4ab: {  	s16 =	sadd.s32 $0x70, s8;
	s8 =	sadd.s32 $0x1000, s8;
	s18 =	simm.s32 $0x80  }
0x4ac: {  	[hbm4b:s26+s4] =	stream.linear.scatter [tilespmem:s22], [sflag:$0x14], $0x80, $0x38;
	[tilespmem:$0x1BE00] =	vst v63  }
.LBB2_33:
0x4ad: {  	[hbm4b:s16+s4] =	stream.linear.scatter [tilespmem:s15], [sflag:$0x14], $0x80, $0x38;
	[tilespmem:$0x1BE00] =	vst v63  }
0x4ae: {  	s13 =	smov.u32 s7;
	s7 =	smov.u32 s11  }
0x4af: {  	s17 =	sadd.s32 $0x1100, s11;
	s7 =	sshra.s32 s7, $0x2;
	s15 =	sadd.s32 $0x16A00, s13  }
0x4b0: {  	[hbm4b:s8+s4] =	stream.linear.scatter [tilespmem:s15], [sflag:$0x14], $0x80, $0x38;
	[tilespmem:$0x1BE00] =	vst v63  }
0x4b1: {  	p0 =	sne.s32 s11, $0x7700;
	s11 =	sadd.s32 $0x16A88, s13;
	s15 =	sadd.s32 $0x10, s8  }
0x4b2: {  	[hbm4b:s15+s4] =	stream.linear.scatter [tilespmem:s11], [sflag:$0x14], $0x80, $0x38;
	[tilespmem:$0x1BE00] =	vst v63  }
0x4b3: {  	s11 =	sadd.s32 $0x16B10, s13;
	s15 =	sadd.s32 $0x20, s8  }
0x4b4: {  	[hbm4b:s15+s4] =	stream.linear.scatter [tilespmem:s11], [sflag:$0x14], $0x80, $0x38;
	[tilespmem:$0x1BE00] =	vst v63  }
0x4b5: {  	s11 =	sadd.s32 $0x16B98, s13;
	s15 =	sadd.s32 $0x30, s8  }
0x4b6: {  	[hbm4b:s15+s4] =	stream.linear.scatter [tilespmem:s11], [sflag:$0x14], $0x80, $0x38;
	[tilespmem:$0x1BE00] =	vst v63  }
0x4b7: {  	s11 =	sadd.s32 $0x16C20, s13;
	s15 =	sadd.s32 $0x40, s8  }
0x4b8: {  	[hbm4b:s15+s4] =	stream.linear.scatter [tilespmem:s11], [sflag:$0x14], $0x80, $0x38;
	[tilespmem:$0x1BE00] =	vst v63  }
.Ltmp15:
0x4b9: {  	s11 =	sadd.s32 $0x16CA8, s13;
	s15 =	sadd.s32 $0x50, s8;
	(pc) =	sbr.rel @p0 .LBB2_33-.Ltmp15, $4  }
0x4ba: {  	[hbm4b:s15+s4] =	stream.linear.scatter [tilespmem:s11], [sflag:$0x14], $0x80, $0x38;
	[tilespmem:$0x1BE00] =	vst v63  }
0x4bb: {  	s16 =	sadd.s32 $0x70, s8;
	s11 =	sadd.s32 $0x16D30, s13;
	s15 =	sadd.s32 $0x60, s8  }
0x4bc: {  	[hbm4b:s15+s4] =	stream.linear.scatter [tilespmem:s11], [sflag:$0x14], $0x80, $0x38;
	[tilespmem:$0x1BE00] =	vst v63  }
0x4bd: {  	s8 =	sadd.s32 $0x1000, s8;
	s15 =	sadd.s32 $0x16DB8, s13;
	s11 =	smov.u32 s17  }
0x4be: {  	[hbm4b:s16+s4] =	stream.linear.scatter [tilespmem:s15], [sflag:$0x14], $0x80, $0x38;
	[tilespmem:$0x1BE00] =	vst v63  }
0x4bf: {  	s11 =	sadd.s32 $0x16A00, s7  }
0x4c0: {  	[hbm4b:s8+s4] =	stream.linear.scatter [tilespmem:s11], [sflag:$0x14], $0x80, $0x38;
	[tilespmem:$0x1BE00] =	vst v63  }
0x4c1: {  	s26 =	sadd.s32 $0x16A88, s7;
	s13 =	sadd.s32 $0x10, s8  }
0x4c2: {  	[hbm4b:s13+s4] =	stream.linear.scatter [tilespmem:s26], [sflag:$0x14], $0x80, $0x38;
	[tilespmem:$0x1BE00] =	vst v63  }
0x4c3: {  	s15 =	sadd.s32 $0x16B10, s7;
	s16 =	sadd.s32 $0x20, s8  }
0x4c4: {  	[hbm4b:s16+s4] =	stream.linear.scatter [tilespmem:s15], [sflag:$0x14], $0x80, $0x38;
	[tilespmem:$0x1BE00] =	vst v63  }
0x4c5: {  	s17 =	sadd.s32 $0x16B98, s7;
	s21 =	sadd.s32 $0x30, s8  }
0x4c6: {  	[hbm4b:s21+s4] =	stream.linear.scatter [tilespmem:s17], [sflag:$0x14], $0x80, $0x38;
	[tilespmem:$0x1BE00] =	vst v63  }
0x4c7: {  	s22 =	sadd.s32 $0x16C20, s7;
	s10 =	sadd.s32 $0x1, s10;
	s26 =	sadd.s32 $0x40, s8  }
0x4c8: {  	[hbm4b:s26+s4] =	stream.linear.scatter [tilespmem:s22], [sflag:$0x14], $0x80, $0x38;
	[tilespmem:$0x1BE00] =	vst v63  }
0x4c9: {  	p0 =	sne.s32 s10, $0x19;
	s15 =	sadd.s32 $0x16CA8, s7;
	s16 =	sadd.s32 $0x50, s8  }
0x4ca: {  	[hbm4b:s16+s4] =	stream.linear.scatter [tilespmem:s15], [sflag:$0x14], $0x80, $0x38;
	[tilespmem:$0x1BE00] =	vst v63  }
.Ltmp16:
0x4cb: {  	_ = 	snop;
	(pc) =	sbr.rel @p0 .LBB2_2-.Ltmp16, $4  }
0x4cc: {  	s17 =	sadd.s32 $0x16D30, s7;
	s21 =	sadd.s32 $0x60, s8  }
0x4cd: {  	[hbm4b:s21+s4] =	stream.linear.scatter [tilespmem:s17], [sflag:$0x14], $0x80, $0x38;
	[tilespmem:$0x1BE00] =	vst v63  }
0x4ce: {  	s22 =	sadd.s32 $0x16DB8, s7;
	s26 =	sadd.s32 $0x70, s8  }
0x4cf: {  	[hbm4b:s26+s4] =	stream.linear.scatter [tilespmem:s22], [sflag:$0x14], $0x80, $0x38;
	[tilespmem:$0x1BE00] =	vst v63  }
0x4d0: {  	_ =	swait.ge [sflag:s29], $0x2000  }
0x4d1: {  	[sflag:s29] =	ssyncset.done $0x0  }
0x4d2: {  	[sflag:s29] =	ssyncadd.s32 $0xFFFFE000  }
0x4d3: {  	_ =	swait.ge [sflag:s31], $0x2000  }
0x4d4: {  	[sflag:s31] =	ssyncset.done $0x0  }
0x4d5: {  	[sflag:s31] =	ssyncadd.s32 $0xFFFFE000  }
0x4d6: {  	_ =	swait.ge [sflag:s12], $0x2000  }
0x4d7: {  	[sflag:s12] =	ssyncset.done $0x0  }
0x4d8: {  	[sflag:s12] =	ssyncadd.s32 $0xFFFFE000  }
0x4d9: {  	_ =	swait.ge [sflag:s0], $0x2000  }
0x4da: {  	s8 =	rddreg [dreg:$0x15]  }
0x4db: {  	s7 =	rddreg [dreg:$0x14];
	s8 =	sadd.s32 $0x1, s8  }
0x4dc: {  	p0 =	sne.s32 s8, s7  }
.Ltmp17:
0x4dd: {  	_ = 	snop;
	(pc) =	sbr.rel @p0 .LBB2_1-.Ltmp17, $3  }
0x4de: {  	_ =	sdelay $0x1  }
0x4df: {  	[sflag:s0] =	ssyncset.done $0x0  }
0x4e0: {  	[sflag:s0] =	ssyncadd.s32 $0xFFFFE000  }
0x4e1: {  	_ =	sfence.sel $0x180000  }
0x4e2: {  	[bflag:$0x0] =	sbarrier.arrive $0xFFFF  }
0x4e3: {  	_ =	strace $0x90000047  }
0x4e4: {  	s0 =	stileid.u32;
	[bflag:$0x2] =	sbarrier.arrive $0xFFFF  }
0x4e5: {  	p0 =	sne.s32 s0, $0x0;
	s0 =	rddreg [dreg:$0x3]  }
0x4e6: {  	s0 =	sadd.s32 @!p0 $0x100000, s0  }
0x4e7: {  	[sflag:s0] =	ssyncadd.tile.s32 @!p0 $0x1;
	_ =	shalt  }
.Lfunc_end2:
_tile_overlayer_lowered:
.L_overlay_start_2:
0x4e8: {  	(tag) =	ssettag $0x2  }
0x4e9: {  	s0 =	rddreg [dreg:$0x0];
	s2 =	stileid.u32  }
0x4ea: {  	s1 =	rddreg [dreg:$0x1];
	p0 =	sne.s32 s2, $0x0  }
0x4eb: {  	s3 =	rddreg [dreg:$0x2];
	[bflag:$0x3] =	sbarrier.arrive $0xFFFF;
	s2 =	simm.s32 @!p0 $0x1C15  }
0x4ec: {  	[timem:s3], [sflag:s2] =	dma.local @!p0 [hbm:s0], s1  }
0x4ed: {  	s0 =	simm.s32 @!p0 $0x15  }
0x4ee: {  	_ =	swait.ge @!p0 [sflag:s0], s1  }
0x4ef: {  	s1 =	ssub.s32 @!p0 $0x0, s1;
	[sflag:s0] =	ssyncset.done @!p0 $0x0  }
0x4f0: {  	[sflag:s0] =	ssyncadd.s32 @!p0 s1  }
0x4f1: {  	[bflag:$0x3] =	sbarrier.arrive $0xFFFF  }
0x4f2: {  	_ =	shalt  }

</sc_bundles>
